<compile_context>
chip_gen: v7x
topology: tpu7x:2x2x1
jax: 0.10.2.dev20260603
libtpu: 0.0.44.dev20260713+nightly
codegen_flags: <defaults>
</compile_context>

<pallas_src>
import functools

import jax
import jax.numpy as jnp
from jax import lax
from jax.experimental import pallas as pl
from jax.experimental.pallas import tpu as pltpu
from jax.experimental.pallas import tpu_sc as plsc

N = 10000
E = 320000
IN = 128
H1 = 64
H2 = 128
FC1 = 1024
OUT = 6400
G = 64

NC, NS = 2, 16
NW = NC * NS
NPAD = 10240
RPT = NPAD // NS
EWP = 10240
E_PAD = NW * EWP
CH = 128
NCHUNK = EWP // CH
_MID = (NCHUNK - 6) // 6
_TAIL = 6 + 6 * _MID

BLK = 512
NB = NPAD // BLK

def _deg_body(dst_hbm, zd_hbm, dp_hbm, di0, di1, di2, ones_v, acc,
              ssem0, ssem1, isem0, isem1, isem2):
    c = lax.axis_index("c")
    s = lax.axis_index("s")
    wid = s * NC + c
    base = wid * EWP
    dib = (di0, di1, di2)
    ssems = (ssem0, ssem1)
    isems = (isem0, isem1, isem2)

    def idx_issue(t, k3):
        pltpu.async_copy(dst_hbm.at[pl.ds(base + t * CH, CH)], dib[k3], isems[k3])

    def idx_wait(t, k3):
        pltpu.make_async_copy(dst_hbm.at[pl.ds(base + t * CH, CH)],
                              dib[k3], isems[k3]).wait()

    def substep(t, k2, k3, first=False, idx_next=True):
        idx_wait(t, k3)
        pltpu.async_copy(ones_v, acc.at[dib[k3]], ssems[k2], add=True)
        if not first:
            pltpu.make_async_copy(ones_v, acc.at[dib[(k3 + 2) % 3]],
                                  ssems[1 - k2]).wait()
        if idx_next:
            idx_issue(t + 2, (k3 + 2) % 3)

    idx_issue(0, 0)
    idx_issue(1, 1)
    pltpu.sync_copy(zd_hbm.at[pl.ds(s * RPT, RPT)], acc.at[pl.ds(s * RPT, RPT)])
    for i in range(CH // 16):
        ones_v[pl.ds(i * 16, 16)] = jnp.full((16,), 1.0, jnp.float32)
    plsc.subcore_barrier()
    substep(0, 0, 0, first=True)
    for t in range(1, 6):
        substep(t, t % 2, t % 3)

    def step(jj, carry):
        t = 6 * jj
        for k in range(6):
            substep(t + k, k % 2, k % 3)
        return carry

    lax.fori_loop(1, _MID + 1, step, 0)
    for t in range(_TAIL, NCHUNK):
        substep(t, t % 2, t % 3, idx_next=(t + 2 < NCHUNK))
    lb = (NCHUNK - 1) % 2
    pltpu.make_async_copy(ones_v, acc.at[dib[(NCHUNK - 1) % 3]],
                          ssems[lb]).wait()
    plsc.subcore_barrier()
    pltpu.sync_copy(acc.at[pl.ds(s * RPT, RPT)], dp_hbm.at[c, pl.ds(s * RPT, RPT)])


def _scat_body(hs_hbm, ei_hbm, zr_hbm, part_hbm,
               ib0, ib1, ib2, rows0, rows1, acc,
               gsem, ssem0, ssem1, isem0, isem1, isem2):
    c = lax.axis_index("c")
    s = lax.axis_index("s")
    wid = s * NC + c
    base = wid * EWP
    ib = (ib0, ib1, ib2)
    rbufs = (rows0, rows1)
    ssems = (ssem0, ssem1)
    isems = (isem0, isem1, isem2)

    def idx_issue(t, k3):
        pltpu.async_copy(ei_hbm.at[:, pl.ds(base + t * CH, CH)], ib[k3], isems[k3])

    def idx_wait(t, k3):
        pltpu.make_async_copy(ei_hbm.at[:, pl.ds(base + t * CH, CH)],
                              ib[k3], isems[k3]).wait()

    def substep(t, k2, k3, first=False, gather_next=True, idx_next=True):
        rc, ro = rbufs[k2], rbufs[1 - k2]
        pltpu.make_async_copy(hs_hbm.at[ib[k3].at[0]], rc, gsem).wait()
        pltpu.async_copy(rc, acc.at[ib[k3].at[1]], ssems[k2], add=True)
        if not first:
            pltpu.make_async_copy(ro, acc.at[ib[(k3 + 2) % 3].at[1]],
                                  ssems[1 - k2]).wait()
        if gather_next:
            idx_wait(t + 1, (k3 + 1) % 3)
            pltpu.async_copy(hs_hbm.at[ib[(k3 + 1) % 3].at[0]], ro, gsem)
        if idx_next:
            idx_issue(t + 2, (k3 + 2) % 3)

    idx_issue(0, 0)
    idx_issue(1, 1)
    idx_wait(0, 0)
    pltpu.async_copy(hs_hbm.at[ib0.at[0]], rows0, gsem)
    pltpu.sync_copy(zr_hbm.at[pl.ds(s * RPT, RPT)], acc.at[pl.ds(s * RPT, RPT)])
    plsc.subcore_barrier()
    substep(0, 0, 0, first=True)
    for t in range(1, 6):
        substep(t, t % 2, t % 3)

    def step(jj, carry):
        t = 6 * jj
        for k in range(6):
            substep(t + k, k % 2, k % 3)
        return carry

    lax.fori_loop(1, _MID + 1, step, 0)
    for t in range(_TAIL, NCHUNK):
        substep(t, t % 2, t % 3,
                gather_next=(t + 1 < NCHUNK), idx_next=(t + 2 < NCHUNK))
    lb = (NCHUNK - 1) % 2
    pltpu.make_async_copy(rbufs[lb], acc.at[ib[(NCHUNK - 1) % 3].at[1]],
                          ssems[lb]).wait()
    plsc.subcore_barrier()
    pltpu.sync_copy(acc.at[pl.ds(s * RPT, RPT)],
                    part_hbm.at[c, pl.ds(s * RPT, RPT)])


@functools.lru_cache(maxsize=None)
def _sc_kernels():
    mesh = plsc.VectorSubcoreMesh(core_axis_name="c", subcore_axis_name="s",
                                  num_cores=NC, num_subcores=NS)
    deg = pl.kernel(
        _deg_body,
        out_type=jax.ShapeDtypeStruct((NC, NPAD), jnp.float32),
        mesh=mesh,
        scratch_types=[
            pltpu.VMEM((CH,), jnp.int32),
            pltpu.VMEM((CH,), jnp.int32),
            pltpu.VMEM((CH,), jnp.int32),
            pltpu.VMEM((CH,), jnp.float32),
            pltpu.VMEM_SHARED((NPAD,), jnp.float32),
            pltpu.SemaphoreType.DMA,
            pltpu.SemaphoreType.DMA,
            pltpu.SemaphoreType.DMA,
            pltpu.SemaphoreType.DMA,
            pltpu.SemaphoreType.DMA,
        ],
    )

    def make_scat(H, untiled):
        params = pltpu.CompilerParams(use_tc_tiling_on_sc=False) if untiled else None
        return pl.kernel(
            _scat_body,
            out_type=jax.ShapeDtypeStruct((NC, NPAD, H), jnp.float32),
            mesh=mesh,
            compiler_params=params,
            scratch_types=[
            pltpu.VMEM((2, CH), jnp.int32),
            pltpu.VMEM((2, CH), jnp.int32),
            pltpu.VMEM((2, CH), jnp.int32),
            pltpu.VMEM((CH, H), jnp.float32),
            pltpu.VMEM((CH, H), jnp.float32),
            pltpu.VMEM_SHARED((NPAD, H), jnp.float32),
            pltpu.SemaphoreType.DMA,
            pltpu.SemaphoreType.DMA,
            pltpu.SemaphoreType.DMA,
            pltpu.SemaphoreType.DMA,
            pltpu.SemaphoreType.DMA,
            pltpu.SemaphoreType.DMA,
        ],
        )

    return deg, make_scat(H1, True), make_scat(H2, False)


def _dinv_of(dp_ref):
    deg = dp_ref[0, :] + dp_ref[1, :] + 1.0
    return lax.rsqrt(deg)[:, None]


def _tc1_body(x_ref, w1_ref, dp_ref, hs1_ref):
    dinv = _dinv_of(dp_ref)
    hs1_ref[...] = dinv * jnp.dot(x_ref[...], w1_ref[...],
                                  preferred_element_type=jnp.float32)


def _tc2_body(p1_ref, hs1_ref, dp_ref, b1_ref, w2_ref, hs2_ref):
    dinv = _dinv_of(dp_ref)
    agg = p1_ref[0] + p1_ref[1] + hs1_ref[...]
    h = jnp.maximum(dinv * agg + b1_ref[...], 0.0)
    hs2 = dinv * jnp.dot(h, w2_ref[...], preferred_element_type=jnp.float32)
    row = pl.program_id(0) * BLK + lax.broadcasted_iota(jnp.int32, (BLK, 1), 0)
    hs2_ref[...] = jnp.where(row < N, hs2, 0.0)


def _tc34_body(p2_ref, hs2_ref, dp_ref, b2_ref, bat_ref,
               fw1_ref, fb1_ref, fw2_ref, fb2_ref, out_ref,
               psum_ref, cnt_ref, z_ref):
    i = pl.program_id(0)

    @pl.when(i == 0)
    def _():
        psum_ref[...] = jnp.zeros_like(psum_ref)
        cnt_ref[...] = jnp.zeros_like(cnt_ref)

    @pl.when(i < NB)
    def _():
        dinv = _dinv_of(dp_ref)
        h2 = jnp.maximum(
            dinv * (p2_ref[0] + p2_ref[1] + hs2_ref[...]) + b2_ref[...], 0.0)
        gid = lax.broadcasted_iota(jnp.int32, (BLK, G), 1)
        oh = (bat_ref[...] == gid).astype(jnp.float32)
        psum_ref[...] += lax.dot_general(oh, h2, (((0,), (0,)), ((), ())),
                                         preferred_element_type=jnp.float32)
        cnt_ref[...] += lax.dot_general(oh, jnp.ones((BLK, H2), jnp.float32),
                                        (((0,), (0,)), ((), ())),
                                        preferred_element_type=jnp.float32)

    @pl.when(i == NB)
    def _():
        pooled = psum_ref[...] / jnp.maximum(cnt_ref[...], 1.0)
        z_ref[...] = jnp.maximum(
            jnp.dot(pooled, fw1_ref[...],
                    preferred_element_type=jnp.float32) + fb1_ref[...], 0.0)

    @pl.when(i >= NB)
    def _():
        out_ref[...] = jnp.dot(z_ref[...], fw2_ref[...],
                               preferred_element_type=jnp.float32) + fb2_ref[...]


_tc1 = pl.pallas_call(
    _tc1_body,
    grid=(NB,),
    in_specs=[
        pl.BlockSpec((BLK, IN), lambda i: (i, 0)),
        pl.BlockSpec((IN, H1), lambda i: (0, 0)),
        pl.BlockSpec((2, BLK), lambda i: (0, i)),
    ],
    out_specs=pl.BlockSpec((BLK, H1), lambda i: (i, 0)),
    out_shape=jax.ShapeDtypeStruct((NPAD, H1), jnp.float32),
)

_tc2 = pl.pallas_call(
    _tc2_body,
    grid=(NB,),
    in_specs=[
        pl.BlockSpec((2, BLK, H1), lambda i: (0, i, 0)),
        pl.BlockSpec((BLK, H1), lambda i: (i, 0)),
        pl.BlockSpec((2, BLK), lambda i: (0, i)),
        pl.BlockSpec((1, H1), lambda i: (0, 0)),
        pl.BlockSpec((H1, H2), lambda i: (0, 0)),
    ],
    out_specs=pl.BlockSpec((BLK, H2), lambda i: (i, 0)),
    out_shape=jax.ShapeDtypeStruct((NPAD, H2), jnp.float32),
)

_OB = OUT // 10
_NB2 = NB + OUT // _OB


def _pool_i(i):
    return jnp.minimum(i, NB - 1)


def _head_i(i):
    return jnp.maximum(i - NB, 0)


_tc34 = pl.pallas_call(
    _tc34_body,
    grid=(_NB2,),
    in_specs=[
        pl.BlockSpec((2, BLK, H2), lambda i: (0, _pool_i(i), 0)),
        pl.BlockSpec((BLK, H2), lambda i: (_pool_i(i), 0)),
        pl.BlockSpec((2, BLK), lambda i: (0, _pool_i(i))),
        pl.BlockSpec((1, H2), lambda i: (0, 0)),
        pl.BlockSpec((BLK, 1), lambda i: (_pool_i(i), 0)),
        pl.BlockSpec((H2, FC1), lambda i: (0, 0)),
        pl.BlockSpec((1, FC1), lambda i: (0, 0)),
        pl.BlockSpec((FC1, _OB), lambda i: (0, _head_i(i))),
        pl.BlockSpec((1, _OB), lambda i: (0, _head_i(i))),
    ],
    out_specs=pl.BlockSpec((G, _OB), lambda i: (0, _head_i(i))),
    out_shape=jax.ShapeDtypeStruct((G, OUT), jnp.float32),
    scratch_shapes=[
        pltpu.VMEM((G, H2), jnp.float32),
        pltpu.VMEM((G, H2), jnp.float32),
        pltpu.VMEM((G, FC1), jnp.float32),
    ],
)


def kernel(x, edge_index, batch, W1, b1, W2, b2, fcW1, fcb1, fcW2, fcb2):
    x_p = jnp.pad(x, ((0, NPAD - N), (0, 0)))
    bat_p = jnp.pad(batch, (0, NPAD - N), constant_values=G).reshape(NPAD, 1)
    zd = jnp.zeros((NPAD,), jnp.float32)
    z1 = jnp.zeros((NPAD, H1), jnp.float32)
    z2 = jnp.zeros((NPAD, H2), jnp.float32)

    pad_idx = N + (jnp.arange(E_PAD - E, dtype=jnp.int32) % (NPAD - N))
    ei2 = jnp.concatenate([edge_index,
                           jnp.stack([pad_idx, pad_idx])], axis=1)
    dst = ei2[1]
    _deg, _scat1, _scat2 = _sc_kernels()
    dp = _deg(dst, zd)
    hs1 = _tc1(x_p, W1, dp)
    p1 = _scat1(hs1, ei2, z1)
    hs2 = _tc2(p1, hs1, dp, b1.reshape(1, H1), W2)
    p2 = _scat2(hs2, ei2, z2)
    out = _tc34(p2, hs2, dp, b2.reshape(1, H2), bat_p,
                fcW1, fcb1.reshape(1, FC1), fcW2, fcb2.reshape(1, OUT))
    return out

# --- scband reference (transcript-rebuilt; emitter-appended) ---
"""Pipeline reference for scband-gnnmodel-10264971837888 (READ-ONLY COPY).

The authoritative reference and input builder live on the scoring server;
editing this copy changes nothing except your own understanding.
"""

import jax, jax.numpy as jnp
import numpy as np

N = 10000
E = 320000
IN = 128
H1 = 64
H2 = 128
FC1 = 1024
OUT = 6400
G = 64


def setup_inputs(seed: int = 0) -> dict:
    key = jax.random.key(seed)
    ks = jax.random.split(key, 12)
    x = jax.random.normal(ks[0], (N, IN), dtype=jnp.float32)
    edge_index = jax.random.randint(ks[1], (2, E), 0, N, dtype=jnp.int32)
    batch = jnp.sort(jax.random.randint(ks[2], (N,), 0, G, dtype=jnp.int32))
    W1 = jax.random.normal(ks[3], (IN, H1), dtype=jnp.float32) * (1.0 / np.sqrt(IN))
    b1 = jnp.zeros((H1,), dtype=jnp.float32)
    W2 = jax.random.normal(ks[4], (H1, H2), dtype=jnp.float32) * (1.0 / np.sqrt(H1))
    b2 = jnp.zeros((H2,), dtype=jnp.float32)
    fcW1 = jax.random.normal(ks[5], (H2, FC1), dtype=jnp.float32) * (1.0 / np.sqrt(H2))
    fcb1 = jnp.zeros((FC1,), dtype=jnp.float32)
    fcW2 = jax.random.normal(ks[6], (FC1, OUT), dtype=jnp.float32) * (1.0 / np.sqrt(FC1))
    fcb2 = jnp.zeros((OUT,), dtype=jnp.float32)
    return {"x": x, "edge_index": edge_index, "batch": batch,
            "W1": W1, "b1": b1, "W2": W2, "b2": b2,
            "fcW1": fcW1, "fcb1": fcb1, "fcW2": fcW2, "fcb2": fcb2}


def _gcn_conv(x, edge_index, W, b):
    # PyG GCNConv: x' = D^{-1/2} (A + I) D^{-1/2} (x W) + b
    n = x.shape[0]
    h = x @ W
    loop = jnp.arange(n, dtype=edge_index.dtype)
    src = jnp.concatenate([edge_index[0], loop])
    dst = jnp.concatenate([edge_index[1], loop])
    deg = jnp.zeros((n,), dtype=h.dtype).at[dst].add(1.0)
    dinv = jnp.where(deg > 0, jax.lax.rsqrt(jnp.maximum(deg, 1e-12)), 0.0)
    norm = dinv[src] * dinv[dst]
    msg = h[src] * norm[:, None]
    out = jnp.zeros((n, h.shape[1]), dtype=h.dtype).at[dst].add(msg)
    return out + b


def reference(x, edge_index, batch, W1, b1, W2, b2, fcW1, fcb1, fcW2, fcb2):
    h = _gcn_conv(x, edge_index, W1, b1)
    h = jax.nn.relu(h)
    # dropout is identity in eval mode
    h = _gcn_conv(h, edge_index, W2, b2)
    h = jax.nn.relu(h)
    # global_mean_pool over graph ids
    sums = jax.ops.segment_sum(h, batch, num_segments=G)
    cnt = jax.ops.segment_sum(jnp.ones((h.shape[0], 1), dtype=h.dtype), batch, num_segments=G)
    pooled = sums / jnp.maximum(cnt, 1.0)
    z = jax.nn.relu(pooled @ fcW1 + fcb1)
    out = z @ fcW2 + fcb2
    return out

if __name__ == "__main__":
    import jax
    _d = setup_inputs()
    print(jax.jit(kernel)(*tuple(_d.values())))

</pallas_src>

<mosaic_0001>
#map = affine_map<(d0, d1) -> (0, 0)>
#map1 = affine_map<(d0, d1) -> (0, 0, 0)>
module attributes {stable_mosaic.version = 14 : i64} {
  func.func @_scat_body(%arg0: i32, %arg1: i32, %arg2: memref<10240x128xf32, #tpu.memory_space<hbm>>, %arg3: memref<2x327680xi32, #tpu.memory_space<hbm>>, %arg4: memref<10240x128xf32, #tpu.memory_space<hbm>>, %arg5: memref<2x10240x128xf32, #tpu.memory_space<hbm>>, %arg6: memref<2x128xi32, #tpu.memory_space<vmem>>, %arg7: memref<2x128xi32, #tpu.memory_space<vmem>>, %arg8: memref<2x128xi32, #tpu.memory_space<vmem>>, %arg9: memref<128x128xf32, #tpu.memory_space<vmem>>, %arg10: memref<128x128xf32, #tpu.memory_space<vmem>>, %arg11: memref<10240x128xf32, #tpu.memory_space<vmem_shared>>, %arg12: memref<!tpu.dma_semaphore, #tpu.memory_space<semaphore_mem>>, %arg13: memref<!tpu.dma_semaphore, #tpu.memory_space<semaphore_mem>>, %arg14: memref<!tpu.dma_semaphore, #tpu.memory_space<semaphore_mem>>, %arg15: memref<!tpu.dma_semaphore, #tpu.memory_space<semaphore_mem>>, %arg16: memref<!tpu.dma_semaphore, #tpu.memory_space<semaphore_mem>>, %arg17: memref<!tpu.dma_semaphore, #tpu.memory_space<semaphore_mem>>) attributes {dimension_semantics = [#tpu.dimension_semantics<core_parallel>, #tpu.dimension_semantics<subcore_parallel>], iteration_bounds = array<i64: 2, 16>, scalar_prefetch = 0 : i64, scratch_operands = 12 : i64, tpu.core_type = #tpu.core_type<sc_vector_subcore>, window_params = [{transform_indices = #map}, {transform_indices = #map}, {transform_indices = #map}, {transform_indices = #map1}]} {
    %mul3A = arith.constant 2 : i32
    %mul3A_0 = arith.muli %arg1, %mul3A : i32
    %add3A = arith.addi %mul3A_0, %arg0 : i32
    %mul3A_1 = arith.constant 10240 : i32
    %mul3A_2 = arith.muli %add3A, %mul3A_1 : i32
    %add3A_3 = arith.constant 0 : i32
    %add3A_4 = arith.addi %mul3A_2, %add3A_3 : i32
    %dma_start3A = arith.constant 0 : i32
    %dma_start3A_5 = tpu.memref_slice %arg3[%dma_start3A, %add3A_4] : memref<2x327680xi32, #tpu.memory_space<hbm>> -> memref<2x128xi32, #tpu.memory_space<hbm>>
    %dma_start3A_6 = arith.constant 0 : i32
    %dma_start3A_7 = tpu.memref_slice %arg3[%dma_start3A_6, %add3A_4] : memref<2x327680xi32, #tpu.memory_space<hbm>> -> memref<2x128xi32, #tpu.memory_space<hbm>>
    tpu.enqueue_dma source(%dma_start3A_7 : memref<2x128xi32, #tpu.memory_space<hbm>>) target(%arg6 : memref<2x128xi32, #tpu.memory_space<vmem>>) target_semaphore(%arg15 : memref<!tpu.dma_semaphore, #tpu.memory_space<semaphore_mem>>)
    %add3A_8 = arith.constant 128 : i32
    %add3A_9 = arith.addi %mul3A_2, %add3A_8 : i32
    %dma_start3A_10 = arith.constant 0 : i32
    %dma_start3A_11 = tpu.memref_slice %arg3[%dma_start3A_10, %add3A_9] : memref<2x327680xi32, #tpu.memory_space<hbm>> -> memref<2x128xi32, #tpu.memory_space<hbm>>
    %dma_start3A_12 = arith.constant 0 : i32
    %dma_start3A_13 = tpu.memref_slice %arg3[%dma_start3A_12, %add3A_9] : memref<2x327680xi32, #tpu.memory_space<hbm>> -> memref<2x128xi32, #tpu.memory_space<hbm>>
    tpu.enqueue_dma source(%dma_start3A_13 : memref<2x128xi32, #tpu.memory_space<hbm>>) target(%arg7 : memref<2x128xi32, #tpu.memory_space<vmem>>) target_semaphore(%arg16 : memref<!tpu.dma_semaphore, #tpu.memory_space<semaphore_mem>>)
    %add3A_14 = arith.constant 0 : i32
    %add3A_15 = arith.addi %mul3A_2, %add3A_14 : i32
    %dma_wait3A = arith.constant 0 : i32
    %dma_wait3A_16 = tpu.memref_slice %arg3[%dma_wait3A, %add3A_15] : memref<2x327680xi32, #tpu.memory_space<hbm>> -> memref<2x128xi32, #tpu.memory_space<hbm>>
    %dma_wait3A_17 = arith.constant 0 : i32
    %dma_wait3A_18 = tpu.memref_slice %arg3[%dma_wait3A_17, %add3A_15] : memref<2x327680xi32, #tpu.memory_space<hbm>> -> memref<2x128xi32, #tpu.memory_space<hbm>>
    tpu.wait_dma2 semaphore(%arg15 : memref<!tpu.dma_semaphore, #tpu.memory_space<semaphore_mem>>) src(%dma_wait3A_18 : memref<2x128xi32, #tpu.memory_space<hbm>>) dst(%arg6 : memref<2x128xi32, #tpu.memory_space<vmem>>)
    %dma_start3A_19 = arith.constant 0 : i32
    %dma_start3A_20 = arith.constant 0 : i32
    %dma_start3A_21 = tpu.memref_slice %arg6[%dma_start3A_19, %dma_start3A_20] : memref<2x128xi32, #tpu.memory_space<vmem>> -> memref<1x128xi32, #tpu.memory_space<vmem>>
    %dma_start3A_22 = tpu.memref_squeeze %dma_start3A_21 : memref<1x128xi32, #tpu.memory_space<vmem>> -> memref<128xi32, #tpu.memory_space<vmem>>
    %dma_start3A_23 = arith.constant 0 : i32
    %dma_start3A_24 = arith.constant 0 : i32
    %dma_start3A_25 = tpu.memref_slice %arg2[%dma_start3A_23, %dma_start3A_24] : memref<10240x128xf32, #tpu.memory_space<hbm>> -> memref<10240x128xf32, #tpu.memory_space<hbm>>
    tpu.enqueue_indirect_dma source(%dma_start3A_25 : memref<10240x128xf32, #tpu.memory_space<hbm>>) target(%arg9 : memref<128x128xf32, #tpu.memory_space<vmem>>) offsets(%dma_start3A_22 : memref<128xi32, #tpu.memory_space<vmem>>) semaphore(%arg12 : memref<!tpu.dma_semaphore, #tpu.memory_space<semaphore_mem>>)
    %mul3A_26 = arith.constant 640 : i32
    %mul3A_27 = arith.muli %arg1, %mul3A_26 : i32
    %mul3A_28 = arith.constant 640 : i32
    %mul3A_29 = arith.muli %arg1, %mul3A_28 : i32
    "tpu.region"() ({
      %run_scoped3A = tpu.sem_alloc : memref<!tpu.dma_semaphore, #tpu.memory_space<semaphore_mem>>
      %dma_start3A_335 = arith.constant 0 : i32
      %dma_start3A_336 = tpu.memref_slice %arg11[%mul3A_29, %dma_start3A_335] : memref<10240x128xf32, #tpu.memory_space<vmem_shared>> -> memref<640x128xf32, #tpu.memory_space<vmem_shared>>
      %dma_start3A_337 = arith.constant 0 : i32
      %dma_start3A_338 = tpu.memref_slice %arg4[%mul3A_27, %dma_start3A_337] : memref<10240x128xf32, #tpu.memory_space<hbm>> -> memref<640x128xf32, #tpu.memory_space<hbm>>
      tpu.enqueue_dma source(%dma_start3A_338 : memref<640x128xf32, #tpu.memory_space<hbm>>) target(%dma_start3A_336 : memref<640x128xf32, #tpu.memory_space<vmem_shared>>) target_semaphore(%run_scoped3A : memref<!tpu.dma_semaphore, #tpu.memory_space<semaphore_mem>>)
      %dma_wait3A_339 = arith.constant 0 : i32
      %dma_wait3A_340 = tpu.memref_slice %arg11[%mul3A_29, %dma_wait3A_339] : memref<10240x128xf32, #tpu.memory_space<vmem_shared>> -> memref<640x128xf32, #tpu.memory_space<vmem_shared>>
      %dma_wait3A_341 = arith.constant 0 : i32
      %dma_wait3A_342 = tpu.memref_slice %arg4[%mul3A_27, %dma_wait3A_341] : memref<10240x128xf32, #tpu.memory_space<hbm>> -> memref<640x128xf32, #tpu.memory_space<hbm>>
      tpu.wait_dma2 semaphore(%run_scoped3A : memref<!tpu.dma_semaphore, #tpu.memory_space<semaphore_mem>>) src(%dma_wait3A_342 : memref<640x128xf32, #tpu.memory_space<hbm>>) dst(%dma_wait3A_340 : memref<640x128xf32, #tpu.memory_space<vmem_shared>>)
      tpu.yield
    }) : () -> ()
    %barrier3A = arith.constant 0 : index
    tpu.barrier barrier_id(%barrier3A)
    %dma_wait3A_30 = arith.constant 0 : i32
    %dma_wait3A_31 = arith.constant 0 : i32
    %dma_wait3A_32 = tpu.memref_slice %arg6[%dma_wait3A_30, %dma_wait3A_31] : memref<2x128xi32, #tpu.memory_space<vmem>> -> memref<1x128xi32, #tpu.memory_space<vmem>>
    %dma_wait3A_33 = tpu.memref_squeeze %dma_wait3A_32 : memref<1x128xi32, #tpu.memory_space<vmem>> -> memref<128xi32, #tpu.memory_space<vmem>>
    %dma_wait3A_34 = arith.constant 0 : i32
    %dma_wait3A_35 = arith.constant 0 : i32
    %dma_wait3A_36 = tpu.memref_slice %arg2[%dma_wait3A_34, %dma_wait3A_35] : memref<10240x128xf32, #tpu.memory_space<hbm>> -> memref<10240x128xf32, #tpu.memory_space<hbm>>
    tpu.wait_indirect_dma semaphore(%arg12 : memref<!tpu.dma_semaphore, #tpu.memory_space<semaphore_mem>>) src(%dma_wait3A_36 : memref<10240x128xf32, #tpu.memory_space<hbm>>) dst(%arg9 : memref<128x128xf32, #tpu.memory_space<vmem>>)
    %dma_start3A_37 = arith.constant 1 : i32
    %dma_start3A_38 = arith.constant 0 : i32
    %dma_start3A_39 = tpu.memref_slice %arg6[%dma_start3A_37, %dma_start3A_38] : memref<2x128xi32, #tpu.memory_space<vmem>> -> memref<1x128xi32, #tpu.memory_space<vmem>>
    %dma_start3A_40 = tpu.memref_squeeze %dma_start3A_39 : memref<1x128xi32, #tpu.memory_space<vmem>> -> memref<128xi32, #tpu.memory_space<vmem>>
    %dma_start3A_41 = arith.constant 0 : i32
    %dma_start3A_42 = arith.constant 0 : i32
    %dma_start3A_43 = tpu.memref_slice %arg11[%dma_start3A_41, %dma_start3A_42] : memref<10240x128xf32, #tpu.memory_space<vmem_shared>> -> memref<10240x128xf32, #tpu.memory_space<vmem_shared>>
    tpu.enqueue_indirect_dma source(%arg9 : memref<128x128xf32, #tpu.memory_space<vmem>>) target(%dma_start3A_43 : memref<10240x128xf32, #tpu.memory_space<vmem_shared>>) offsets(%dma_start3A_40 : memref<128xi32, #tpu.memory_space<vmem>>) semaphore(%arg13 : memref<!tpu.dma_semaphore, #tpu.memory_space<semaphore_mem>>) {add = true}
    %add3A_44 = arith.constant 128 : i32
    %add3A_45 = arith.addi %mul3A_2, %add3A_44 : i32
    %dma_wait3A_46 = arith.constant 0 : i32
    %dma_wait3A_47 = tpu.memref_slice %arg3[%dma_wait3A_46, %add3A_45] : memref<2x327680xi32, #tpu.memory_space<hbm>> -> memref<2x128xi32, #tpu.memory_space<hbm>>
    %dma_wait3A_48 = arith.constant 0 : i32
    %dma_wait3A_49 = tpu.memref_slice %arg3[%dma_wait3A_48, %add3A_45] : memref<2x327680xi32, #tpu.memory_space<hbm>> -> memref<2x128xi32, #tpu.memory_space<hbm>>
    tpu.wait_dma2 semaphore(%arg16 : memref<!tpu.dma_semaphore, #tpu.memory_space<semaphore_mem>>) src(%dma_wait3A_49 : memref<2x128xi32, #tpu.memory_space<hbm>>) dst(%arg7 : memref<2x128xi32, #tpu.memory_space<vmem>>)
    %dma_start3A_50 = arith.constant 0 : i32
    %dma_start3A_51 = arith.constant 0 : i32
    %dma_start3A_52 = tpu.memref_slice %arg7[%dma_start3A_50, %dma_start3A_51] : memref<2x128xi32, #tpu.memory_space<vmem>> -> memref<1x128xi32, #tpu.memory_space<vmem>>
    %dma_start3A_53 = tpu.memref_squeeze %dma_start3A_52 : memref<1x128xi32, #tpu.memory_space<vmem>> -> memref<128xi32, #tpu.memory_space<vmem>>
    %dma_start3A_54 = arith.constant 0 : i32
    %dma_start3A_55 = arith.constant 0 : i32
    %dma_start3A_56 = tpu.memref_slice %arg2[%dma_start3A_54, %dma_start3A_55] : memref<10240x128xf32, #tpu.memory_space<hbm>> -> memref<10240x128xf32, #tpu.memory_space<hbm>>
    tpu.enqueue_indirect_dma source(%dma_start3A_56 : memref<10240x128xf32, #tpu.memory_space<hbm>>) target(%arg10 : memref<128x128xf32, #tpu.memory_space<vmem>>) offsets(%dma_start3A_53 : memref<128xi32, #tpu.memory_space<vmem>>) semaphore(%arg12 : memref<!tpu.dma_semaphore, #tpu.memory_space<semaphore_mem>>)
    %add3A_57 = arith.constant 256 : i32
    %add3A_58 = arith.addi %mul3A_2, %add3A_57 : i32
    %dma_start3A_59 = arith.constant 0 : i32
    %dma_start3A_60 = tpu.memref_slice %arg3[%dma_start3A_59, %add3A_58] : memref<2x327680xi32, #tpu.memory_space<hbm>> -> memref<2x128xi32, #tpu.memory_space<hbm>>
    %dma_start3A_61 = arith.constant 0 : i32
    %dma_start3A_62 = tpu.memref_slice %arg3[%dma_start3A_61, %add3A_58] : memref<2x327680xi32, #tpu.memory_space<hbm>> -> memref<2x128xi32, #tpu.memory_space<hbm>>
    tpu.enqueue_dma source(%dma_start3A_62 : memref<2x128xi32, #tpu.memory_space<hbm>>) target(%arg8 : memref<2x128xi32, #tpu.memory_space<vmem>>) target_semaphore(%arg17 : memref<!tpu.dma_semaphore, #tpu.memory_space<semaphore_mem>>)
    %dma_wait3A_63 = arith.constant 0 : i32
    %dma_wait3A_64 = arith.constant 0 : i32
    %dma_wait3A_65 = tpu.memref_slice %arg7[%dma_wait3A_63, %dma_wait3A_64] : memref<2x128xi32, #tpu.memory_space<vmem>> -> memref<1x128xi32, #tpu.memory_space<vmem>>
    %dma_wait3A_66 = tpu.memref_squeeze %dma_wait3A_65 : memref<1x128xi32, #tpu.memory_space<vmem>> -> memref<128xi32, #tpu.memory_space<vmem>>
    %dma_wait3A_67 = arith.constant 0 : i32
    %dma_wait3A_68 = arith.constant 0 : i32
    %dma_wait3A_69 = tpu.memref_slice %arg2[%dma_wait3A_67, %dma_wait3A_68] : memref<10240x128xf32, #tpu.memory_space<hbm>> -> memref<10240x128xf32, #tpu.memory_space<hbm>>
    tpu.wait_indirect_dma semaphore(%arg12 : memref<!tpu.dma_semaphore, #tpu.memory_space<semaphore_mem>>) src(%dma_wait3A_69 : memref<10240x128xf32, #tpu.memory_space<hbm>>) dst(%arg10 : memref<128x128xf32, #tpu.memory_space<vmem>>)
    %dma_start3A_70 = arith.constant 1 : i32
    %dma_start3A_71 = arith.constant 0 : i32
    %dma_start3A_72 = tpu.memref_slice %arg7[%dma_start3A_70, %dma_start3A_71] : memref<2x128xi32, #tpu.memory_space<vmem>> -> memref<1x128xi32, #tpu.memory_space<vmem>>
    %dma_start3A_73 = tpu.memref_squeeze %dma_start3A_72 : memref<1x128xi32, #tpu.memory_space<vmem>> -> memref<128xi32, #tpu.memory_space<vmem>>
    %dma_start3A_74 = arith.constant 0 : i32
    %dma_start3A_75 = arith.constant 0 : i32
    %dma_start3A_76 = tpu.memref_slice %arg11[%dma_start3A_74, %dma_start3A_75] : memref<10240x128xf32, #tpu.memory_space<vmem_shared>> -> memref<10240x128xf32, #tpu.memory_space<vmem_shared>>
    tpu.enqueue_indirect_dma source(%arg10 : memref<128x128xf32, #tpu.memory_space<vmem>>) target(%dma_start3A_76 : memref<10240x128xf32, #tpu.memory_space<vmem_shared>>) offsets(%dma_start3A_73 : memref<128xi32, #tpu.memory_space<vmem>>) semaphore(%arg14 : memref<!tpu.dma_semaphore, #tpu.memory_space<semaphore_mem>>) {add = true}
    %dma_wait3A_77 = arith.constant 1 : i32
    %dma_wait3A_78 = arith.constant 0 : i32
    %dma_wait3A_79 = tpu.memref_slice %arg6[%dma_wait3A_77, %dma_wait3A_78] : memref<2x128xi32, #tpu.memory_space<vmem>> -> memref<1x128xi32, #tpu.memory_space<vmem>>
    %dma_wait3A_80 = tpu.memref_squeeze %dma_wait3A_79 : memref<1x128xi32, #tpu.memory_space<vmem>> -> memref<128xi32, #tpu.memory_space<vmem>>
    %dma_wait3A_81 = arith.constant 0 : i32
    %dma_wait3A_82 = arith.constant 0 : i32
    %dma_wait3A_83 = tpu.memref_slice %arg11[%dma_wait3A_81, %dma_wait3A_82] : memref<10240x128xf32, #tpu.memory_space<vmem_shared>> -> memref<10240x128xf32, #tpu.memory_space<vmem_shared>>
    tpu.wait_indirect_dma semaphore(%arg13 : memref<!tpu.dma_semaphore, #tpu.memory_space<semaphore_mem>>) src(%arg9 : memref<128x128xf32, #tpu.memory_space<vmem>>) dst(%dma_wait3A_83 : memref<10240x128xf32, #tpu.memory_space<vmem_shared>>)
    %add3A_84 = arith.constant 256 : i32
    %add3A_85 = arith.addi %mul3A_2, %add3A_84 : i32
    %dma_wait3A_86 = arith.constant 0 : i32
    %dma_wait3A_87 = tpu.memref_slice %arg3[%dma_wait3A_86, %add3A_85] : memref<2x327680xi32, #tpu.memory_space<hbm>> -> memref<2x128xi32, #tpu.memory_space<hbm>>
    %dma_wait3A_88 = arith.constant 0 : i32
    %dma_wait3A_89 = tpu.memref_slice %arg3[%dma_wait3A_88, %add3A_85] : memref<2x327680xi32, #tpu.memory_space<hbm>> -> memref<2x128xi32, #tpu.memory_space<hbm>>
    tpu.wait_dma2 semaphore(%arg17 : memref<!tpu.dma_semaphore, #tpu.memory_space<semaphore_mem>>) src(%dma_wait3A_89 : memref<2x128xi32, #tpu.memory_space<hbm>>) dst(%arg8 : memref<2x128xi32, #tpu.memory_space<vmem>>)
    %dma_start3A_90 = arith.constant 0 : i32
    %dma_start3A_91 = arith.constant 0 : i32
    %dma_start3A_92 = tpu.memref_slice %arg8[%dma_start3A_90, %dma_start3A_91] : memref<2x128xi32, #tpu.memory_space<vmem>> -> memref<1x128xi32, #tpu.memory_space<vmem>>
    %dma_start3A_93 = tpu.memref_squeeze %dma_start3A_92 : memref<1x128xi32, #tpu.memory_space<vmem>> -> memref<128xi32, #tpu.memory_space<vmem>>
    %dma_start3A_94 = arith.constant 0 : i32
    %dma_start3A_95 = arith.constant 0 : i32
    %dma_start3A_96 = tpu.memref_slice %arg2[%dma_start3A_94, %dma_start3A_95] : memref<10240x128xf32, #tpu.memory_space<hbm>> -> memref<10240x128xf32, #tpu.memory_space<hbm>>
    tpu.enqueue_indirect_dma source(%dma_start3A_96 : memref<10240x128xf32, #tpu.memory_space<hbm>>) target(%arg9 : memref<128x128xf32, #tpu.memory_space<vmem>>) offsets(%dma_start3A_93 : memref<128xi32, #tpu.memory_space<vmem>>) semaphore(%arg12 : memref<!tpu.dma_semaphore, #tpu.memory_space<semaphore_mem>>)
    %add3A_97 = arith.constant 384 : i32
    %add3A_98 = arith.addi %mul3A_2, %add3A_97 : i32
    %dma_start3A_99 = arith.constant 0 : i32
    %dma_start3A_100 = tpu.memref_slice %arg3[%dma_start3A_99, %add3A_98] : memref<2x327680xi32, #tpu.memory_space<hbm>> -> memref<2x128xi32, #tpu.memory_space<hbm>>
    %dma_start3A_101 = arith.constant 0 : i32
    %dma_start3A_102 = tpu.memref_slice %arg3[%dma_start3A_101, %add3A_98] : memref<2x327680xi32, #tpu.memory_space<hbm>> -> memref<2x128xi32, #tpu.memory_space<hbm>>
    tpu.enqueue_dma source(%dma_start3A_102 : memref<2x128xi32, #tpu.memory_space<hbm>>) target(%arg6 : memref<2x128xi32, #tpu.memory_space<vmem>>) target_semaphore(%arg15 : memref<!tpu.dma_semaphore, #tpu.memory_space<semaphore_mem>>)
    %dma_wait3A_103 = arith.constant 0 : i32
    %dma_wait3A_104 = arith.constant 0 : i32
    %dma_wait3A_105 = tpu.memref_slice %arg8[%dma_wait3A_103, %dma_wait3A_104] : memref<2x128xi32, #tpu.memory_space<vmem>> -> memref<1x128xi32, #tpu.memory_space<vmem>>
    %dma_wait3A_106 = tpu.memref_squeeze %dma_wait3A_105 : memref<1x128xi32, #tpu.memory_space<vmem>> -> memref<128xi32, #tpu.memory_space<vmem>>
    %dma_wait3A_107 = arith.constant 0 : i32
    %dma_wait3A_108 = arith.constant 0 : i32
    %dma_wait3A_109 = tpu.memref_slice %arg2[%dma_wait3A_107, %dma_wait3A_108] : memref<10240x128xf32, #tpu.memory_space<hbm>> -> memref<10240x128xf32, #tpu.memory_space<hbm>>
    tpu.wait_indirect_dma semaphore(%arg12 : memref<!tpu.dma_semaphore, #tpu.memory_space<semaphore_mem>>) src(%dma_wait3A_109 : memref<10240x128xf32, #tpu.memory_space<hbm>>) dst(%arg9 : memref<128x128xf32, #tpu.memory_space<vmem>>)
    %dma_start3A_110 = arith.constant 1 : i32
    %dma_start3A_111 = arith.constant 0 : i32
    %dma_start3A_112 = tpu.memref_slice %arg8[%dma_start3A_110, %dma_start3A_111] : memref<2x128xi32, #tpu.memory_space<vmem>> -> memref<1x128xi32, #tpu.memory_space<vmem>>
    %dma_start3A_113 = tpu.memref_squeeze %dma_start3A_112 : memref<1x128xi32, #tpu.memory_space<vmem>> -> memref<128xi32, #tpu.memory_space<vmem>>
    %dma_start3A_114 = arith.constant 0 : i32
    %dma_start3A_115 = arith.constant 0 : i32
    %dma_start3A_116 = tpu.memref_slice %arg11[%dma_start3A_114, %dma_start3A_115] : memref<10240x128xf32, #tpu.memory_space<vmem_shared>> -> memref<10240x128xf32, #tpu.memory_space<vmem_shared>>
    tpu.enqueue_indirect_dma source(%arg9 : memref<128x128xf32, #tpu.memory_space<vmem>>) target(%dma_start3A_116 : memref<10240x128xf32, #tpu.memory_space<vmem_shared>>) offsets(%dma_start3A_113 : memref<128xi32, #tpu.memory_space<vmem>>) semaphore(%arg13 : memref<!tpu.dma_semaphore, #tpu.memory_space<semaphore_mem>>) {add = true}
    %dma_wait3A_117 = arith.constant 1 : i32
    %dma_wait3A_118 = arith.constant 0 : i32
    %dma_wait3A_119 = tpu.memref_slice %arg7[%dma_wait3A_117, %dma_wait3A_118] : memref<2x128xi32, #tpu.memory_space<vmem>> -> memref<1x128xi32, #tpu.memory_space<vmem>>
    %dma_wait3A_120 = tpu.memref_squeeze %dma_wait3A_119 : memref<1x128xi32, #tpu.memory_space<vmem>> -> memref<128xi32, #tpu.memory_space<vmem>>
    %dma_wait3A_121 = arith.constant 0 : i32
    %dma_wait3A_122 = arith.constant 0 : i32
    %dma_wait3A_123 = tpu.memref_slice %arg11[%dma_wait3A_121, %dma_wait3A_122] : memref<10240x128xf32, #tpu.memory_space<vmem_shared>> -> memref<10240x128xf32, #tpu.memory_space<vmem_shared>>
    tpu.wait_indirect_dma semaphore(%arg14 : memref<!tpu.dma_semaphore, #tpu.memory_space<semaphore_mem>>) src(%arg10 : memref<128x128xf32, #tpu.memory_space<vmem>>) dst(%dma_wait3A_123 : memref<10240x128xf32, #tpu.memory_space<vmem_shared>>)
    %add3A_124 = arith.constant 384 : i32
    %add3A_125 = arith.addi %mul3A_2, %add3A_124 : i32
    %dma_wait3A_126 = arith.constant 0 : i32
    %dma_wait3A_127 = tpu.memref_slice %arg3[%dma_wait3A_126, %add3A_125] : memref<2x327680xi32, #tpu.memory_space<hbm>> -> memref<2x128xi32, #tpu.memory_space<hbm>>
    %dma_wait3A_128 = arith.constant 0 : i32
    %dma_wait3A_129 = tpu.memref_slice %arg3[%dma_wait3A_128, %add3A_125] : memref<2x327680xi32, #tpu.memory_space<hbm>> -> memref<2x128xi32, #tpu.memory_space<hbm>>
    tpu.wait_dma2 semaphore(%arg15 : memref<!tpu.dma_semaphore, #tpu.memory_space<semaphore_mem>>) src(%dma_wait3A_129 : memref<2x128xi32, #tpu.memory_space<hbm>>) dst(%arg6 : memref<2x128xi32, #tpu.memory_space<vmem>>)
    %dma_start3A_130 = arith.constant 0 : i32
    %dma_start3A_131 = arith.constant 0 : i32
    %dma_start3A_132 = tpu.memref_slice %arg6[%dma_start3A_130, %dma_start3A_131] : memref<2x128xi32, #tpu.memory_space<vmem>> -> memref<1x128xi32, #tpu.memory_space<vmem>>
    %dma_start3A_133 = tpu.memref_squeeze %dma_start3A_132 : memref<1x128xi32, #tpu.memory_space<vmem>> -> memref<128xi32, #tpu.memory_space<vmem>>
    %dma_start3A_134 = arith.constant 0 : i32
    %dma_start3A_135 = arith.constant 0 : i32
    %dma_start3A_136 = tpu.memref_slice %arg2[%dma_start3A_134, %dma_start3A_135] : memref<10240x128xf32, #tpu.memory_space<hbm>> -> memref<10240x128xf32, #tpu.memory_space<hbm>>
    tpu.enqueue_indirect_dma source(%dma_start3A_136 : memref<10240x128xf32, #tpu.memory_space<hbm>>) target(%arg10 : memref<128x128xf32, #tpu.memory_space<vmem>>) offsets(%dma_start3A_133 : memref<128xi32, #tpu.memory_space<vmem>>) semaphore(%arg12 : memref<!tpu.dma_semaphore, #tpu.memory_space<semaphore_mem>>)
    %add3A_137 = arith.constant 512 : i32
    %add3A_138 = arith.addi %mul3A_2, %add3A_137 : i32
    %dma_start3A_139 = arith.constant 0 : i32
    %dma_start3A_140 = tpu.memref_slice %arg3[%dma_start3A_139, %add3A_138] : memref<2x327680xi32, #tpu.memory_space<hbm>> -> memref<2x128xi32, #tpu.memory_space<hbm>>
    %dma_start3A_141 = arith.constant 0 : i32
    %dma_start3A_142 = tpu.memref_slice %arg3[%dma_start3A_141, %add3A_138] : memref<2x327680xi32, #tpu.memory_space<hbm>> -> memref<2x128xi32, #tpu.memory_space<hbm>>
    tpu.enqueue_dma source(%dma_start3A_142 : memref<2x128xi32, #tpu.memory_space<hbm>>) target(%arg7 : memref<2x128xi32, #tpu.memory_space<vmem>>) target_semaphore(%arg16 : memref<!tpu.dma_semaphore, #tpu.memory_space<semaphore_mem>>)
    %dma_wait3A_143 = arith.constant 0 : i32
    %dma_wait3A_144 = arith.constant 0 : i32
    %dma_wait3A_145 = tpu.memref_slice %arg6[%dma_wait3A_143, %dma_wait3A_144] : memref<2x128xi32, #tpu.memory_space<vmem>> -> memref<1x128xi32, #tpu.memory_space<vmem>>
    %dma_wait3A_146 = tpu.memref_squeeze %dma_wait3A_145 : memref<1x128xi32, #tpu.memory_space<vmem>> -> memref<128xi32, #tpu.memory_space<vmem>>
    %dma_wait3A_147 = arith.constant 0 : i32
    %dma_wait3A_148 = arith.constant 0 : i32
    %dma_wait3A_149 = tpu.memref_slice %arg2[%dma_wait3A_147, %dma_wait3A_148] : memref<10240x128xf32, #tpu.memory_space<hbm>> -> memref<10240x128xf32, #tpu.memory_space<hbm>>
    tpu.wait_indirect_dma semaphore(%arg12 : memref<!tpu.dma_semaphore, #tpu.memory_space<semaphore_mem>>) src(%dma_wait3A_149 : memref<10240x128xf32, #tpu.memory_space<hbm>>) dst(%arg10 : memref<128x128xf32, #tpu.memory_space<vmem>>)
    %dma_start3A_150 = arith.constant 1 : i32
    %dma_start3A_151 = arith.constant 0 : i32
    %dma_start3A_152 = tpu.memref_slice %arg6[%dma_start3A_150, %dma_start3A_151] : memref<2x128xi32, #tpu.memory_space<vmem>> -> memref<1x128xi32, #tpu.memory_space<vmem>>
    %dma_start3A_153 = tpu.memref_squeeze %dma_start3A_152 : memref<1x128xi32, #tpu.memory_space<vmem>> -> memref<128xi32, #tpu.memory_space<vmem>>
    %dma_start3A_154 = arith.constant 0 : i32
    %dma_start3A_155 = arith.constant 0 : i32
    %dma_start3A_156 = tpu.memref_slice %arg11[%dma_start3A_154, %dma_start3A_155] : memref<10240x128xf32, #tpu.memory_space<vmem_shared>> -> memref<10240x128xf32, #tpu.memory_space<vmem_shared>>
    tpu.enqueue_indirect_dma source(%arg10 : memref<128x128xf32, #tpu.memory_space<vmem>>) target(%dma_start3A_156 : memref<10240x128xf32, #tpu.memory_space<vmem_shared>>) offsets(%dma_start3A_153 : memref<128xi32, #tpu.memory_space<vmem>>) semaphore(%arg14 : memref<!tpu.dma_semaphore, #tpu.memory_space<semaphore_mem>>) {add = true}
    %dma_wait3A_157 = arith.constant 1 : i32
    %dma_wait3A_158 = arith.constant 0 : i32
    %dma_wait3A_159 = tpu.memref_slice %arg8[%dma_wait3A_157, %dma_wait3A_158] : memref<2x128xi32, #tpu.memory_space<vmem>> -> memref<1x128xi32, #tpu.memory_space<vmem>>
    %dma_wait3A_160 = tpu.memref_squeeze %dma_wait3A_159 : memref<1x128xi32, #tpu.memory_space<vmem>> -> memref<128xi32, #tpu.memory_space<vmem>>
    %dma_wait3A_161 = arith.constant 0 : i32
    %dma_wait3A_162 = arith.constant 0 : i32
    %dma_wait3A_163 = tpu.memref_slice %arg11[%dma_wait3A_161, %dma_wait3A_162] : memref<10240x128xf32, #tpu.memory_space<vmem_shared>> -> memref<10240x128xf32, #tpu.memory_space<vmem_shared>>
    tpu.wait_indirect_dma semaphore(%arg13 : memref<!tpu.dma_semaphore, #tpu.memory_space<semaphore_mem>>) src(%arg9 : memref<128x128xf32, #tpu.memory_space<vmem>>) dst(%dma_wait3A_163 : memref<10240x128xf32, #tpu.memory_space<vmem_shared>>)
    %add3A_164 = arith.constant 512 : i32
    %add3A_165 = arith.addi %mul3A_2, %add3A_164 : i32
    %dma_wait3A_166 = arith.constant 0 : i32
    %dma_wait3A_167 = tpu.memref_slice %arg3[%dma_wait3A_166, %add3A_165] : memref<2x327680xi32, #tpu.memory_space<hbm>> -> memref<2x128xi32, #tpu.memory_space<hbm>>
    %dma_wait3A_168 = arith.constant 0 : i32
    %dma_wait3A_169 = tpu.memref_slice %arg3[%dma_wait3A_168, %add3A_165] : memref<2x327680xi32, #tpu.memory_space<hbm>> -> memref<2x128xi32, #tpu.memory_space<hbm>>
    tpu.wait_dma2 semaphore(%arg16 : memref<!tpu.dma_semaphore, #tpu.memory_space<semaphore_mem>>) src(%dma_wait3A_169 : memref<2x128xi32, #tpu.memory_space<hbm>>) dst(%arg7 : memref<2x128xi32, #tpu.memory_space<vmem>>)
    %dma_start3A_170 = arith.constant 0 : i32
    %dma_start3A_171 = arith.constant 0 : i32
    %dma_start3A_172 = tpu.memref_slice %arg7[%dma_start3A_170, %dma_start3A_171] : memref<2x128xi32, #tpu.memory_space<vmem>> -> memref<1x128xi32, #tpu.memory_space<vmem>>
    %dma_start3A_173 = tpu.memref_squeeze %dma_start3A_172 : memref<1x128xi32, #tpu.memory_space<vmem>> -> memref<128xi32, #tpu.memory_space<vmem>>
    %dma_start3A_174 = arith.constant 0 : i32
    %dma_start3A_175 = arith.constant 0 : i32
    %dma_start3A_176 = tpu.memref_slice %arg2[%dma_start3A_174, %dma_start3A_175] : memref<10240x128xf32, #tpu.memory_space<hbm>> -> memref<10240x128xf32, #tpu.memory_space<hbm>>
    tpu.enqueue_indirect_dma source(%dma_start3A_176 : memref<10240x128xf32, #tpu.memory_space<hbm>>) target(%arg9 : memref<128x128xf32, #tpu.memory_space<vmem>>) offsets(%dma_start3A_173 : memref<128xi32, #tpu.memory_space<vmem>>) semaphore(%arg12 : memref<!tpu.dma_semaphore, #tpu.memory_space<semaphore_mem>>)
    %add3A_177 = arith.constant 640 : i32
    %add3A_178 = arith.addi %mul3A_2, %add3A_177 : i32
    %dma_start3A_179 = arith.constant 0 : i32
    %dma_start3A_180 = tpu.memref_slice %arg3[%dma_start3A_179, %add3A_178] : memref<2x327680xi32, #tpu.memory_space<hbm>> -> memref<2x128xi32, #tpu.memory_space<hbm>>
    %dma_start3A_181 = arith.constant 0 : i32
    %dma_start3A_182 = tpu.memref_slice %arg3[%dma_start3A_181, %add3A_178] : memref<2x327680xi32, #tpu.memory_space<hbm>> -> memref<2x128xi32, #tpu.memory_space<hbm>>
    tpu.enqueue_dma source(%dma_start3A_182 : memref<2x128xi32, #tpu.memory_space<hbm>>) target(%arg8 : memref<2x128xi32, #tpu.memory_space<vmem>>) target_semaphore(%arg17 : memref<!tpu.dma_semaphore, #tpu.memory_space<semaphore_mem>>)
    %dma_wait3A_183 = arith.constant 0 : i32
    %dma_wait3A_184 = arith.constant 0 : i32
    %dma_wait3A_185 = tpu.memref_slice %arg7[%dma_wait3A_183, %dma_wait3A_184] : memref<2x128xi32, #tpu.memory_space<vmem>> -> memref<1x128xi32, #tpu.memory_space<vmem>>
    %dma_wait3A_186 = tpu.memref_squeeze %dma_wait3A_185 : memref<1x128xi32, #tpu.memory_space<vmem>> -> memref<128xi32, #tpu.memory_space<vmem>>
    %dma_wait3A_187 = arith.constant 0 : i32
    %dma_wait3A_188 = arith.constant 0 : i32
    %dma_wait3A_189 = tpu.memref_slice %arg2[%dma_wait3A_187, %dma_wait3A_188] : memref<10240x128xf32, #tpu.memory_space<hbm>> -> memref<10240x128xf32, #tpu.memory_space<hbm>>
    tpu.wait_indirect_dma semaphore(%arg12 : memref<!tpu.dma_semaphore, #tpu.memory_space<semaphore_mem>>) src(%dma_wait3A_189 : memref<10240x128xf32, #tpu.memory_space<hbm>>) dst(%arg9 : memref<128x128xf32, #tpu.memory_space<vmem>>)
    %dma_start3A_190 = arith.constant 1 : i32
    %dma_start3A_191 = arith.constant 0 : i32
    %dma_start3A_192 = tpu.memref_slice %arg7[%dma_start3A_190, %dma_start3A_191] : memref<2x128xi32, #tpu.memory_space<vmem>> -> memref<1x128xi32, #tpu.memory_space<vmem>>
    %dma_start3A_193 = tpu.memref_squeeze %dma_start3A_192 : memref<1x128xi32, #tpu.memory_space<vmem>> -> memref<128xi32, #tpu.memory_space<vmem>>
    %dma_start3A_194 = arith.constant 0 : i32
    %dma_start3A_195 = arith.constant 0 : i32
    %dma_start3A_196 = tpu.memref_slice %arg11[%dma_start3A_194, %dma_start3A_195] : memref<10240x128xf32, #tpu.memory_space<vmem_shared>> -> memref<10240x128xf32, #tpu.memory_space<vmem_shared>>
    tpu.enqueue_indirect_dma source(%arg9 : memref<128x128xf32, #tpu.memory_space<vmem>>) target(%dma_start3A_196 : memref<10240x128xf32, #tpu.memory_space<vmem_shared>>) offsets(%dma_start3A_193 : memref<128xi32, #tpu.memory_space<vmem>>) semaphore(%arg13 : memref<!tpu.dma_semaphore, #tpu.memory_space<semaphore_mem>>) {add = true}
    %dma_wait3A_197 = arith.constant 1 : i32
    %dma_wait3A_198 = arith.constant 0 : i32
    %dma_wait3A_199 = tpu.memref_slice %arg6[%dma_wait3A_197, %dma_wait3A_198] : memref<2x128xi32, #tpu.memory_space<vmem>> -> memref<1x128xi32, #tpu.memory_space<vmem>>
    %dma_wait3A_200 = tpu.memref_squeeze %dma_wait3A_199 : memref<1x128xi32, #tpu.memory_space<vmem>> -> memref<128xi32, #tpu.memory_space<vmem>>
    %dma_wait3A_201 = arith.constant 0 : i32
    %dma_wait3A_202 = arith.constant 0 : i32
    %dma_wait3A_203 = tpu.memref_slice %arg11[%dma_wait3A_201, %dma_wait3A_202] : memref<10240x128xf32, #tpu.memory_space<vmem_shared>> -> memref<10240x128xf32, #tpu.memory_space<vmem_shared>>
    tpu.wait_indirect_dma semaphore(%arg14 : memref<!tpu.dma_semaphore, #tpu.memory_space<semaphore_mem>>) src(%arg10 : memref<128x128xf32, #tpu.memory_space<vmem>>) dst(%dma_wait3A_203 : memref<10240x128xf32, #tpu.memory_space<vmem_shared>>)
    %add3A_204 = arith.constant 640 : i32
    %add3A_205 = arith.addi %mul3A_2, %add3A_204 : i32
    %dma_wait3A_206 = arith.constant 0 : i32
    %dma_wait3A_207 = tpu.memref_slice %arg3[%dma_wait3A_206, %add3A_205] : memref<2x327680xi32, #tpu.memory_space<hbm>> -> memref<2x128xi32, #tpu.memory_space<hbm>>
    %dma_wait3A_208 = arith.constant 0 : i32
    %dma_wait3A_209 = tpu.memref_slice %arg3[%dma_wait3A_208, %add3A_205] : memref<2x327680xi32, #tpu.memory_space<hbm>> -> memref<2x128xi32, #tpu.memory_space<hbm>>
    tpu.wait_dma2 semaphore(%arg17 : memref<!tpu.dma_semaphore, #tpu.memory_space<semaphore_mem>>) src(%dma_wait3A_209 : memref<2x128xi32, #tpu.memory_space<hbm>>) dst(%arg8 : memref<2x128xi32, #tpu.memory_space<vmem>>)
    %dma_start3A_210 = arith.constant 0 : i32
    %dma_start3A_211 = arith.constant 0 : i32
    %dma_start3A_212 = tpu.memref_slice %arg8[%dma_start3A_210, %dma_start3A_211] : memref<2x128xi32, #tpu.memory_space<vmem>> -> memref<1x128xi32, #tpu.memory_space<vmem>>
    %dma_start3A_213 = tpu.memref_squeeze %dma_start3A_212 : memref<1x128xi32, #tpu.memory_space<vmem>> -> memref<128xi32, #tpu.memory_space<vmem>>
    %dma_start3A_214 = arith.constant 0 : i32
    %dma_start3A_215 = arith.constant 0 : i32
    %dma_start3A_216 = tpu.memref_slice %arg2[%dma_start3A_214, %dma_start3A_215] : memref<10240x128xf32, #tpu.memory_space<hbm>> -> memref<10240x128xf32, #tpu.memory_space<hbm>>
    tpu.enqueue_indirect_dma source(%dma_start3A_216 : memref<10240x128xf32, #tpu.memory_space<hbm>>) target(%arg10 : memref<128x128xf32, #tpu.memory_space<vmem>>) offsets(%dma_start3A_213 : memref<128xi32, #tpu.memory_space<vmem>>) semaphore(%arg12 : memref<!tpu.dma_semaphore, #tpu.memory_space<semaphore_mem>>)
    %add3A_217 = arith.constant 768 : i32
    %add3A_218 = arith.addi %mul3A_2, %add3A_217 : i32
    %dma_start3A_219 = arith.constant 0 : i32
    %dma_start3A_220 = tpu.memref_slice %arg3[%dma_start3A_219, %add3A_218] : memref<2x327680xi32, #tpu.memory_space<hbm>> -> memref<2x128xi32, #tpu.memory_space<hbm>>
    %dma_start3A_221 = arith.constant 0 : i32
    %dma_start3A_222 = tpu.memref_slice %arg3[%dma_start3A_221, %add3A_218] : memref<2x327680xi32, #tpu.memory_space<hbm>> -> memref<2x128xi32, #tpu.memory_space<hbm>>
    tpu.enqueue_dma source(%dma_start3A_222 : memref<2x128xi32, #tpu.memory_space<hbm>>) target(%arg6 : memref<2x128xi32, #tpu.memory_space<vmem>>) target_semaphore(%arg15 : memref<!tpu.dma_semaphore, #tpu.memory_space<semaphore_mem>>)
    %dma_wait3A_223 = arith.constant 0 : i32
    %dma_wait3A_224 = arith.constant 0 : i32
    %dma_wait3A_225 = tpu.memref_slice %arg8[%dma_wait3A_223, %dma_wait3A_224] : memref<2x128xi32, #tpu.memory_space<vmem>> -> memref<1x128xi32, #tpu.memory_space<vmem>>
    %dma_wait3A_226 = tpu.memref_squeeze %dma_wait3A_225 : memref<1x128xi32, #tpu.memory_space<vmem>> -> memref<128xi32, #tpu.memory_space<vmem>>
    %dma_wait3A_227 = arith.constant 0 : i32
    %dma_wait3A_228 = arith.constant 0 : i32
    %dma_wait3A_229 = tpu.memref_slice %arg2[%dma_wait3A_227, %dma_wait3A_228] : memref<10240x128xf32, #tpu.memory_space<hbm>> -> memref<10240x128xf32, #tpu.memory_space<hbm>>
    tpu.wait_indirect_dma semaphore(%arg12 : memref<!tpu.dma_semaphore, #tpu.memory_space<semaphore_mem>>) src(%dma_wait3A_229 : memref<10240x128xf32, #tpu.memory_space<hbm>>) dst(%arg10 : memref<128x128xf32, #tpu.memory_space<vmem>>)
    %dma_start3A_230 = arith.constant 1 : i32
    %dma_start3A_231 = arith.constant 0 : i32
    %dma_start3A_232 = tpu.memref_slice %arg8[%dma_start3A_230, %dma_start3A_231] : memref<2x128xi32, #tpu.memory_space<vmem>> -> memref<1x128xi32, #tpu.memory_space<vmem>>
    %dma_start3A_233 = tpu.memref_squeeze %dma_start3A_232 : memref<1x128xi32, #tpu.memory_space<vmem>> -> memref<128xi32, #tpu.memory_space<vmem>>
    %dma_start3A_234 = arith.constant 0 : i32
    %dma_start3A_235 = arith.constant 0 : i32
    %dma_start3A_236 = tpu.memref_slice %arg11[%dma_start3A_234, %dma_start3A_235] : memref<10240x128xf32, #tpu.memory_space<vmem_shared>> -> memref<10240x128xf32, #tpu.memory_space<vmem_shared>>
    tpu.enqueue_indirect_dma source(%arg10 : memref<128x128xf32, #tpu.memory_space<vmem>>) target(%dma_start3A_236 : memref<10240x128xf32, #tpu.memory_space<vmem_shared>>) offsets(%dma_start3A_233 : memref<128xi32, #tpu.memory_space<vmem>>) semaphore(%arg14 : memref<!tpu.dma_semaphore, #tpu.memory_space<semaphore_mem>>) {add = true}
    %dma_wait3A_237 = arith.constant 1 : i32
    %dma_wait3A_238 = arith.constant 0 : i32
    %dma_wait3A_239 = tpu.memref_slice %arg7[%dma_wait3A_237, %dma_wait3A_238] : memref<2x128xi32, #tpu.memory_space<vmem>> -> memref<1x128xi32, #tpu.memory_space<vmem>>
    %dma_wait3A_240 = tpu.memref_squeeze %dma_wait3A_239 : memref<1x128xi32, #tpu.memory_space<vmem>> -> memref<128xi32, #tpu.memory_space<vmem>>
    %dma_wait3A_241 = arith.constant 0 : i32
    %dma_wait3A_242 = arith.constant 0 : i32
    %dma_wait3A_243 = tpu.memref_slice %arg11[%dma_wait3A_241, %dma_wait3A_242] : memref<10240x128xf32, #tpu.memory_space<vmem_shared>> -> memref<10240x128xf32, #tpu.memory_space<vmem_shared>>
    tpu.wait_indirect_dma semaphore(%arg13 : memref<!tpu.dma_semaphore, #tpu.memory_space<semaphore_mem>>) src(%arg9 : memref<128x128xf32, #tpu.memory_space<vmem>>) dst(%dma_wait3A_243 : memref<10240x128xf32, #tpu.memory_space<vmem_shared>>)
    %add3A_244 = arith.constant 768 : i32
    %add3A_245 = arith.addi %mul3A_2, %add3A_244 : i32
    %dma_wait3A_246 = arith.constant 0 : i32
    %dma_wait3A_247 = tpu.memref_slice %arg3[%dma_wait3A_246, %add3A_245] : memref<2x327680xi32, #tpu.memory_space<hbm>> -> memref<2x128xi32, #tpu.memory_space<hbm>>
    %dma_wait3A_248 = arith.constant 0 : i32
    %dma_wait3A_249 = tpu.memref_slice %arg3[%dma_wait3A_248, %add3A_245] : memref<2x327680xi32, #tpu.memory_space<hbm>> -> memref<2x128xi32, #tpu.memory_space<hbm>>
    tpu.wait_dma2 semaphore(%arg15 : memref<!tpu.dma_semaphore, #tpu.memory_space<semaphore_mem>>) src(%dma_wait3A_249 : memref<2x128xi32, #tpu.memory_space<hbm>>) dst(%arg6 : memref<2x128xi32, #tpu.memory_space<vmem>>)
    %dma_start3A_250 = arith.constant 0 : i32
    %dma_start3A_251 = arith.constant 0 : i32
    %dma_start3A_252 = tpu.memref_slice %arg6[%dma_start3A_250, %dma_start3A_251] : memref<2x128xi32, #tpu.memory_space<vmem>> -> memref<1x128xi32, #tpu.memory_space<vmem>>
    %dma_start3A_253 = tpu.memref_squeeze %dma_start3A_252 : memref<1x128xi32, #tpu.memory_space<vmem>> -> memref<128xi32, #tpu.memory_space<vmem>>
    %dma_start3A_254 = arith.constant 0 : i32
    %dma_start3A_255 = arith.constant 0 : i32
    %dma_start3A_256 = tpu.memref_slice %arg2[%dma_start3A_254, %dma_start3A_255] : memref<10240x128xf32, #tpu.memory_space<hbm>> -> memref<10240x128xf32, #tpu.memory_space<hbm>>
    tpu.enqueue_indirect_dma source(%dma_start3A_256 : memref<10240x128xf32, #tpu.memory_space<hbm>>) target(%arg9 : memref<128x128xf32, #tpu.memory_space<vmem>>) offsets(%dma_start3A_253 : memref<128xi32, #tpu.memory_space<vmem>>) semaphore(%arg12 : memref<!tpu.dma_semaphore, #tpu.memory_space<semaphore_mem>>)
    %add3A_257 = arith.constant 896 : i32
    %add3A_258 = arith.addi %mul3A_2, %add3A_257 : i32
    %dma_start3A_259 = arith.constant 0 : i32
    %dma_start3A_260 = tpu.memref_slice %arg3[%dma_start3A_259, %add3A_258] : memref<2x327680xi32, #tpu.memory_space<hbm>> -> memref<2x128xi32, #tpu.memory_space<hbm>>
    %dma_start3A_261 = arith.constant 0 : i32
    %dma_start3A_262 = tpu.memref_slice %arg3[%dma_start3A_261, %add3A_258] : memref<2x327680xi32, #tpu.memory_space<hbm>> -> memref<2x128xi32, #tpu.memory_space<hbm>>
    tpu.enqueue_dma source(%dma_start3A_262 : memref<2x128xi32, #tpu.memory_space<hbm>>) target(%arg7 : memref<2x128xi32, #tpu.memory_space<vmem>>) target_semaphore(%arg16 : memref<!tpu.dma_semaphore, #tpu.memory_space<semaphore_mem>>)
    %scan3A = arith.constant 0 : i32
    %scan3A_263 = arith.constant 1 : i32
    %scan3A_264 = arith.constant 12 : i32
    %scan3A_265 = arith.addi %scan3A_263, %scan3A_264 : i32
    %scan3A_266 = arith.constant 1 : i32
    scf.for %scan3A_335 = %scan3A_263 to %scan3A_265 step %scan3A_266  : i32 {
      %mul3A_336 = arith.constant 6 : i32
      %mul3A_337 = arith.muli %mul3A_336, %scan3A_335 : i32
      %add3A_338 = arith.constant 0 : i32
      %add3A_339 = arith.addi %mul3A_337, %add3A_338 : i32
      %dma_wait3A_340 = arith.constant 0 : i32
      %dma_wait3A_341 = arith.constant 0 : i32
      %dma_wait3A_342 = tpu.memref_slice %arg6[%dma_wait3A_340, %dma_wait3A_341] : memref<2x128xi32, #tpu.memory_space<vmem>> -> memref<1x128xi32, #tpu.memory_space<vmem>>
      %dma_wait3A_343 = tpu.memref_squeeze %dma_wait3A_342 : memref<1x128xi32, #tpu.memory_space<vmem>> -> memref<128xi32, #tpu.memory_space<vmem>>
      %dma_wait3A_344 = arith.constant 0 : i32
      %dma_wait3A_345 = arith.constant 0 : i32
      %dma_wait3A_346 = tpu.memref_slice %arg2[%dma_wait3A_344, %dma_wait3A_345] : memref<10240x128xf32, #tpu.memory_space<hbm>> -> memref<10240x128xf32, #tpu.memory_space<hbm>>
      tpu.wait_indirect_dma semaphore(%arg12 : memref<!tpu.dma_semaphore, #tpu.memory_space<semaphore_mem>>) src(%dma_wait3A_346 : memref<10240x128xf32, #tpu.memory_space<hbm>>) dst(%arg9 : memref<128x128xf32, #tpu.memory_space<vmem>>)
      %dma_start3A_347 = arith.constant 1 : i32
      %dma_start3A_348 = arith.constant 0 : i32
      %dma_start3A_349 = tpu.memref_slice %arg6[%dma_start3A_347, %dma_start3A_348] : memref<2x128xi32, #tpu.memory_space<vmem>> -> memref<1x128xi32, #tpu.memory_space<vmem>>
      %dma_start3A_350 = tpu.memref_squeeze %dma_start3A_349 : memref<1x128xi32, #tpu.memory_space<vmem>> -> memref<128xi32, #tpu.memory_space<vmem>>
      %dma_start3A_351 = arith.constant 0 : i32
      %dma_start3A_352 = arith.constant 0 : i32
      %dma_start3A_353 = tpu.memref_slice %arg11[%dma_start3A_351, %dma_start3A_352] : memref<10240x128xf32, #tpu.memory_space<vmem_shared>> -> memref<10240x128xf32, #tpu.memory_space<vmem_shared>>
      tpu.enqueue_indirect_dma source(%arg9 : memref<128x128xf32, #tpu.memory_space<vmem>>) target(%dma_start3A_353 : memref<10240x128xf32, #tpu.memory_space<vmem_shared>>) offsets(%dma_start3A_350 : memref<128xi32, #tpu.memory_space<vmem>>) semaphore(%arg13 : memref<!tpu.dma_semaphore, #tpu.memory_space<semaphore_mem>>) {add = true}
      %dma_wait3A_354 = arith.constant 1 : i32
      %dma_wait3A_355 = arith.constant 0 : i32
      %dma_wait3A_356 = tpu.memref_slice %arg8[%dma_wait3A_354, %dma_wait3A_355] : memref<2x128xi32, #tpu.memory_space<vmem>> -> memref<1x128xi32, #tpu.memory_space<vmem>>
      %dma_wait3A_357 = tpu.memref_squeeze %dma_wait3A_356 : memref<1x128xi32, #tpu.memory_space<vmem>> -> memref<128xi32, #tpu.memory_space<vmem>>
      %dma_wait3A_358 = arith.constant 0 : i32
      %dma_wait3A_359 = arith.constant 0 : i32
      %dma_wait3A_360 = tpu.memref_slice %arg11[%dma_wait3A_358, %dma_wait3A_359] : memref<10240x128xf32, #tpu.memory_space<vmem_shared>> -> memref<10240x128xf32, #tpu.memory_space<vmem_shared>>
      tpu.wait_indirect_dma semaphore(%arg14 : memref<!tpu.dma_semaphore, #tpu.memory_space<semaphore_mem>>) src(%arg10 : memref<128x128xf32, #tpu.memory_space<vmem>>) dst(%dma_wait3A_360 : memref<10240x128xf32, #tpu.memory_space<vmem_shared>>)
      %add3A_361 = arith.constant 1 : i32
      %add3A_362 = arith.addi %add3A_339, %add3A_361 : i32
      %mul3A_363 = arith.constant 128 : i32
      %mul3A_364 = arith.muli %add3A_362, %mul3A_363 : i32
      %add3A_365 = arith.addi %mul3A_2, %mul3A_364 : i32
      %dma_wait3A_366 = arith.constant 0 : i32
      %dma_wait3A_367 = tpu.memref_slice %arg3[%dma_wait3A_366, %add3A_365] : memref<2x327680xi32, #tpu.memory_space<hbm>> -> memref<2x128xi32, #tpu.memory_space<hbm>>
      %dma_wait3A_368 = arith.constant 0 : i32
      %dma_wait3A_369 = tpu.memref_slice %arg3[%dma_wait3A_368, %add3A_365] : memref<2x327680xi32, #tpu.memory_space<hbm>> -> memref<2x128xi32, #tpu.memory_space<hbm>>
      tpu.wait_dma2 semaphore(%arg16 : memref<!tpu.dma_semaphore, #tpu.memory_space<semaphore_mem>>) src(%dma_wait3A_369 : memref<2x128xi32, #tpu.memory_space<hbm>>) dst(%arg7 : memref<2x128xi32, #tpu.memory_space<vmem>>)
      %dma_start3A_370 = arith.constant 0 : i32
      %dma_start3A_371 = arith.constant 0 : i32
      %dma_start3A_372 = tpu.memref_slice %arg7[%dma_start3A_370, %dma_start3A_371] : memref<2x128xi32, #tpu.memory_space<vmem>> -> memref<1x128xi32, #tpu.memory_space<vmem>>
      %dma_start3A_373 = tpu.memref_squeeze %dma_start3A_372 : memref<1x128xi32, #tpu.memory_space<vmem>> -> memref<128xi32, #tpu.memory_space<vmem>>
      %dma_start3A_374 = arith.constant 0 : i32
      %dma_start3A_375 = arith.constant 0 : i32
      %dma_start3A_376 = tpu.memref_slice %arg2[%dma_start3A_374, %dma_start3A_375] : memref<10240x128xf32, #tpu.memory_space<hbm>> -> memref<10240x128xf32, #tpu.memory_space<hbm>>
      tpu.enqueue_indirect_dma source(%dma_start3A_376 : memref<10240x128xf32, #tpu.memory_space<hbm>>) target(%arg10 : memref<128x128xf32, #tpu.memory_space<vmem>>) offsets(%dma_start3A_373 : memref<128xi32, #tpu.memory_space<vmem>>) semaphore(%arg12 : memref<!tpu.dma_semaphore, #tpu.memory_space<semaphore_mem>>)
      %add3A_377 = arith.constant 2 : i32
      %add3A_378 = arith.addi %add3A_339, %add3A_377 : i32
      %mul3A_379 = arith.constant 128 : i32
      %mul3A_380 = arith.muli %add3A_378, %mul3A_379 : i32
      %add3A_381 = arith.addi %mul3A_2, %mul3A_380 : i32
      %dma_start3A_382 = arith.constant 0 : i32
      %dma_start3A_383 = tpu.memref_slice %arg3[%dma_start3A_382, %add3A_381] : memref<2x327680xi32, #tpu.memory_space<hbm>> -> memref<2x128xi32, #tpu.memory_space<hbm>>
      %dma_start3A_384 = arith.constant 0 : i32
      %dma_start3A_385 = tpu.memref_slice %arg3[%dma_start3A_384, %add3A_381] : memref<2x327680xi32, #tpu.memory_space<hbm>> -> memref<2x128xi32, #tpu.memory_space<hbm>>
      tpu.enqueue_dma source(%dma_start3A_385 : memref<2x128xi32, #tpu.memory_space<hbm>>) target(%arg8 : memref<2x128xi32, #tpu.memory_space<vmem>>) target_semaphore(%arg17 : memref<!tpu.dma_semaphore, #tpu.memory_space<semaphore_mem>>)
      %add3A_386 = arith.constant 1 : i32
      %add3A_387 = arith.addi %mul3A_337, %add3A_386 : i32
      %dma_wait3A_388 = arith.constant 0 : i32
      %dma_wait3A_389 = arith.constant 0 : i32
      %dma_wait3A_390 = tpu.memref_slice %arg7[%dma_wait3A_388, %dma_wait3A_389] : memref<2x128xi32, #tpu.memory_space<vmem>> -> memref<1x128xi32, #tpu.memory_space<vmem>>
      %dma_wait3A_391 = tpu.memref_squeeze %dma_wait3A_390 : memref<1x128xi32, #tpu.memory_space<vmem>> -> memref<128xi32, #tpu.memory_space<vmem>>
      %dma_wait3A_392 = arith.constant 0 : i32
      %dma_wait3A_393 = arith.constant 0 : i32
      %dma_wait3A_394 = tpu.memref_slice %arg2[%dma_wait3A_392, %dma_wait3A_393] : memref<10240x128xf32, #tpu.memory_space<hbm>> -> memref<10240x128xf32, #tpu.memory_space<hbm>>
      tpu.wait_indirect_dma semaphore(%arg12 : memref<!tpu.dma_semaphore, #tpu.memory_space<semaphore_mem>>) src(%dma_wait3A_394 : memref<10240x128xf32, #tpu.memory_space<hbm>>) dst(%arg10 : memref<128x128xf32, #tpu.memory_space<vmem>>)
      %dma_start3A_395 = arith.constant 1 : i32
      %dma_start3A_396 = arith.constant 0 : i32
      %dma_start3A_397 = tpu.memref_slice %arg7[%dma_start3A_395, %dma_start3A_396] : memref<2x128xi32, #tpu.memory_space<vmem>> -> memref<1x128xi32, #tpu.memory_space<vmem>>
      %dma_start3A_398 = tpu.memref_squeeze %dma_start3A_397 : memref<1x128xi32, #tpu.memory_space<vmem>> -> memref<128xi32, #tpu.memory_space<vmem>>
      %dma_start3A_399 = arith.constant 0 : i32
      %dma_start3A_400 = arith.constant 0 : i32
      %dma_start3A_401 = tpu.memref_slice %arg11[%dma_start3A_399, %dma_start3A_400] : memref<10240x128xf32, #tpu.memory_space<vmem_shared>> -> memref<10240x128xf32, #tpu.memory_space<vmem_shared>>
      tpu.enqueue_indirect_dma source(%arg10 : memref<128x128xf32, #tpu.memory_space<vmem>>) target(%dma_start3A_401 : memref<10240x128xf32, #tpu.memory_space<vmem_shared>>) offsets(%dma_start3A_398 : memref<128xi32, #tpu.memory_space<vmem>>) semaphore(%arg14 : memref<!tpu.dma_semaphore, #tpu.memory_space<semaphore_mem>>) {add = true}
      %dma_wait3A_402 = arith.constant 1 : i32
      %dma_wait3A_403 = arith.constant 0 : i32
      %dma_wait3A_404 = tpu.memref_slice %arg6[%dma_wait3A_402, %dma_wait3A_403] : memref<2x128xi32, #tpu.memory_space<vmem>> -> memref<1x128xi32, #tpu.memory_space<vmem>>
      %dma_wait3A_405 = tpu.memref_squeeze %dma_wait3A_404 : memref<1x128xi32, #tpu.memory_space<vmem>> -> memref<128xi32, #tpu.memory_space<vmem>>
      %dma_wait3A_406 = arith.constant 0 : i32
      %dma_wait3A_407 = arith.constant 0 : i32
      %dma_wait3A_408 = tpu.memref_slice %arg11[%dma_wait3A_406, %dma_wait3A_407] : memref<10240x128xf32, #tpu.memory_space<vmem_shared>> -> memref<10240x128xf32, #tpu.memory_space<vmem_shared>>
      tpu.wait_indirect_dma semaphore(%arg13 : memref<!tpu.dma_semaphore, #tpu.memory_space<semaphore_mem>>) src(%arg9 : memref<128x128xf32, #tpu.memory_space<vmem>>) dst(%dma_wait3A_408 : memref<10240x128xf32, #tpu.memory_space<vmem_shared>>)
      %add3A_409 = arith.constant 1 : i32
      %add3A_410 = arith.addi %add3A_387, %add3A_409 : i32
      %mul3A_411 = arith.constant 128 : i32
      %mul3A_412 = arith.muli %add3A_410, %mul3A_411 : i32
      %add3A_413 = arith.addi %mul3A_2, %mul3A_412 : i32
      %dma_wait3A_414 = arith.constant 0 : i32
      %dma_wait3A_415 = tpu.memref_slice %arg3[%dma_wait3A_414, %add3A_413] : memref<2x327680xi32, #tpu.memory_space<hbm>> -> memref<2x128xi32, #tpu.memory_space<hbm>>
      %dma_wait3A_416 = arith.constant 0 : i32
      %dma_wait3A_417 = tpu.memref_slice %arg3[%dma_wait3A_416, %add3A_413] : memref<2x327680xi32, #tpu.memory_space<hbm>> -> memref<2x128xi32, #tpu.memory_space<hbm>>
      tpu.wait_dma2 semaphore(%arg17 : memref<!tpu.dma_semaphore, #tpu.memory_space<semaphore_mem>>) src(%dma_wait3A_417 : memref<2x128xi32, #tpu.memory_space<hbm>>) dst(%arg8 : memref<2x128xi32, #tpu.memory_space<vmem>>)
      %dma_start3A_418 = arith.constant 0 : i32
      %dma_start3A_419 = arith.constant 0 : i32
      %dma_start3A_420 = tpu.memref_slice %arg8[%dma_start3A_418, %dma_start3A_419] : memref<2x128xi32, #tpu.memory_space<vmem>> -> memref<1x128xi32, #tpu.memory_space<vmem>>
      %dma_start3A_421 = tpu.memref_squeeze %dma_start3A_420 : memref<1x128xi32, #tpu.memory_space<vmem>> -> memref<128xi32, #tpu.memory_space<vmem>>
      %dma_start3A_422 = arith.constant 0 : i32
      %dma_start3A_423 = arith.constant 0 : i32
      %dma_start3A_424 = tpu.memref_slice %arg2[%dma_start3A_422, %dma_start3A_423] : memref<10240x128xf32, #tpu.memory_space<hbm>> -> memref<10240x128xf32, #tpu.memory_space<hbm>>
      tpu.enqueue_indirect_dma source(%dma_start3A_424 : memref<10240x128xf32, #tpu.memory_space<hbm>>) target(%arg9 : memref<128x128xf32, #tpu.memory_space<vmem>>) offsets(%dma_start3A_421 : memref<128xi32, #tpu.memory_space<vmem>>) semaphore(%arg12 : memref<!tpu.dma_semaphore, #tpu.memory_space<semaphore_mem>>)
      %add3A_425 = arith.constant 2 : i32
      %add3A_426 = arith.addi %add3A_387, %add3A_425 : i32
      %mul3A_427 = arith.constant 128 : i32
      %mul3A_428 = arith.muli %add3A_426, %mul3A_427 : i32
      %add3A_429 = arith.addi %mul3A_2, %mul3A_428 : i32
      %dma_start3A_430 = arith.constant 0 : i32
      %dma_start3A_431 = tpu.memref_slice %arg3[%dma_start3A_430, %add3A_429] : memref<2x327680xi32, #tpu.memory_space<hbm>> -> memref<2x128xi32, #tpu.memory_space<hbm>>
      %dma_start3A_432 = arith.constant 0 : i32
      %dma_start3A_433 = tpu.memref_slice %arg3[%dma_start3A_432, %add3A_429] : memref<2x327680xi32, #tpu.memory_space<hbm>> -> memref<2x128xi32, #tpu.memory_space<hbm>>
      tpu.enqueue_dma source(%dma_start3A_433 : memref<2x128xi32, #tpu.memory_space<hbm>>) target(%arg6 : memref<2x128xi32, #tpu.memory_space<vmem>>) target_semaphore(%arg15 : memref<!tpu.dma_semaphore, #tpu.memory_space<semaphore_mem>>)
      %add3A_434 = arith.constant 2 : i32
      %add3A_435 = arith.addi %mul3A_337, %add3A_434 : i32
      %dma_wait3A_436 = arith.constant 0 : i32
      %dma_wait3A_437 = arith.constant 0 : i32
      %dma_wait3A_438 = tpu.memref_slice %arg8[%dma_wait3A_436, %dma_wait3A_437] : memref<2x128xi32, #tpu.memory_space<vmem>> -> memref<1x128xi32, #tpu.memory_space<vmem>>
      %dma_wait3A_439 = tpu.memref_squeeze %dma_wait3A_438 : memref<1x128xi32, #tpu.memory_space<vmem>> -> memref<128xi32, #tpu.memory_space<vmem>>
      %dma_wait3A_440 = arith.constant 0 : i32
      %dma_wait3A_441 = arith.constant 0 : i32
      %dma_wait3A_442 = tpu.memref_slice %arg2[%dma_wait3A_440, %dma_wait3A_441] : memref<10240x128xf32, #tpu.memory_space<hbm>> -> memref<10240x128xf32, #tpu.memory_space<hbm>>
      tpu.wait_indirect_dma semaphore(%arg12 : memref<!tpu.dma_semaphore, #tpu.memory_space<semaphore_mem>>) src(%dma_wait3A_442 : memref<10240x128xf32, #tpu.memory_space<hbm>>) dst(%arg9 : memref<128x128xf32, #tpu.memory_space<vmem>>)
      %dma_start3A_443 = arith.constant 1 : i32
      %dma_start3A_444 = arith.constant 0 : i32
      %dma_start3A_445 = tpu.memref_slice %arg8[%dma_start3A_443, %dma_start3A_444] : memref<2x128xi32, #tpu.memory_space<vmem>> -> memref<1x128xi32, #tpu.memory_space<vmem>>
      %dma_start3A_446 = tpu.memref_squeeze %dma_start3A_445 : memref<1x128xi32, #tpu.memory_space<vmem>> -> memref<128xi32, #tpu.memory_space<vmem>>
      %dma_start3A_447 = arith.constant 0 : i32
      %dma_start3A_448 = arith.constant 0 : i32
      %dma_start3A_449 = tpu.memref_slice %arg11[%dma_start3A_447, %dma_start3A_448] : memref<10240x128xf32, #tpu.memory_space<vmem_shared>> -> memref<10240x128xf32, #tpu.memory_space<vmem_shared>>
      tpu.enqueue_indirect_dma source(%arg9 : memref<128x128xf32, #tpu.memory_space<vmem>>) target(%dma_start3A_449 : memref<10240x128xf32, #tpu.memory_space<vmem_shared>>) offsets(%dma_start3A_446 : memref<128xi32, #tpu.memory_space<vmem>>) semaphore(%arg13 : memref<!tpu.dma_semaphore, #tpu.memory_space<semaphore_mem>>) {add = true}
      %dma_wait3A_450 = arith.constant 1 : i32
      %dma_wait3A_451 = arith.constant 0 : i32
      %dma_wait3A_452 = tpu.memref_slice %arg7[%dma_wait3A_450, %dma_wait3A_451] : memref<2x128xi32, #tpu.memory_space<vmem>> -> memref<1x128xi32, #tpu.memory_space<vmem>>
      %dma_wait3A_453 = tpu.memref_squeeze %dma_wait3A_452 : memref<1x128xi32, #tpu.memory_space<vmem>> -> memref<128xi32, #tpu.memory_space<vmem>>
      %dma_wait3A_454 = arith.constant 0 : i32
      %dma_wait3A_455 = arith.constant 0 : i32
      %dma_wait3A_456 = tpu.memref_slice %arg11[%dma_wait3A_454, %dma_wait3A_455] : memref<10240x128xf32, #tpu.memory_space<vmem_shared>> -> memref<10240x128xf32, #tpu.memory_space<vmem_shared>>
      tpu.wait_indirect_dma semaphore(%arg14 : memref<!tpu.dma_semaphore, #tpu.memory_space<semaphore_mem>>) src(%arg10 : memref<128x128xf32, #tpu.memory_space<vmem>>) dst(%dma_wait3A_456 : memref<10240x128xf32, #tpu.memory_space<vmem_shared>>)
      %add3A_457 = arith.constant 1 : i32
      %add3A_458 = arith.addi %add3A_435, %add3A_457 : i32
      %mul3A_459 = arith.constant 128 : i32
      %mul3A_460 = arith.muli %add3A_458, %mul3A_459 : i32
      %add3A_461 = arith.addi %mul3A_2, %mul3A_460 : i32
      %dma_wait3A_462 = arith.constant 0 : i32
      %dma_wait3A_463 = tpu.memref_slice %arg3[%dma_wait3A_462, %add3A_461] : memref<2x327680xi32, #tpu.memory_space<hbm>> -> memref<2x128xi32, #tpu.memory_space<hbm>>
      %dma_wait3A_464 = arith.constant 0 : i32
      %dma_wait3A_465 = tpu.memref_slice %arg3[%dma_wait3A_464, %add3A_461] : memref<2x327680xi32, #tpu.memory_space<hbm>> -> memref<2x128xi32, #tpu.memory_space<hbm>>
      tpu.wait_dma2 semaphore(%arg15 : memref<!tpu.dma_semaphore, #tpu.memory_space<semaphore_mem>>) src(%dma_wait3A_465 : memref<2x128xi32, #tpu.memory_space<hbm>>) dst(%arg6 : memref<2x128xi32, #tpu.memory_space<vmem>>)
      %dma_start3A_466 = arith.constant 0 : i32
      %dma_start3A_467 = arith.constant 0 : i32
      %dma_start3A_468 = tpu.memref_slice %arg6[%dma_start3A_466, %dma_start3A_467] : memref<2x128xi32, #tpu.memory_space<vmem>> -> memref<1x128xi32, #tpu.memory_space<vmem>>
      %dma_start3A_469 = tpu.memref_squeeze %dma_start3A_468 : memref<1x128xi32, #tpu.memory_space<vmem>> -> memref<128xi32, #tpu.memory_space<vmem>>
      %dma_start3A_470 = arith.constant 0 : i32
      %dma_start3A_471 = arith.constant 0 : i32
      %dma_start3A_472 = tpu.memref_slice %arg2[%dma_start3A_470, %dma_start3A_471] : memref<10240x128xf32, #tpu.memory_space<hbm>> -> memref<10240x128xf32, #tpu.memory_space<hbm>>
      tpu.enqueue_indirect_dma source(%dma_start3A_472 : memref<10240x128xf32, #tpu.memory_space<hbm>>) target(%arg10 : memref<128x128xf32, #tpu.memory_space<vmem>>) offsets(%dma_start3A_469 : memref<128xi32, #tpu.memory_space<vmem>>) semaphore(%arg12 : memref<!tpu.dma_semaphore, #tpu.memory_space<semaphore_mem>>)
      %add3A_473 = arith.constant 2 : i32
      %add3A_474 = arith.addi %add3A_435, %add3A_473 : i32
      %mul3A_475 = arith.constant 128 : i32
      %mul3A_476 = arith.muli %add3A_474, %mul3A_475 : i32
      %add3A_477 = arith.addi %mul3A_2, %mul3A_476 : i32
      %dma_start3A_478 = arith.constant 0 : i32
      %dma_start3A_479 = tpu.memref_slice %arg3[%dma_start3A_478, %add3A_477] : memref<2x327680xi32, #tpu.memory_space<hbm>> -> memref<2x128xi32, #tpu.memory_space<hbm>>
      %dma_start3A_480 = arith.constant 0 : i32
      %dma_start3A_481 = tpu.memref_slice %arg3[%dma_start3A_480, %add3A_477] : memref<2x327680xi32, #tpu.memory_space<hbm>> -> memref<2x128xi32, #tpu.memory_space<hbm>>
      tpu.enqueue_dma source(%dma_start3A_481 : memref<2x128xi32, #tpu.memory_space<hbm>>) target(%arg7 : memref<2x128xi32, #tpu.memory_space<vmem>>) target_semaphore(%arg16 : memref<!tpu.dma_semaphore, #tpu.memory_space<semaphore_mem>>)
      %add3A_482 = arith.constant 3 : i32
      %add3A_483 = arith.addi %mul3A_337, %add3A_482 : i32
      %dma_wait3A_484 = arith.constant 0 : i32
      %dma_wait3A_485 = arith.constant 0 : i32
      %dma_wait3A_486 = tpu.memref_slice %arg6[%dma_wait3A_484, %dma_wait3A_485] : memref<2x128xi32, #tpu.memory_space<vmem>> -> memref<1x128xi32, #tpu.memory_space<vmem>>
      %dma_wait3A_487 = tpu.memref_squeeze %dma_wait3A_486 : memref<1x128xi32, #tpu.memory_space<vmem>> -> memref<128xi32, #tpu.memory_space<vmem>>
      %dma_wait3A_488 = arith.constant 0 : i32
      %dma_wait3A_489 = arith.constant 0 : i32
      %dma_wait3A_490 = tpu.memref_slice %arg2[%dma_wait3A_488, %dma_wait3A_489] : memref<10240x128xf32, #tpu.memory_space<hbm>> -> memref<10240x128xf32, #tpu.memory_space<hbm>>
      tpu.wait_indirect_dma semaphore(%arg12 : memref<!tpu.dma_semaphore, #tpu.memory_space<semaphore_mem>>) src(%dma_wait3A_490 : memref<10240x128xf32, #tpu.memory_space<hbm>>) dst(%arg10 : memref<128x128xf32, #tpu.memory_space<vmem>>)
      %dma_start3A_491 = arith.constant 1 : i32
      %dma_start3A_492 = arith.constant 0 : i32
      %dma_start3A_493 = tpu.memref_slice %arg6[%dma_start3A_491, %dma_start3A_492] : memref<2x128xi32, #tpu.memory_space<vmem>> -> memref<1x128xi32, #tpu.memory_space<vmem>>
      %dma_start3A_494 = tpu.memref_squeeze %dma_start3A_493 : memref<1x128xi32, #tpu.memory_space<vmem>> -> memref<128xi32, #tpu.memory_space<vmem>>
      %dma_start3A_495 = arith.constant 0 : i32
      %dma_start3A_496 = arith.constant 0 : i32
      %dma_start3A_497 = tpu.memref_slice %arg11[%dma_start3A_495, %dma_start3A_496] : memref<10240x128xf32, #tpu.memory_space<vmem_shared>> -> memref<10240x128xf32, #tpu.memory_space<vmem_shared>>
      tpu.enqueue_indirect_dma source(%arg10 : memref<128x128xf32, #tpu.memory_space<vmem>>) target(%dma_start3A_497 : memref<10240x128xf32, #tpu.memory_space<vmem_shared>>) offsets(%dma_start3A_494 : memref<128xi32, #tpu.memory_space<vmem>>) semaphore(%arg14 : memref<!tpu.dma_semaphore, #tpu.memory_space<semaphore_mem>>) {add = true}
      %dma_wait3A_498 = arith.constant 1 : i32
      %dma_wait3A_499 = arith.constant 0 : i32
      %dma_wait3A_500 = tpu.memref_slice %arg8[%dma_wait3A_498, %dma_wait3A_499] : memref<2x128xi32, #tpu.memory_space<vmem>> -> memref<1x128xi32, #tpu.memory_space<vmem>>
      %dma_wait3A_501 = tpu.memref_squeeze %dma_wait3A_500 : memref<1x128xi32, #tpu.memory_space<vmem>> -> memref<128xi32, #tpu.memory_space<vmem>>
      %dma_wait3A_502 = arith.constant 0 : i32
      %dma_wait3A_503 = arith.constant 0 : i32
      %dma_wait3A_504 = tpu.memref_slice %arg11[%dma_wait3A_502, %dma_wait3A_503] : memref<10240x128xf32, #tpu.memory_space<vmem_shared>> -> memref<10240x128xf32, #tpu.memory_space<vmem_shared>>
      tpu.wait_indirect_dma semaphore(%arg13 : memref<!tpu.dma_semaphore, #tpu.memory_space<semaphore_mem>>) src(%arg9 : memref<128x128xf32, #tpu.memory_space<vmem>>) dst(%dma_wait3A_504 : memref<10240x128xf32, #tpu.memory_space<vmem_shared>>)
      %add3A_505 = arith.constant 1 : i32
      %add3A_506 = arith.addi %add3A_483, %add3A_505 : i32
      %mul3A_507 = arith.constant 128 : i32
      %mul3A_508 = arith.muli %add3A_506, %mul3A_507 : i32
      %add3A_509 = arith.addi %mul3A_2, %mul3A_508 : i32
      %dma_wait3A_510 = arith.constant 0 : i32
      %dma_wait3A_511 = tpu.memref_slice %arg3[%dma_wait3A_510, %add3A_509] : memref<2x327680xi32, #tpu.memory_space<hbm>> -> memref<2x128xi32, #tpu.memory_space<hbm>>
      %dma_wait3A_512 = arith.constant 0 : i32
      %dma_wait3A_513 = tpu.memref_slice %arg3[%dma_wait3A_512, %add3A_509] : memref<2x327680xi32, #tpu.memory_space<hbm>> -> memref<2x128xi32, #tpu.memory_space<hbm>>
      tpu.wait_dma2 semaphore(%arg16 : memref<!tpu.dma_semaphore, #tpu.memory_space<semaphore_mem>>) src(%dma_wait3A_513 : memref<2x128xi32, #tpu.memory_space<hbm>>) dst(%arg7 : memref<2x128xi32, #tpu.memory_space<vmem>>)
      %dma_start3A_514 = arith.constant 0 : i32
      %dma_start3A_515 = arith.constant 0 : i32
      %dma_start3A_516 = tpu.memref_slice %arg7[%dma_start3A_514, %dma_start3A_515] : memref<2x128xi32, #tpu.memory_space<vmem>> -> memref<1x128xi32, #tpu.memory_space<vmem>>
      %dma_start3A_517 = tpu.memref_squeeze %dma_start3A_516 : memref<1x128xi32, #tpu.memory_space<vmem>> -> memref<128xi32, #tpu.memory_space<vmem>>
      %dma_start3A_518 = arith.constant 0 : i32
      %dma_start3A_519 = arith.constant 0 : i32
      %dma_start3A_520 = tpu.memref_slice %arg2[%dma_start3A_518, %dma_start3A_519] : memref<10240x128xf32, #tpu.memory_space<hbm>> -> memref<10240x128xf32, #tpu.memory_space<hbm>>
      tpu.enqueue_indirect_dma source(%dma_start3A_520 : memref<10240x128xf32, #tpu.memory_space<hbm>>) target(%arg9 : memref<128x128xf32, #tpu.memory_space<vmem>>) offsets(%dma_start3A_517 : memref<128xi32, #tpu.memory_space<vmem>>) semaphore(%arg12 : memref<!tpu.dma_semaphore, #tpu.memory_space<semaphore_mem>>)
      %add3A_521 = arith.constant 2 : i32
      %add3A_522 = arith.addi %add3A_483, %add3A_521 : i32
      %mul3A_523 = arith.constant 128 : i32
      %mul3A_524 = arith.muli %add3A_522, %mul3A_523 : i32
      %add3A_525 = arith.addi %mul3A_2, %mul3A_524 : i32
      %dma_start3A_526 = arith.constant 0 : i32
      %dma_start3A_527 = tpu.memref_slice %arg3[%dma_start3A_526, %add3A_525] : memref<2x327680xi32, #tpu.memory_space<hbm>> -> memref<2x128xi32, #tpu.memory_space<hbm>>
      %dma_start3A_528 = arith.constant 0 : i32
      %dma_start3A_529 = tpu.memref_slice %arg3[%dma_start3A_528, %add3A_525] : memref<2x327680xi32, #tpu.memory_space<hbm>> -> memref<2x128xi32, #tpu.memory_space<hbm>>
      tpu.enqueue_dma source(%dma_start3A_529 : memref<2x128xi32, #tpu.memory_space<hbm>>) target(%arg8 : memref<2x128xi32, #tpu.memory_space<vmem>>) target_semaphore(%arg17 : memref<!tpu.dma_semaphore, #tpu.memory_space<semaphore_mem>>)
      %add3A_530 = arith.constant 4 : i32
      %add3A_531 = arith.addi %mul3A_337, %add3A_530 : i32
      %dma_wait3A_532 = arith.constant 0 : i32
      %dma_wait3A_533 = arith.constant 0 : i32
      %dma_wait3A_534 = tpu.memref_slice %arg7[%dma_wait3A_532, %dma_wait3A_533] : memref<2x128xi32, #tpu.memory_space<vmem>> -> memref<1x128xi32, #tpu.memory_space<vmem>>
      %dma_wait3A_535 = tpu.memref_squeeze %dma_wait3A_534 : memref<1x128xi32, #tpu.memory_space<vmem>> -> memref<128xi32, #tpu.memory_space<vmem>>
      %dma_wait3A_536 = arith.constant 0 : i32
      %dma_wait3A_537 = arith.constant 0 : i32
      %dma_wait3A_538 = tpu.memref_slice %arg2[%dma_wait3A_536, %dma_wait3A_537] : memref<10240x128xf32, #tpu.memory_space<hbm>> -> memref<10240x128xf32, #tpu.memory_space<hbm>>
      tpu.wait_indirect_dma semaphore(%arg12 : memref<!tpu.dma_semaphore, #tpu.memory_space<semaphore_mem>>) src(%dma_wait3A_538 : memref<10240x128xf32, #tpu.memory_space<hbm>>) dst(%arg9 : memref<128x128xf32, #tpu.memory_space<vmem>>)
      %dma_start3A_539 = arith.constant 1 : i32
      %dma_start3A_540 = arith.constant 0 : i32
      %dma_start3A_541 = tpu.memref_slice %arg7[%dma_start3A_539, %dma_start3A_540] : memref<2x128xi32, #tpu.memory_space<vmem>> -> memref<1x128xi32, #tpu.memory_space<vmem>>
      %dma_start3A_542 = tpu.memref_squeeze %dma_start3A_541 : memref<1x128xi32, #tpu.memory_space<vmem>> -> memref<128xi32, #tpu.memory_space<vmem>>
      %dma_start3A_543 = arith.constant 0 : i32
      %dma_start3A_544 = arith.constant 0 : i32
      %dma_start3A_545 = tpu.memref_slice %arg11[%dma_start3A_543, %dma_start3A_544] : memref<10240x128xf32, #tpu.memory_space<vmem_shared>> -> memref<10240x128xf32, #tpu.memory_space<vmem_shared>>
      tpu.enqueue_indirect_dma source(%arg9 : memref<128x128xf32, #tpu.memory_space<vmem>>) target(%dma_start3A_545 : memref<10240x128xf32, #tpu.memory_space<vmem_shared>>) offsets(%dma_start3A_542 : memref<128xi32, #tpu.memory_space<vmem>>) semaphore(%arg13 : memref<!tpu.dma_semaphore, #tpu.memory_space<semaphore_mem>>) {add = true}
      %dma_wait3A_546 = arith.constant 1 : i32
      %dma_wait3A_547 = arith.constant 0 : i32
      %dma_wait3A_548 = tpu.memref_slice %arg6[%dma_wait3A_546, %dma_wait3A_547] : memref<2x128xi32, #tpu.memory_space<vmem>> -> memref<1x128xi32, #tpu.memory_space<vmem>>
      %dma_wait3A_549 = tpu.memref_squeeze %dma_wait3A_548 : memref<1x128xi32, #tpu.memory_space<vmem>> -> memref<128xi32, #tpu.memory_space<vmem>>
      %dma_wait3A_550 = arith.constant 0 : i32
      %dma_wait3A_551 = arith.constant 0 : i32
      %dma_wait3A_552 = tpu.memref_slice %arg11[%dma_wait3A_550, %dma_wait3A_551] : memref<10240x128xf32, #tpu.memory_space<vmem_shared>> -> memref<10240x128xf32, #tpu.memory_space<vmem_shared>>
      tpu.wait_indirect_dma semaphore(%arg14 : memref<!tpu.dma_semaphore, #tpu.memory_space<semaphore_mem>>) src(%arg10 : memref<128x128xf32, #tpu.memory_space<vmem>>) dst(%dma_wait3A_552 : memref<10240x128xf32, #tpu.memory_space<vmem_shared>>)
      %add3A_553 = arith.constant 1 : i32
      %add3A_554 = arith.addi %add3A_531, %add3A_553 : i32
      %mul3A_555 = arith.constant 128 : i32
      %mul3A_556 = arith.muli %add3A_554, %mul3A_555 : i32
      %add3A_557 = arith.addi %mul3A_2, %mul3A_556 : i32
      %dma_wait3A_558 = arith.constant 0 : i32
      %dma_wait3A_559 = tpu.memref_slice %arg3[%dma_wait3A_558, %add3A_557] : memref<2x327680xi32, #tpu.memory_space<hbm>> -> memref<2x128xi32, #tpu.memory_space<hbm>>
      %dma_wait3A_560 = arith.constant 0 : i32
      %dma_wait3A_561 = tpu.memref_slice %arg3[%dma_wait3A_560, %add3A_557] : memref<2x327680xi32, #tpu.memory_space<hbm>> -> memref<2x128xi32, #tpu.memory_space<hbm>>
      tpu.wait_dma2 semaphore(%arg17 : memref<!tpu.dma_semaphore, #tpu.memory_space<semaphore_mem>>) src(%dma_wait3A_561 : memref<2x128xi32, #tpu.memory_space<hbm>>) dst(%arg8 : memref<2x128xi32, #tpu.memory_space<vmem>>)
      %dma_start3A_562 = arith.constant 0 : i32
      %dma_start3A_563 = arith.constant 0 : i32
      %dma_start3A_564 = tpu.memref_slice %arg8[%dma_start3A_562, %dma_start3A_563] : memref<2x128xi32, #tpu.memory_space<vmem>> -> memref<1x128xi32, #tpu.memory_space<vmem>>
      %dma_start3A_565 = tpu.memref_squeeze %dma_start3A_564 : memref<1x128xi32, #tpu.memory_space<vmem>> -> memref<128xi32, #tpu.memory_space<vmem>>
      %dma_start3A_566 = arith.constant 0 : i32
      %dma_start3A_567 = arith.constant 0 : i32
      %dma_start3A_568 = tpu.memref_slice %arg2[%dma_start3A_566, %dma_start3A_567] : memref<10240x128xf32, #tpu.memory_space<hbm>> -> memref<10240x128xf32, #tpu.memory_space<hbm>>
      tpu.enqueue_indirect_dma source(%dma_start3A_568 : memref<10240x128xf32, #tpu.memory_space<hbm>>) target(%arg10 : memref<128x128xf32, #tpu.memory_space<vmem>>) offsets(%dma_start3A_565 : memref<128xi32, #tpu.memory_space<vmem>>) semaphore(%arg12 : memref<!tpu.dma_semaphore, #tpu.memory_space<semaphore_mem>>)
      %add3A_569 = arith.constant 2 : i32
      %add3A_570 = arith.addi %add3A_531, %add3A_569 : i32
      %mul3A_571 = arith.constant 128 : i32
      %mul3A_572 = arith.muli %add3A_570, %mul3A_571 : i32
      %add3A_573 = arith.addi %mul3A_2, %mul3A_572 : i32
      %dma_start3A_574 = arith.constant 0 : i32
      %dma_start3A_575 = tpu.memref_slice %arg3[%dma_start3A_574, %add3A_573] : memref<2x327680xi32, #tpu.memory_space<hbm>> -> memref<2x128xi32, #tpu.memory_space<hbm>>
      %dma_start3A_576 = arith.constant 0 : i32
      %dma_start3A_577 = tpu.memref_slice %arg3[%dma_start3A_576, %add3A_573] : memref<2x327680xi32, #tpu.memory_space<hbm>> -> memref<2x128xi32, #tpu.memory_space<hbm>>
      tpu.enqueue_dma source(%dma_start3A_577 : memref<2x128xi32, #tpu.memory_space<hbm>>) target(%arg6 : memref<2x128xi32, #tpu.memory_space<vmem>>) target_semaphore(%arg15 : memref<!tpu.dma_semaphore, #tpu.memory_space<semaphore_mem>>)
      %add3A_578 = arith.constant 5 : i32
      %add3A_579 = arith.addi %mul3A_337, %add3A_578 : i32
      %dma_wait3A_580 = arith.constant 0 : i32
      %dma_wait3A_581 = arith.constant 0 : i32
      %dma_wait3A_582 = tpu.memref_slice %arg8[%dma_wait3A_580, %dma_wait3A_581] : memref<2x128xi32, #tpu.memory_space<vmem>> -> memref<1x128xi32, #tpu.memory_space<vmem>>
      %dma_wait3A_583 = tpu.memref_squeeze %dma_wait3A_582 : memref<1x128xi32, #tpu.memory_space<vmem>> -> memref<128xi32, #tpu.memory_space<vmem>>
      %dma_wait3A_584 = arith.constant 0 : i32
      %dma_wait3A_585 = arith.constant 0 : i32
      %dma_wait3A_586 = tpu.memref_slice %arg2[%dma_wait3A_584, %dma_wait3A_585] : memref<10240x128xf32, #tpu.memory_space<hbm>> -> memref<10240x128xf32, #tpu.memory_space<hbm>>
      tpu.wait_indirect_dma semaphore(%arg12 : memref<!tpu.dma_semaphore, #tpu.memory_space<semaphore_mem>>) src(%dma_wait3A_586 : memref<10240x128xf32, #tpu.memory_space<hbm>>) dst(%arg10 : memref<128x128xf32, #tpu.memory_space<vmem>>)
      %dma_start3A_587 = arith.constant 1 : i32
      %dma_start3A_588 = arith.constant 0 : i32
      %dma_start3A_589 = tpu.memref_slice %arg8[%dma_start3A_587, %dma_start3A_588] : memref<2x128xi32, #tpu.memory_space<vmem>> -> memref<1x128xi32, #tpu.memory_space<vmem>>
      %dma_start3A_590 = tpu.memref_squeeze %dma_start3A_589 : memref<1x128xi32, #tpu.memory_space<vmem>> -> memref<128xi32, #tpu.memory_space<vmem>>
      %dma_start3A_591 = arith.constant 0 : i32
      %dma_start3A_592 = arith.constant 0 : i32
      %dma_start3A_593 = tpu.memref_slice %arg11[%dma_start3A_591, %dma_start3A_592] : memref<10240x128xf32, #tpu.memory_space<vmem_shared>> -> memref<10240x128xf32, #tpu.memory_space<vmem_shared>>
      tpu.enqueue_indirect_dma source(%arg10 : memref<128x128xf32, #tpu.memory_space<vmem>>) target(%dma_start3A_593 : memref<10240x128xf32, #tpu.memory_space<vmem_shared>>) offsets(%dma_start3A_590 : memref<128xi32, #tpu.memory_space<vmem>>) semaphore(%arg14 : memref<!tpu.dma_semaphore, #tpu.memory_space<semaphore_mem>>) {add = true}
      %dma_wait3A_594 = arith.constant 1 : i32
      %dma_wait3A_595 = arith.constant 0 : i32
      %dma_wait3A_596 = tpu.memref_slice %arg7[%dma_wait3A_594, %dma_wait3A_595] : memref<2x128xi32, #tpu.memory_space<vmem>> -> memref<1x128xi32, #tpu.memory_space<vmem>>
      %dma_wait3A_597 = tpu.memref_squeeze %dma_wait3A_596 : memref<1x128xi32, #tpu.memory_space<vmem>> -> memref<128xi32, #tpu.memory_space<vmem>>
      %dma_wait3A_598 = arith.constant 0 : i32
      %dma_wait3A_599 = arith.constant 0 : i32
      %dma_wait3A_600 = tpu.memref_slice %arg11[%dma_wait3A_598, %dma_wait3A_599] : memref<10240x128xf32, #tpu.memory_space<vmem_shared>> -> memref<10240x128xf32, #tpu.memory_space<vmem_shared>>
      tpu.wait_indirect_dma semaphore(%arg13 : memref<!tpu.dma_semaphore, #tpu.memory_space<semaphore_mem>>) src(%arg9 : memref<128x128xf32, #tpu.memory_space<vmem>>) dst(%dma_wait3A_600 : memref<10240x128xf32, #tpu.memory_space<vmem_shared>>)
      %add3A_601 = arith.constant 1 : i32
      %add3A_602 = arith.addi %add3A_579, %add3A_601 : i32
      %mul3A_603 = arith.constant 128 : i32
      %mul3A_604 = arith.muli %add3A_602, %mul3A_603 : i32
      %add3A_605 = arith.addi %mul3A_2, %mul3A_604 : i32
      %dma_wait3A_606 = arith.constant 0 : i32
      %dma_wait3A_607 = tpu.memref_slice %arg3[%dma_wait3A_606, %add3A_605] : memref<2x327680xi32, #tpu.memory_space<hbm>> -> memref<2x128xi32, #tpu.memory_space<hbm>>
      %dma_wait3A_608 = arith.constant 0 : i32
      %dma_wait3A_609 = tpu.memref_slice %arg3[%dma_wait3A_608, %add3A_605] : memref<2x327680xi32, #tpu.memory_space<hbm>> -> memref<2x128xi32, #tpu.memory_space<hbm>>
      tpu.wait_dma2 semaphore(%arg15 : memref<!tpu.dma_semaphore, #tpu.memory_space<semaphore_mem>>) src(%dma_wait3A_609 : memref<2x128xi32, #tpu.memory_space<hbm>>) dst(%arg6 : memref<2x128xi32, #tpu.memory_space<vmem>>)
      %dma_start3A_610 = arith.constant 0 : i32
      %dma_start3A_611 = arith.constant 0 : i32
      %dma_start3A_612 = tpu.memref_slice %arg6[%dma_start3A_610, %dma_start3A_611] : memref<2x128xi32, #tpu.memory_space<vmem>> -> memref<1x128xi32, #tpu.memory_space<vmem>>
      %dma_start3A_613 = tpu.memref_squeeze %dma_start3A_612 : memref<1x128xi32, #tpu.memory_space<vmem>> -> memref<128xi32, #tpu.memory_space<vmem>>
      %dma_start3A_614 = arith.constant 0 : i32
      %dma_start3A_615 = arith.constant 0 : i32
      %dma_start3A_616 = tpu.memref_slice %arg2[%dma_start3A_614, %dma_start3A_615] : memref<10240x128xf32, #tpu.memory_space<hbm>> -> memref<10240x128xf32, #tpu.memory_space<hbm>>
      tpu.enqueue_indirect_dma source(%dma_start3A_616 : memref<10240x128xf32, #tpu.memory_space<hbm>>) target(%arg9 : memref<128x128xf32, #tpu.memory_space<vmem>>) offsets(%dma_start3A_613 : memref<128xi32, #tpu.memory_space<vmem>>) semaphore(%arg12 : memref<!tpu.dma_semaphore, #tpu.memory_space<semaphore_mem>>)
      %add3A_617 = arith.constant 2 : i32
      %add3A_618 = arith.addi %add3A_579, %add3A_617 : i32
      %mul3A_619 = arith.constant 128 : i32
      %mul3A_620 = arith.muli %add3A_618, %mul3A_619 : i32
      %add3A_621 = arith.addi %mul3A_2, %mul3A_620 : i32
      %dma_start3A_622 = arith.constant 0 : i32
      %dma_start3A_623 = tpu.memref_slice %arg3[%dma_start3A_622, %add3A_621] : memref<2x327680xi32, #tpu.memory_space<hbm>> -> memref<2x128xi32, #tpu.memory_space<hbm>>
      %dma_start3A_624 = arith.constant 0 : i32
      %dma_start3A_625 = tpu.memref_slice %arg3[%dma_start3A_624, %add3A_621] : memref<2x327680xi32, #tpu.memory_space<hbm>> -> memref<2x128xi32, #tpu.memory_space<hbm>>
      tpu.enqueue_dma source(%dma_start3A_625 : memref<2x128xi32, #tpu.memory_space<hbm>>) target(%arg7 : memref<2x128xi32, #tpu.memory_space<vmem>>) target_semaphore(%arg16 : memref<!tpu.dma_semaphore, #tpu.memory_space<semaphore_mem>>)
    }
    %scan3A_267 = arith.constant 12 : i32
    %dma_wait3A_268 = arith.constant 0 : i32
    %dma_wait3A_269 = arith.constant 0 : i32
    %dma_wait3A_270 = tpu.memref_slice %arg6[%dma_wait3A_268, %dma_wait3A_269] : memref<2x128xi32, #tpu.memory_space<vmem>> -> memref<1x128xi32, #tpu.memory_space<vmem>>
    %dma_wait3A_271 = tpu.memref_squeeze %dma_wait3A_270 : memref<1x128xi32, #tpu.memory_space<vmem>> -> memref<128xi32, #tpu.memory_space<vmem>>
    %dma_wait3A_272 = arith.constant 0 : i32
    %dma_wait3A_273 = arith.constant 0 : i32
    %dma_wait3A_274 = tpu.memref_slice %arg2[%dma_wait3A_272, %dma_wait3A_273] : memref<10240x128xf32, #tpu.memory_space<hbm>> -> memref<10240x128xf32, #tpu.memory_space<hbm>>
    tpu.wait_indirect_dma semaphore(%arg12 : memref<!tpu.dma_semaphore, #tpu.memory_space<semaphore_mem>>) src(%dma_wait3A_274 : memref<10240x128xf32, #tpu.memory_space<hbm>>) dst(%arg9 : memref<128x128xf32, #tpu.memory_space<vmem>>)
    %dma_start3A_275 = arith.constant 1 : i32
    %dma_start3A_276 = arith.constant 0 : i32
    %dma_start3A_277 = tpu.memref_slice %arg6[%dma_start3A_275, %dma_start3A_276] : memref<2x128xi32, #tpu.memory_space<vmem>> -> memref<1x128xi32, #tpu.memory_space<vmem>>
    %dma_start3A_278 = tpu.memref_squeeze %dma_start3A_277 : memref<1x128xi32, #tpu.memory_space<vmem>> -> memref<128xi32, #tpu.memory_space<vmem>>
    %dma_start3A_279 = arith.constant 0 : i32
    %dma_start3A_280 = arith.constant 0 : i32
    %dma_start3A_281 = tpu.memref_slice %arg11[%dma_start3A_279, %dma_start3A_280] : memref<10240x128xf32, #tpu.memory_space<vmem_shared>> -> memref<10240x128xf32, #tpu.memory_space<vmem_shared>>
    tpu.enqueue_indirect_dma source(%arg9 : memref<128x128xf32, #tpu.memory_space<vmem>>) target(%dma_start3A_281 : memref<10240x128xf32, #tpu.memory_space<vmem_shared>>) offsets(%dma_start3A_278 : memref<128xi32, #tpu.memory_space<vmem>>) semaphore(%arg13 : memref<!tpu.dma_semaphore, #tpu.memory_space<semaphore_mem>>) {add = true}
    %dma_wait3A_282 = arith.constant 1 : i32
    %dma_wait3A_283 = arith.constant 0 : i32
    %dma_wait3A_284 = tpu.memref_slice %arg8[%dma_wait3A_282, %dma_wait3A_283] : memref<2x128xi32, #tpu.memory_space<vmem>> -> memref<1x128xi32, #tpu.memory_space<vmem>>
    %dma_wait3A_285 = tpu.memref_squeeze %dma_wait3A_284 : memref<1x128xi32, #tpu.memory_space<vmem>> -> memref<128xi32, #tpu.memory_space<vmem>>
    %dma_wait3A_286 = arith.constant 0 : i32
    %dma_wait3A_287 = arith.constant 0 : i32
    %dma_wait3A_288 = tpu.memref_slice %arg11[%dma_wait3A_286, %dma_wait3A_287] : memref<10240x128xf32, #tpu.memory_space<vmem_shared>> -> memref<10240x128xf32, #tpu.memory_space<vmem_shared>>
    tpu.wait_indirect_dma semaphore(%arg14 : memref<!tpu.dma_semaphore, #tpu.memory_space<semaphore_mem>>) src(%arg10 : memref<128x128xf32, #tpu.memory_space<vmem>>) dst(%dma_wait3A_288 : memref<10240x128xf32, #tpu.memory_space<vmem_shared>>)
    %add3A_289 = arith.constant 10112 : i32
    %add3A_290 = arith.addi %mul3A_2, %add3A_289 : i32
    %dma_wait3A_291 = arith.constant 0 : i32
    %dma_wait3A_292 = tpu.memref_slice %arg3[%dma_wait3A_291, %add3A_290] : memref<2x327680xi32, #tpu.memory_space<hbm>> -> memref<2x128xi32, #tpu.memory_space<hbm>>
    %dma_wait3A_293 = arith.constant 0 : i32
    %dma_wait3A_294 = tpu.memref_slice %arg3[%dma_wait3A_293, %add3A_290] : memref<2x327680xi32, #tpu.memory_space<hbm>> -> memref<2x128xi32, #tpu.memory_space<hbm>>
    tpu.wait_dma2 semaphore(%arg16 : memref<!tpu.dma_semaphore, #tpu.memory_space<semaphore_mem>>) src(%dma_wait3A_294 : memref<2x128xi32, #tpu.memory_space<hbm>>) dst(%arg7 : memref<2x128xi32, #tpu.memory_space<vmem>>)
    %dma_start3A_295 = arith.constant 0 : i32
    %dma_start3A_296 = arith.constant 0 : i32
    %dma_start3A_297 = tpu.memref_slice %arg7[%dma_start3A_295, %dma_start3A_296] : memref<2x128xi32, #tpu.memory_space<vmem>> -> memref<1x128xi32, #tpu.memory_space<vmem>>
    %dma_start3A_298 = tpu.memref_squeeze %dma_start3A_297 : memref<1x128xi32, #tpu.memory_space<vmem>> -> memref<128xi32, #tpu.memory_space<vmem>>
    %dma_start3A_299 = arith.constant 0 : i32
    %dma_start3A_300 = arith.constant 0 : i32
    %dma_start3A_301 = tpu.memref_slice %arg2[%dma_start3A_299, %dma_start3A_300] : memref<10240x128xf32, #tpu.memory_space<hbm>> -> memref<10240x128xf32, #tpu.memory_space<hbm>>
    tpu.enqueue_indirect_dma source(%dma_start3A_301 : memref<10240x128xf32, #tpu.memory_space<hbm>>) target(%arg10 : memref<128x128xf32, #tpu.memory_space<vmem>>) offsets(%dma_start3A_298 : memref<128xi32, #tpu.memory_space<vmem>>) semaphore(%arg12 : memref<!tpu.dma_semaphore, #tpu.memory_space<semaphore_mem>>)
    %dma_wait3A_302 = arith.constant 0 : i32
    %dma_wait3A_303 = arith.constant 0 : i32
    %dma_wait3A_304 = tpu.memref_slice %arg7[%dma_wait3A_302, %dma_wait3A_303] : memref<2x128xi32, #tpu.memory_space<vmem>> -> memref<1x128xi32, #tpu.memory_space<vmem>>
    %dma_wait3A_305 = tpu.memref_squeeze %dma_wait3A_304 : memref<1x128xi32, #tpu.memory_space<vmem>> -> memref<128xi32, #tpu.memory_space<vmem>>
    %dma_wait3A_306 = arith.constant 0 : i32
    %dma_wait3A_307 = arith.constant 0 : i32
    %dma_wait3A_308 = tpu.memref_slice %arg2[%dma_wait3A_306, %dma_wait3A_307] : memref<10240x128xf32, #tpu.memory_space<hbm>> -> memref<10240x128xf32, #tpu.memory_space<hbm>>
    tpu.wait_indirect_dma semaphore(%arg12 : memref<!tpu.dma_semaphore, #tpu.memory_space<semaphore_mem>>) src(%dma_wait3A_308 : memref<10240x128xf32, #tpu.memory_space<hbm>>) dst(%arg10 : memref<128x128xf32, #tpu.memory_space<vmem>>)
    %dma_start3A_309 = arith.constant 1 : i32
    %dma_start3A_310 = arith.constant 0 : i32
    %dma_start3A_311 = tpu.memref_slice %arg7[%dma_start3A_309, %dma_start3A_310] : memref<2x128xi32, #tpu.memory_space<vmem>> -> memref<1x128xi32, #tpu.memory_space<vmem>>
    %dma_start3A_312 = tpu.memref_squeeze %dma_start3A_311 : memref<1x128xi32, #tpu.memory_space<vmem>> -> memref<128xi32, #tpu.memory_space<vmem>>
    %dma_start3A_313 = arith.constant 0 : i32
    %dma_start3A_314 = arith.constant 0 : i32
    %dma_start3A_315 = tpu.memref_slice %arg11[%dma_start3A_313, %dma_start3A_314] : memref<10240x128xf32, #tpu.memory_space<vmem_shared>> -> memref<10240x128xf32, #tpu.memory_space<vmem_shared>>
    tpu.enqueue_indirect_dma source(%arg10 : memref<128x128xf32, #tpu.memory_space<vmem>>) target(%dma_start3A_315 : memref<10240x128xf32, #tpu.memory_space<vmem_shared>>) offsets(%dma_start3A_312 : memref<128xi32, #tpu.memory_space<vmem>>) semaphore(%arg14 : memref<!tpu.dma_semaphore, #tpu.memory_space<semaphore_mem>>) {add = true}
    %dma_wait3A_316 = arith.constant 1 : i32
    %dma_wait3A_317 = arith.constant 0 : i32
    %dma_wait3A_318 = tpu.memref_slice %arg6[%dma_wait3A_316, %dma_wait3A_317] : memref<2x128xi32, #tpu.memory_space<vmem>> -> memref<1x128xi32, #tpu.memory_space<vmem>>
    %dma_wait3A_319 = tpu.memref_squeeze %dma_wait3A_318 : memref<1x128xi32, #tpu.memory_space<vmem>> -> memref<128xi32, #tpu.memory_space<vmem>>
    %dma_wait3A_320 = arith.constant 0 : i32
    %dma_wait3A_321 = arith.constant 0 : i32
    %dma_wait3A_322 = tpu.memref_slice %arg11[%dma_wait3A_320, %dma_wait3A_321] : memref<10240x128xf32, #tpu.memory_space<vmem_shared>> -> memref<10240x128xf32, #tpu.memory_space<vmem_shared>>
    tpu.wait_indirect_dma semaphore(%arg13 : memref<!tpu.dma_semaphore, #tpu.memory_space<semaphore_mem>>) src(%arg9 : memref<128x128xf32, #tpu.memory_space<vmem>>) dst(%dma_wait3A_322 : memref<10240x128xf32, #tpu.memory_space<vmem_shared>>)
    %dma_wait3A_323 = arith.constant 1 : i32
    %dma_wait3A_324 = arith.constant 0 : i32
    %dma_wait3A_325 = tpu.memref_slice %arg7[%dma_wait3A_323, %dma_wait3A_324] : memref<2x128xi32, #tpu.memory_space<vmem>> -> memref<1x128xi32, #tpu.memory_space<vmem>>
    %dma_wait3A_326 = tpu.memref_squeeze %dma_wait3A_325 : memref<1x128xi32, #tpu.memory_space<vmem>> -> memref<128xi32, #tpu.memory_space<vmem>>
    %dma_wait3A_327 = arith.constant 0 : i32
    %dma_wait3A_328 = arith.constant 0 : i32
    %dma_wait3A_329 = tpu.memref_slice %arg11[%dma_wait3A_327, %dma_wait3A_328] : memref<10240x128xf32, #tpu.memory_space<vmem_shared>> -> memref<10240x128xf32, #tpu.memory_space<vmem_shared>>
    tpu.wait_indirect_dma semaphore(%arg14 : memref<!tpu.dma_semaphore, #tpu.memory_space<semaphore_mem>>) src(%arg10 : memref<128x128xf32, #tpu.memory_space<vmem>>) dst(%dma_wait3A_329 : memref<10240x128xf32, #tpu.memory_space<vmem_shared>>)
    %barrier3A_330 = arith.constant 0 : index
    tpu.barrier barrier_id(%barrier3A_330)
    %mul3A_331 = arith.constant 640 : i32
    %mul3A_332 = arith.muli %arg1, %mul3A_331 : i32
    %mul3A_333 = arith.constant 640 : i32
    %mul3A_334 = arith.muli %arg1, %mul3A_333 : i32
    "tpu.region"() ({
      %run_scoped3A = tpu.sem_alloc : memref<!tpu.dma_semaphore, #tpu.memory_space<semaphore_mem>>
      %dma_start3A_335 = arith.constant 0 : i32
      %dma_start3A_336 = tpu.memref_slice %arg5[%arg0, %mul3A_334, %dma_start3A_335] : memref<2x10240x128xf32, #tpu.memory_space<hbm>> -> memref<1x640x128xf32, #tpu.memory_space<hbm>>
      %dma_start3A_337 = tpu.memref_squeeze %dma_start3A_336 : memref<1x640x128xf32, #tpu.memory_space<hbm>> -> memref<640x128xf32, #tpu.memory_space<hbm>>
      %dma_start3A_338 = arith.constant 0 : i32
      %dma_start3A_339 = tpu.memref_slice %arg11[%mul3A_332, %dma_start3A_338] : memref<10240x128xf32, #tpu.memory_space<vmem_shared>> -> memref<640x128xf32, #tpu.memory_space<vmem_shared>>
      tpu.enqueue_dma source(%dma_start3A_339 : memref<640x128xf32, #tpu.memory_space<vmem_shared>>) target(%dma_start3A_337 : memref<640x128xf32, #tpu.memory_space<hbm>>) target_semaphore(%run_scoped3A : memref<!tpu.dma_semaphore, #tpu.memory_space<semaphore_mem>>)
      %dma_wait3A_340 = arith.constant 0 : i32
      %dma_wait3A_341 = tpu.memref_slice %arg5[%arg0, %mul3A_334, %dma_wait3A_340] : memref<2x10240x128xf32, #tpu.memory_space<hbm>> -> memref<1x640x128xf32, #tpu.memory_space<hbm>>
      %dma_wait3A_342 = tpu.memref_squeeze %dma_wait3A_341 : memref<1x640x128xf32, #tpu.memory_space<hbm>> -> memref<640x128xf32, #tpu.memory_space<hbm>>
      %dma_wait3A_343 = arith.constant 0 : i32
      %dma_wait3A_344 = tpu.memref_slice %arg11[%mul3A_332, %dma_wait3A_343] : memref<10240x128xf32, #tpu.memory_space<vmem_shared>> -> memref<640x128xf32, #tpu.memory_space<vmem_shared>>
      tpu.wait_dma2 semaphore(%run_scoped3A : memref<!tpu.dma_semaphore, #tpu.memory_space<semaphore_mem>>) src(%dma_wait3A_344 : memref<640x128xf32, #tpu.memory_space<vmem_shared>>) dst(%dma_wait3A_342 : memref<640x128xf32, #tpu.memory_space<hbm>>)
      tpu.yield
    }) : () -> ()
    return
  }
}

#map = affine_map<(d0, d1) -> (0)>
#map1 = affine_map<(d0, d1) -> (0, 0)>
module attributes {stable_mosaic.version = 14 : i64} {
  func.func @_deg_body(%arg0: i32, %arg1: i32, %arg2: memref<327680xi32, #tpu.memory_space<hbm>>, %arg3: memref<10240xf32, #tpu.memory_space<hbm>>, %arg4: memref<2x10240xf32, #tpu.memory_space<hbm>>, %arg5: memref<128xi32, #tpu.memory_space<vmem>>, %arg6: memref<128xi32, #tpu.memory_space<vmem>>, %arg7: memref<128xi32, #tpu.memory_space<vmem>>, %arg8: memref<128xf32, #tpu.memory_space<vmem>>, %arg9: memref<10240xf32, #tpu.memory_space<vmem_shared>>, %arg10: memref<!tpu.dma_semaphore, #tpu.memory_space<semaphore_mem>>, %arg11: memref<!tpu.dma_semaphore, #tpu.memory_space<semaphore_mem>>, %arg12: memref<!tpu.dma_semaphore, #tpu.memory_space<semaphore_mem>>, %arg13: memref<!tpu.dma_semaphore, #tpu.memory_space<semaphore_mem>>, %arg14: memref<!tpu.dma_semaphore, #tpu.memory_space<semaphore_mem>>) attributes {dimension_semantics = [#tpu.dimension_semantics<core_parallel>, #tpu.dimension_semantics<subcore_parallel>], iteration_bounds = array<i64: 2, 16>, scalar_prefetch = 0 : i64, scratch_operands = 10 : i64, tpu.core_type = #tpu.core_type<sc_vector_subcore>, window_params = [{transform_indices = #map}, {transform_indices = #map}, {transform_indices = #map1}]} {
    %mul3A = arith.constant 2 : i32
    %mul3A_0 = arith.muli %arg1, %mul3A : i32
    %add3A = arith.addi %mul3A_0, %arg0 : i32
    %mul3A_1 = arith.constant 10240 : i32
    %mul3A_2 = arith.muli %add3A, %mul3A_1 : i32
    %add3A_3 = arith.constant 0 : i32
    %add3A_4 = arith.addi %mul3A_2, %add3A_3 : i32
    %dma_start3A = tpu.memref_slice %arg2[%add3A_4] : memref<327680xi32, #tpu.memory_space<hbm>> -> memref<128xi32, #tpu.memory_space<hbm>>
    %dma_start3A_5 = tpu.memref_slice %arg2[%add3A_4] : memref<327680xi32, #tpu.memory_space<hbm>> -> memref<128xi32, #tpu.memory_space<hbm>>
    tpu.enqueue_dma source(%dma_start3A_5 : memref<128xi32, #tpu.memory_space<hbm>>) target(%arg5 : memref<128xi32, #tpu.memory_space<vmem>>) target_semaphore(%arg12 : memref<!tpu.dma_semaphore, #tpu.memory_space<semaphore_mem>>)
    %add3A_6 = arith.constant 128 : i32
    %add3A_7 = arith.addi %mul3A_2, %add3A_6 : i32
    %dma_start3A_8 = tpu.memref_slice %arg2[%add3A_7] : memref<327680xi32, #tpu.memory_space<hbm>> -> memref<128xi32, #tpu.memory_space<hbm>>
    %dma_start3A_9 = tpu.memref_slice %arg2[%add3A_7] : memref<327680xi32, #tpu.memory_space<hbm>> -> memref<128xi32, #tpu.memory_space<hbm>>
    tpu.enqueue_dma source(%dma_start3A_9 : memref<128xi32, #tpu.memory_space<hbm>>) target(%arg6 : memref<128xi32, #tpu.memory_space<vmem>>) target_semaphore(%arg13 : memref<!tpu.dma_semaphore, #tpu.memory_space<semaphore_mem>>)
    %mul3A_10 = arith.constant 640 : i32
    %mul3A_11 = arith.muli %arg1, %mul3A_10 : i32
    %mul3A_12 = arith.constant 640 : i32
    %mul3A_13 = arith.muli %arg1, %mul3A_12 : i32
    "tpu.region"() ({
      %run_scoped3A = tpu.sem_alloc : memref<!tpu.dma_semaphore, #tpu.memory_space<semaphore_mem>>
      %dma_start3A_157 = tpu.memref_slice %arg9[%mul3A_13] : memref<10240xf32, #tpu.memory_space<vmem_shared>> -> memref<640xf32, #tpu.memory_space<vmem_shared>>
      %dma_start3A_158 = tpu.memref_slice %arg3[%mul3A_11] : memref<10240xf32, #tpu.memory_space<hbm>> -> memref<640xf32, #tpu.memory_space<hbm>>
      tpu.enqueue_dma source(%dma_start3A_158 : memref<640xf32, #tpu.memory_space<hbm>>) target(%dma_start3A_157 : memref<640xf32, #tpu.memory_space<vmem_shared>>) target_semaphore(%run_scoped3A : memref<!tpu.dma_semaphore, #tpu.memory_space<semaphore_mem>>)
      %dma_wait3A_159 = tpu.memref_slice %arg9[%mul3A_13] : memref<10240xf32, #tpu.memory_space<vmem_shared>> -> memref<640xf32, #tpu.memory_space<vmem_shared>>
      %dma_wait3A_160 = tpu.memref_slice %arg3[%mul3A_11] : memref<10240xf32, #tpu.memory_space<hbm>> -> memref<640xf32, #tpu.memory_space<hbm>>
      tpu.wait_dma2 semaphore(%run_scoped3A : memref<!tpu.dma_semaphore, #tpu.memory_space<semaphore_mem>>) src(%dma_wait3A_160 : memref<640xf32, #tpu.memory_space<hbm>>) dst(%dma_wait3A_159 : memref<640xf32, #tpu.memory_space<vmem_shared>>)
      tpu.yield
    }) : () -> ()
    %broadcast_in_dim3A = arith.constant 1.000000e+00 : f32
    %broadcast_in_dim3A_14 = vector.broadcast %broadcast_in_dim3A : f32 to vector<16xf32>
    %swap3A = arith.constant 0 : index
    %swap3A_15 = tpu.vector_load %arg8[%swap3A] {strides = array<i32>} : memref<128xf32, #tpu.memory_space<vmem>>, vector<16xf32>,
    %swap3A_16 = vector.shape_cast %swap3A_15 : vector<16xf32> to vector<16xf32>
    %swap3A_17 = vector.shape_cast %broadcast_in_dim3A_14 : vector<16xf32> to vector<16xf32>
    tpu.vector_store %arg8[%swap3A], %swap3A_17 {strides = array<i32>} : memref<128xf32, #tpu.memory_space<vmem>>, vector<16xf32>,
    %broadcast_in_dim3A_18 = arith.constant 1.000000e+00 : f32
    %broadcast_in_dim3A_19 = vector.broadcast %broadcast_in_dim3A_18 : f32 to vector<16xf32>
    %swap3A_20 = arith.constant 16 : index
    %swap3A_21 = tpu.vector_load %arg8[%swap3A_20] {strides = array<i32>} : memref<128xf32, #tpu.memory_space<vmem>>, vector<16xf32>,
    %swap3A_22 = vector.shape_cast %swap3A_21 : vector<16xf32> to vector<16xf32>
    %swap3A_23 = vector.shape_cast %broadcast_in_dim3A_19 : vector<16xf32> to vector<16xf32>
    tpu.vector_store %arg8[%swap3A_20], %swap3A_23 {strides = array<i32>} : memref<128xf32, #tpu.memory_space<vmem>>, vector<16xf32>,
    %broadcast_in_dim3A_24 = arith.constant 1.000000e+00 : f32
    %broadcast_in_dim3A_25 = vector.broadcast %broadcast_in_dim3A_24 : f32 to vector<16xf32>
    %swap3A_26 = arith.constant 32 : index
    %swap3A_27 = tpu.vector_load %arg8[%swap3A_26] {strides = array<i32>} : memref<128xf32, #tpu.memory_space<vmem>>, vector<16xf32>,
    %swap3A_28 = vector.shape_cast %swap3A_27 : vector<16xf32> to vector<16xf32>
    %swap3A_29 = vector.shape_cast %broadcast_in_dim3A_25 : vector<16xf32> to vector<16xf32>
    tpu.vector_store %arg8[%swap3A_26], %swap3A_29 {strides = array<i32>} : memref<128xf32, #tpu.memory_space<vmem>>, vector<16xf32>,
    %broadcast_in_dim3A_30 = arith.constant 1.000000e+00 : f32
    %broadcast_in_dim3A_31 = vector.broadcast %broadcast_in_dim3A_30 : f32 to vector<16xf32>
    %swap3A_32 = arith.constant 48 : index
    %swap3A_33 = tpu.vector_load %arg8[%swap3A_32] {strides = array<i32>} : memref<128xf32, #tpu.memory_space<vmem>>, vector<16xf32>,
    %swap3A_34 = vector.shape_cast %swap3A_33 : vector<16xf32> to vector<16xf32>
    %swap3A_35 = vector.shape_cast %broadcast_in_dim3A_31 : vector<16xf32> to vector<16xf32>
    tpu.vector_store %arg8[%swap3A_32], %swap3A_35 {strides = array<i32>} : memref<128xf32, #tpu.memory_space<vmem>>, vector<16xf32>,
    %broadcast_in_dim3A_36 = arith.constant 1.000000e+00 : f32
    %broadcast_in_dim3A_37 = vector.broadcast %broadcast_in_dim3A_36 : f32 to vector<16xf32>
    %swap3A_38 = arith.constant 64 : index
    %swap3A_39 = tpu.vector_load %arg8[%swap3A_38] {strides = array<i32>} : memref<128xf32, #tpu.memory_space<vmem>>, vector<16xf32>,
    %swap3A_40 = vector.shape_cast %swap3A_39 : vector<16xf32> to vector<16xf32>
    %swap3A_41 = vector.shape_cast %broadcast_in_dim3A_37 : vector<16xf32> to vector<16xf32>
    tpu.vector_store %arg8[%swap3A_38], %swap3A_41 {strides = array<i32>} : memref<128xf32, #tpu.memory_space<vmem>>, vector<16xf32>,
    %broadcast_in_dim3A_42 = arith.constant 1.000000e+00 : f32
    %broadcast_in_dim3A_43 = vector.broadcast %broadcast_in_dim3A_42 : f32 to vector<16xf32>
    %swap3A_44 = arith.constant 80 : index
    %swap3A_45 = tpu.vector_load %arg8[%swap3A_44] {strides = array<i32>} : memref<128xf32, #tpu.memory_space<vmem>>, vector<16xf32>,
    %swap3A_46 = vector.shape_cast %swap3A_45 : vector<16xf32> to vector<16xf32>
    %swap3A_47 = vector.shape_cast %broadcast_in_dim3A_43 : vector<16xf32> to vector<16xf32>
    tpu.vector_store %arg8[%swap3A_44], %swap3A_47 {strides = array<i32>} : memref<128xf32, #tpu.memory_space<vmem>>, vector<16xf32>,
    %broadcast_in_dim3A_48 = arith.constant 1.000000e+00 : f32
    %broadcast_in_dim3A_49 = vector.broadcast %broadcast_in_dim3A_48 : f32 to vector<16xf32>
    %swap3A_50 = arith.constant 96 : index
    %swap3A_51 = tpu.vector_load %arg8[%swap3A_50] {strides = array<i32>} : memref<128xf32, #tpu.memory_space<vmem>>, vector<16xf32>,
    %swap3A_52 = vector.shape_cast %swap3A_51 : vector<16xf32> to vector<16xf32>
    %swap3A_53 = vector.shape_cast %broadcast_in_dim3A_49 : vector<16xf32> to vector<16xf32>
    tpu.vector_store %arg8[%swap3A_50], %swap3A_53 {strides = array<i32>} : memref<128xf32, #tpu.memory_space<vmem>>, vector<16xf32>,
    %broadcast_in_dim3A_54 = arith.constant 1.000000e+00 : f32
    %broadcast_in_dim3A_55 = vector.broadcast %broadcast_in_dim3A_54 : f32 to vector<16xf32>
    %swap3A_56 = arith.constant 112 : index
    %swap3A_57 = tpu.vector_load %arg8[%swap3A_56] {strides = array<i32>} : memref<128xf32, #tpu.memory_space<vmem>>, vector<16xf32>,
    %swap3A_58 = vector.shape_cast %swap3A_57 : vector<16xf32> to vector<16xf32>
    %swap3A_59 = vector.shape_cast %broadcast_in_dim3A_55 : vector<16xf32> to vector<16xf32>
    tpu.vector_store %arg8[%swap3A_56], %swap3A_59 {strides = array<i32>} : memref<128xf32, #tpu.memory_space<vmem>>, vector<16xf32>,
    %barrier3A = arith.constant 0 : index
    tpu.barrier barrier_id(%barrier3A)
    %add3A_60 = arith.constant 0 : i32
    %add3A_61 = arith.addi %mul3A_2, %add3A_60 : i32
    %dma_wait3A = tpu.memref_slice %arg2[%add3A_61] : memref<327680xi32, #tpu.memory_space<hbm>> -> memref<128xi32, #tpu.memory_space<hbm>>
    %dma_wait3A_62 = tpu.memref_slice %arg2[%add3A_61] : memref<327680xi32, #tpu.memory_space<hbm>> -> memref<128xi32, #tpu.memory_space<hbm>>
    tpu.wait_dma2 semaphore(%arg12 : memref<!tpu.dma_semaphore, #tpu.memory_space<semaphore_mem>>) src(%dma_wait3A_62 : memref<128xi32, #tpu.memory_space<hbm>>) dst(%arg5 : memref<128xi32, #tpu.memory_space<vmem>>)
    %dma_start3A_63 = arith.constant 0 : i32
    %dma_start3A_64 = tpu.memref_slice %arg9[%dma_start3A_63] : memref<10240xf32, #tpu.memory_space<vmem_shared>> -> memref<10240xf32, #tpu.memory_space<vmem_shared>>
    tpu.enqueue_indirect_dma source(%arg8 : memref<128xf32, #tpu.memory_space<vmem>>) target(%dma_start3A_64 : memref<10240xf32, #tpu.memory_space<vmem_shared>>) offsets(%arg5 : memref<128xi32, #tpu.memory_space<vmem>>) semaphore(%arg10 : memref<!tpu.dma_semaphore, #tpu.memory_space<semaphore_mem>>) {add = true}
    %add3A_65 = arith.constant 256 : i32
    %add3A_66 = arith.addi %mul3A_2, %add3A_65 : i32
    %dma_start3A_67 = tpu.memref_slice %arg2[%add3A_66] : memref<327680xi32, #tpu.memory_space<hbm>> -> memref<128xi32, #tpu.memory_space<hbm>>
    %dma_start3A_68 = tpu.memref_slice %arg2[%add3A_66] : memref<327680xi32, #tpu.memory_space<hbm>> -> memref<128xi32, #tpu.memory_space<hbm>>
    tpu.enqueue_dma source(%dma_start3A_68 : memref<128xi32, #tpu.memory_space<hbm>>) target(%arg7 : memref<128xi32, #tpu.memory_space<vmem>>) target_semaphore(%arg14 : memref<!tpu.dma_semaphore, #tpu.memory_space<semaphore_mem>>)
    %add3A_69 = arith.constant 128 : i32
    %add3A_70 = arith.addi %mul3A_2, %add3A_69 : i32
    %dma_wait3A_71 = tpu.memref_slice %arg2[%add3A_70] : memref<327680xi32, #tpu.memory_space<hbm>> -> memref<128xi32, #tpu.memory_space<hbm>>
    %dma_wait3A_72 = tpu.memref_slice %arg2[%add3A_70] : memref<327680xi32, #tpu.memory_space<hbm>> -> memref<128xi32, #tpu.memory_space<hbm>>
    tpu.wait_dma2 semaphore(%arg13 : memref<!tpu.dma_semaphore, #tpu.memory_space<semaphore_mem>>) src(%dma_wait3A_72 : memref<128xi32, #tpu.memory_space<hbm>>) dst(%arg6 : memref<128xi32, #tpu.memory_space<vmem>>)
    %dma_start3A_73 = arith.constant 0 : i32
    %dma_start3A_74 = tpu.memref_slice %arg9[%dma_start3A_73] : memref<10240xf32, #tpu.memory_space<vmem_shared>> -> memref<10240xf32, #tpu.memory_space<vmem_shared>>
    tpu.enqueue_indirect_dma source(%arg8 : memref<128xf32, #tpu.memory_space<vmem>>) target(%dma_start3A_74 : memref<10240xf32, #tpu.memory_space<vmem_shared>>) offsets(%arg6 : memref<128xi32, #tpu.memory_space<vmem>>) semaphore(%arg11 : memref<!tpu.dma_semaphore, #tpu.memory_space<semaphore_mem>>) {add = true}
    %dma_wait3A_75 = arith.constant 0 : i32
    %dma_wait3A_76 = tpu.memref_slice %arg9[%dma_wait3A_75] : memref<10240xf32, #tpu.memory_space<vmem_shared>> -> memref<10240xf32, #tpu.memory_space<vmem_shared>>
    tpu.wait_indirect_dma semaphore(%arg10 : memref<!tpu.dma_semaphore, #tpu.memory_space<semaphore_mem>>) src(%arg8 : memref<128xf32, #tpu.memory_space<vmem>>) dst(%dma_wait3A_76 : memref<10240xf32, #tpu.memory_space<vmem_shared>>)
    %add3A_77 = arith.constant 384 : i32
    %add3A_78 = arith.addi %mul3A_2, %add3A_77 : i32
    %dma_start3A_79 = tpu.memref_slice %arg2[%add3A_78] : memref<327680xi32, #tpu.memory_space<hbm>> -> memref<128xi32, #tpu.memory_space<hbm>>
    %dma_start3A_80 = tpu.memref_slice %arg2[%add3A_78] : memref<327680xi32, #tpu.memory_space<hbm>> -> memref<128xi32, #tpu.memory_space<hbm>>
    tpu.enqueue_dma source(%dma_start3A_80 : memref<128xi32, #tpu.memory_space<hbm>>) target(%arg5 : memref<128xi32, #tpu.memory_space<vmem>>) target_semaphore(%arg12 : memref<!tpu.dma_semaphore, #tpu.memory_space<semaphore_mem>>)
    %add3A_81 = arith.constant 256 : i32
    %add3A_82 = arith.addi %mul3A_2, %add3A_81 : i32
    %dma_wait3A_83 = tpu.memref_slice %arg2[%add3A_82] : memref<327680xi32, #tpu.memory_space<hbm>> -> memref<128xi32, #tpu.memory_space<hbm>>
    %dma_wait3A_84 = tpu.memref_slice %arg2[%add3A_82] : memref<327680xi32, #tpu.memory_space<hbm>> -> memref<128xi32, #tpu.memory_space<hbm>>
    tpu.wait_dma2 semaphore(%arg14 : memref<!tpu.dma_semaphore, #tpu.memory_space<semaphore_mem>>) src(%dma_wait3A_84 : memref<128xi32, #tpu.memory_space<hbm>>) dst(%arg7 : memref<128xi32, #tpu.memory_space<vmem>>)
    %dma_start3A_85 = arith.constant 0 : i32
    %dma_start3A_86 = tpu.memref_slice %arg9[%dma_start3A_85] : memref<10240xf32, #tpu.memory_space<vmem_shared>> -> memref<10240xf32, #tpu.memory_space<vmem_shared>>
    tpu.enqueue_indirect_dma source(%arg8 : memref<128xf32, #tpu.memory_space<vmem>>) target(%dma_start3A_86 : memref<10240xf32, #tpu.memory_space<vmem_shared>>) offsets(%arg7 : memref<128xi32, #tpu.memory_space<vmem>>) semaphore(%arg10 : memref<!tpu.dma_semaphore, #tpu.memory_space<semaphore_mem>>) {add = true}
    %dma_wait3A_87 = arith.constant 0 : i32
    %dma_wait3A_88 = tpu.memref_slice %arg9[%dma_wait3A_87] : memref<10240xf32, #tpu.memory_space<vmem_shared>> -> memref<10240xf32, #tpu.memory_space<vmem_shared>>
    tpu.wait_indirect_dma semaphore(%arg11 : memref<!tpu.dma_semaphore, #tpu.memory_space<semaphore_mem>>) src(%arg8 : memref<128xf32, #tpu.memory_space<vmem>>) dst(%dma_wait3A_88 : memref<10240xf32, #tpu.memory_space<vmem_shared>>)
    %add3A_89 = arith.constant 512 : i32
    %add3A_90 = arith.addi %mul3A_2, %add3A_89 : i32
    %dma_start3A_91 = tpu.memref_slice %arg2[%add3A_90] : memref<327680xi32, #tpu.memory_space<hbm>> -> memref<128xi32, #tpu.memory_space<hbm>>
    %dma_start3A_92 = tpu.memref_slice %arg2[%add3A_90] : memref<327680xi32, #tpu.memory_space<hbm>> -> memref<128xi32, #tpu.memory_space<hbm>>
    tpu.enqueue_dma source(%dma_start3A_92 : memref<128xi32, #tpu.memory_space<hbm>>) target(%arg6 : memref<128xi32, #tpu.memory_space<vmem>>) target_semaphore(%arg13 : memref<!tpu.dma_semaphore, #tpu.memory_space<semaphore_mem>>)
    %add3A_93 = arith.constant 384 : i32
    %add3A_94 = arith.addi %mul3A_2, %add3A_93 : i32
    %dma_wait3A_95 = tpu.memref_slice %arg2[%add3A_94] : memref<327680xi32, #tpu.memory_space<hbm>> -> memref<128xi32, #tpu.memory_space<hbm>>
    %dma_wait3A_96 = tpu.memref_slice %arg2[%add3A_94] : memref<327680xi32, #tpu.memory_space<hbm>> -> memref<128xi32, #tpu.memory_space<hbm>>
    tpu.wait_dma2 semaphore(%arg12 : memref<!tpu.dma_semaphore, #tpu.memory_space<semaphore_mem>>) src(%dma_wait3A_96 : memref<128xi32, #tpu.memory_space<hbm>>) dst(%arg5 : memref<128xi32, #tpu.memory_space<vmem>>)
    %dma_start3A_97 = arith.constant 0 : i32
    %dma_start3A_98 = tpu.memref_slice %arg9[%dma_start3A_97] : memref<10240xf32, #tpu.memory_space<vmem_shared>> -> memref<10240xf32, #tpu.memory_space<vmem_shared>>
    tpu.enqueue_indirect_dma source(%arg8 : memref<128xf32, #tpu.memory_space<vmem>>) target(%dma_start3A_98 : memref<10240xf32, #tpu.memory_space<vmem_shared>>) offsets(%arg5 : memref<128xi32, #tpu.memory_space<vmem>>) semaphore(%arg11 : memref<!tpu.dma_semaphore, #tpu.memory_space<semaphore_mem>>) {add = true}
    %dma_wait3A_99 = arith.constant 0 : i32
    %dma_wait3A_100 = tpu.memref_slice %arg9[%dma_wait3A_99] : memref<10240xf32, #tpu.memory_space<vmem_shared>> -> memref<10240xf32, #tpu.memory_space<vmem_shared>>
    tpu.wait_indirect_dma semaphore(%arg10 : memref<!tpu.dma_semaphore, #tpu.memory_space<semaphore_mem>>) src(%arg8 : memref<128xf32, #tpu.memory_space<vmem>>) dst(%dma_wait3A_100 : memref<10240xf32, #tpu.memory_space<vmem_shared>>)
    %add3A_101 = arith.constant 640 : i32
    %add3A_102 = arith.addi %mul3A_2, %add3A_101 : i32
    %dma_start3A_103 = tpu.memref_slice %arg2[%add3A_102] : memref<327680xi32, #tpu.memory_space<hbm>> -> memref<128xi32, #tpu.memory_space<hbm>>
    %dma_start3A_104 = tpu.memref_slice %arg2[%add3A_102] : memref<327680xi32, #tpu.memory_space<hbm>> -> memref<128xi32, #tpu.memory_space<hbm>>
    tpu.enqueue_dma source(%dma_start3A_104 : memref<128xi32, #tpu.memory_space<hbm>>) target(%arg7 : memref<128xi32, #tpu.memory_space<vmem>>) target_semaphore(%arg14 : memref<!tpu.dma_semaphore, #tpu.memory_space<semaphore_mem>>)
    %add3A_105 = arith.constant 512 : i32
    %add3A_106 = arith.addi %mul3A_2, %add3A_105 : i32
    %dma_wait3A_107 = tpu.memref_slice %arg2[%add3A_106] : memref<327680xi32, #tpu.memory_space<hbm>> -> memref<128xi32, #tpu.memory_space<hbm>>
    %dma_wait3A_108 = tpu.memref_slice %arg2[%add3A_106] : memref<327680xi32, #tpu.memory_space<hbm>> -> memref<128xi32, #tpu.memory_space<hbm>>
    tpu.wait_dma2 semaphore(%arg13 : memref<!tpu.dma_semaphore, #tpu.memory_space<semaphore_mem>>) src(%dma_wait3A_108 : memref<128xi32, #tpu.memory_space<hbm>>) dst(%arg6 : memref<128xi32, #tpu.memory_space<vmem>>)
    %dma_start3A_109 = arith.constant 0 : i32
    %dma_start3A_110 = tpu.memref_slice %arg9[%dma_start3A_109] : memref<10240xf32, #tpu.memory_space<vmem_shared>> -> memref<10240xf32, #tpu.memory_space<vmem_shared>>
    tpu.enqueue_indirect_dma source(%arg8 : memref<128xf32, #tpu.memory_space<vmem>>) target(%dma_start3A_110 : memref<10240xf32, #tpu.memory_space<vmem_shared>>) offsets(%arg6 : memref<128xi32, #tpu.memory_space<vmem>>) semaphore(%arg10 : memref<!tpu.dma_semaphore, #tpu.memory_space<semaphore_mem>>) {add = true}
    %dma_wait3A_111 = arith.constant 0 : i32
    %dma_wait3A_112 = tpu.memref_slice %arg9[%dma_wait3A_111] : memref<10240xf32, #tpu.memory_space<vmem_shared>> -> memref<10240xf32, #tpu.memory_space<vmem_shared>>
    tpu.wait_indirect_dma semaphore(%arg11 : memref<!tpu.dma_semaphore, #tpu.memory_space<semaphore_mem>>) src(%arg8 : memref<128xf32, #tpu.memory_space<vmem>>) dst(%dma_wait3A_112 : memref<10240xf32, #tpu.memory_space<vmem_shared>>)
    %add3A_113 = arith.constant 768 : i32
    %add3A_114 = arith.addi %mul3A_2, %add3A_113 : i32
    %dma_start3A_115 = tpu.memref_slice %arg2[%add3A_114] : memref<327680xi32, #tpu.memory_space<hbm>> -> memref<128xi32, #tpu.memory_space<hbm>>
    %dma_start3A_116 = tpu.memref_slice %arg2[%add3A_114] : memref<327680xi32, #tpu.memory_space<hbm>> -> memref<128xi32, #tpu.memory_space<hbm>>
    tpu.enqueue_dma source(%dma_start3A_116 : memref<128xi32, #tpu.memory_space<hbm>>) target(%arg5 : memref<128xi32, #tpu.memory_space<vmem>>) target_semaphore(%arg12 : memref<!tpu.dma_semaphore, #tpu.memory_space<semaphore_mem>>)
    %add3A_117 = arith.constant 640 : i32
    %add3A_118 = arith.addi %mul3A_2, %add3A_117 : i32
    %dma_wait3A_119 = tpu.memref_slice %arg2[%add3A_118] : memref<327680xi32, #tpu.memory_space<hbm>> -> memref<128xi32, #tpu.memory_space<hbm>>
    %dma_wait3A_120 = tpu.memref_slice %arg2[%add3A_118] : memref<327680xi32, #tpu.memory_space<hbm>> -> memref<128xi32, #tpu.memory_space<hbm>>
    tpu.wait_dma2 semaphore(%arg14 : memref<!tpu.dma_semaphore, #tpu.memory_space<semaphore_mem>>) src(%dma_wait3A_120 : memref<128xi32, #tpu.memory_space<hbm>>) dst(%arg7 : memref<128xi32, #tpu.memory_space<vmem>>)
    %dma_start3A_121 = arith.constant 0 : i32
    %dma_start3A_122 = tpu.memref_slice %arg9[%dma_start3A_121] : memref<10240xf32, #tpu.memory_space<vmem_shared>> -> memref<10240xf32, #tpu.memory_space<vmem_shared>>
    tpu.enqueue_indirect_dma source(%arg8 : memref<128xf32, #tpu.memory_space<vmem>>) target(%dma_start3A_122 : memref<10240xf32, #tpu.memory_space<vmem_shared>>) offsets(%arg7 : memref<128xi32, #tpu.memory_space<vmem>>) semaphore(%arg11 : memref<!tpu.dma_semaphore, #tpu.memory_space<semaphore_mem>>) {add = true}
    %dma_wait3A_123 = arith.constant 0 : i32
    %dma_wait3A_124 = tpu.memref_slice %arg9[%dma_wait3A_123] : memref<10240xf32, #tpu.memory_space<vmem_shared>> -> memref<10240xf32, #tpu.memory_space<vmem_shared>>
    tpu.wait_indirect_dma semaphore(%arg10 : memref<!tpu.dma_semaphore, #tpu.memory_space<semaphore_mem>>) src(%arg8 : memref<128xf32, #tpu.memory_space<vmem>>) dst(%dma_wait3A_124 : memref<10240xf32, #tpu.memory_space<vmem_shared>>)
    %add3A_125 = arith.constant 896 : i32
    %add3A_126 = arith.addi %mul3A_2, %add3A_125 : i32
    %dma_start3A_127 = tpu.memref_slice %arg2[%add3A_126] : memref<327680xi32, #tpu.memory_space<hbm>> -> memref<128xi32, #tpu.memory_space<hbm>>
    %dma_start3A_128 = tpu.memref_slice %arg2[%add3A_126] : memref<327680xi32, #tpu.memory_space<hbm>> -> memref<128xi32, #tpu.memory_space<hbm>>
    tpu.enqueue_dma source(%dma_start3A_128 : memref<128xi32, #tpu.memory_space<hbm>>) target(%arg6 : memref<128xi32, #tpu.memory_space<vmem>>) target_semaphore(%arg13 : memref<!tpu.dma_semaphore, #tpu.memory_space<semaphore_mem>>)
    %scan3A = arith.constant 0 : i32
    %scan3A_129 = arith.constant 1 : i32
    %scan3A_130 = arith.constant 12 : i32
    %scan3A_131 = arith.addi %scan3A_129, %scan3A_130 : i32
    %scan3A_132 = arith.constant 1 : i32
    scf.for %scan3A_157 = %scan3A_129 to %scan3A_131 step %scan3A_132  : i32 {
      %mul3A_158 = arith.constant 6 : i32
      %mul3A_159 = arith.muli %mul3A_158, %scan3A_157 : i32
      %add3A_160 = arith.constant 0 : i32
      %add3A_161 = arith.addi %mul3A_159, %add3A_160 : i32
      %mul3A_162 = arith.constant 128 : i32
      %mul3A_163 = arith.muli %add3A_161, %mul3A_162 : i32
      %add3A_164 = arith.addi %mul3A_2, %mul3A_163 : i32
      %dma_wait3A_165 = tpu.memref_slice %arg2[%add3A_164] : memref<327680xi32, #tpu.memory_space<hbm>> -> memref<128xi32, #tpu.memory_space<hbm>>
      %dma_wait3A_166 = tpu.memref_slice %arg2[%add3A_164] : memref<327680xi32, #tpu.memory_space<hbm>> -> memref<128xi32, #tpu.memory_space<hbm>>
      tpu.wait_dma2 semaphore(%arg12 : memref<!tpu.dma_semaphore, #tpu.memory_space<semaphore_mem>>) src(%dma_wait3A_166 : memref<128xi32, #tpu.memory_space<hbm>>) dst(%arg5 : memref<128xi32, #tpu.memory_space<vmem>>)
      %dma_start3A_167 = arith.constant 0 : i32
      %dma_start3A_168 = tpu.memref_slice %arg9[%dma_start3A_167] : memref<10240xf32, #tpu.memory_space<vmem_shared>> -> memref<10240xf32, #tpu.memory_space<vmem_shared>>
      tpu.enqueue_indirect_dma source(%arg8 : memref<128xf32, #tpu.memory_space<vmem>>) target(%dma_start3A_168 : memref<10240xf32, #tpu.memory_space<vmem_shared>>) offsets(%arg5 : memref<128xi32, #tpu.memory_space<vmem>>) semaphore(%arg10 : memref<!tpu.dma_semaphore, #tpu.memory_space<semaphore_mem>>) {add = true}
      %dma_wait3A_169 = arith.constant 0 : i32
      %dma_wait3A_170 = tpu.memref_slice %arg9[%dma_wait3A_169] : memref<10240xf32, #tpu.memory_space<vmem_shared>> -> memref<10240xf32, #tpu.memory_space<vmem_shared>>
      tpu.wait_indirect_dma semaphore(%arg11 : memref<!tpu.dma_semaphore, #tpu.memory_space<semaphore_mem>>) src(%arg8 : memref<128xf32, #tpu.memory_space<vmem>>) dst(%dma_wait3A_170 : memref<10240xf32, #tpu.memory_space<vmem_shared>>)
      %add3A_171 = arith.constant 2 : i32
      %add3A_172 = arith.addi %add3A_161, %add3A_171 : i32
      %mul3A_173 = arith.constant 128 : i32
      %mul3A_174 = arith.muli %add3A_172, %mul3A_173 : i32
      %add3A_175 = arith.addi %mul3A_2, %mul3A_174 : i32
      %dma_start3A_176 = tpu.memref_slice %arg2[%add3A_175] : memref<327680xi32, #tpu.memory_space<hbm>> -> memref<128xi32, #tpu.memory_space<hbm>>
      %dma_start3A_177 = tpu.memref_slice %arg2[%add3A_175] : memref<327680xi32, #tpu.memory_space<hbm>> -> memref<128xi32, #tpu.memory_space<hbm>>
      tpu.enqueue_dma source(%dma_start3A_177 : memref<128xi32, #tpu.memory_space<hbm>>) target(%arg7 : memref<128xi32, #tpu.memory_space<vmem>>) target_semaphore(%arg14 : memref<!tpu.dma_semaphore, #tpu.memory_space<semaphore_mem>>)
      %add3A_178 = arith.constant 1 : i32
      %add3A_179 = arith.addi %mul3A_159, %add3A_178 : i32
      %mul3A_180 = arith.constant 128 : i32
      %mul3A_181 = arith.muli %add3A_179, %mul3A_180 : i32
      %add3A_182 = arith.addi %mul3A_2, %mul3A_181 : i32
      %dma_wait3A_183 = tpu.memref_slice %arg2[%add3A_182] : memref<327680xi32, #tpu.memory_space<hbm>> -> memref<128xi32, #tpu.memory_space<hbm>>
      %dma_wait3A_184 = tpu.memref_slice %arg2[%add3A_182] : memref<327680xi32, #tpu.memory_space<hbm>> -> memref<128xi32, #tpu.memory_space<hbm>>
      tpu.wait_dma2 semaphore(%arg13 : memref<!tpu.dma_semaphore, #tpu.memory_space<semaphore_mem>>) src(%dma_wait3A_184 : memref<128xi32, #tpu.memory_space<hbm>>) dst(%arg6 : memref<128xi32, #tpu.memory_space<vmem>>)
      %dma_start3A_185 = arith.constant 0 : i32
      %dma_start3A_186 = tpu.memref_slice %arg9[%dma_start3A_185] : memref<10240xf32, #tpu.memory_space<vmem_shared>> -> memref<10240xf32, #tpu.memory_space<vmem_shared>>
      tpu.enqueue_indirect_dma source(%arg8 : memref<128xf32, #tpu.memory_space<vmem>>) target(%dma_start3A_186 : memref<10240xf32, #tpu.memory_space<vmem_shared>>) offsets(%arg6 : memref<128xi32, #tpu.memory_space<vmem>>) semaphore(%arg11 : memref<!tpu.dma_semaphore, #tpu.memory_space<semaphore_mem>>) {add = true}
      %dma_wait3A_187 = arith.constant 0 : i32
      %dma_wait3A_188 = tpu.memref_slice %arg9[%dma_wait3A_187] : memref<10240xf32, #tpu.memory_space<vmem_shared>> -> memref<10240xf32, #tpu.memory_space<vmem_shared>>
      tpu.wait_indirect_dma semaphore(%arg10 : memref<!tpu.dma_semaphore, #tpu.memory_space<semaphore_mem>>) src(%arg8 : memref<128xf32, #tpu.memory_space<vmem>>) dst(%dma_wait3A_188 : memref<10240xf32, #tpu.memory_space<vmem_shared>>)
      %add3A_189 = arith.constant 2 : i32
      %add3A_190 = arith.addi %add3A_179, %add3A_189 : i32
      %mul3A_191 = arith.constant 128 : i32
      %mul3A_192 = arith.muli %add3A_190, %mul3A_191 : i32
      %add3A_193 = arith.addi %mul3A_2, %mul3A_192 : i32
      %dma_start3A_194 = tpu.memref_slice %arg2[%add3A_193] : memref<327680xi32, #tpu.memory_space<hbm>> -> memref<128xi32, #tpu.memory_space<hbm>>
      %dma_start3A_195 = tpu.memref_slice %arg2[%add3A_193] : memref<327680xi32, #tpu.memory_space<hbm>> -> memref<128xi32, #tpu.memory_space<hbm>>
      tpu.enqueue_dma source(%dma_start3A_195 : memref<128xi32, #tpu.memory_space<hbm>>) target(%arg5 : memref<128xi32, #tpu.memory_space<vmem>>) target_semaphore(%arg12 : memref<!tpu.dma_semaphore, #tpu.memory_space<semaphore_mem>>)
      %add3A_196 = arith.constant 2 : i32
      %add3A_197 = arith.addi %mul3A_159, %add3A_196 : i32
      %mul3A_198 = arith.constant 128 : i32
      %mul3A_199 = arith.muli %add3A_197, %mul3A_198 : i32
      %add3A_200 = arith.addi %mul3A_2, %mul3A_199 : i32
      %dma_wait3A_201 = tpu.memref_slice %arg2[%add3A_200] : memref<327680xi32, #tpu.memory_space<hbm>> -> memref<128xi32, #tpu.memory_space<hbm>>
      %dma_wait3A_202 = tpu.memref_slice %arg2[%add3A_200] : memref<327680xi32, #tpu.memory_space<hbm>> -> memref<128xi32, #tpu.memory_space<hbm>>
      tpu.wait_dma2 semaphore(%arg14 : memref<!tpu.dma_semaphore, #tpu.memory_space<semaphore_mem>>) src(%dma_wait3A_202 : memref<128xi32, #tpu.memory_space<hbm>>) dst(%arg7 : memref<128xi32, #tpu.memory_space<vmem>>)
      %dma_start3A_203 = arith.constant 0 : i32
      %dma_start3A_204 = tpu.memref_slice %arg9[%dma_start3A_203] : memref<10240xf32, #tpu.memory_space<vmem_shared>> -> memref<10240xf32, #tpu.memory_space<vmem_shared>>
      tpu.enqueue_indirect_dma source(%arg8 : memref<128xf32, #tpu.memory_space<vmem>>) target(%dma_start3A_204 : memref<10240xf32, #tpu.memory_space<vmem_shared>>) offsets(%arg7 : memref<128xi32, #tpu.memory_space<vmem>>) semaphore(%arg10 : memref<!tpu.dma_semaphore, #tpu.memory_space<semaphore_mem>>) {add = true}
      %dma_wait3A_205 = arith.constant 0 : i32
      %dma_wait3A_206 = tpu.memref_slice %arg9[%dma_wait3A_205] : memref<10240xf32, #tpu.memory_space<vmem_shared>> -> memref<10240xf32, #tpu.memory_space<vmem_shared>>
      tpu.wait_indirect_dma semaphore(%arg11 : memref<!tpu.dma_semaphore, #tpu.memory_space<semaphore_mem>>) src(%arg8 : memref<128xf32, #tpu.memory_space<vmem>>) dst(%dma_wait3A_206 : memref<10240xf32, #tpu.memory_space<vmem_shared>>)
      %add3A_207 = arith.constant 2 : i32
      %add3A_208 = arith.addi %add3A_197, %add3A_207 : i32
      %mul3A_209 = arith.constant 128 : i32
      %mul3A_210 = arith.muli %add3A_208, %mul3A_209 : i32
      %add3A_211 = arith.addi %mul3A_2, %mul3A_210 : i32
      %dma_start3A_212 = tpu.memref_slice %arg2[%add3A_211] : memref<327680xi32, #tpu.memory_space<hbm>> -> memref<128xi32, #tpu.memory_space<hbm>>
      %dma_start3A_213 = tpu.memref_slice %arg2[%add3A_211] : memref<327680xi32, #tpu.memory_space<hbm>> -> memref<128xi32, #tpu.memory_space<hbm>>
      tpu.enqueue_dma source(%dma_start3A_213 : memref<128xi32, #tpu.memory_space<hbm>>) target(%arg6 : memref<128xi32, #tpu.memory_space<vmem>>) target_semaphore(%arg13 : memref<!tpu.dma_semaphore, #tpu.memory_space<semaphore_mem>>)
      %add3A_214 = arith.constant 3 : i32
      %add3A_215 = arith.addi %mul3A_159, %add3A_214 : i32
      %mul3A_216 = arith.constant 128 : i32
      %mul3A_217 = arith.muli %add3A_215, %mul3A_216 : i32
      %add3A_218 = arith.addi %mul3A_2, %mul3A_217 : i32
      %dma_wait3A_219 = tpu.memref_slice %arg2[%add3A_218] : memref<327680xi32, #tpu.memory_space<hbm>> -> memref<128xi32, #tpu.memory_space<hbm>>
      %dma_wait3A_220 = tpu.memref_slice %arg2[%add3A_218] : memref<327680xi32, #tpu.memory_space<hbm>> -> memref<128xi32, #tpu.memory_space<hbm>>
      tpu.wait_dma2 semaphore(%arg12 : memref<!tpu.dma_semaphore, #tpu.memory_space<semaphore_mem>>) src(%dma_wait3A_220 : memref<128xi32, #tpu.memory_space<hbm>>) dst(%arg5 : memref<128xi32, #tpu.memory_space<vmem>>)
      %dma_start3A_221 = arith.constant 0 : i32
      %dma_start3A_222 = tpu.memref_slice %arg9[%dma_start3A_221] : memref<10240xf32, #tpu.memory_space<vmem_shared>> -> memref<10240xf32, #tpu.memory_space<vmem_shared>>
      tpu.enqueue_indirect_dma source(%arg8 : memref<128xf32, #tpu.memory_space<vmem>>) target(%dma_start3A_222 : memref<10240xf32, #tpu.memory_space<vmem_shared>>) offsets(%arg5 : memref<128xi32, #tpu.memory_space<vmem>>) semaphore(%arg11 : memref<!tpu.dma_semaphore, #tpu.memory_space<semaphore_mem>>) {add = true}
      %dma_wait3A_223 = arith.constant 0 : i32
      %dma_wait3A_224 = tpu.memref_slice %arg9[%dma_wait3A_223] : memref<10240xf32, #tpu.memory_space<vmem_shared>> -> memref<10240xf32, #tpu.memory_space<vmem_shared>>
      tpu.wait_indirect_dma semaphore(%arg10 : memref<!tpu.dma_semaphore, #tpu.memory_space<semaphore_mem>>) src(%arg8 : memref<128xf32, #tpu.memory_space<vmem>>) dst(%dma_wait3A_224 : memref<10240xf32, #tpu.memory_space<vmem_shared>>)
      %add3A_225 = arith.constant 2 : i32
      %add3A_226 = arith.addi %add3A_215, %add3A_225 : i32
      %mul3A_227 = arith.constant 128 : i32
      %mul3A_228 = arith.muli %add3A_226, %mul3A_227 : i32
      %add3A_229 = arith.addi %mul3A_2, %mul3A_228 : i32
      %dma_start3A_230 = tpu.memref_slice %arg2[%add3A_229] : memref<327680xi32, #tpu.memory_space<hbm>> -> memref<128xi32, #tpu.memory_space<hbm>>
      %dma_start3A_231 = tpu.memref_slice %arg2[%add3A_229] : memref<327680xi32, #tpu.memory_space<hbm>> -> memref<128xi32, #tpu.memory_space<hbm>>
      tpu.enqueue_dma source(%dma_start3A_231 : memref<128xi32, #tpu.memory_space<hbm>>) target(%arg7 : memref<128xi32, #tpu.memory_space<vmem>>) target_semaphore(%arg14 : memref<!tpu.dma_semaphore, #tpu.memory_space<semaphore_mem>>)
      %add3A_232 = arith.constant 4 : i32
      %add3A_233 = arith.addi %mul3A_159, %add3A_232 : i32
      %mul3A_234 = arith.constant 128 : i32
      %mul3A_235 = arith.muli %add3A_233, %mul3A_234 : i32
      %add3A_236 = arith.addi %mul3A_2, %mul3A_235 : i32
      %dma_wait3A_237 = tpu.memref_slice %arg2[%add3A_236] : memref<327680xi32, #tpu.memory_space<hbm>> -> memref<128xi32, #tpu.memory_space<hbm>>
      %dma_wait3A_238 = tpu.memref_slice %arg2[%add3A_236] : memref<327680xi32, #tpu.memory_space<hbm>> -> memref<128xi32, #tpu.memory_space<hbm>>
      tpu.wait_dma2 semaphore(%arg13 : memref<!tpu.dma_semaphore, #tpu.memory_space<semaphore_mem>>) src(%dma_wait3A_238 : memref<128xi32, #tpu.memory_space<hbm>>) dst(%arg6 : memref<128xi32, #tpu.memory_space<vmem>>)
      %dma_start3A_239 = arith.constant 0 : i32
      %dma_start3A_240 = tpu.memref_slice %arg9[%dma_start3A_239] : memref<10240xf32, #tpu.memory_space<vmem_shared>> -> memref<10240xf32, #tpu.memory_space<vmem_shared>>
      tpu.enqueue_indirect_dma source(%arg8 : memref<128xf32, #tpu.memory_space<vmem>>) target(%dma_start3A_240 : memref<10240xf32, #tpu.memory_space<vmem_shared>>) offsets(%arg6 : memref<128xi32, #tpu.memory_space<vmem>>) semaphore(%arg10 : memref<!tpu.dma_semaphore, #tpu.memory_space<semaphore_mem>>) {add = true}
      %dma_wait3A_241 = arith.constant 0 : i32
      %dma_wait3A_242 = tpu.memref_slice %arg9[%dma_wait3A_241] : memref<10240xf32, #tpu.memory_space<vmem_shared>> -> memref<10240xf32, #tpu.memory_space<vmem_shared>>
      tpu.wait_indirect_dma semaphore(%arg11 : memref<!tpu.dma_semaphore, #tpu.memory_space<semaphore_mem>>) src(%arg8 : memref<128xf32, #tpu.memory_space<vmem>>) dst(%dma_wait3A_242 : memref<10240xf32, #tpu.memory_space<vmem_shared>>)
      %add3A_243 = arith.constant 2 : i32
      %add3A_244 = arith.addi %add3A_233, %add3A_243 : i32
      %mul3A_245 = arith.constant 128 : i32
      %mul3A_246 = arith.muli %add3A_244, %mul3A_245 : i32
      %add3A_247 = arith.addi %mul3A_2, %mul3A_246 : i32
      %dma_start3A_248 = tpu.memref_slice %arg2[%add3A_247] : memref<327680xi32, #tpu.memory_space<hbm>> -> memref<128xi32, #tpu.memory_space<hbm>>
      %dma_start3A_249 = tpu.memref_slice %arg2[%add3A_247] : memref<327680xi32, #tpu.memory_space<hbm>> -> memref<128xi32, #tpu.memory_space<hbm>>
      tpu.enqueue_dma source(%dma_start3A_249 : memref<128xi32, #tpu.memory_space<hbm>>) target(%arg5 : memref<128xi32, #tpu.memory_space<vmem>>) target_semaphore(%arg12 : memref<!tpu.dma_semaphore, #tpu.memory_space<semaphore_mem>>)
      %add3A_250 = arith.constant 5 : i32
      %add3A_251 = arith.addi %mul3A_159, %add3A_250 : i32
      %mul3A_252 = arith.constant 128 : i32
      %mul3A_253 = arith.muli %add3A_251, %mul3A_252 : i32
      %add3A_254 = arith.addi %mul3A_2, %mul3A_253 : i32
      %dma_wait3A_255 = tpu.memref_slice %arg2[%add3A_254] : memref<327680xi32, #tpu.memory_space<hbm>> -> memref<128xi32, #tpu.memory_space<hbm>>
      %dma_wait3A_256 = tpu.memref_slice %arg2[%add3A_254] : memref<327680xi32, #tpu.memory_space<hbm>> -> memref<128xi32, #tpu.memory_space<hbm>>
      tpu.wait_dma2 semaphore(%arg14 : memref<!tpu.dma_semaphore, #tpu.memory_space<semaphore_mem>>) src(%dma_wait3A_256 : memref<128xi32, #tpu.memory_space<hbm>>) dst(%arg7 : memref<128xi32, #tpu.memory_space<vmem>>)
      %dma_start3A_257 = arith.constant 0 : i32
      %dma_start3A_258 = tpu.memref_slice %arg9[%dma_start3A_257] : memref<10240xf32, #tpu.memory_space<vmem_shared>> -> memref<10240xf32, #tpu.memory_space<vmem_shared>>
      tpu.enqueue_indirect_dma source(%arg8 : memref<128xf32, #tpu.memory_space<vmem>>) target(%dma_start3A_258 : memref<10240xf32, #tpu.memory_space<vmem_shared>>) offsets(%arg7 : memref<128xi32, #tpu.memory_space<vmem>>) semaphore(%arg11 : memref<!tpu.dma_semaphore, #tpu.memory_space<semaphore_mem>>) {add = true}
      %dma_wait3A_259 = arith.constant 0 : i32
      %dma_wait3A_260 = tpu.memref_slice %arg9[%dma_wait3A_259] : memref<10240xf32, #tpu.memory_space<vmem_shared>> -> memref<10240xf32, #tpu.memory_space<vmem_shared>>
      tpu.wait_indirect_dma semaphore(%arg10 : memref<!tpu.dma_semaphore, #tpu.memory_space<semaphore_mem>>) src(%arg8 : memref<128xf32, #tpu.memory_space<vmem>>) dst(%dma_wait3A_260 : memref<10240xf32, #tpu.memory_space<vmem_shared>>)
      %add3A_261 = arith.constant 2 : i32
      %add3A_262 = arith.addi %add3A_251, %add3A_261 : i32
      %mul3A_263 = arith.constant 128 : i32
      %mul3A_264 = arith.muli %add3A_262, %mul3A_263 : i32
      %add3A_265 = arith.addi %mul3A_2, %mul3A_264 : i32
      %dma_start3A_266 = tpu.memref_slice %arg2[%add3A_265] : memref<327680xi32, #tpu.memory_space<hbm>> -> memref<128xi32, #tpu.memory_space<hbm>>
      %dma_start3A_267 = tpu.memref_slice %arg2[%add3A_265] : memref<327680xi32, #tpu.memory_space<hbm>> -> memref<128xi32, #tpu.memory_space<hbm>>
      tpu.enqueue_dma source(%dma_start3A_267 : memref<128xi32, #tpu.memory_space<hbm>>) target(%arg6 : memref<128xi32, #tpu.memory_space<vmem>>) target_semaphore(%arg13 : memref<!tpu.dma_semaphore, #tpu.memory_space<semaphore_mem>>)
    }
    %scan3A_133 = arith.constant 12 : i32
    %add3A_134 = arith.constant 9984 : i32
    %add3A_135 = arith.addi %mul3A_2, %add3A_134 : i32
    %dma_wait3A_136 = tpu.memref_slice %arg2[%add3A_135] : memref<327680xi32, #tpu.memory_space<hbm>> -> memref<128xi32, #tpu.memory_space<hbm>>
    %dma_wait3A_137 = tpu.memref_slice %arg2[%add3A_135] : memref<327680xi32, #tpu.memory_space<hbm>> -> memref<128xi32, #tpu.memory_space<hbm>>
    tpu.wait_dma2 semaphore(%arg12 : memref<!tpu.dma_semaphore, #tpu.memory_space<semaphore_mem>>) src(%dma_wait3A_137 : memref<128xi32, #tpu.memory_space<hbm>>) dst(%arg5 : memref<128xi32, #tpu.memory_space<vmem>>)
    %dma_start3A_138 = arith.constant 0 : i32
    %dma_start3A_139 = tpu.memref_slice %arg9[%dma_start3A_138] : memref<10240xf32, #tpu.memory_space<vmem_shared>> -> memref<10240xf32, #tpu.memory_space<vmem_shared>>
    tpu.enqueue_indirect_dma source(%arg8 : memref<128xf32, #tpu.memory_space<vmem>>) target(%dma_start3A_139 : memref<10240xf32, #tpu.memory_space<vmem_shared>>) offsets(%arg5 : memref<128xi32, #tpu.memory_space<vmem>>) semaphore(%arg10 : memref<!tpu.dma_semaphore, #tpu.memory_space<semaphore_mem>>) {add = true}
    %dma_wait3A_140 = arith.constant 0 : i32
    %dma_wait3A_141 = tpu.memref_slice %arg9[%dma_wait3A_140] : memref<10240xf32, #tpu.memory_space<vmem_shared>> -> memref<10240xf32, #tpu.memory_space<vmem_shared>>
    tpu.wait_indirect_dma semaphore(%arg11 : memref<!tpu.dma_semaphore, #tpu.memory_space<semaphore_mem>>) src(%arg8 : memref<128xf32, #tpu.memory_space<vmem>>) dst(%dma_wait3A_141 : memref<10240xf32, #tpu.memory_space<vmem_shared>>)
    %add3A_142 = arith.constant 10112 : i32
    %add3A_143 = arith.addi %mul3A_2, %add3A_142 : i32
    %dma_wait3A_144 = tpu.memref_slice %arg2[%add3A_143] : memref<327680xi32, #tpu.memory_space<hbm>> -> memref<128xi32, #tpu.memory_space<hbm>>
    %dma_wait3A_145 = tpu.memref_slice %arg2[%add3A_143] : memref<327680xi32, #tpu.memory_space<hbm>> -> memref<128xi32, #tpu.memory_space<hbm>>
    tpu.wait_dma2 semaphore(%arg13 : memref<!tpu.dma_semaphore, #tpu.memory_space<semaphore_mem>>) src(%dma_wait3A_145 : memref<128xi32, #tpu.memory_space<hbm>>) dst(%arg6 : memref<128xi32, #tpu.memory_space<vmem>>)
    %dma_start3A_146 = arith.constant 0 : i32
    %dma_start3A_147 = tpu.memref_slice %arg9[%dma_start3A_146] : memref<10240xf32, #tpu.memory_space<vmem_shared>> -> memref<10240xf32, #tpu.memory_space<vmem_shared>>
    tpu.enqueue_indirect_dma source(%arg8 : memref<128xf32, #tpu.memory_space<vmem>>) target(%dma_start3A_147 : memref<10240xf32, #tpu.memory_space<vmem_shared>>) offsets(%arg6 : memref<128xi32, #tpu.memory_space<vmem>>) semaphore(%arg11 : memref<!tpu.dma_semaphore, #tpu.memory_space<semaphore_mem>>) {add = true}
    %dma_wait3A_148 = arith.constant 0 : i32
    %dma_wait3A_149 = tpu.memref_slice %arg9[%dma_wait3A_148] : memref<10240xf32, #tpu.memory_space<vmem_shared>> -> memref<10240xf32, #tpu.memory_space<vmem_shared>>
    tpu.wait_indirect_dma semaphore(%arg10 : memref<!tpu.dma_semaphore, #tpu.memory_space<semaphore_mem>>) src(%arg8 : memref<128xf32, #tpu.memory_space<vmem>>) dst(%dma_wait3A_149 : memref<10240xf32, #tpu.memory_space<vmem_shared>>)
    %dma_wait3A_150 = arith.constant 0 : i32
    %dma_wait3A_151 = tpu.memref_slice %arg9[%dma_wait3A_150] : memref<10240xf32, #tpu.memory_space<vmem_shared>> -> memref<10240xf32, #tpu.memory_space<vmem_shared>>
    tpu.wait_indirect_dma semaphore(%arg11 : memref<!tpu.dma_semaphore, #tpu.memory_space<semaphore_mem>>) src(%arg8 : memref<128xf32, #tpu.memory_space<vmem>>) dst(%dma_wait3A_151 : memref<10240xf32, #tpu.memory_space<vmem_shared>>)
    %barrier3A_152 = arith.constant 0 : index
    tpu.barrier barrier_id(%barrier3A_152)
    %mul3A_153 = arith.constant 640 : i32
    %mul3A_154 = arith.muli %arg1, %mul3A_153 : i32
    %mul3A_155 = arith.constant 640 : i32
    %mul3A_156 = arith.muli %arg1, %mul3A_155 : i32
    "tpu.region"() ({
      %run_scoped3A = tpu.sem_alloc : memref<!tpu.dma_semaphore, #tpu.memory_space<semaphore_mem>>
      %dma_start3A_157 = tpu.memref_slice %arg4[%arg0, %mul3A_156] : memref<2x10240xf32, #tpu.memory_space<hbm>> -> memref<1x640xf32, #tpu.memory_space<hbm>>
      %dma_start3A_158 = tpu.memref_squeeze %dma_start3A_157 : memref<1x640xf32, #tpu.memory_space<hbm>> -> memref<640xf32, #tpu.memory_space<hbm>>
      %dma_start3A_159 = tpu.memref_slice %arg9[%mul3A_154] : memref<10240xf32, #tpu.memory_space<vmem_shared>> -> memref<640xf32, #tpu.memory_space<vmem_shared>>
      tpu.enqueue_dma source(%dma_start3A_159 : memref<640xf32, #tpu.memory_space<vmem_shared>>) target(%dma_start3A_158 : memref<640xf32, #tpu.memory_space<hbm>>) target_semaphore(%run_scoped3A : memref<!tpu.dma_semaphore, #tpu.memory_space<semaphore_mem>>)
      %dma_wait3A_160 = tpu.memref_slice %arg4[%arg0, %mul3A_156] : memref<2x10240xf32, #tpu.memory_space<hbm>> -> memref<1x640xf32, #tpu.memory_space<hbm>>
      %dma_wait3A_161 = tpu.memref_squeeze %dma_wait3A_160 : memref<1x640xf32, #tpu.memory_space<hbm>> -> memref<640xf32, #tpu.memory_space<hbm>>
      %dma_wait3A_162 = tpu.memref_slice %arg9[%mul3A_154] : memref<10240xf32, #tpu.memory_space<vmem_shared>> -> memref<640xf32, #tpu.memory_space<vmem_shared>>
      tpu.wait_dma2 semaphore(%run_scoped3A : memref<!tpu.dma_semaphore, #tpu.memory_space<semaphore_mem>>) src(%dma_wait3A_162 : memref<640xf32, #tpu.memory_space<vmem_shared>>) dst(%dma_wait3A_161 : memref<640xf32, #tpu.memory_space<hbm>>)
      tpu.yield
    }) : () -> ()
    return
  }
}

#map = affine_map<(d0, d1) -> (0, 0)>
#map1 = affine_map<(d0, d1) -> (0, 0, 0)>
module attributes {stable_mosaic.version = 14 : i64} {
  func.func @_scat_body(%arg0: i32, %arg1: i32, %arg2: memref<10240x64xf32, #tpu.memory_space<hbm>>, %arg3: memref<2x327680xi32, #tpu.memory_space<hbm>>, %arg4: memref<10240x64xf32, #tpu.memory_space<hbm>>, %arg5: memref<2x10240x64xf32, #tpu.memory_space<hbm>>, %arg6: memref<2x128xi32, #tpu.memory_space<vmem>>, %arg7: memref<2x128xi32, #tpu.memory_space<vmem>>, %arg8: memref<2x128xi32, #tpu.memory_space<vmem>>, %arg9: memref<128x64xf32, #tpu.memory_space<vmem>>, %arg10: memref<128x64xf32, #tpu.memory_space<vmem>>, %arg11: memref<10240x64xf32, #tpu.memory_space<vmem_shared>>, %arg12: memref<!tpu.dma_semaphore, #tpu.memory_space<semaphore_mem>>, %arg13: memref<!tpu.dma_semaphore, #tpu.memory_space<semaphore_mem>>, %arg14: memref<!tpu.dma_semaphore, #tpu.memory_space<semaphore_mem>>, %arg15: memref<!tpu.dma_semaphore, #tpu.memory_space<semaphore_mem>>, %arg16: memref<!tpu.dma_semaphore, #tpu.memory_space<semaphore_mem>>, %arg17: memref<!tpu.dma_semaphore, #tpu.memory_space<semaphore_mem>>) attributes {dimension_semantics = [#tpu.dimension_semantics<core_parallel>, #tpu.dimension_semantics<subcore_parallel>], iteration_bounds = array<i64: 2, 16>, scalar_prefetch = 0 : i64, scratch_operands = 12 : i64, tpu.core_type = #tpu.core_type<sc_vector_subcore>, window_params = [{transform_indices = #map}, {transform_indices = #map}, {transform_indices = #map}, {transform_indices = #map1}]} {
    %mul3A = arith.constant 2 : i32
    %mul3A_0 = arith.muli %arg1, %mul3A : i32
    %add3A = arith.addi %mul3A_0, %arg0 : i32
    %mul3A_1 = arith.constant 10240 : i32
    %mul3A_2 = arith.muli %add3A, %mul3A_1 : i32
    %add3A_3 = arith.constant 0 : i32
    %add3A_4 = arith.addi %mul3A_2, %add3A_3 : i32
    %dma_start3A = arith.constant 0 : i32
    %dma_start3A_5 = tpu.memref_slice %arg3[%dma_start3A, %add3A_4] : memref<2x327680xi32, #tpu.memory_space<hbm>> -> memref<2x128xi32, #tpu.memory_space<hbm>>
    %dma_start3A_6 = arith.constant 0 : i32
    %dma_start3A_7 = tpu.memref_slice %arg3[%dma_start3A_6, %add3A_4] : memref<2x327680xi32, #tpu.memory_space<hbm>> -> memref<2x128xi32, #tpu.memory_space<hbm>>
    tpu.enqueue_dma source(%dma_start3A_7 : memref<2x128xi32, #tpu.memory_space<hbm>>) target(%arg6 : memref<2x128xi32, #tpu.memory_space<vmem>>) target_semaphore(%arg15 : memref<!tpu.dma_semaphore, #tpu.memory_space<semaphore_mem>>)
    %add3A_8 = arith.constant 128 : i32
    %add3A_9 = arith.addi %mul3A_2, %add3A_8 : i32
    %dma_start3A_10 = arith.constant 0 : i32
    %dma_start3A_11 = tpu.memref_slice %arg3[%dma_start3A_10, %add3A_9] : memref<2x327680xi32, #tpu.memory_space<hbm>> -> memref<2x128xi32, #tpu.memory_space<hbm>>
    %dma_start3A_12 = arith.constant 0 : i32
    %dma_start3A_13 = tpu.memref_slice %arg3[%dma_start3A_12, %add3A_9] : memref<2x327680xi32, #tpu.memory_space<hbm>> -> memref<2x128xi32, #tpu.memory_space<hbm>>
    tpu.enqueue_dma source(%dma_start3A_13 : memref<2x128xi32, #tpu.memory_space<hbm>>) target(%arg7 : memref<2x128xi32, #tpu.memory_space<vmem>>) target_semaphore(%arg16 : memref<!tpu.dma_semaphore, #tpu.memory_space<semaphore_mem>>)
    %add3A_14 = arith.constant 0 : i32
    %add3A_15 = arith.addi %mul3A_2, %add3A_14 : i32
    %dma_wait3A = arith.constant 0 : i32
    %dma_wait3A_16 = tpu.memref_slice %arg3[%dma_wait3A, %add3A_15] : memref<2x327680xi32, #tpu.memory_space<hbm>> -> memref<2x128xi32, #tpu.memory_space<hbm>>
    %dma_wait3A_17 = arith.constant 0 : i32
    %dma_wait3A_18 = tpu.memref_slice %arg3[%dma_wait3A_17, %add3A_15] : memref<2x327680xi32, #tpu.memory_space<hbm>> -> memref<2x128xi32, #tpu.memory_space<hbm>>
    tpu.wait_dma2 semaphore(%arg15 : memref<!tpu.dma_semaphore, #tpu.memory_space<semaphore_mem>>) src(%dma_wait3A_18 : memref<2x128xi32, #tpu.memory_space<hbm>>) dst(%arg6 : memref<2x128xi32, #tpu.memory_space<vmem>>)
    %dma_start3A_19 = arith.constant 0 : i32
    %dma_start3A_20 = arith.constant 0 : i32
    %dma_start3A_21 = tpu.memref_slice %arg6[%dma_start3A_19, %dma_start3A_20] : memref<2x128xi32, #tpu.memory_space<vmem>> -> memref<1x128xi32, #tpu.memory_space<vmem>>
    %dma_start3A_22 = tpu.memref_squeeze %dma_start3A_21 : memref<1x128xi32, #tpu.memory_space<vmem>> -> memref<128xi32, #tpu.memory_space<vmem>>
    %dma_start3A_23 = arith.constant 0 : i32
    %dma_start3A_24 = arith.constant 0 : i32
    %dma_start3A_25 = tpu.memref_slice %arg2[%dma_start3A_23, %dma_start3A_24] : memref<10240x64xf32, #tpu.memory_space<hbm>> -> memref<10240x64xf32, #tpu.memory_space<hbm>>
    tpu.enqueue_indirect_dma source(%dma_start3A_25 : memref<10240x64xf32, #tpu.memory_space<hbm>>) target(%arg9 : memref<128x64xf32, #tpu.memory_space<vmem>>) offsets(%dma_start3A_22 : memref<128xi32, #tpu.memory_space<vmem>>) semaphore(%arg12 : memref<!tpu.dma_semaphore, #tpu.memory_space<semaphore_mem>>)
    %mul3A_26 = arith.constant 640 : i32
    %mul3A_27 = arith.muli %arg1, %mul3A_26 : i32
    %mul3A_28 = arith.constant 640 : i32
    %mul3A_29 = arith.muli %arg1, %mul3A_28 : i32
    "tpu.region"() ({
      %run_scoped3A = tpu.sem_alloc : memref<!tpu.dma_semaphore, #tpu.memory_space<semaphore_mem>>
      %dma_start3A_335 = arith.constant 0 : i32
      %dma_start3A_336 = tpu.memref_slice %arg11[%mul3A_29, %dma_start3A_335] : memref<10240x64xf32, #tpu.memory_space<vmem_shared>> -> memref<640x64xf32, #tpu.memory_space<vmem_shared>>
      %dma_start3A_337 = arith.constant 0 : i32
      %dma_start3A_338 = tpu.memref_slice %arg4[%mul3A_27, %dma_start3A_337] : memref<10240x64xf32, #tpu.memory_space<hbm>> -> memref<640x64xf32, #tpu.memory_space<hbm>>
      tpu.enqueue_dma source(%dma_start3A_338 : memref<640x64xf32, #tpu.memory_space<hbm>>) target(%dma_start3A_336 : memref<640x64xf32, #tpu.memory_space<vmem_shared>>) target_semaphore(%run_scoped3A : memref<!tpu.dma_semaphore, #tpu.memory_space<semaphore_mem>>)
      %dma_wait3A_339 = arith.constant 0 : i32
      %dma_wait3A_340 = tpu.memref_slice %arg11[%mul3A_29, %dma_wait3A_339] : memref<10240x64xf32, #tpu.memory_space<vmem_shared>> -> memref<640x64xf32, #tpu.memory_space<vmem_shared>>
      %dma_wait3A_341 = arith.constant 0 : i32
      %dma_wait3A_342 = tpu.memref_slice %arg4[%mul3A_27, %dma_wait3A_341] : memref<10240x64xf32, #tpu.memory_space<hbm>> -> memref<640x64xf32, #tpu.memory_space<hbm>>
      tpu.wait_dma2 semaphore(%run_scoped3A : memref<!tpu.dma_semaphore, #tpu.memory_space<semaphore_mem>>) src(%dma_wait3A_342 : memref<640x64xf32, #tpu.memory_space<hbm>>) dst(%dma_wait3A_340 : memref<640x64xf32, #tpu.memory_space<vmem_shared>>)
      tpu.yield
    }) : () -> ()
    %barrier3A = arith.constant 0 : index
    tpu.barrier barrier_id(%barrier3A)
    %dma_wait3A_30 = arith.constant 0 : i32
    %dma_wait3A_31 = arith.constant 0 : i32
    %dma_wait3A_32 = tpu.memref_slice %arg6[%dma_wait3A_30, %dma_wait3A_31] : memref<2x128xi32, #tpu.memory_space<vmem>> -> memref<1x128xi32, #tpu.memory_space<vmem>>
    %dma_wait3A_33 = tpu.memref_squeeze %dma_wait3A_32 : memref<1x128xi32, #tpu.memory_space<vmem>> -> memref<128xi32, #tpu.memory_space<vmem>>
    %dma_wait3A_34 = arith.constant 0 : i32
    %dma_wait3A_35 = arith.constant 0 : i32
    %dma_wait3A_36 = tpu.memref_slice %arg2[%dma_wait3A_34, %dma_wait3A_35] : memref<10240x64xf32, #tpu.memory_space<hbm>> -> memref<10240x64xf32, #tpu.memory_space<hbm>>
    tpu.wait_indirect_dma semaphore(%arg12 : memref<!tpu.dma_semaphore, #tpu.memory_space<semaphore_mem>>) src(%dma_wait3A_36 : memref<10240x64xf32, #tpu.memory_space<hbm>>) dst(%arg9 : memref<128x64xf32, #tpu.memory_space<vmem>>)
    %dma_start3A_37 = arith.constant 1 : i32
    %dma_start3A_38 = arith.constant 0 : i32
    %dma_start3A_39 = tpu.memref_slice %arg6[%dma_start3A_37, %dma_start3A_38] : memref<2x128xi32, #tpu.memory_space<vmem>> -> memref<1x128xi32, #tpu.memory_space<vmem>>
    %dma_start3A_40 = tpu.memref_squeeze %dma_start3A_39 : memref<1x128xi32, #tpu.memory_space<vmem>> -> memref<128xi32, #tpu.memory_space<vmem>>
    %dma_start3A_41 = arith.constant 0 : i32
    %dma_start3A_42 = arith.constant 0 : i32
    %dma_start3A_43 = tpu.memref_slice %arg11[%dma_start3A_41, %dma_start3A_42] : memref<10240x64xf32, #tpu.memory_space<vmem_shared>> -> memref<10240x64xf32, #tpu.memory_space<vmem_shared>>
    tpu.enqueue_indirect_dma source(%arg9 : memref<128x64xf32, #tpu.memory_space<vmem>>) target(%dma_start3A_43 : memref<10240x64xf32, #tpu.memory_space<vmem_shared>>) offsets(%dma_start3A_40 : memref<128xi32, #tpu.memory_space<vmem>>) semaphore(%arg13 : memref<!tpu.dma_semaphore, #tpu.memory_space<semaphore_mem>>) {add = true}
    %add3A_44 = arith.constant 128 : i32
    %add3A_45 = arith.addi %mul3A_2, %add3A_44 : i32
    %dma_wait3A_46 = arith.constant 0 : i32
    %dma_wait3A_47 = tpu.memref_slice %arg3[%dma_wait3A_46, %add3A_45] : memref<2x327680xi32, #tpu.memory_space<hbm>> -> memref<2x128xi32, #tpu.memory_space<hbm>>
    %dma_wait3A_48 = arith.constant 0 : i32
    %dma_wait3A_49 = tpu.memref_slice %arg3[%dma_wait3A_48, %add3A_45] : memref<2x327680xi32, #tpu.memory_space<hbm>> -> memref<2x128xi32, #tpu.memory_space<hbm>>
    tpu.wait_dma2 semaphore(%arg16 : memref<!tpu.dma_semaphore, #tpu.memory_space<semaphore_mem>>) src(%dma_wait3A_49 : memref<2x128xi32, #tpu.memory_space<hbm>>) dst(%arg7 : memref<2x128xi32, #tpu.memory_space<vmem>>)
    %dma_start3A_50 = arith.constant 0 : i32
    %dma_start3A_51 = arith.constant 0 : i32
    %dma_start3A_52 = tpu.memref_slice %arg7[%dma_start3A_50, %dma_start3A_51] : memref<2x128xi32, #tpu.memory_space<vmem>> -> memref<1x128xi32, #tpu.memory_space<vmem>>
    %dma_start3A_53 = tpu.memref_squeeze %dma_start3A_52 : memref<1x128xi32, #tpu.memory_space<vmem>> -> memref<128xi32, #tpu.memory_space<vmem>>
    %dma_start3A_54 = arith.constant 0 : i32
    %dma_start3A_55 = arith.constant 0 : i32
    %dma_start3A_56 = tpu.memref_slice %arg2[%dma_start3A_54, %dma_start3A_55] : memref<10240x64xf32, #tpu.memory_space<hbm>> -> memref<10240x64xf32, #tpu.memory_space<hbm>>
    tpu.enqueue_indirect_dma source(%dma_start3A_56 : memref<10240x64xf32, #tpu.memory_space<hbm>>) target(%arg10 : memref<128x64xf32, #tpu.memory_space<vmem>>) offsets(%dma_start3A_53 : memref<128xi32, #tpu.memory_space<vmem>>) semaphore(%arg12 : memref<!tpu.dma_semaphore, #tpu.memory_space<semaphore_mem>>)
    %add3A_57 = arith.constant 256 : i32
    %add3A_58 = arith.addi %mul3A_2, %add3A_57 : i32
    %dma_start3A_59 = arith.constant 0 : i32
    %dma_start3A_60 = tpu.memref_slice %arg3[%dma_start3A_59, %add3A_58] : memref<2x327680xi32, #tpu.memory_space<hbm>> -> memref<2x128xi32, #tpu.memory_space<hbm>>
    %dma_start3A_61 = arith.constant 0 : i32
    %dma_start3A_62 = tpu.memref_slice %arg3[%dma_start3A_61, %add3A_58] : memref<2x327680xi32, #tpu.memory_space<hbm>> -> memref<2x128xi32, #tpu.memory_space<hbm>>
    tpu.enqueue_dma source(%dma_start3A_62 : memref<2x128xi32, #tpu.memory_space<hbm>>) target(%arg8 : memref<2x128xi32, #tpu.memory_space<vmem>>) target_semaphore(%arg17 : memref<!tpu.dma_semaphore, #tpu.memory_space<semaphore_mem>>)
    %dma_wait3A_63 = arith.constant 0 : i32
    %dma_wait3A_64 = arith.constant 0 : i32
    %dma_wait3A_65 = tpu.memref_slice %arg7[%dma_wait3A_63, %dma_wait3A_64] : memref<2x128xi32, #tpu.memory_space<vmem>> -> memref<1x128xi32, #tpu.memory_space<vmem>>
    %dma_wait3A_66 = tpu.memref_squeeze %dma_wait3A_65 : memref<1x128xi32, #tpu.memory_space<vmem>> -> memref<128xi32, #tpu.memory_space<vmem>>
    %dma_wait3A_67 = arith.constant 0 : i32
    %dma_wait3A_68 = arith.constant 0 : i32
    %dma_wait3A_69 = tpu.memref_slice %arg2[%dma_wait3A_67, %dma_wait3A_68] : memref<10240x64xf32, #tpu.memory_space<hbm>> -> memref<10240x64xf32, #tpu.memory_space<hbm>>
    tpu.wait_indirect_dma semaphore(%arg12 : memref<!tpu.dma_semaphore, #tpu.memory_space<semaphore_mem>>) src(%dma_wait3A_69 : memref<10240x64xf32, #tpu.memory_space<hbm>>) dst(%arg10 : memref<128x64xf32, #tpu.memory_space<vmem>>)
    %dma_start3A_70 = arith.constant 1 : i32
    %dma_start3A_71 = arith.constant 0 : i32
    %dma_start3A_72 = tpu.memref_slice %arg7[%dma_start3A_70, %dma_start3A_71] : memref<2x128xi32, #tpu.memory_space<vmem>> -> memref<1x128xi32, #tpu.memory_space<vmem>>
    %dma_start3A_73 = tpu.memref_squeeze %dma_start3A_72 : memref<1x128xi32, #tpu.memory_space<vmem>> -> memref<128xi32, #tpu.memory_space<vmem>>
    %dma_start3A_74 = arith.constant 0 : i32
    %dma_start3A_75 = arith.constant 0 : i32
    %dma_start3A_76 = tpu.memref_slice %arg11[%dma_start3A_74, %dma_start3A_75] : memref<10240x64xf32, #tpu.memory_space<vmem_shared>> -> memref<10240x64xf32, #tpu.memory_space<vmem_shared>>
    tpu.enqueue_indirect_dma source(%arg10 : memref<128x64xf32, #tpu.memory_space<vmem>>) target(%dma_start3A_76 : memref<10240x64xf32, #tpu.memory_space<vmem_shared>>) offsets(%dma_start3A_73 : memref<128xi32, #tpu.memory_space<vmem>>) semaphore(%arg14 : memref<!tpu.dma_semaphore, #tpu.memory_space<semaphore_mem>>) {add = true}
    %dma_wait3A_77 = arith.constant 1 : i32
    %dma_wait3A_78 = arith.constant 0 : i32
    %dma_wait3A_79 = tpu.memref_slice %arg6[%dma_wait3A_77, %dma_wait3A_78] : memref<2x128xi32, #tpu.memory_space<vmem>> -> memref<1x128xi32, #tpu.memory_space<vmem>>
    %dma_wait3A_80 = tpu.memref_squeeze %dma_wait3A_79 : memref<1x128xi32, #tpu.memory_space<vmem>> -> memref<128xi32, #tpu.memory_space<vmem>>
    %dma_wait3A_81 = arith.constant 0 : i32
    %dma_wait3A_82 = arith.constant 0 : i32
    %dma_wait3A_83 = tpu.memref_slice %arg11[%dma_wait3A_81, %dma_wait3A_82] : memref<10240x64xf32, #tpu.memory_space<vmem_shared>> -> memref<10240x64xf32, #tpu.memory_space<vmem_shared>>
    tpu.wait_indirect_dma semaphore(%arg13 : memref<!tpu.dma_semaphore, #tpu.memory_space<semaphore_mem>>) src(%arg9 : memref<128x64xf32, #tpu.memory_space<vmem>>) dst(%dma_wait3A_83 : memref<10240x64xf32, #tpu.memory_space<vmem_shared>>)
    %add3A_84 = arith.constant 256 : i32
    %add3A_85 = arith.addi %mul3A_2, %add3A_84 : i32
    %dma_wait3A_86 = arith.constant 0 : i32
    %dma_wait3A_87 = tpu.memref_slice %arg3[%dma_wait3A_86, %add3A_85] : memref<2x327680xi32, #tpu.memory_space<hbm>> -> memref<2x128xi32, #tpu.memory_space<hbm>>
    %dma_wait3A_88 = arith.constant 0 : i32
    %dma_wait3A_89 = tpu.memref_slice %arg3[%dma_wait3A_88, %add3A_85] : memref<2x327680xi32, #tpu.memory_space<hbm>> -> memref<2x128xi32, #tpu.memory_space<hbm>>
    tpu.wait_dma2 semaphore(%arg17 : memref<!tpu.dma_semaphore, #tpu.memory_space<semaphore_mem>>) src(%dma_wait3A_89 : memref<2x128xi32, #tpu.memory_space<hbm>>) dst(%arg8 : memref<2x128xi32, #tpu.memory_space<vmem>>)
    %dma_start3A_90 = arith.constant 0 : i32
    %dma_start3A_91 = arith.constant 0 : i32
    %dma_start3A_92 = tpu.memref_slice %arg8[%dma_start3A_90, %dma_start3A_91] : memref<2x128xi32, #tpu.memory_space<vmem>> -> memref<1x128xi32, #tpu.memory_space<vmem>>
    %dma_start3A_93 = tpu.memref_squeeze %dma_start3A_92 : memref<1x128xi32, #tpu.memory_space<vmem>> -> memref<128xi32, #tpu.memory_space<vmem>>
    %dma_start3A_94 = arith.constant 0 : i32
    %dma_start3A_95 = arith.constant 0 : i32
    %dma_start3A_96 = tpu.memref_slice %arg2[%dma_start3A_94, %dma_start3A_95] : memref<10240x64xf32, #tpu.memory_space<hbm>> -> memref<10240x64xf32, #tpu.memory_space<hbm>>
    tpu.enqueue_indirect_dma source(%dma_start3A_96 : memref<10240x64xf32, #tpu.memory_space<hbm>>) target(%arg9 : memref<128x64xf32, #tpu.memory_space<vmem>>) offsets(%dma_start3A_93 : memref<128xi32, #tpu.memory_space<vmem>>) semaphore(%arg12 : memref<!tpu.dma_semaphore, #tpu.memory_space<semaphore_mem>>)
    %add3A_97 = arith.constant 384 : i32
    %add3A_98 = arith.addi %mul3A_2, %add3A_97 : i32
    %dma_start3A_99 = arith.constant 0 : i32
    %dma_start3A_100 = tpu.memref_slice %arg3[%dma_start3A_99, %add3A_98] : memref<2x327680xi32, #tpu.memory_space<hbm>> -> memref<2x128xi32, #tpu.memory_space<hbm>>
    %dma_start3A_101 = arith.constant 0 : i32
    %dma_start3A_102 = tpu.memref_slice %arg3[%dma_start3A_101, %add3A_98] : memref<2x327680xi32, #tpu.memory_space<hbm>> -> memref<2x128xi32, #tpu.memory_space<hbm>>
    tpu.enqueue_dma source(%dma_start3A_102 : memref<2x128xi32, #tpu.memory_space<hbm>>) target(%arg6 : memref<2x128xi32, #tpu.memory_space<vmem>>) target_semaphore(%arg15 : memref<!tpu.dma_semaphore, #tpu.memory_space<semaphore_mem>>)
    %dma_wait3A_103 = arith.constant 0 : i32
    %dma_wait3A_104 = arith.constant 0 : i32
    %dma_wait3A_105 = tpu.memref_slice %arg8[%dma_wait3A_103, %dma_wait3A_104] : memref<2x128xi32, #tpu.memory_space<vmem>> -> memref<1x128xi32, #tpu.memory_space<vmem>>
    %dma_wait3A_106 = tpu.memref_squeeze %dma_wait3A_105 : memref<1x128xi32, #tpu.memory_space<vmem>> -> memref<128xi32, #tpu.memory_space<vmem>>
    %dma_wait3A_107 = arith.constant 0 : i32
    %dma_wait3A_108 = arith.constant 0 : i32
    %dma_wait3A_109 = tpu.memref_slice %arg2[%dma_wait3A_107, %dma_wait3A_108] : memref<10240x64xf32, #tpu.memory_space<hbm>> -> memref<10240x64xf32, #tpu.memory_space<hbm>>
    tpu.wait_indirect_dma semaphore(%arg12 : memref<!tpu.dma_semaphore, #tpu.memory_space<semaphore_mem>>) src(%dma_wait3A_109 : memref<10240x64xf32, #tpu.memory_space<hbm>>) dst(%arg9 : memref<128x64xf32, #tpu.memory_space<vmem>>)
    %dma_start3A_110 = arith.constant 1 : i32
    %dma_start3A_111 = arith.constant 0 : i32
    %dma_start3A_112 = tpu.memref_slice %arg8[%dma_start3A_110, %dma_start3A_111] : memref<2x128xi32, #tpu.memory_space<vmem>> -> memref<1x128xi32, #tpu.memory_space<vmem>>
    %dma_start3A_113 = tpu.memref_squeeze %dma_start3A_112 : memref<1x128xi32, #tpu.memory_space<vmem>> -> memref<128xi32, #tpu.memory_space<vmem>>
    %dma_start3A_114 = arith.constant 0 : i32
    %dma_start3A_115 = arith.constant 0 : i32
    %dma_start3A_116 = tpu.memref_slice %arg11[%dma_start3A_114, %dma_start3A_115] : memref<10240x64xf32, #tpu.memory_space<vmem_shared>> -> memref<10240x64xf32, #tpu.memory_space<vmem_shared>>
    tpu.enqueue_indirect_dma source(%arg9 : memref<128x64xf32, #tpu.memory_space<vmem>>) target(%dma_start3A_116 : memref<10240x64xf32, #tpu.memory_space<vmem_shared>>) offsets(%dma_start3A_113 : memref<128xi32, #tpu.memory_space<vmem>>) semaphore(%arg13 : memref<!tpu.dma_semaphore, #tpu.memory_space<semaphore_mem>>) {add = true}
    %dma_wait3A_117 = arith.constant 1 : i32
    %dma_wait3A_118 = arith.constant 0 : i32
    %dma_wait3A_119 = tpu.memref_slice %arg7[%dma_wait3A_117, %dma_wait3A_118] : memref<2x128xi32, #tpu.memory_space<vmem>> -> memref<1x128xi32, #tpu.memory_space<vmem>>
    %dma_wait3A_120 = tpu.memref_squeeze %dma_wait3A_119 : memref<1x128xi32, #tpu.memory_space<vmem>> -> memref<128xi32, #tpu.memory_space<vmem>>
    %dma_wait3A_121 = arith.constant 0 : i32
    %dma_wait3A_122 = arith.constant 0 : i32
    %dma_wait3A_123 = tpu.memref_slice %arg11[%dma_wait3A_121, %dma_wait3A_122] : memref<10240x64xf32, #tpu.memory_space<vmem_shared>> -> memref<10240x64xf32, #tpu.memory_space<vmem_shared>>
    tpu.wait_indirect_dma semaphore(%arg14 : memref<!tpu.dma_semaphore, #tpu.memory_space<semaphore_mem>>) src(%arg10 : memref<128x64xf32, #tpu.memory_space<vmem>>) dst(%dma_wait3A_123 : memref<10240x64xf32, #tpu.memory_space<vmem_shared>>)
    %add3A_124 = arith.constant 384 : i32
    %add3A_125 = arith.addi %mul3A_2, %add3A_124 : i32
    %dma_wait3A_126 = arith.constant 0 : i32
    %dma_wait3A_127 = tpu.memref_slice %arg3[%dma_wait3A_126, %add3A_125] : memref<2x327680xi32, #tpu.memory_space<hbm>> -> memref<2x128xi32, #tpu.memory_space<hbm>>
    %dma_wait3A_128 = arith.constant 0 : i32
    %dma_wait3A_129 = tpu.memref_slice %arg3[%dma_wait3A_128, %add3A_125] : memref<2x327680xi32, #tpu.memory_space<hbm>> -> memref<2x128xi32, #tpu.memory_space<hbm>>
    tpu.wait_dma2 semaphore(%arg15 : memref<!tpu.dma_semaphore, #tpu.memory_space<semaphore_mem>>) src(%dma_wait3A_129 : memref<2x128xi32, #tpu.memory_space<hbm>>) dst(%arg6 : memref<2x128xi32, #tpu.memory_space<vmem>>)
    %dma_start3A_130 = arith.constant 0 : i32
    %dma_start3A_131 = arith.constant 0 : i32
    %dma_start3A_132 = tpu.memref_slice %arg6[%dma_start3A_130, %dma_start3A_131] : memref<2x128xi32, #tpu.memory_space<vmem>> -> memref<1x128xi32, #tpu.memory_space<vmem>>
    %dma_start3A_133 = tpu.memref_squeeze %dma_start3A_132 : memref<1x128xi32, #tpu.memory_space<vmem>> -> memref<128xi32, #tpu.memory_space<vmem>>
    %dma_start3A_134 = arith.constant 0 : i32
    %dma_start3A_135 = arith.constant 0 : i32
    %dma_start3A_136 = tpu.memref_slice %arg2[%dma_start3A_134, %dma_start3A_135] : memref<10240x64xf32, #tpu.memory_space<hbm>> -> memref<10240x64xf32, #tpu.memory_space<hbm>>
    tpu.enqueue_indirect_dma source(%dma_start3A_136 : memref<10240x64xf32, #tpu.memory_space<hbm>>) target(%arg10 : memref<128x64xf32, #tpu.memory_space<vmem>>) offsets(%dma_start3A_133 : memref<128xi32, #tpu.memory_space<vmem>>) semaphore(%arg12 : memref<!tpu.dma_semaphore, #tpu.memory_space<semaphore_mem>>)
    %add3A_137 = arith.constant 512 : i32
    %add3A_138 = arith.addi %mul3A_2, %add3A_137 : i32
    %dma_start3A_139 = arith.constant 0 : i32
    %dma_start3A_140 = tpu.memref_slice %arg3[%dma_start3A_139, %add3A_138] : memref<2x327680xi32, #tpu.memory_space<hbm>> -> memref<2x128xi32, #tpu.memory_space<hbm>>
    %dma_start3A_141 = arith.constant 0 : i32
    %dma_start3A_142 = tpu.memref_slice %arg3[%dma_start3A_141, %add3A_138] : memref<2x327680xi32, #tpu.memory_space<hbm>> -> memref<2x128xi32, #tpu.memory_space<hbm>>
    tpu.enqueue_dma source(%dma_start3A_142 : memref<2x128xi32, #tpu.memory_space<hbm>>) target(%arg7 : memref<2x128xi32, #tpu.memory_space<vmem>>) target_semaphore(%arg16 : memref<!tpu.dma_semaphore, #tpu.memory_space<semaphore_mem>>)
    %dma_wait3A_143 = arith.constant 0 : i32
    %dma_wait3A_144 = arith.constant 0 : i32
    %dma_wait3A_145 = tpu.memref_slice %arg6[%dma_wait3A_143, %dma_wait3A_144] : memref<2x128xi32, #tpu.memory_space<vmem>> -> memref<1x128xi32, #tpu.memory_space<vmem>>
    %dma_wait3A_146 = tpu.memref_squeeze %dma_wait3A_145 : memref<1x128xi32, #tpu.memory_space<vmem>> -> memref<128xi32, #tpu.memory_space<vmem>>
    %dma_wait3A_147 = arith.constant 0 : i32
    %dma_wait3A_148 = arith.constant 0 : i32
    %dma_wait3A_149 = tpu.memref_slice %arg2[%dma_wait3A_147, %dma_wait3A_148] : memref<10240x64xf32, #tpu.memory_space<hbm>> -> memref<10240x64xf32, #tpu.memory_space<hbm>>
    tpu.wait_indirect_dma semaphore(%arg12 : memref<!tpu.dma_semaphore, #tpu.memory_space<semaphore_mem>>) src(%dma_wait3A_149 : memref<10240x64xf32, #tpu.memory_space<hbm>>) dst(%arg10 : memref<128x64xf32, #tpu.memory_space<vmem>>)
    %dma_start3A_150 = arith.constant 1 : i32
    %dma_start3A_151 = arith.constant 0 : i32
    %dma_start3A_152 = tpu.memref_slice %arg6[%dma_start3A_150, %dma_start3A_151] : memref<2x128xi32, #tpu.memory_space<vmem>> -> memref<1x128xi32, #tpu.memory_space<vmem>>
    %dma_start3A_153 = tpu.memref_squeeze %dma_start3A_152 : memref<1x128xi32, #tpu.memory_space<vmem>> -> memref<128xi32, #tpu.memory_space<vmem>>
    %dma_start3A_154 = arith.constant 0 : i32
    %dma_start3A_155 = arith.constant 0 : i32
    %dma_start3A_156 = tpu.memref_slice %arg11[%dma_start3A_154, %dma_start3A_155] : memref<10240x64xf32, #tpu.memory_space<vmem_shared>> -> memref<10240x64xf32, #tpu.memory_space<vmem_shared>>
    tpu.enqueue_indirect_dma source(%arg10 : memref<128x64xf32, #tpu.memory_space<vmem>>) target(%dma_start3A_156 : memref<10240x64xf32, #tpu.memory_space<vmem_shared>>) offsets(%dma_start3A_153 : memref<128xi32, #tpu.memory_space<vmem>>) semaphore(%arg14 : memref<!tpu.dma_semaphore, #tpu.memory_space<semaphore_mem>>) {add = true}
    %dma_wait3A_157 = arith.constant 1 : i32
    %dma_wait3A_158 = arith.constant 0 : i32
    %dma_wait3A_159 = tpu.memref_slice %arg8[%dma_wait3A_157, %dma_wait3A_158] : memref<2x128xi32, #tpu.memory_space<vmem>> -> memref<1x128xi32, #tpu.memory_space<vmem>>
    %dma_wait3A_160 = tpu.memref_squeeze %dma_wait3A_159 : memref<1x128xi32, #tpu.memory_space<vmem>> -> memref<128xi32, #tpu.memory_space<vmem>>
    %dma_wait3A_161 = arith.constant 0 : i32
    %dma_wait3A_162 = arith.constant 0 : i32
    %dma_wait3A_163 = tpu.memref_slice %arg11[%dma_wait3A_161, %dma_wait3A_162] : memref<10240x64xf32, #tpu.memory_space<vmem_shared>> -> memref<10240x64xf32, #tpu.memory_space<vmem_shared>>
    tpu.wait_indirect_dma semaphore(%arg13 : memref<!tpu.dma_semaphore, #tpu.memory_space<semaphore_mem>>) src(%arg9 : memref<128x64xf32, #tpu.memory_space<vmem>>) dst(%dma_wait3A_163 : memref<10240x64xf32, #tpu.memory_space<vmem_shared>>)
    %add3A_164 = arith.constant 512 : i32
    %add3A_165 = arith.addi %mul3A_2, %add3A_164 : i32
    %dma_wait3A_166 = arith.constant 0 : i32
    %dma_wait3A_167 = tpu.memref_slice %arg3[%dma_wait3A_166, %add3A_165] : memref<2x327680xi32, #tpu.memory_space<hbm>> -> memref<2x128xi32, #tpu.memory_space<hbm>>
    %dma_wait3A_168 = arith.constant 0 : i32
    %dma_wait3A_169 = tpu.memref_slice %arg3[%dma_wait3A_168, %add3A_165] : memref<2x327680xi32, #tpu.memory_space<hbm>> -> memref<2x128xi32, #tpu.memory_space<hbm>>
    tpu.wait_dma2 semaphore(%arg16 : memref<!tpu.dma_semaphore, #tpu.memory_space<semaphore_mem>>) src(%dma_wait3A_169 : memref<2x128xi32, #tpu.memory_space<hbm>>) dst(%arg7 : memref<2x128xi32, #tpu.memory_space<vmem>>)
    %dma_start3A_170 = arith.constant 0 : i32
    %dma_start3A_171 = arith.constant 0 : i32
    %dma_start3A_172 = tpu.memref_slice %arg7[%dma_start3A_170, %dma_start3A_171] : memref<2x128xi32, #tpu.memory_space<vmem>> -> memref<1x128xi32, #tpu.memory_space<vmem>>
    %dma_start3A_173 = tpu.memref_squeeze %dma_start3A_172 : memref<1x128xi32, #tpu.memory_space<vmem>> -> memref<128xi32, #tpu.memory_space<vmem>>
    %dma_start3A_174 = arith.constant 0 : i32
    %dma_start3A_175 = arith.constant 0 : i32
    %dma_start3A_176 = tpu.memref_slice %arg2[%dma_start3A_174, %dma_start3A_175] : memref<10240x64xf32, #tpu.memory_space<hbm>> -> memref<10240x64xf32, #tpu.memory_space<hbm>>
    tpu.enqueue_indirect_dma source(%dma_start3A_176 : memref<10240x64xf32, #tpu.memory_space<hbm>>) target(%arg9 : memref<128x64xf32, #tpu.memory_space<vmem>>) offsets(%dma_start3A_173 : memref<128xi32, #tpu.memory_space<vmem>>) semaphore(%arg12 : memref<!tpu.dma_semaphore, #tpu.memory_space<semaphore_mem>>)
    %add3A_177 = arith.constant 640 : i32
    %add3A_178 = arith.addi %mul3A_2, %add3A_177 : i32
    %dma_start3A_179 = arith.constant 0 : i32
    %dma_start3A_180 = tpu.memref_slice %arg3[%dma_start3A_179, %add3A_178] : memref<2x327680xi32, #tpu.memory_space<hbm>> -> memref<2x128xi32, #tpu.memory_space<hbm>>
    %dma_start3A_181 = arith.constant 0 : i32
    %dma_start3A_182 = tpu.memref_slice %arg3[%dma_start3A_181, %add3A_178] : memref<2x327680xi32, #tpu.memory_space<hbm>> -> memref<2x128xi32, #tpu.memory_space<hbm>>
    tpu.enqueue_dma source(%dma_start3A_182 : memref<2x128xi32, #tpu.memory_space<hbm>>) target(%arg8 : memref<2x128xi32, #tpu.memory_space<vmem>>) target_semaphore(%arg17 : memref<!tpu.dma_semaphore, #tpu.memory_space<semaphore_mem>>)
    %dma_wait3A_183 = arith.constant 0 : i32
    %dma_wait3A_184 = arith.constant 0 : i32
    %dma_wait3A_185 = tpu.memref_slice %arg7[%dma_wait3A_183, %dma_wait3A_184] : memref<2x128xi32, #tpu.memory_space<vmem>> -> memref<1x128xi32, #tpu.memory_space<vmem>>
    %dma_wait3A_186 = tpu.memref_squeeze %dma_wait3A_185 : memref<1x128xi32, #tpu.memory_space<vmem>> -> memref<128xi32, #tpu.memory_space<vmem>>
    %dma_wait3A_187 = arith.constant 0 : i32
    %dma_wait3A_188 = arith.constant 0 : i32
    %dma_wait3A_189 = tpu.memref_slice %arg2[%dma_wait3A_187, %dma_wait3A_188] : memref<10240x64xf32, #tpu.memory_space<hbm>> -> memref<10240x64xf32, #tpu.memory_space<hbm>>
    tpu.wait_indirect_dma semaphore(%arg12 : memref<!tpu.dma_semaphore, #tpu.memory_space<semaphore_mem>>) src(%dma_wait3A_189 : memref<10240x64xf32, #tpu.memory_space<hbm>>) dst(%arg9 : memref<128x64xf32, #tpu.memory_space<vmem>>)
    %dma_start3A_190 = arith.constant 1 : i32
    %dma_start3A_191 = arith.constant 0 : i32
    %dma_start3A_192 = tpu.memref_slice %arg7[%dma_start3A_190, %dma_start3A_191] : memref<2x128xi32, #tpu.memory_space<vmem>> -> memref<1x128xi32, #tpu.memory_space<vmem>>
    %dma_start3A_193 = tpu.memref_squeeze %dma_start3A_192 : memref<1x128xi32, #tpu.memory_space<vmem>> -> memref<128xi32, #tpu.memory_space<vmem>>
    %dma_start3A_194 = arith.constant 0 : i32
    %dma_start3A_195 = arith.constant 0 : i32
    %dma_start3A_196 = tpu.memref_slice %arg11[%dma_start3A_194, %dma_start3A_195] : memref<10240x64xf32, #tpu.memory_space<vmem_shared>> -> memref<10240x64xf32, #tpu.memory_space<vmem_shared>>
    tpu.enqueue_indirect_dma source(%arg9 : memref<128x64xf32, #tpu.memory_space<vmem>>) target(%dma_start3A_196 : memref<10240x64xf32, #tpu.memory_space<vmem_shared>>) offsets(%dma_start3A_193 : memref<128xi32, #tpu.memory_space<vmem>>) semaphore(%arg13 : memref<!tpu.dma_semaphore, #tpu.memory_space<semaphore_mem>>) {add = true}
    %dma_wait3A_197 = arith.constant 1 : i32
    %dma_wait3A_198 = arith.constant 0 : i32
    %dma_wait3A_199 = tpu.memref_slice %arg6[%dma_wait3A_197, %dma_wait3A_198] : memref<2x128xi32, #tpu.memory_space<vmem>> -> memref<1x128xi32, #tpu.memory_space<vmem>>
    %dma_wait3A_200 = tpu.memref_squeeze %dma_wait3A_199 : memref<1x128xi32, #tpu.memory_space<vmem>> -> memref<128xi32, #tpu.memory_space<vmem>>
    %dma_wait3A_201 = arith.constant 0 : i32
    %dma_wait3A_202 = arith.constant 0 : i32
    %dma_wait3A_203 = tpu.memref_slice %arg11[%dma_wait3A_201, %dma_wait3A_202] : memref<10240x64xf32, #tpu.memory_space<vmem_shared>> -> memref<10240x64xf32, #tpu.memory_space<vmem_shared>>
    tpu.wait_indirect_dma semaphore(%arg14 : memref<!tpu.dma_semaphore, #tpu.memory_space<semaphore_mem>>) src(%arg10 : memref<128x64xf32, #tpu.memory_space<vmem>>) dst(%dma_wait3A_203 : memref<10240x64xf32, #tpu.memory_space<vmem_shared>>)
    %add3A_204 = arith.constant 640 : i32
    %add3A_205 = arith.addi %mul3A_2, %add3A_204 : i32
    %dma_wait3A_206 = arith.constant 0 : i32
    %dma_wait3A_207 = tpu.memref_slice %arg3[%dma_wait3A_206, %add3A_205] : memref<2x327680xi32, #tpu.memory_space<hbm>> -> memref<2x128xi32, #tpu.memory_space<hbm>>
    %dma_wait3A_208 = arith.constant 0 : i32
    %dma_wait3A_209 = tpu.memref_slice %arg3[%dma_wait3A_208, %add3A_205] : memref<2x327680xi32, #tpu.memory_space<hbm>> -> memref<2x128xi32, #tpu.memory_space<hbm>>
    tpu.wait_dma2 semaphore(%arg17 : memref<!tpu.dma_semaphore, #tpu.memory_space<semaphore_mem>>) src(%dma_wait3A_209 : memref<2x128xi32, #tpu.memory_space<hbm>>) dst(%arg8 : memref<2x128xi32, #tpu.memory_space<vmem>>)
    %dma_start3A_210 = arith.constant 0 : i32
    %dma_start3A_211 = arith.constant 0 : i32
    %dma_start3A_212 = tpu.memref_slice %arg8[%dma_start3A_210, %dma_start3A_211] : memref<2x128xi32, #tpu.memory_space<vmem>> -> memref<1x128xi32, #tpu.memory_space<vmem>>
    %dma_start3A_213 = tpu.memref_squeeze %dma_start3A_212 : memref<1x128xi32, #tpu.memory_space<vmem>> -> memref<128xi32, #tpu.memory_space<vmem>>
    %dma_start3A_214 = arith.constant 0 : i32
    %dma_start3A_215 = arith.constant 0 : i32
    %dma_start3A_216 = tpu.memref_slice %arg2[%dma_start3A_214, %dma_start3A_215] : memref<10240x64xf32, #tpu.memory_space<hbm>> -> memref<10240x64xf32, #tpu.memory_space<hbm>>
    tpu.enqueue_indirect_dma source(%dma_start3A_216 : memref<10240x64xf32, #tpu.memory_space<hbm>>) target(%arg10 : memref<128x64xf32, #tpu.memory_space<vmem>>) offsets(%dma_start3A_213 : memref<128xi32, #tpu.memory_space<vmem>>) semaphore(%arg12 : memref<!tpu.dma_semaphore, #tpu.memory_space<semaphore_mem>>)
    %add3A_217 = arith.constant 768 : i32
    %add3A_218 = arith.addi %mul3A_2, %add3A_217 : i32
    %dma_start3A_219 = arith.constant 0 : i32
    %dma_start3A_220 = tpu.memref_slice %arg3[%dma_start3A_219, %add3A_218] : memref<2x327680xi32, #tpu.memory_space<hbm>> -> memref<2x128xi32, #tpu.memory_space<hbm>>
    %dma_start3A_221 = arith.constant 0 : i32
    %dma_start3A_222 = tpu.memref_slice %arg3[%dma_start3A_221, %add3A_218] : memref<2x327680xi32, #tpu.memory_space<hbm>> -> memref<2x128xi32, #tpu.memory_space<hbm>>
    tpu.enqueue_dma source(%dma_start3A_222 : memref<2x128xi32, #tpu.memory_space<hbm>>) target(%arg6 : memref<2x128xi32, #tpu.memory_space<vmem>>) target_semaphore(%arg15 : memref<!tpu.dma_semaphore, #tpu.memory_space<semaphore_mem>>)
    %dma_wait3A_223 = arith.constant 0 : i32
    %dma_wait3A_224 = arith.constant 0 : i32
    %dma_wait3A_225 = tpu.memref_slice %arg8[%dma_wait3A_223, %dma_wait3A_224] : memref<2x128xi32, #tpu.memory_space<vmem>> -> memref<1x128xi32, #tpu.memory_space<vmem>>
    %dma_wait3A_226 = tpu.memref_squeeze %dma_wait3A_225 : memref<1x128xi32, #tpu.memory_space<vmem>> -> memref<128xi32, #tpu.memory_space<vmem>>
    %dma_wait3A_227 = arith.constant 0 : i32
    %dma_wait3A_228 = arith.constant 0 : i32
    %dma_wait3A_229 = tpu.memref_slice %arg2[%dma_wait3A_227, %dma_wait3A_228] : memref<10240x64xf32, #tpu.memory_space<hbm>> -> memref<10240x64xf32, #tpu.memory_space<hbm>>
    tpu.wait_indirect_dma semaphore(%arg12 : memref<!tpu.dma_semaphore, #tpu.memory_space<semaphore_mem>>) src(%dma_wait3A_229 : memref<10240x64xf32, #tpu.memory_space<hbm>>) dst(%arg10 : memref<128x64xf32, #tpu.memory_space<vmem>>)
    %dma_start3A_230 = arith.constant 1 : i32
    %dma_start3A_231 = arith.constant 0 : i32
    %dma_start3A_232 = tpu.memref_slice %arg8[%dma_start3A_230, %dma_start3A_231] : memref<2x128xi32, #tpu.memory_space<vmem>> -> memref<1x128xi32, #tpu.memory_space<vmem>>
    %dma_start3A_233 = tpu.memref_squeeze %dma_start3A_232 : memref<1x128xi32, #tpu.memory_space<vmem>> -> memref<128xi32, #tpu.memory_space<vmem>>
    %dma_start3A_234 = arith.constant 0 : i32
    %dma_start3A_235 = arith.constant 0 : i32
    %dma_start3A_236 = tpu.memref_slice %arg11[%dma_start3A_234, %dma_start3A_235] : memref<10240x64xf32, #tpu.memory_space<vmem_shared>> -> memref<10240x64xf32, #tpu.memory_space<vmem_shared>>
    tpu.enqueue_indirect_dma source(%arg10 : memref<128x64xf32, #tpu.memory_space<vmem>>) target(%dma_start3A_236 : memref<10240x64xf32, #tpu.memory_space<vmem_shared>>) offsets(%dma_start3A_233 : memref<128xi32, #tpu.memory_space<vmem>>) semaphore(%arg14 : memref<!tpu.dma_semaphore, #tpu.memory_space<semaphore_mem>>) {add = true}
    %dma_wait3A_237 = arith.constant 1 : i32
    %dma_wait3A_238 = arith.constant 0 : i32
    %dma_wait3A_239 = tpu.memref_slice %arg7[%dma_wait3A_237, %dma_wait3A_238] : memref<2x128xi32, #tpu.memory_space<vmem>> -> memref<1x128xi32, #tpu.memory_space<vmem>>
    %dma_wait3A_240 = tpu.memref_squeeze %dma_wait3A_239 : memref<1x128xi32, #tpu.memory_space<vmem>> -> memref<128xi32, #tpu.memory_space<vmem>>
    %dma_wait3A_241 = arith.constant 0 : i32
    %dma_wait3A_242 = arith.constant 0 : i32
    %dma_wait3A_243 = tpu.memref_slice %arg11[%dma_wait3A_241, %dma_wait3A_242] : memref<10240x64xf32, #tpu.memory_space<vmem_shared>> -> memref<10240x64xf32, #tpu.memory_space<vmem_shared>>
    tpu.wait_indirect_dma semaphore(%arg13 : memref<!tpu.dma_semaphore, #tpu.memory_space<semaphore_mem>>) src(%arg9 : memref<128x64xf32, #tpu.memory_space<vmem>>) dst(%dma_wait3A_243 : memref<10240x64xf32, #tpu.memory_space<vmem_shared>>)
    %add3A_244 = arith.constant 768 : i32
    %add3A_245 = arith.addi %mul3A_2, %add3A_244 : i32
    %dma_wait3A_246 = arith.constant 0 : i32
    %dma_wait3A_247 = tpu.memref_slice %arg3[%dma_wait3A_246, %add3A_245] : memref<2x327680xi32, #tpu.memory_space<hbm>> -> memref<2x128xi32, #tpu.memory_space<hbm>>
    %dma_wait3A_248 = arith.constant 0 : i32
    %dma_wait3A_249 = tpu.memref_slice %arg3[%dma_wait3A_248, %add3A_245] : memref<2x327680xi32, #tpu.memory_space<hbm>> -> memref<2x128xi32, #tpu.memory_space<hbm>>
    tpu.wait_dma2 semaphore(%arg15 : memref<!tpu.dma_semaphore, #tpu.memory_space<semaphore_mem>>) src(%dma_wait3A_249 : memref<2x128xi32, #tpu.memory_space<hbm>>) dst(%arg6 : memref<2x128xi32, #tpu.memory_space<vmem>>)
    %dma_start3A_250 = arith.constant 0 : i32
    %dma_start3A_251 = arith.constant 0 : i32
    %dma_start3A_252 = tpu.memref_slice %arg6[%dma_start3A_250, %dma_start3A_251] : memref<2x128xi32, #tpu.memory_space<vmem>> -> memref<1x128xi32, #tpu.memory_space<vmem>>
    %dma_start3A_253 = tpu.memref_squeeze %dma_start3A_252 : memref<1x128xi32, #tpu.memory_space<vmem>> -> memref<128xi32, #tpu.memory_space<vmem>>
    %dma_start3A_254 = arith.constant 0 : i32
    %dma_start3A_255 = arith.constant 0 : i32
    %dma_start3A_256 = tpu.memref_slice %arg2[%dma_start3A_254, %dma_start3A_255] : memref<10240x64xf32, #tpu.memory_space<hbm>> -> memref<10240x64xf32, #tpu.memory_space<hbm>>
    tpu.enqueue_indirect_dma source(%dma_start3A_256 : memref<10240x64xf32, #tpu.memory_space<hbm>>) target(%arg9 : memref<128x64xf32, #tpu.memory_space<vmem>>) offsets(%dma_start3A_253 : memref<128xi32, #tpu.memory_space<vmem>>) semaphore(%arg12 : memref<!tpu.dma_semaphore, #tpu.memory_space<semaphore_mem>>)
    %add3A_257 = arith.constant 896 : i32
    %add3A_258 = arith.addi %mul3A_2, %add3A_257 : i32
    %dma_start3A_259 = arith.constant 0 : i32
    %dma_start3A_260 = tpu.memref_slice %arg3[%dma_start3A_259, %add3A_258] : memref<2x327680xi32, #tpu.memory_space<hbm>> -> memref<2x128xi32, #tpu.memory_space<hbm>>
    %dma_start3A_261 = arith.constant 0 : i32
    %dma_start3A_262 = tpu.memref_slice %arg3[%dma_start3A_261, %add3A_258] : memref<2x327680xi32, #tpu.memory_space<hbm>> -> memref<2x128xi32, #tpu.memory_space<hbm>>
    tpu.enqueue_dma source(%dma_start3A_262 : memref<2x128xi32, #tpu.memory_space<hbm>>) target(%arg7 : memref<2x128xi32, #tpu.memory_space<vmem>>) target_semaphore(%arg16 : memref<!tpu.dma_semaphore, #tpu.memory_space<semaphore_mem>>)
    %scan3A = arith.constant 0 : i32
    %scan3A_263 = arith.constant 1 : i32
    %scan3A_264 = arith.constant 12 : i32
    %scan3A_265 = arith.addi %scan3A_263, %scan3A_264 : i32
    %scan3A_266 = arith.constant 1 : i32
    scf.for %scan3A_335 = %scan3A_263 to %scan3A_265 step %scan3A_266  : i32 {
      %mul3A_336 = arith.constant 6 : i32
      %mul3A_337 = arith.muli %mul3A_336, %scan3A_335 : i32
      %add3A_338 = arith.constant 0 : i32
      %add3A_339 = arith.addi %mul3A_337, %add3A_338 : i32
      %dma_wait3A_340 = arith.constant 0 : i32
      %dma_wait3A_341 = arith.constant 0 : i32
      %dma_wait3A_342 = tpu.memref_slice %arg6[%dma_wait3A_340, %dma_wait3A_341] : memref<2x128xi32, #tpu.memory_space<vmem>> -> memref<1x128xi32, #tpu.memory_space<vmem>>
      %dma_wait3A_343 = tpu.memref_squeeze %dma_wait3A_342 : memref<1x128xi32, #tpu.memory_space<vmem>> -> memref<128xi32, #tpu.memory_space<vmem>>
      %dma_wait3A_344 = arith.constant 0 : i32
      %dma_wait3A_345 = arith.constant 0 : i32
      %dma_wait3A_346 = tpu.memref_slice %arg2[%dma_wait3A_344, %dma_wait3A_345] : memref<10240x64xf32, #tpu.memory_space<hbm>> -> memref<10240x64xf32, #tpu.memory_space<hbm>>
      tpu.wait_indirect_dma semaphore(%arg12 : memref<!tpu.dma_semaphore, #tpu.memory_space<semaphore_mem>>) src(%dma_wait3A_346 : memref<10240x64xf32, #tpu.memory_space<hbm>>) dst(%arg9 : memref<128x64xf32, #tpu.memory_space<vmem>>)
      %dma_start3A_347 = arith.constant 1 : i32
      %dma_start3A_348 = arith.constant 0 : i32
      %dma_start3A_349 = tpu.memref_slice %arg6[%dma_start3A_347, %dma_start3A_348] : memref<2x128xi32, #tpu.memory_space<vmem>> -> memref<1x128xi32, #tpu.memory_space<vmem>>
      %dma_start3A_350 = tpu.memref_squeeze %dma_start3A_349 : memref<1x128xi32, #tpu.memory_space<vmem>> -> memref<128xi32, #tpu.memory_space<vmem>>
      %dma_start3A_351 = arith.constant 0 : i32
      %dma_start3A_352 = arith.constant 0 : i32
      %dma_start3A_353 = tpu.memref_slice %arg11[%dma_start3A_351, %dma_start3A_352] : memref<10240x64xf32, #tpu.memory_space<vmem_shared>> -> memref<10240x64xf32, #tpu.memory_space<vmem_shared>>
      tpu.enqueue_indirect_dma source(%arg9 : memref<128x64xf32, #tpu.memory_space<vmem>>) target(%dma_start3A_353 : memref<10240x64xf32, #tpu.memory_space<vmem_shared>>) offsets(%dma_start3A_350 : memref<128xi32, #tpu.memory_space<vmem>>) semaphore(%arg13 : memref<!tpu.dma_semaphore, #tpu.memory_space<semaphore_mem>>) {add = true}
      %dma_wait3A_354 = arith.constant 1 : i32
      %dma_wait3A_355 = arith.constant 0 : i32
      %dma_wait3A_356 = tpu.memref_slice %arg8[%dma_wait3A_354, %dma_wait3A_355] : memref<2x128xi32, #tpu.memory_space<vmem>> -> memref<1x128xi32, #tpu.memory_space<vmem>>
      %dma_wait3A_357 = tpu.memref_squeeze %dma_wait3A_356 : memref<1x128xi32, #tpu.memory_space<vmem>> -> memref<128xi32, #tpu.memory_space<vmem>>
      %dma_wait3A_358 = arith.constant 0 : i32
      %dma_wait3A_359 = arith.constant 0 : i32
      %dma_wait3A_360 = tpu.memref_slice %arg11[%dma_wait3A_358, %dma_wait3A_359] : memref<10240x64xf32, #tpu.memory_space<vmem_shared>> -> memref<10240x64xf32, #tpu.memory_space<vmem_shared>>
      tpu.wait_indirect_dma semaphore(%arg14 : memref<!tpu.dma_semaphore, #tpu.memory_space<semaphore_mem>>) src(%arg10 : memref<128x64xf32, #tpu.memory_space<vmem>>) dst(%dma_wait3A_360 : memref<10240x64xf32, #tpu.memory_space<vmem_shared>>)
      %add3A_361 = arith.constant 1 : i32
      %add3A_362 = arith.addi %add3A_339, %add3A_361 : i32
      %mul3A_363 = arith.constant 128 : i32
      %mul3A_364 = arith.muli %add3A_362, %mul3A_363 : i32
      %add3A_365 = arith.addi %mul3A_2, %mul3A_364 : i32
      %dma_wait3A_366 = arith.constant 0 : i32
      %dma_wait3A_367 = tpu.memref_slice %arg3[%dma_wait3A_366, %add3A_365] : memref<2x327680xi32, #tpu.memory_space<hbm>> -> memref<2x128xi32, #tpu.memory_space<hbm>>
      %dma_wait3A_368 = arith.constant 0 : i32
      %dma_wait3A_369 = tpu.memref_slice %arg3[%dma_wait3A_368, %add3A_365] : memref<2x327680xi32, #tpu.memory_space<hbm>> -> memref<2x128xi32, #tpu.memory_space<hbm>>
      tpu.wait_dma2 semaphore(%arg16 : memref<!tpu.dma_semaphore, #tpu.memory_space<semaphore_mem>>) src(%dma_wait3A_369 : memref<2x128xi32, #tpu.memory_space<hbm>>) dst(%arg7 : memref<2x128xi32, #tpu.memory_space<vmem>>)
      %dma_start3A_370 = arith.constant 0 : i32
      %dma_start3A_371 = arith.constant 0 : i32
      %dma_start3A_372 = tpu.memref_slice %arg7[%dma_start3A_370, %dma_start3A_371] : memref<2x128xi32, #tpu.memory_space<vmem>> -> memref<1x128xi32, #tpu.memory_space<vmem>>
      %dma_start3A_373 = tpu.memref_squeeze %dma_start3A_372 : memref<1x128xi32, #tpu.memory_space<vmem>> -> memref<128xi32, #tpu.memory_space<vmem>>
      %dma_start3A_374 = arith.constant 0 : i32
      %dma_start3A_375 = arith.constant 0 : i32
      %dma_start3A_376 = tpu.memref_slice %arg2[%dma_start3A_374, %dma_start3A_375] : memref<10240x64xf32, #tpu.memory_space<hbm>> -> memref<10240x64xf32, #tpu.memory_space<hbm>>
      tpu.enqueue_indirect_dma source(%dma_start3A_376 : memref<10240x64xf32, #tpu.memory_space<hbm>>) target(%arg10 : memref<128x64xf32, #tpu.memory_space<vmem>>) offsets(%dma_start3A_373 : memref<128xi32, #tpu.memory_space<vmem>>) semaphore(%arg12 : memref<!tpu.dma_semaphore, #tpu.memory_space<semaphore_mem>>)
      %add3A_377 = arith.constant 2 : i32
      %add3A_378 = arith.addi %add3A_339, %add3A_377 : i32
      %mul3A_379 = arith.constant 128 : i32
      %mul3A_380 = arith.muli %add3A_378, %mul3A_379 : i32
      %add3A_381 = arith.addi %mul3A_2, %mul3A_380 : i32
      %dma_start3A_382 = arith.constant 0 : i32
      %dma_start3A_383 = tpu.memref_slice %arg3[%dma_start3A_382, %add3A_381] : memref<2x327680xi32, #tpu.memory_space<hbm>> -> memref<2x128xi32, #tpu.memory_space<hbm>>
      %dma_start3A_384 = arith.constant 0 : i32
      %dma_start3A_385 = tpu.memref_slice %arg3[%dma_start3A_384, %add3A_381] : memref<2x327680xi32, #tpu.memory_space<hbm>> -> memref<2x128xi32, #tpu.memory_space<hbm>>
      tpu.enqueue_dma source(%dma_start3A_385 : memref<2x128xi32, #tpu.memory_space<hbm>>) target(%arg8 : memref<2x128xi32, #tpu.memory_space<vmem>>) target_semaphore(%arg17 : memref<!tpu.dma_semaphore, #tpu.memory_space<semaphore_mem>>)
      %add3A_386 = arith.constant 1 : i32
      %add3A_387 = arith.addi %mul3A_337, %add3A_386 : i32
      %dma_wait3A_388 = arith.constant 0 : i32
      %dma_wait3A_389 = arith.constant 0 : i32
      %dma_wait3A_390 = tpu.memref_slice %arg7[%dma_wait3A_388, %dma_wait3A_389] : memref<2x128xi32, #tpu.memory_space<vmem>> -> memref<1x128xi32, #tpu.memory_space<vmem>>
      %dma_wait3A_391 = tpu.memref_squeeze %dma_wait3A_390 : memref<1x128xi32, #tpu.memory_space<vmem>> -> memref<128xi32, #tpu.memory_space<vmem>>
      %dma_wait3A_392 = arith.constant 0 : i32
      %dma_wait3A_393 = arith.constant 0 : i32
      %dma_wait3A_394 = tpu.memref_slice %arg2[%dma_wait3A_392, %dma_wait3A_393] : memref<10240x64xf32, #tpu.memory_space<hbm>> -> memref<10240x64xf32, #tpu.memory_space<hbm>>
      tpu.wait_indirect_dma semaphore(%arg12 : memref<!tpu.dma_semaphore, #tpu.memory_space<semaphore_mem>>) src(%dma_wait3A_394 : memref<10240x64xf32, #tpu.memory_space<hbm>>) dst(%arg10 : memref<128x64xf32, #tpu.memory_space<vmem>>)
      %dma_start3A_395 = arith.constant 1 : i32
      %dma_start3A_396 = arith.constant 0 : i32
      %dma_start3A_397 = tpu.memref_slice %arg7[%dma_start3A_395, %dma_start3A_396] : memref<2x128xi32, #tpu.memory_space<vmem>> -> memref<1x128xi32, #tpu.memory_space<vmem>>
      %dma_start3A_398 = tpu.memref_squeeze %dma_start3A_397 : memref<1x128xi32, #tpu.memory_space<vmem>> -> memref<128xi32, #tpu.memory_space<vmem>>
      %dma_start3A_399 = arith.constant 0 : i32
      %dma_start3A_400 = arith.constant 0 : i32
      %dma_start3A_401 = tpu.memref_slice %arg11[%dma_start3A_399, %dma_start3A_400] : memref<10240x64xf32, #tpu.memory_space<vmem_shared>> -> memref<10240x64xf32, #tpu.memory_space<vmem_shared>>
      tpu.enqueue_indirect_dma source(%arg10 : memref<128x64xf32, #tpu.memory_space<vmem>>) target(%dma_start3A_401 : memref<10240x64xf32, #tpu.memory_space<vmem_shared>>) offsets(%dma_start3A_398 : memref<128xi32, #tpu.memory_space<vmem>>) semaphore(%arg14 : memref<!tpu.dma_semaphore, #tpu.memory_space<semaphore_mem>>) {add = true}
      %dma_wait3A_402 = arith.constant 1 : i32
      %dma_wait3A_403 = arith.constant 0 : i32
      %dma_wait3A_404 = tpu.memref_slice %arg6[%dma_wait3A_402, %dma_wait3A_403] : memref<2x128xi32, #tpu.memory_space<vmem>> -> memref<1x128xi32, #tpu.memory_space<vmem>>
      %dma_wait3A_405 = tpu.memref_squeeze %dma_wait3A_404 : memref<1x128xi32, #tpu.memory_space<vmem>> -> memref<128xi32, #tpu.memory_space<vmem>>
      %dma_wait3A_406 = arith.constant 0 : i32
      %dma_wait3A_407 = arith.constant 0 : i32
      %dma_wait3A_408 = tpu.memref_slice %arg11[%dma_wait3A_406, %dma_wait3A_407] : memref<10240x64xf32, #tpu.memory_space<vmem_shared>> -> memref<10240x64xf32, #tpu.memory_space<vmem_shared>>
      tpu.wait_indirect_dma semaphore(%arg13 : memref<!tpu.dma_semaphore, #tpu.memory_space<semaphore_mem>>) src(%arg9 : memref<128x64xf32, #tpu.memory_space<vmem>>) dst(%dma_wait3A_408 : memref<10240x64xf32, #tpu.memory_space<vmem_shared>>)
      %add3A_409 = arith.constant 1 : i32
      %add3A_410 = arith.addi %add3A_387, %add3A_409 : i32
      %mul3A_411 = arith.constant 128 : i32
      %mul3A_412 = arith.muli %add3A_410, %mul3A_411 : i32
      %add3A_413 = arith.addi %mul3A_2, %mul3A_412 : i32
      %dma_wait3A_414 = arith.constant 0 : i32
      %dma_wait3A_415 = tpu.memref_slice %arg3[%dma_wait3A_414, %add3A_413] : memref<2x327680xi32, #tpu.memory_space<hbm>> -> memref<2x128xi32, #tpu.memory_space<hbm>>
      %dma_wait3A_416 = arith.constant 0 : i32
      %dma_wait3A_417 = tpu.memref_slice %arg3[%dma_wait3A_416, %add3A_413] : memref<2x327680xi32, #tpu.memory_space<hbm>> -> memref<2x128xi32, #tpu.memory_space<hbm>>
      tpu.wait_dma2 semaphore(%arg17 : memref<!tpu.dma_semaphore, #tpu.memory_space<semaphore_mem>>) src(%dma_wait3A_417 : memref<2x128xi32, #tpu.memory_space<hbm>>) dst(%arg8 : memref<2x128xi32, #tpu.memory_space<vmem>>)
      %dma_start3A_418 = arith.constant 0 : i32
      %dma_start3A_419 = arith.constant 0 : i32
      %dma_start3A_420 = tpu.memref_slice %arg8[%dma_start3A_418, %dma_start3A_419] : memref<2x128xi32, #tpu.memory_space<vmem>> -> memref<1x128xi32, #tpu.memory_space<vmem>>
      %dma_start3A_421 = tpu.memref_squeeze %dma_start3A_420 : memref<1x128xi32, #tpu.memory_space<vmem>> -> memref<128xi32, #tpu.memory_space<vmem>>
      %dma_start3A_422 = arith.constant 0 : i32
      %dma_start3A_423 = arith.constant 0 : i32
      %dma_start3A_424 = tpu.memref_slice %arg2[%dma_start3A_422, %dma_start3A_423] : memref<10240x64xf32, #tpu.memory_space<hbm>> -> memref<10240x64xf32, #tpu.memory_space<hbm>>
      tpu.enqueue_indirect_dma source(%dma_start3A_424 : memref<10240x64xf32, #tpu.memory_space<hbm>>) target(%arg9 : memref<128x64xf32, #tpu.memory_space<vmem>>) offsets(%dma_start3A_421 : memref<128xi32, #tpu.memory_space<vmem>>) semaphore(%arg12 : memref<!tpu.dma_semaphore, #tpu.memory_space<semaphore_mem>>)
      %add3A_425 = arith.constant 2 : i32
      %add3A_426 = arith.addi %add3A_387, %add3A_425 : i32
      %mul3A_427 = arith.constant 128 : i32
      %mul3A_428 = arith.muli %add3A_426, %mul3A_427 : i32
      %add3A_429 = arith.addi %mul3A_2, %mul3A_428 : i32
      %dma_start3A_430 = arith.constant 0 : i32
      %dma_start3A_431 = tpu.memref_slice %arg3[%dma_start3A_430, %add3A_429] : memref<2x327680xi32, #tpu.memory_space<hbm>> -> memref<2x128xi32, #tpu.memory_space<hbm>>
      %dma_start3A_432 = arith.constant 0 : i32
      %dma_start3A_433 = tpu.memref_slice %arg3[%dma_start3A_432, %add3A_429] : memref<2x327680xi32, #tpu.memory_space<hbm>> -> memref<2x128xi32, #tpu.memory_space<hbm>>
      tpu.enqueue_dma source(%dma_start3A_433 : memref<2x128xi32, #tpu.memory_space<hbm>>) target(%arg6 : memref<2x128xi32, #tpu.memory_space<vmem>>) target_semaphore(%arg15 : memref<!tpu.dma_semaphore, #tpu.memory_space<semaphore_mem>>)
      %add3A_434 = arith.constant 2 : i32
      %add3A_435 = arith.addi %mul3A_337, %add3A_434 : i32
      %dma_wait3A_436 = arith.constant 0 : i32
      %dma_wait3A_437 = arith.constant 0 : i32
      %dma_wait3A_438 = tpu.memref_slice %arg8[%dma_wait3A_436, %dma_wait3A_437] : memref<2x128xi32, #tpu.memory_space<vmem>> -> memref<1x128xi32, #tpu.memory_space<vmem>>
      %dma_wait3A_439 = tpu.memref_squeeze %dma_wait3A_438 : memref<1x128xi32, #tpu.memory_space<vmem>> -> memref<128xi32, #tpu.memory_space<vmem>>
      %dma_wait3A_440 = arith.constant 0 : i32
      %dma_wait3A_441 = arith.constant 0 : i32
      %dma_wait3A_442 = tpu.memref_slice %arg2[%dma_wait3A_440, %dma_wait3A_441] : memref<10240x64xf32, #tpu.memory_space<hbm>> -> memref<10240x64xf32, #tpu.memory_space<hbm>>
      tpu.wait_indirect_dma semaphore(%arg12 : memref<!tpu.dma_semaphore, #tpu.memory_space<semaphore_mem>>) src(%dma_wait3A_442 : memref<10240x64xf32, #tpu.memory_space<hbm>>) dst(%arg9 : memref<128x64xf32, #tpu.memory_space<vmem>>)
      %dma_start3A_443 = arith.constant 1 : i32
      %dma_start3A_444 = arith.constant 0 : i32
      %dma_start3A_445 = tpu.memref_slice %arg8[%dma_start3A_443, %dma_start3A_444] : memref<2x128xi32, #tpu.memory_space<vmem>> -> memref<1x128xi32, #tpu.memory_space<vmem>>
      %dma_start3A_446 = tpu.memref_squeeze %dma_start3A_445 : memref<1x128xi32, #tpu.memory_space<vmem>> -> memref<128xi32, #tpu.memory_space<vmem>>
      %dma_start3A_447 = arith.constant 0 : i32
      %dma_start3A_448 = arith.constant 0 : i32
      %dma_start3A_449 = tpu.memref_slice %arg11[%dma_start3A_447, %dma_start3A_448] : memref<10240x64xf32, #tpu.memory_space<vmem_shared>> -> memref<10240x64xf32, #tpu.memory_space<vmem_shared>>
      tpu.enqueue_indirect_dma source(%arg9 : memref<128x64xf32, #tpu.memory_space<vmem>>) target(%dma_start3A_449 : memref<10240x64xf32, #tpu.memory_space<vmem_shared>>) offsets(%dma_start3A_446 : memref<128xi32, #tpu.memory_space<vmem>>) semaphore(%arg13 : memref<!tpu.dma_semaphore, #tpu.memory_space<semaphore_mem>>) {add = true}
      %dma_wait3A_450 = arith.constant 1 : i32
      %dma_wait3A_451 = arith.constant 0 : i32
      %dma_wait3A_452 = tpu.memref_slice %arg7[%dma_wait3A_450, %dma_wait3A_451] : memref<2x128xi32, #tpu.memory_space<vmem>> -> memref<1x128xi32, #tpu.memory_space<vmem>>
      %dma_wait3A_453 = tpu.memref_squeeze %dma_wait3A_452 : memref<1x128xi32, #tpu.memory_space<vmem>> -> memref<128xi32, #tpu.memory_space<vmem>>
      %dma_wait3A_454 = arith.constant 0 : i32
      %dma_wait3A_455 = arith.constant 0 : i32
      %dma_wait3A_456 = tpu.memref_slice %arg11[%dma_wait3A_454, %dma_wait3A_455] : memref<10240x64xf32, #tpu.memory_space<vmem_shared>> -> memref<10240x64xf32, #tpu.memory_space<vmem_shared>>
      tpu.wait_indirect_dma semaphore(%arg14 : memref<!tpu.dma_semaphore, #tpu.memory_space<semaphore_mem>>) src(%arg10 : memref<128x64xf32, #tpu.memory_space<vmem>>) dst(%dma_wait3A_456 : memref<10240x64xf32, #tpu.memory_space<vmem_shared>>)
      %add3A_457 = arith.constant 1 : i32
      %add3A_458 = arith.addi %add3A_435, %add3A_457 : i32
      %mul3A_459 = arith.constant 128 : i32
      %mul3A_460 = arith.muli %add3A_458, %mul3A_459 : i32
      %add3A_461 = arith.addi %mul3A_2, %mul3A_460 : i32
      %dma_wait3A_462 = arith.constant 0 : i32
      %dma_wait3A_463 = tpu.memref_slice %arg3[%dma_wait3A_462, %add3A_461] : memref<2x327680xi32, #tpu.memory_space<hbm>> -> memref<2x128xi32, #tpu.memory_space<hbm>>
      %dma_wait3A_464 = arith.constant 0 : i32
      %dma_wait3A_465 = tpu.memref_slice %arg3[%dma_wait3A_464, %add3A_461] : memref<2x327680xi32, #tpu.memory_space<hbm>> -> memref<2x128xi32, #tpu.memory_space<hbm>>
      tpu.wait_dma2 semaphore(%arg15 : memref<!tpu.dma_semaphore, #tpu.memory_space<semaphore_mem>>) src(%dma_wait3A_465 : memref<2x128xi32, #tpu.memory_space<hbm>>) dst(%arg6 : memref<2x128xi32, #tpu.memory_space<vmem>>)
      %dma_start3A_466 = arith.constant 0 : i32
      %dma_start3A_467 = arith.constant 0 : i32
      %dma_start3A_468 = tpu.memref_slice %arg6[%dma_start3A_466, %dma_start3A_467] : memref<2x128xi32, #tpu.memory_space<vmem>> -> memref<1x128xi32, #tpu.memory_space<vmem>>
      %dma_start3A_469 = tpu.memref_squeeze %dma_start3A_468 : memref<1x128xi32, #tpu.memory_space<vmem>> -> memref<128xi32, #tpu.memory_space<vmem>>
      %dma_start3A_470 = arith.constant 0 : i32
      %dma_start3A_471 = arith.constant 0 : i32
      %dma_start3A_472 = tpu.memref_slice %arg2[%dma_start3A_470, %dma_start3A_471] : memref<10240x64xf32, #tpu.memory_space<hbm>> -> memref<10240x64xf32, #tpu.memory_space<hbm>>
      tpu.enqueue_indirect_dma source(%dma_start3A_472 : memref<10240x64xf32, #tpu.memory_space<hbm>>) target(%arg10 : memref<128x64xf32, #tpu.memory_space<vmem>>) offsets(%dma_start3A_469 : memref<128xi32, #tpu.memory_space<vmem>>) semaphore(%arg12 : memref<!tpu.dma_semaphore, #tpu.memory_space<semaphore_mem>>)
      %add3A_473 = arith.constant 2 : i32
      %add3A_474 = arith.addi %add3A_435, %add3A_473 : i32
      %mul3A_475 = arith.constant 128 : i32
      %mul3A_476 = arith.muli %add3A_474, %mul3A_475 : i32
      %add3A_477 = arith.addi %mul3A_2, %mul3A_476 : i32
      %dma_start3A_478 = arith.constant 0 : i32
      %dma_start3A_479 = tpu.memref_slice %arg3[%dma_start3A_478, %add3A_477] : memref<2x327680xi32, #tpu.memory_space<hbm>> -> memref<2x128xi32, #tpu.memory_space<hbm>>
      %dma_start3A_480 = arith.constant 0 : i32
      %dma_start3A_481 = tpu.memref_slice %arg3[%dma_start3A_480, %add3A_477] : memref<2x327680xi32, #tpu.memory_space<hbm>> -> memref<2x128xi32, #tpu.memory_space<hbm>>
      tpu.enqueue_dma source(%dma_start3A_481 : memref<2x128xi32, #tpu.memory_space<hbm>>) target(%arg7 : memref<2x128xi32, #tpu.memory_space<vmem>>) target_semaphore(%arg16 : memref<!tpu.dma_semaphore, #tpu.memory_space<semaphore_mem>>)
      %add3A_482 = arith.constant 3 : i32
      %add3A_483 = arith.addi %mul3A_337, %add3A_482 : i32
      %dma_wait3A_484 = arith.constant 0 : i32
      %dma_wait3A_485 = arith.constant 0 : i32
      %dma_wait3A_486 = tpu.memref_slice %arg6[%dma_wait3A_484, %dma_wait3A_485] : memref<2x128xi32, #tpu.memory_space<vmem>> -> memref<1x128xi32, #tpu.memory_space<vmem>>
      %dma_wait3A_487 = tpu.memref_squeeze %dma_wait3A_486 : memref<1x128xi32, #tpu.memory_space<vmem>> -> memref<128xi32, #tpu.memory_space<vmem>>
      %dma_wait3A_488 = arith.constant 0 : i32
      %dma_wait3A_489 = arith.constant 0 : i32
      %dma_wait3A_490 = tpu.memref_slice %arg2[%dma_wait3A_488, %dma_wait3A_489] : memref<10240x64xf32, #tpu.memory_space<hbm>> -> memref<10240x64xf32, #tpu.memory_space<hbm>>
      tpu.wait_indirect_dma semaphore(%arg12 : memref<!tpu.dma_semaphore, #tpu.memory_space<semaphore_mem>>) src(%dma_wait3A_490 : memref<10240x64xf32, #tpu.memory_space<hbm>>) dst(%arg10 : memref<128x64xf32, #tpu.memory_space<vmem>>)
      %dma_start3A_491 = arith.constant 1 : i32
      %dma_start3A_492 = arith.constant 0 : i32
      %dma_start3A_493 = tpu.memref_slice %arg6[%dma_start3A_491, %dma_start3A_492] : memref<2x128xi32, #tpu.memory_space<vmem>> -> memref<1x128xi32, #tpu.memory_space<vmem>>
      %dma_start3A_494 = tpu.memref_squeeze %dma_start3A_493 : memref<1x128xi32, #tpu.memory_space<vmem>> -> memref<128xi32, #tpu.memory_space<vmem>>
      %dma_start3A_495 = arith.constant 0 : i32
      %dma_start3A_496 = arith.constant 0 : i32
      %dma_start3A_497 = tpu.memref_slice %arg11[%dma_start3A_495, %dma_start3A_496] : memref<10240x64xf32, #tpu.memory_space<vmem_shared>> -> memref<10240x64xf32, #tpu.memory_space<vmem_shared>>
      tpu.enqueue_indirect_dma source(%arg10 : memref<128x64xf32, #tpu.memory_space<vmem>>) target(%dma_start3A_497 : memref<10240x64xf32, #tpu.memory_space<vmem_shared>>) offsets(%dma_start3A_494 : memref<128xi32, #tpu.memory_space<vmem>>) semaphore(%arg14 : memref<!tpu.dma_semaphore, #tpu.memory_space<semaphore_mem>>) {add = true}
      %dma_wait3A_498 = arith.constant 1 : i32
      %dma_wait3A_499 = arith.constant 0 : i32
      %dma_wait3A_500 = tpu.memref_slice %arg8[%dma_wait3A_498, %dma_wait3A_499] : memref<2x128xi32, #tpu.memory_space<vmem>> -> memref<1x128xi32, #tpu.memory_space<vmem>>
      %dma_wait3A_501 = tpu.memref_squeeze %dma_wait3A_500 : memref<1x128xi32, #tpu.memory_space<vmem>> -> memref<128xi32, #tpu.memory_space<vmem>>
      %dma_wait3A_502 = arith.constant 0 : i32
      %dma_wait3A_503 = arith.constant 0 : i32
      %dma_wait3A_504 = tpu.memref_slice %arg11[%dma_wait3A_502, %dma_wait3A_503] : memref<10240x64xf32, #tpu.memory_space<vmem_shared>> -> memref<10240x64xf32, #tpu.memory_space<vmem_shared>>
      tpu.wait_indirect_dma semaphore(%arg13 : memref<!tpu.dma_semaphore, #tpu.memory_space<semaphore_mem>>) src(%arg9 : memref<128x64xf32, #tpu.memory_space<vmem>>) dst(%dma_wait3A_504 : memref<10240x64xf32, #tpu.memory_space<vmem_shared>>)
      %add3A_505 = arith.constant 1 : i32
      %add3A_506 = arith.addi %add3A_483, %add3A_505 : i32
      %mul3A_507 = arith.constant 128 : i32
      %mul3A_508 = arith.muli %add3A_506, %mul3A_507 : i32
      %add3A_509 = arith.addi %mul3A_2, %mul3A_508 : i32
      %dma_wait3A_510 = arith.constant 0 : i32
      %dma_wait3A_511 = tpu.memref_slice %arg3[%dma_wait3A_510, %add3A_509] : memref<2x327680xi32, #tpu.memory_space<hbm>> -> memref<2x128xi32, #tpu.memory_space<hbm>>
      %dma_wait3A_512 = arith.constant 0 : i32
      %dma_wait3A_513 = tpu.memref_slice %arg3[%dma_wait3A_512, %add3A_509] : memref<2x327680xi32, #tpu.memory_space<hbm>> -> memref<2x128xi32, #tpu.memory_space<hbm>>
      tpu.wait_dma2 semaphore(%arg16 : memref<!tpu.dma_semaphore, #tpu.memory_space<semaphore_mem>>) src(%dma_wait3A_513 : memref<2x128xi32, #tpu.memory_space<hbm>>) dst(%arg7 : memref<2x128xi32, #tpu.memory_space<vmem>>)
      %dma_start3A_514 = arith.constant 0 : i32
      %dma_start3A_515 = arith.constant 0 : i32
      %dma_start3A_516 = tpu.memref_slice %arg7[%dma_start3A_514, %dma_start3A_515] : memref<2x128xi32, #tpu.memory_space<vmem>> -> memref<1x128xi32, #tpu.memory_space<vmem>>
      %dma_start3A_517 = tpu.memref_squeeze %dma_start3A_516 : memref<1x128xi32, #tpu.memory_space<vmem>> -> memref<128xi32, #tpu.memory_space<vmem>>
      %dma_start3A_518 = arith.constant 0 : i32
      %dma_start3A_519 = arith.constant 0 : i32
      %dma_start3A_520 = tpu.memref_slice %arg2[%dma_start3A_518, %dma_start3A_519] : memref<10240x64xf32, #tpu.memory_space<hbm>> -> memref<10240x64xf32, #tpu.memory_space<hbm>>
      tpu.enqueue_indirect_dma source(%dma_start3A_520 : memref<10240x64xf32, #tpu.memory_space<hbm>>) target(%arg9 : memref<128x64xf32, #tpu.memory_space<vmem>>) offsets(%dma_start3A_517 : memref<128xi32, #tpu.memory_space<vmem>>) semaphore(%arg12 : memref<!tpu.dma_semaphore, #tpu.memory_space<semaphore_mem>>)
      %add3A_521 = arith.constant 2 : i32
      %add3A_522 = arith.addi %add3A_483, %add3A_521 : i32
      %mul3A_523 = arith.constant 128 : i32
      %mul3A_524 = arith.muli %add3A_522, %mul3A_523 : i32
      %add3A_525 = arith.addi %mul3A_2, %mul3A_524 : i32
      %dma_start3A_526 = arith.constant 0 : i32
      %dma_start3A_527 = tpu.memref_slice %arg3[%dma_start3A_526, %add3A_525] : memref<2x327680xi32, #tpu.memory_space<hbm>> -> memref<2x128xi32, #tpu.memory_space<hbm>>
      %dma_start3A_528 = arith.constant 0 : i32
      %dma_start3A_529 = tpu.memref_slice %arg3[%dma_start3A_528, %add3A_525] : memref<2x327680xi32, #tpu.memory_space<hbm>> -> memref<2x128xi32, #tpu.memory_space<hbm>>
      tpu.enqueue_dma source(%dma_start3A_529 : memref<2x128xi32, #tpu.memory_space<hbm>>) target(%arg8 : memref<2x128xi32, #tpu.memory_space<vmem>>) target_semaphore(%arg17 : memref<!tpu.dma_semaphore, #tpu.memory_space<semaphore_mem>>)
      %add3A_530 = arith.constant 4 : i32
      %add3A_531 = arith.addi %mul3A_337, %add3A_530 : i32
      %dma_wait3A_532 = arith.constant 0 : i32
      %dma_wait3A_533 = arith.constant 0 : i32
      %dma_wait3A_534 = tpu.memref_slice %arg7[%dma_wait3A_532, %dma_wait3A_533] : memref<2x128xi32, #tpu.memory_space<vmem>> -> memref<1x128xi32, #tpu.memory_space<vmem>>
      %dma_wait3A_535 = tpu.memref_squeeze %dma_wait3A_534 : memref<1x128xi32, #tpu.memory_space<vmem>> -> memref<128xi32, #tpu.memory_space<vmem>>
      %dma_wait3A_536 = arith.constant 0 : i32
      %dma_wait3A_537 = arith.constant 0 : i32
      %dma_wait3A_538 = tpu.memref_slice %arg2[%dma_wait3A_536, %dma_wait3A_537] : memref<10240x64xf32, #tpu.memory_space<hbm>> -> memref<10240x64xf32, #tpu.memory_space<hbm>>
      tpu.wait_indirect_dma semaphore(%arg12 : memref<!tpu.dma_semaphore, #tpu.memory_space<semaphore_mem>>) src(%dma_wait3A_538 : memref<10240x64xf32, #tpu.memory_space<hbm>>) dst(%arg9 : memref<128x64xf32, #tpu.memory_space<vmem>>)
      %dma_start3A_539 = arith.constant 1 : i32
      %dma_start3A_540 = arith.constant 0 : i32
      %dma_start3A_541 = tpu.memref_slice %arg7[%dma_start3A_539, %dma_start3A_540] : memref<2x128xi32, #tpu.memory_space<vmem>> -> memref<1x128xi32, #tpu.memory_space<vmem>>
      %dma_start3A_542 = tpu.memref_squeeze %dma_start3A_541 : memref<1x128xi32, #tpu.memory_space<vmem>> -> memref<128xi32, #tpu.memory_space<vmem>>
      %dma_start3A_543 = arith.constant 0 : i32
      %dma_start3A_544 = arith.constant 0 : i32
      %dma_start3A_545 = tpu.memref_slice %arg11[%dma_start3A_543, %dma_start3A_544] : memref<10240x64xf32, #tpu.memory_space<vmem_shared>> -> memref<10240x64xf32, #tpu.memory_space<vmem_shared>>
      tpu.enqueue_indirect_dma source(%arg9 : memref<128x64xf32, #tpu.memory_space<vmem>>) target(%dma_start3A_545 : memref<10240x64xf32, #tpu.memory_space<vmem_shared>>) offsets(%dma_start3A_542 : memref<128xi32, #tpu.memory_space<vmem>>) semaphore(%arg13 : memref<!tpu.dma_semaphore, #tpu.memory_space<semaphore_mem>>) {add = true}
      %dma_wait3A_546 = arith.constant 1 : i32
      %dma_wait3A_547 = arith.constant 0 : i32
      %dma_wait3A_548 = tpu.memref_slice %arg6[%dma_wait3A_546, %dma_wait3A_547] : memref<2x128xi32, #tpu.memory_space<vmem>> -> memref<1x128xi32, #tpu.memory_space<vmem>>
      %dma_wait3A_549 = tpu.memref_squeeze %dma_wait3A_548 : memref<1x128xi32, #tpu.memory_space<vmem>> -> memref<128xi32, #tpu.memory_space<vmem>>
      %dma_wait3A_550 = arith.constant 0 : i32
      %dma_wait3A_551 = arith.constant 0 : i32
      %dma_wait3A_552 = tpu.memref_slice %arg11[%dma_wait3A_550, %dma_wait3A_551] : memref<10240x64xf32, #tpu.memory_space<vmem_shared>> -> memref<10240x64xf32, #tpu.memory_space<vmem_shared>>
      tpu.wait_indirect_dma semaphore(%arg14 : memref<!tpu.dma_semaphore, #tpu.memory_space<semaphore_mem>>) src(%arg10 : memref<128x64xf32, #tpu.memory_space<vmem>>) dst(%dma_wait3A_552 : memref<10240x64xf32, #tpu.memory_space<vmem_shared>>)
      %add3A_553 = arith.constant 1 : i32
      %add3A_554 = arith.addi %add3A_531, %add3A_553 : i32
      %mul3A_555 = arith.constant 128 : i32
      %mul3A_556 = arith.muli %add3A_554, %mul3A_555 : i32
      %add3A_557 = arith.addi %mul3A_2, %mul3A_556 : i32
      %dma_wait3A_558 = arith.constant 0 : i32
      %dma_wait3A_559 = tpu.memref_slice %arg3[%dma_wait3A_558, %add3A_557] : memref<2x327680xi32, #tpu.memory_space<hbm>> -> memref<2x128xi32, #tpu.memory_space<hbm>>
      %dma_wait3A_560 = arith.constant 0 : i32
      %dma_wait3A_561 = tpu.memref_slice %arg3[%dma_wait3A_560, %add3A_557] : memref<2x327680xi32, #tpu.memory_space<hbm>> -> memref<2x128xi32, #tpu.memory_space<hbm>>
      tpu.wait_dma2 semaphore(%arg17 : memref<!tpu.dma_semaphore, #tpu.memory_space<semaphore_mem>>) src(%dma_wait3A_561 : memref<2x128xi32, #tpu.memory_space<hbm>>) dst(%arg8 : memref<2x128xi32, #tpu.memory_space<vmem>>)
      %dma_start3A_562 = arith.constant 0 : i32
      %dma_start3A_563 = arith.constant 0 : i32
      %dma_start3A_564 = tpu.memref_slice %arg8[%dma_start3A_562, %dma_start3A_563] : memref<2x128xi32, #tpu.memory_space<vmem>> -> memref<1x128xi32, #tpu.memory_space<vmem>>
      %dma_start3A_565 = tpu.memref_squeeze %dma_start3A_564 : memref<1x128xi32, #tpu.memory_space<vmem>> -> memref<128xi32, #tpu.memory_space<vmem>>
      %dma_start3A_566 = arith.constant 0 : i32
      %dma_start3A_567 = arith.constant 0 : i32
      %dma_start3A_568 = tpu.memref_slice %arg2[%dma_start3A_566, %dma_start3A_567] : memref<10240x64xf32, #tpu.memory_space<hbm>> -> memref<10240x64xf32, #tpu.memory_space<hbm>>
      tpu.enqueue_indirect_dma source(%dma_start3A_568 : memref<10240x64xf32, #tpu.memory_space<hbm>>) target(%arg10 : memref<128x64xf32, #tpu.memory_space<vmem>>) offsets(%dma_start3A_565 : memref<128xi32, #tpu.memory_space<vmem>>) semaphore(%arg12 : memref<!tpu.dma_semaphore, #tpu.memory_space<semaphore_mem>>)
      %add3A_569 = arith.constant 2 : i32
      %add3A_570 = arith.addi %add3A_531, %add3A_569 : i32
      %mul3A_571 = arith.constant 128 : i32
      %mul3A_572 = arith.muli %add3A_570, %mul3A_571 : i32
      %add3A_573 = arith.addi %mul3A_2, %mul3A_572 : i32
      %dma_start3A_574 = arith.constant 0 : i32
      %dma_start3A_575 = tpu.memref_slice %arg3[%dma_start3A_574, %add3A_573] : memref<2x327680xi32, #tpu.memory_space<hbm>> -> memref<2x128xi32, #tpu.memory_space<hbm>>
      %dma_start3A_576 = arith.constant 0 : i32
      %dma_start3A_577 = tpu.memref_slice %arg3[%dma_start3A_576, %add3A_573] : memref<2x327680xi32, #tpu.memory_space<hbm>> -> memref<2x128xi32, #tpu.memory_space<hbm>>
      tpu.enqueue_dma source(%dma_start3A_577 : memref<2x128xi32, #tpu.memory_space<hbm>>) target(%arg6 : memref<2x128xi32, #tpu.memory_space<vmem>>) target_semaphore(%arg15 : memref<!tpu.dma_semaphore, #tpu.memory_space<semaphore_mem>>)
      %add3A_578 = arith.constant 5 : i32
      %add3A_579 = arith.addi %mul3A_337, %add3A_578 : i32
      %dma_wait3A_580 = arith.constant 0 : i32
      %dma_wait3A_581 = arith.constant 0 : i32
      %dma_wait3A_582 = tpu.memref_slice %arg8[%dma_wait3A_580, %dma_wait3A_581] : memref<2x128xi32, #tpu.memory_space<vmem>> -> memref<1x128xi32, #tpu.memory_space<vmem>>
      %dma_wait3A_583 = tpu.memref_squeeze %dma_wait3A_582 : memref<1x128xi32, #tpu.memory_space<vmem>> -> memref<128xi32, #tpu.memory_space<vmem>>
      %dma_wait3A_584 = arith.constant 0 : i32
      %dma_wait3A_585 = arith.constant 0 : i32
      %dma_wait3A_586 = tpu.memref_slice %arg2[%dma_wait3A_584, %dma_wait3A_585] : memref<10240x64xf32, #tpu.memory_space<hbm>> -> memref<10240x64xf32, #tpu.memory_space<hbm>>
      tpu.wait_indirect_dma semaphore(%arg12 : memref<!tpu.dma_semaphore, #tpu.memory_space<semaphore_mem>>) src(%dma_wait3A_586 : memref<10240x64xf32, #tpu.memory_space<hbm>>) dst(%arg10 : memref<128x64xf32, #tpu.memory_space<vmem>>)
      %dma_start3A_587 = arith.constant 1 : i32
      %dma_start3A_588 = arith.constant 0 : i32
      %dma_start3A_589 = tpu.memref_slice %arg8[%dma_start3A_587, %dma_start3A_588] : memref<2x128xi32, #tpu.memory_space<vmem>> -> memref<1x128xi32, #tpu.memory_space<vmem>>
      %dma_start3A_590 = tpu.memref_squeeze %dma_start3A_589 : memref<1x128xi32, #tpu.memory_space<vmem>> -> memref<128xi32, #tpu.memory_space<vmem>>
      %dma_start3A_591 = arith.constant 0 : i32
      %dma_start3A_592 = arith.constant 0 : i32
      %dma_start3A_593 = tpu.memref_slice %arg11[%dma_start3A_591, %dma_start3A_592] : memref<10240x64xf32, #tpu.memory_space<vmem_shared>> -> memref<10240x64xf32, #tpu.memory_space<vmem_shared>>
      tpu.enqueue_indirect_dma source(%arg10 : memref<128x64xf32, #tpu.memory_space<vmem>>) target(%dma_start3A_593 : memref<10240x64xf32, #tpu.memory_space<vmem_shared>>) offsets(%dma_start3A_590 : memref<128xi32, #tpu.memory_space<vmem>>) semaphore(%arg14 : memref<!tpu.dma_semaphore, #tpu.memory_space<semaphore_mem>>) {add = true}
      %dma_wait3A_594 = arith.constant 1 : i32
      %dma_wait3A_595 = arith.constant 0 : i32
      %dma_wait3A_596 = tpu.memref_slice %arg7[%dma_wait3A_594, %dma_wait3A_595] : memref<2x128xi32, #tpu.memory_space<vmem>> -> memref<1x128xi32, #tpu.memory_space<vmem>>
      %dma_wait3A_597 = tpu.memref_squeeze %dma_wait3A_596 : memref<1x128xi32, #tpu.memory_space<vmem>> -> memref<128xi32, #tpu.memory_space<vmem>>
      %dma_wait3A_598 = arith.constant 0 : i32
      %dma_wait3A_599 = arith.constant 0 : i32
      %dma_wait3A_600 = tpu.memref_slice %arg11[%dma_wait3A_598, %dma_wait3A_599] : memref<10240x64xf32, #tpu.memory_space<vmem_shared>> -> memref<10240x64xf32, #tpu.memory_space<vmem_shared>>
      tpu.wait_indirect_dma semaphore(%arg13 : memref<!tpu.dma_semaphore, #tpu.memory_space<semaphore_mem>>) src(%arg9 : memref<128x64xf32, #tpu.memory_space<vmem>>) dst(%dma_wait3A_600 : memref<10240x64xf32, #tpu.memory_space<vmem_shared>>)
      %add3A_601 = arith.constant 1 : i32
      %add3A_602 = arith.addi %add3A_579, %add3A_601 : i32
      %mul3A_603 = arith.constant 128 : i32
      %mul3A_604 = arith.muli %add3A_602, %mul3A_603 : i32
      %add3A_605 = arith.addi %mul3A_2, %mul3A_604 : i32
      %dma_wait3A_606 = arith.constant 0 : i32
      %dma_wait3A_607 = tpu.memref_slice %arg3[%dma_wait3A_606, %add3A_605] : memref<2x327680xi32, #tpu.memory_space<hbm>> -> memref<2x128xi32, #tpu.memory_space<hbm>>
      %dma_wait3A_608 = arith.constant 0 : i32
      %dma_wait3A_609 = tpu.memref_slice %arg3[%dma_wait3A_608, %add3A_605] : memref<2x327680xi32, #tpu.memory_space<hbm>> -> memref<2x128xi32, #tpu.memory_space<hbm>>
      tpu.wait_dma2 semaphore(%arg15 : memref<!tpu.dma_semaphore, #tpu.memory_space<semaphore_mem>>) src(%dma_wait3A_609 : memref<2x128xi32, #tpu.memory_space<hbm>>) dst(%arg6 : memref<2x128xi32, #tpu.memory_space<vmem>>)
      %dma_start3A_610 = arith.constant 0 : i32
      %dma_start3A_611 = arith.constant 0 : i32
      %dma_start3A_612 = tpu.memref_slice %arg6[%dma_start3A_610, %dma_start3A_611] : memref<2x128xi32, #tpu.memory_space<vmem>> -> memref<1x128xi32, #tpu.memory_space<vmem>>
      %dma_start3A_613 = tpu.memref_squeeze %dma_start3A_612 : memref<1x128xi32, #tpu.memory_space<vmem>> -> memref<128xi32, #tpu.memory_space<vmem>>
      %dma_start3A_614 = arith.constant 0 : i32
      %dma_start3A_615 = arith.constant 0 : i32
      %dma_start3A_616 = tpu.memref_slice %arg2[%dma_start3A_614, %dma_start3A_615] : memref<10240x64xf32, #tpu.memory_space<hbm>> -> memref<10240x64xf32, #tpu.memory_space<hbm>>
      tpu.enqueue_indirect_dma source(%dma_start3A_616 : memref<10240x64xf32, #tpu.memory_space<hbm>>) target(%arg9 : memref<128x64xf32, #tpu.memory_space<vmem>>) offsets(%dma_start3A_613 : memref<128xi32, #tpu.memory_space<vmem>>) semaphore(%arg12 : memref<!tpu.dma_semaphore, #tpu.memory_space<semaphore_mem>>)
      %add3A_617 = arith.constant 2 : i32
      %add3A_618 = arith.addi %add3A_579, %add3A_617 : i32
      %mul3A_619 = arith.constant 128 : i32
      %mul3A_620 = arith.muli %add3A_618, %mul3A_619 : i32
      %add3A_621 = arith.addi %mul3A_2, %mul3A_620 : i32
      %dma_start3A_622 = arith.constant 0 : i32
      %dma_start3A_623 = tpu.memref_slice %arg3[%dma_start3A_622, %add3A_621] : memref<2x327680xi32, #tpu.memory_space<hbm>> -> memref<2x128xi32, #tpu.memory_space<hbm>>
      %dma_start3A_624 = arith.constant 0 : i32
      %dma_start3A_625 = tpu.memref_slice %arg3[%dma_start3A_624, %add3A_621] : memref<2x327680xi32, #tpu.memory_space<hbm>> -> memref<2x128xi32, #tpu.memory_space<hbm>>
      tpu.enqueue_dma source(%dma_start3A_625 : memref<2x128xi32, #tpu.memory_space<hbm>>) target(%arg7 : memref<2x128xi32, #tpu.memory_space<vmem>>) target_semaphore(%arg16 : memref<!tpu.dma_semaphore, #tpu.memory_space<semaphore_mem>>)
    }
    %scan3A_267 = arith.constant 12 : i32
    %dma_wait3A_268 = arith.constant 0 : i32
    %dma_wait3A_269 = arith.constant 0 : i32
    %dma_wait3A_270 = tpu.memref_slice %arg6[%dma_wait3A_268, %dma_wait3A_269] : memref<2x128xi32, #tpu.memory_space<vmem>> -> memref<1x128xi32, #tpu.memory_space<vmem>>
    %dma_wait3A_271 = tpu.memref_squeeze %dma_wait3A_270 : memref<1x128xi32, #tpu.memory_space<vmem>> -> memref<128xi32, #tpu.memory_space<vmem>>
    %dma_wait3A_272 = arith.constant 0 : i32
    %dma_wait3A_273 = arith.constant 0 : i32
    %dma_wait3A_274 = tpu.memref_slice %arg2[%dma_wait3A_272, %dma_wait3A_273] : memref<10240x64xf32, #tpu.memory_space<hbm>> -> memref<10240x64xf32, #tpu.memory_space<hbm>>
    tpu.wait_indirect_dma semaphore(%arg12 : memref<!tpu.dma_semaphore, #tpu.memory_space<semaphore_mem>>) src(%dma_wait3A_274 : memref<10240x64xf32, #tpu.memory_space<hbm>>) dst(%arg9 : memref<128x64xf32, #tpu.memory_space<vmem>>)
    %dma_start3A_275 = arith.constant 1 : i32
    %dma_start3A_276 = arith.constant 0 : i32
    %dma_start3A_277 = tpu.memref_slice %arg6[%dma_start3A_275, %dma_start3A_276] : memref<2x128xi32, #tpu.memory_space<vmem>> -> memref<1x128xi32, #tpu.memory_space<vmem>>
    %dma_start3A_278 = tpu.memref_squeeze %dma_start3A_277 : memref<1x128xi32, #tpu.memory_space<vmem>> -> memref<128xi32, #tpu.memory_space<vmem>>
    %dma_start3A_279 = arith.constant 0 : i32
    %dma_start3A_280 = arith.constant 0 : i32
    %dma_start3A_281 = tpu.memref_slice %arg11[%dma_start3A_279, %dma_start3A_280] : memref<10240x64xf32, #tpu.memory_space<vmem_shared>> -> memref<10240x64xf32, #tpu.memory_space<vmem_shared>>
    tpu.enqueue_indirect_dma source(%arg9 : memref<128x64xf32, #tpu.memory_space<vmem>>) target(%dma_start3A_281 : memref<10240x64xf32, #tpu.memory_space<vmem_shared>>) offsets(%dma_start3A_278 : memref<128xi32, #tpu.memory_space<vmem>>) semaphore(%arg13 : memref<!tpu.dma_semaphore, #tpu.memory_space<semaphore_mem>>) {add = true}
    %dma_wait3A_282 = arith.constant 1 : i32
    %dma_wait3A_283 = arith.constant 0 : i32
    %dma_wait3A_284 = tpu.memref_slice %arg8[%dma_wait3A_282, %dma_wait3A_283] : memref<2x128xi32, #tpu.memory_space<vmem>> -> memref<1x128xi32, #tpu.memory_space<vmem>>
    %dma_wait3A_285 = tpu.memref_squeeze %dma_wait3A_284 : memref<1x128xi32, #tpu.memory_space<vmem>> -> memref<128xi32, #tpu.memory_space<vmem>>
    %dma_wait3A_286 = arith.constant 0 : i32
    %dma_wait3A_287 = arith.constant 0 : i32
    %dma_wait3A_288 = tpu.memref_slice %arg11[%dma_wait3A_286, %dma_wait3A_287] : memref<10240x64xf32, #tpu.memory_space<vmem_shared>> -> memref<10240x64xf32, #tpu.memory_space<vmem_shared>>
    tpu.wait_indirect_dma semaphore(%arg14 : memref<!tpu.dma_semaphore, #tpu.memory_space<semaphore_mem>>) src(%arg10 : memref<128x64xf32, #tpu.memory_space<vmem>>) dst(%dma_wait3A_288 : memref<10240x64xf32, #tpu.memory_space<vmem_shared>>)
    %add3A_289 = arith.constant 10112 : i32
    %add3A_290 = arith.addi %mul3A_2, %add3A_289 : i32
    %dma_wait3A_291 = arith.constant 0 : i32
    %dma_wait3A_292 = tpu.memref_slice %arg3[%dma_wait3A_291, %add3A_290] : memref<2x327680xi32, #tpu.memory_space<hbm>> -> memref<2x128xi32, #tpu.memory_space<hbm>>
    %dma_wait3A_293 = arith.constant 0 : i32
    %dma_wait3A_294 = tpu.memref_slice %arg3[%dma_wait3A_293, %add3A_290] : memref<2x327680xi32, #tpu.memory_space<hbm>> -> memref<2x128xi32, #tpu.memory_space<hbm>>
    tpu.wait_dma2 semaphore(%arg16 : memref<!tpu.dma_semaphore, #tpu.memory_space<semaphore_mem>>) src(%dma_wait3A_294 : memref<2x128xi32, #tpu.memory_space<hbm>>) dst(%arg7 : memref<2x128xi32, #tpu.memory_space<vmem>>)
    %dma_start3A_295 = arith.constant 0 : i32
    %dma_start3A_296 = arith.constant 0 : i32
    %dma_start3A_297 = tpu.memref_slice %arg7[%dma_start3A_295, %dma_start3A_296] : memref<2x128xi32, #tpu.memory_space<vmem>> -> memref<1x128xi32, #tpu.memory_space<vmem>>
    %dma_start3A_298 = tpu.memref_squeeze %dma_start3A_297 : memref<1x128xi32, #tpu.memory_space<vmem>> -> memref<128xi32, #tpu.memory_space<vmem>>
    %dma_start3A_299 = arith.constant 0 : i32
    %dma_start3A_300 = arith.constant 0 : i32
    %dma_start3A_301 = tpu.memref_slice %arg2[%dma_start3A_299, %dma_start3A_300] : memref<10240x64xf32, #tpu.memory_space<hbm>> -> memref<10240x64xf32, #tpu.memory_space<hbm>>
    tpu.enqueue_indirect_dma source(%dma_start3A_301 : memref<10240x64xf32, #tpu.memory_space<hbm>>) target(%arg10 : memref<128x64xf32, #tpu.memory_space<vmem>>) offsets(%dma_start3A_298 : memref<128xi32, #tpu.memory_space<vmem>>) semaphore(%arg12 : memref<!tpu.dma_semaphore, #tpu.memory_space<semaphore_mem>>)
    %dma_wait3A_302 = arith.constant 0 : i32
    %dma_wait3A_303 = arith.constant 0 : i32
    %dma_wait3A_304 = tpu.memref_slice %arg7[%dma_wait3A_302, %dma_wait3A_303] : memref<2x128xi32, #tpu.memory_space<vmem>> -> memref<1x128xi32, #tpu.memory_space<vmem>>
    %dma_wait3A_305 = tpu.memref_squeeze %dma_wait3A_304 : memref<1x128xi32, #tpu.memory_space<vmem>> -> memref<128xi32, #tpu.memory_space<vmem>>
    %dma_wait3A_306 = arith.constant 0 : i32
    %dma_wait3A_307 = arith.constant 0 : i32
    %dma_wait3A_308 = tpu.memref_slice %arg2[%dma_wait3A_306, %dma_wait3A_307] : memref<10240x64xf32, #tpu.memory_space<hbm>> -> memref<10240x64xf32, #tpu.memory_space<hbm>>
    tpu.wait_indirect_dma semaphore(%arg12 : memref<!tpu.dma_semaphore, #tpu.memory_space<semaphore_mem>>) src(%dma_wait3A_308 : memref<10240x64xf32, #tpu.memory_space<hbm>>) dst(%arg10 : memref<128x64xf32, #tpu.memory_space<vmem>>)
    %dma_start3A_309 = arith.constant 1 : i32
    %dma_start3A_310 = arith.constant 0 : i32
    %dma_start3A_311 = tpu.memref_slice %arg7[%dma_start3A_309, %dma_start3A_310] : memref<2x128xi32, #tpu.memory_space<vmem>> -> memref<1x128xi32, #tpu.memory_space<vmem>>
    %dma_start3A_312 = tpu.memref_squeeze %dma_start3A_311 : memref<1x128xi32, #tpu.memory_space<vmem>> -> memref<128xi32, #tpu.memory_space<vmem>>
    %dma_start3A_313 = arith.constant 0 : i32
    %dma_start3A_314 = arith.constant 0 : i32
    %dma_start3A_315 = tpu.memref_slice %arg11[%dma_start3A_313, %dma_start3A_314] : memref<10240x64xf32, #tpu.memory_space<vmem_shared>> -> memref<10240x64xf32, #tpu.memory_space<vmem_shared>>
    tpu.enqueue_indirect_dma source(%arg10 : memref<128x64xf32, #tpu.memory_space<vmem>>) target(%dma_start3A_315 : memref<10240x64xf32, #tpu.memory_space<vmem_shared>>) offsets(%dma_start3A_312 : memref<128xi32, #tpu.memory_space<vmem>>) semaphore(%arg14 : memref<!tpu.dma_semaphore, #tpu.memory_space<semaphore_mem>>) {add = true}
    %dma_wait3A_316 = arith.constant 1 : i32
    %dma_wait3A_317 = arith.constant 0 : i32
    %dma_wait3A_318 = tpu.memref_slice %arg6[%dma_wait3A_316, %dma_wait3A_317] : memref<2x128xi32, #tpu.memory_space<vmem>> -> memref<1x128xi32, #tpu.memory_space<vmem>>
    %dma_wait3A_319 = tpu.memref_squeeze %dma_wait3A_318 : memref<1x128xi32, #tpu.memory_space<vmem>> -> memref<128xi32, #tpu.memory_space<vmem>>
    %dma_wait3A_320 = arith.constant 0 : i32
    %dma_wait3A_321 = arith.constant 0 : i32
    %dma_wait3A_322 = tpu.memref_slice %arg11[%dma_wait3A_320, %dma_wait3A_321] : memref<10240x64xf32, #tpu.memory_space<vmem_shared>> -> memref<10240x64xf32, #tpu.memory_space<vmem_shared>>
    tpu.wait_indirect_dma semaphore(%arg13 : memref<!tpu.dma_semaphore, #tpu.memory_space<semaphore_mem>>) src(%arg9 : memref<128x64xf32, #tpu.memory_space<vmem>>) dst(%dma_wait3A_322 : memref<10240x64xf32, #tpu.memory_space<vmem_shared>>)
    %dma_wait3A_323 = arith.constant 1 : i32
    %dma_wait3A_324 = arith.constant 0 : i32
    %dma_wait3A_325 = tpu.memref_slice %arg7[%dma_wait3A_323, %dma_wait3A_324] : memref<2x128xi32, #tpu.memory_space<vmem>> -> memref<1x128xi32, #tpu.memory_space<vmem>>
    %dma_wait3A_326 = tpu.memref_squeeze %dma_wait3A_325 : memref<1x128xi32, #tpu.memory_space<vmem>> -> memref<128xi32, #tpu.memory_space<vmem>>
    %dma_wait3A_327 = arith.constant 0 : i32
    %dma_wait3A_328 = arith.constant 0 : i32
    %dma_wait3A_329 = tpu.memref_slice %arg11[%dma_wait3A_327, %dma_wait3A_328] : memref<10240x64xf32, #tpu.memory_space<vmem_shared>> -> memref<10240x64xf32, #tpu.memory_space<vmem_shared>>
    tpu.wait_indirect_dma semaphore(%arg14 : memref<!tpu.dma_semaphore, #tpu.memory_space<semaphore_mem>>) src(%arg10 : memref<128x64xf32, #tpu.memory_space<vmem>>) dst(%dma_wait3A_329 : memref<10240x64xf32, #tpu.memory_space<vmem_shared>>)
    %barrier3A_330 = arith.constant 0 : index
    tpu.barrier barrier_id(%barrier3A_330)
    %mul3A_331 = arith.constant 640 : i32
    %mul3A_332 = arith.muli %arg1, %mul3A_331 : i32
    %mul3A_333 = arith.constant 640 : i32
    %mul3A_334 = arith.muli %arg1, %mul3A_333 : i32
    "tpu.region"() ({
      %run_scoped3A = tpu.sem_alloc : memref<!tpu.dma_semaphore, #tpu.memory_space<semaphore_mem>>
      %dma_start3A_335 = arith.constant 0 : i32
      %dma_start3A_336 = tpu.memref_slice %arg5[%arg0, %mul3A_334, %dma_start3A_335] : memref<2x10240x64xf32, #tpu.memory_space<hbm>> -> memref<1x640x64xf32, #tpu.memory_space<hbm>>
      %dma_start3A_337 = tpu.memref_squeeze %dma_start3A_336 : memref<1x640x64xf32, #tpu.memory_space<hbm>> -> memref<640x64xf32, #tpu.memory_space<hbm>>
      %dma_start3A_338 = arith.constant 0 : i32
      %dma_start3A_339 = tpu.memref_slice %arg11[%mul3A_332, %dma_start3A_338] : memref<10240x64xf32, #tpu.memory_space<vmem_shared>> -> memref<640x64xf32, #tpu.memory_space<vmem_shared>>
      tpu.enqueue_dma source(%dma_start3A_339 : memref<640x64xf32, #tpu.memory_space<vmem_shared>>) target(%dma_start3A_337 : memref<640x64xf32, #tpu.memory_space<hbm>>) target_semaphore(%run_scoped3A : memref<!tpu.dma_semaphore, #tpu.memory_space<semaphore_mem>>)
      %dma_wait3A_340 = arith.constant 0 : i32
      %dma_wait3A_341 = tpu.memref_slice %arg5[%arg0, %mul3A_334, %dma_wait3A_340] : memref<2x10240x64xf32, #tpu.memory_space<hbm>> -> memref<1x640x64xf32, #tpu.memory_space<hbm>>
      %dma_wait3A_342 = tpu.memref_squeeze %dma_wait3A_341 : memref<1x640x64xf32, #tpu.memory_space<hbm>> -> memref<640x64xf32, #tpu.memory_space<hbm>>
      %dma_wait3A_343 = arith.constant 0 : i32
      %dma_wait3A_344 = tpu.memref_slice %arg11[%mul3A_332, %dma_wait3A_343] : memref<10240x64xf32, #tpu.memory_space<vmem_shared>> -> memref<640x64xf32, #tpu.memory_space<vmem_shared>>
      tpu.wait_dma2 semaphore(%run_scoped3A : memref<!tpu.dma_semaphore, #tpu.memory_space<semaphore_mem>>) src(%dma_wait3A_344 : memref<640x64xf32, #tpu.memory_space<vmem_shared>>) dst(%dma_wait3A_342 : memref<640x64xf32, #tpu.memory_space<hbm>>)
      tpu.yield
    }) : () -> ()
    return
  }
}

module attributes {stable_mosaic.version = 14 : i64} {
  func.func @_tc1_body(%arg0: i32, %arg1: memref<512x128xf32, #tpu.memory_space<vmem>>, %arg2: memref<128x64xf32, #tpu.memory_space<vmem>>, %arg3: memref<2x512xf32, #tpu.memory_space<vmem>>, %arg4: memref<512x64xf32, #tpu.memory_space<vmem>>) attributes {dimension_semantics = [#tpu.dimension_semantics<arbitrary>], iteration_bounds = array<i64: 20>, scalar_prefetch = 0 : i64, scratch_operands = 0 : i64, tpu.core_type = #tpu.core_type<tc>, window_params = [{transform_indices = @transform_0, window_bounds = array<i64: 512, 128>}, {pipeline_mode = #tpu.pipeline_mode<synchronous>, transform_indices = @transform_1, window_bounds = array<i64: 128, 64>}, {transform_indices = @transform_2, window_bounds = array<i64: 2, 512>}, {transform_indices = @transform_3, window_bounds = array<i64: 512, 64>}]} {
    %get3A = arith.constant 0 : index
    %get3A_0 = arith.constant 0 : index
    %get3A_1 = vector.load %arg3[%get3A, %get3A_0] : memref<2x512xf32, #tpu.memory_space<vmem>>, vector<1x512xf32>
    %get3A_2 = vector.shape_cast %get3A_1 : vector<1x512xf32> to vector<512xf32>
    %get3A_3 = arith.constant 1 : index
    %get3A_4 = arith.constant 0 : index
    %get3A_5 = vector.load %arg3[%get3A_3, %get3A_4] : memref<2x512xf32, #tpu.memory_space<vmem>>, vector<1x512xf32>
    %get3A_6 = vector.shape_cast %get3A_5 : vector<1x512xf32> to vector<512xf32>
    %add3A = arith.addf %get3A_2, %get3A_6 : vector<512xf32>
    %add3A_7 = arith.constant 1.000000e+00 : f32
    %add3A_8 = vector.broadcast %add3A_7 : f32 to vector<512xf32>
    %add3A_9 = arith.addf %add3A, %add3A_8 : vector<512xf32>
    %rsqrt3A = math.rsqrt %add3A_9 : vector<512xf32>
    %broadcast_in_dim3A = vector.shape_cast %rsqrt3A : vector<512xf32> to vector<512x1xf32>
    %get3A_10 = arith.constant 0 : index
    %get3A_11 = arith.constant 0 : index
    %get3A_12 = vector.load %arg1[%get3A_10, %get3A_11] : memref<512x128xf32, #tpu.memory_space<vmem>>, vector<512x128xf32>
    %get3A_13 = arith.constant 0 : index
    %get3A_14 = arith.constant 0 : index
    %get3A_15 = vector.load %arg2[%get3A_13, %get3A_14] : memref<128x64xf32, #tpu.memory_space<vmem>>, vector<128x64xf32>
    %dot_general3A = arith.constant dense<0.000000e+00> : vector<512x64xf32>
    %dot_general3A_16 = tpu.matmul %get3A_12, %get3A_15, %dot_general3A {dimension_numbers = #tpu.dot_dimension_numbers<[1], [0], [0], [1], [0, 0, 1, 1], [], []>, transpose_lhs_hint = false} : vector<512x128xf32>, vector<128x64xf32>, vector<512x64xf32> -> vector<512x64xf32>
    %mul3A = vector.broadcast %broadcast_in_dim3A : vector<512x1xf32> to vector<512x64xf32>
    %mul3A_17 = arith.mulf %mul3A, %dot_general3A_16 : vector<512x64xf32>
    %swap3A = arith.constant 0 : index
    %swap3A_18 = arith.constant 0 : index
    %swap3A_19 = vector.load %arg4[%swap3A, %swap3A_18] : memref<512x64xf32, #tpu.memory_space<vmem>>, vector<512x64xf32>
    tpu.vector_store %arg4[%swap3A, %swap3A_18], %mul3A_17 {strides = array<i32>} : memref<512x64xf32, #tpu.memory_space<vmem>>, vector<512x64xf32>,
    return
  }
  func.func @transform_0(%arg0: i32) -> (i32, i32) {
    %c0_i32 = arith.constant 0 : i32
    %c0_i32_0 = arith.constant 0 : i32
    return %arg0, %c0_i32 : i32, i32
  }
  func.func @transform_1(%arg0: i32) -> (i32, i32) {
    %c0_i32 = arith.constant 0 : i32
    %c0_i32_0 = arith.constant 0 : i32
    %c0_i32_1 = arith.constant 0 : i32
    return %c0_i32, %c0_i32_0 : i32, i32
  }
  func.func @transform_2(%arg0: i32) -> (i32, i32) {
    %c0_i32 = arith.constant 0 : i32
    %c0_i32_0 = arith.constant 0 : i32
    return %c0_i32, %arg0 : i32, i32
  }
  func.func @transform_3(%arg0: i32) -> (i32, i32) {
    %c0_i32 = arith.constant 0 : i32
    %c0_i32_0 = arith.constant 0 : i32
    return %arg0, %c0_i32 : i32, i32
  }
}

module attributes {stable_mosaic.version = 14 : i64} {
  func.func @_tc2_body(%arg0: i32, %arg1: memref<2x512x64xf32, #tpu.memory_space<vmem>>, %arg2: memref<512x64xf32, #tpu.memory_space<vmem>>, %arg3: memref<2x512xf32, #tpu.memory_space<vmem>>, %arg4: memref<1x64xf32, #tpu.memory_space<vmem>>, %arg5: memref<64x128xf32, #tpu.memory_space<vmem>>, %arg6: memref<512x128xf32, #tpu.memory_space<vmem>>) attributes {dimension_semantics = [#tpu.dimension_semantics<arbitrary>], iteration_bounds = array<i64: 20>, scalar_prefetch = 0 : i64, scratch_operands = 0 : i64, tpu.core_type = #tpu.core_type<tc>, window_params = [{transform_indices = @transform_0, window_bounds = array<i64: 2, 512, 64>}, {transform_indices = @transform_1, window_bounds = array<i64: 512, 64>}, {transform_indices = @transform_2, window_bounds = array<i64: 2, 512>}, {pipeline_mode = #tpu.pipeline_mode<synchronous>, transform_indices = @transform_3, window_bounds = array<i64: 1, 64>}, {pipeline_mode = #tpu.pipeline_mode<synchronous>, transform_indices = @transform_4, window_bounds = array<i64: 64, 128>}, {transform_indices = @transform_5, window_bounds = array<i64: 512, 128>}]} {
    %get3A = arith.constant 0 : index
    %get3A_0 = arith.constant 0 : index
    %get3A_1 = vector.load %arg3[%get3A, %get3A_0] : memref<2x512xf32, #tpu.memory_space<vmem>>, vector<1x512xf32>
    %get3A_2 = vector.shape_cast %get3A_1 : vector<1x512xf32> to vector<512xf32>
    %get3A_3 = arith.constant 1 : index
    %get3A_4 = arith.constant 0 : index
    %get3A_5 = vector.load %arg3[%get3A_3, %get3A_4] : memref<2x512xf32, #tpu.memory_space<vmem>>, vector<1x512xf32>
    %get3A_6 = vector.shape_cast %get3A_5 : vector<1x512xf32> to vector<512xf32>
    %add3A = arith.addf %get3A_2, %get3A_6 : vector<512xf32>
    %add3A_7 = arith.constant 1.000000e+00 : f32
    %add3A_8 = vector.broadcast %add3A_7 : f32 to vector<512xf32>
    %add3A_9 = arith.addf %add3A, %add3A_8 : vector<512xf32>
    %rsqrt3A = math.rsqrt %add3A_9 : vector<512xf32>
    %broadcast_in_dim3A = vector.shape_cast %rsqrt3A : vector<512xf32> to vector<512x1xf32>
    %get3A_10 = arith.constant 0 : index
    %get3A_11 = arith.constant 0 : index
    %get3A_12 = arith.constant 0 : index
    %get3A_13 = vector.load %arg1[%get3A_10, %get3A_11, %get3A_12] : memref<2x512x64xf32, #tpu.memory_space<vmem>>, vector<1x512x64xf32>
    %get3A_14 = vector.shape_cast %get3A_13 : vector<1x512x64xf32> to vector<512x64xf32>
    %get3A_15 = arith.constant 1 : index
    %get3A_16 = arith.constant 0 : index
    %get3A_17 = arith.constant 0 : index
    %get3A_18 = vector.load %arg1[%get3A_15, %get3A_16, %get3A_17] : memref<2x512x64xf32, #tpu.memory_space<vmem>>, vector<1x512x64xf32>
    %get3A_19 = vector.shape_cast %get3A_18 : vector<1x512x64xf32> to vector<512x64xf32>
    %add3A_20 = arith.addf %get3A_14, %get3A_19 : vector<512x64xf32>
    %get3A_21 = arith.constant 0 : index
    %get3A_22 = arith.constant 0 : index
    %get3A_23 = vector.load %arg2[%get3A_21, %get3A_22] : memref<512x64xf32, #tpu.memory_space<vmem>>, vector<512x64xf32>
    %add3A_24 = arith.addf %add3A_20, %get3A_23 : vector<512x64xf32>
    %mul3A = vector.broadcast %broadcast_in_dim3A : vector<512x1xf32> to vector<512x64xf32>
    %mul3A_25 = arith.mulf %mul3A, %add3A_24 : vector<512x64xf32>
    %get3A_26 = arith.constant 0 : index
    %get3A_27 = arith.constant 0 : index
    %get3A_28 = vector.load %arg4[%get3A_26, %get3A_27] : memref<1x64xf32, #tpu.memory_space<vmem>>, vector<1x64xf32>
    %add3A_29 = vector.broadcast %get3A_28 : vector<1x64xf32> to vector<512x64xf32>
    %add3A_30 = arith.addf %mul3A_25, %add3A_29 : vector<512x64xf32>
    %max3A = arith.constant 0.000000e+00 : f32
    %max3A_31 = vector.broadcast %max3A : f32 to vector<512x64xf32>
    %max3A_32 = arith.maximumf %add3A_30, %max3A_31 : vector<512x64xf32>
    %get3A_33 = arith.constant 0 : index
    %get3A_34 = arith.constant 0 : index
    %get3A_35 = vector.load %arg5[%get3A_33, %get3A_34] : memref<64x128xf32, #tpu.memory_space<vmem>>, vector<64x128xf32>
    %dot_general3A = arith.constant dense<0.000000e+00> : vector<512x128xf32>
    %dot_general3A_36 = tpu.matmul %max3A_32, %get3A_35, %dot_general3A {dimension_numbers = #tpu.dot_dimension_numbers<[1], [0], [0], [1], [0, 0, 1, 1], [], []>, transpose_lhs_hint = false} : vector<512x64xf32>, vector<64x128xf32>, vector<512x128xf32> -> vector<512x128xf32>
    %mul3A_37 = vector.broadcast %broadcast_in_dim3A : vector<512x1xf32> to vector<512x128xf32>
    %mul3A_38 = arith.mulf %mul3A_37, %dot_general3A_36 : vector<512x128xf32>
    %mul3A_39 = arith.constant 512 : i32
    %mul3A_40 = arith.muli %arg0, %mul3A_39 : i32
    %iota3A = tpu.iota {dimensions = array<i32: 0>} : vector<512x1xi32>
    %add3A_41 = vector.broadcast %mul3A_40 : i32 to vector<512x1xi32>
    %add3A_42 = arith.addi %add3A_41, %iota3A : vector<512x1xi32>
    %lt3A = arith.constant 10000 : i32
    %lt3A_43 = vector.broadcast %lt3A : i32 to vector<512x1xi32>
    %lt3A_44 = arith.cmpi slt, %add3A_42, %lt3A_43 : vector<512x1xi32>
    %jit3A = arith.constant 0.000000e+00 : f32
    %broadcast_in_dim3A_45 = vector.shape_cast %lt3A_44 : vector<512x1xi1> to vector<512x1xi1>
    %broadcast_in_dim3A_46 = vector.broadcast %broadcast_in_dim3A_45 : vector<512x1xi1> to vector<512x128xi1>
    %broadcast_in_dim3A_47 = vector.broadcast %jit3A : f32 to vector<512x128xf32>
    %select_n3A = arith.select %broadcast_in_dim3A_46, %mul3A_38, %broadcast_in_dim3A_47 : vector<512x128xi1>, vector<512x128xf32>
    %swap3A = arith.constant 0 : index
    %swap3A_48 = arith.constant 0 : index
    %swap3A_49 = vector.load %arg6[%swap3A, %swap3A_48] : memref<512x128xf32, #tpu.memory_space<vmem>>, vector<512x128xf32>
    tpu.vector_store %arg6[%swap3A, %swap3A_48], %select_n3A {strides = array<i32>} : memref<512x128xf32, #tpu.memory_space<vmem>>, vector<512x128xf32>,
    return
  }
  func.func @transform_0(%arg0: i32) -> (i32, i32, i32) {
    %c0_i32 = arith.constant 0 : i32
    %c0_i32_0 = arith.constant 0 : i32
    %c0_i32_1 = arith.constant 0 : i32
    return %c0_i32, %arg0, %c0_i32_0 : i32, i32, i32
  }
  func.func @transform_1(%arg0: i32) -> (i32, i32) {
    %c0_i32 = arith.constant 0 : i32
    %c0_i32_0 = arith.constant 0 : i32
    return %arg0, %c0_i32 : i32, i32
  }
  func.func @transform_2(%arg0: i32) -> (i32, i32) {
    %c0_i32 = arith.constant 0 : i32
    %c0_i32_0 = arith.constant 0 : i32
    return %c0_i32, %arg0 : i32, i32
  }
  func.func @transform_3(%arg0: i32) -> (i32, i32) {
    %c0_i32 = arith.constant 0 : i32
    %c0_i32_0 = arith.constant 0 : i32
    %c0_i32_1 = arith.constant 0 : i32
    return %c0_i32, %c0_i32_0 : i32, i32
  }
  func.func @transform_4(%arg0: i32) -> (i32, i32) {
    %c0_i32 = arith.constant 0 : i32
    %c0_i32_0 = arith.constant 0 : i32
    %c0_i32_1 = arith.constant 0 : i32
    return %c0_i32, %c0_i32_0 : i32, i32
  }
  func.func @transform_5(%arg0: i32) -> (i32, i32) {
    %c0_i32 = arith.constant 0 : i32
    %c0_i32_0 = arith.constant 0 : i32
    return %arg0, %c0_i32 : i32, i32
  }
}

module attributes {stable_mosaic.version = 14 : i64} {
  func.func @_tc34_body(%arg0: i32, %arg1: memref<2x512x128xf32, #tpu.memory_space<vmem>>, %arg2: memref<512x128xf32, #tpu.memory_space<vmem>>, %arg3: memref<2x512xf32, #tpu.memory_space<vmem>>, %arg4: memref<1x128xf32, #tpu.memory_space<vmem>>, %arg5: memref<512x1xi32, #tpu.memory_space<vmem>>, %arg6: memref<128x1024xf32, #tpu.memory_space<vmem>>, %arg7: memref<1x1024xf32, #tpu.memory_space<vmem>>, %arg8: memref<1024x640xf32, #tpu.memory_space<vmem>>, %arg9: memref<1x640xf32, #tpu.memory_space<vmem>>, %arg10: memref<64x640xf32, #tpu.memory_space<vmem>>, %arg11: memref<64x128xf32, #tpu.memory_space<vmem>>, %arg12: memref<64x128xf32, #tpu.memory_space<vmem>>, %arg13: memref<64x1024xf32, #tpu.memory_space<vmem>>) attributes {dimension_semantics = [#tpu.dimension_semantics<arbitrary>], iteration_bounds = array<i64: 30>, scalar_prefetch = 0 : i64, scratch_operands = 3 : i64, tpu.core_type = #tpu.core_type<tc>, window_params = [{transform_indices = @transform_0, window_bounds = array<i64: 2, 512, 128>}, {transform_indices = @transform_1, window_bounds = array<i64: 512, 128>}, {transform_indices = @transform_2, window_bounds = array<i64: 2, 512>}, {pipeline_mode = #tpu.pipeline_mode<synchronous>, transform_indices = @transform_3, window_bounds = array<i64: 1, 128>}, {transform_indices = @transform_4, window_bounds = array<i64: 512, 1>}, {pipeline_mode = #tpu.pipeline_mode<synchronous>, transform_indices = @transform_5, window_bounds = array<i64: 128, 1024>}, {pipeline_mode = #tpu.pipeline_mode<synchronous>, transform_indices = @transform_6, window_bounds = array<i64: 1, 1024>}, {transform_indices = @transform_7, window_bounds = array<i64: 1024, 640>}, {transform_indices = @transform_8, window_bounds = array<i64: 1, 640>}, {transform_indices = @transform_9, window_bounds = array<i64: 64, 640>}]} {
    %eq3A = arith.constant 0 : i32
    %eq3A_0 = arith.cmpi eq, %arg0, %eq3A : i32
    %convert_element_type3A = arith.extui %eq3A_0 : i1 to i32
    %cond3A = arith.constant 0 : i32
    %cond3A_1 = arith.cmpi ne, %convert_element_type3A, %cond3A : i32
    scf.if %cond3A_1 {
      %broadcast_in_dim3A = arith.constant 0.000000e+00 : f32
      %broadcast_in_dim3A_15 = vector.broadcast %broadcast_in_dim3A : f32 to vector<64x128xf32>
      %swap3A = arith.constant 0 : index
      %swap3A_16 = arith.constant 0 : index
      %swap3A_17 = vector.load %arg11[%swap3A, %swap3A_16] : memref<64x128xf32, #tpu.memory_space<vmem>>, vector<64x128xf32>
      tpu.vector_store %arg11[%swap3A, %swap3A_16], %broadcast_in_dim3A_15 {strides = array<i32>} : memref<64x128xf32, #tpu.memory_space<vmem>>, vector<64x128xf32>,
      %broadcast_in_dim3A_18 = arith.constant 0.000000e+00 : f32
      %broadcast_in_dim3A_19 = vector.broadcast %broadcast_in_dim3A_18 : f32 to vector<64x128xf32>
      %swap3A_20 = arith.constant 0 : index
      %swap3A_21 = arith.constant 0 : index
      %swap3A_22 = vector.load %arg12[%swap3A_20, %swap3A_21] : memref<64x128xf32, #tpu.memory_space<vmem>>, vector<64x128xf32>
      tpu.vector_store %arg12[%swap3A_20, %swap3A_21], %broadcast_in_dim3A_19 {strides = array<i32>} : memref<64x128xf32, #tpu.memory_space<vmem>>, vector<64x128xf32>,
    } else {
    }
    %lt3A = arith.constant 20 : i32
    %lt3A_2 = arith.cmpi slt, %arg0, %lt3A : i32
    %convert_element_type3A_3 = arith.extui %lt3A_2 : i1 to i32
    %cond3A_4 = arith.constant 0 : i32
    %cond3A_5 = arith.cmpi ne, %convert_element_type3A_3, %cond3A_4 : i32
    scf.if %cond3A_5 {
      %get3A = arith.constant 0 : index
      %get3A_15 = arith.constant 0 : index
      %get3A_16 = vector.load %arg3[%get3A, %get3A_15] : memref<2x512xf32, #tpu.memory_space<vmem>>, vector<1x512xf32>
      %get3A_17 = vector.shape_cast %get3A_16 : vector<1x512xf32> to vector<512xf32>
      %get3A_18 = arith.constant 1 : index
      %get3A_19 = arith.constant 0 : index
      %get3A_20 = vector.load %arg3[%get3A_18, %get3A_19] : memref<2x512xf32, #tpu.memory_space<vmem>>, vector<1x512xf32>
      %get3A_21 = vector.shape_cast %get3A_20 : vector<1x512xf32> to vector<512xf32>
      %add3A = arith.addf %get3A_17, %get3A_21 : vector<512xf32>
      %add3A_22 = arith.constant 1.000000e+00 : f32
      %add3A_23 = vector.broadcast %add3A_22 : f32 to vector<512xf32>
      %add3A_24 = arith.addf %add3A, %add3A_23 : vector<512xf32>
      %rsqrt3A = math.rsqrt %add3A_24 : vector<512xf32>
      %broadcast_in_dim3A = vector.shape_cast %rsqrt3A : vector<512xf32> to vector<512x1xf32>
      %get3A_25 = arith.constant 0 : index
      %get3A_26 = arith.constant 0 : index
      %get3A_27 = arith.constant 0 : index
      %get3A_28 = vector.load %arg1[%get3A_25, %get3A_26, %get3A_27] : memref<2x512x128xf32, #tpu.memory_space<vmem>>, vector<1x512x128xf32>
      %get3A_29 = vector.shape_cast %get3A_28 : vector<1x512x128xf32> to vector<512x128xf32>
      %get3A_30 = arith.constant 1 : index
      %get3A_31 = arith.constant 0 : index
      %get3A_32 = arith.constant 0 : index
      %get3A_33 = vector.load %arg1[%get3A_30, %get3A_31, %get3A_32] : memref<2x512x128xf32, #tpu.memory_space<vmem>>, vector<1x512x128xf32>
      %get3A_34 = vector.shape_cast %get3A_33 : vector<1x512x128xf32> to vector<512x128xf32>
      %add3A_35 = arith.addf %get3A_29, %get3A_34 : vector<512x128xf32>
      %get3A_36 = arith.constant 0 : index
      %get3A_37 = arith.constant 0 : index
      %get3A_38 = vector.load %arg2[%get3A_36, %get3A_37] : memref<512x128xf32, #tpu.memory_space<vmem>>, vector<512x128xf32>
      %add3A_39 = arith.addf %add3A_35, %get3A_38 : vector<512x128xf32>
      %mul3A = vector.broadcast %broadcast_in_dim3A : vector<512x1xf32> to vector<512x128xf32>
      %mul3A_40 = arith.mulf %mul3A, %add3A_39 : vector<512x128xf32>
      %get3A_41 = arith.constant 0 : index
      %get3A_42 = arith.constant 0 : index
      %get3A_43 = vector.load %arg4[%get3A_41, %get3A_42] : memref<1x128xf32, #tpu.memory_space<vmem>>, vector<1x128xf32>
      %add3A_44 = vector.broadcast %get3A_43 : vector<1x128xf32> to vector<512x128xf32>
      %add3A_45 = arith.addf %mul3A_40, %add3A_44 : vector<512x128xf32>
      %max3A = arith.constant 0.000000e+00 : f32
      %max3A_46 = vector.broadcast %max3A : f32 to vector<512x128xf32>
      %max3A_47 = arith.maximumf %add3A_45, %max3A_46 : vector<512x128xf32>
      %iota3A = tpu.iota {dimensions = array<i32: 1>} : vector<512x64xi32>
      %get3A_48 = arith.constant 0 : index
      %get3A_49 = arith.constant 0 : index
      %get3A_50 = vector.load %arg5[%get3A_48, %get3A_49] : memref<512x1xi32, #tpu.memory_space<vmem>>, vector<512x1xi32>
      %eq3A_51 = vector.broadcast %get3A_50 : vector<512x1xi32> to vector<512x64xi32>
      %eq3A_52 = arith.cmpi eq, %eq3A_51, %iota3A : vector<512x64xi32>
      %convert_element_type3A_53 = arith.extui %eq3A_52 : vector<512x64xi1> to vector<512x64xi32>
      %convert_element_type3A_54 = arith.sitofp %convert_element_type3A_53 : vector<512x64xi32> to vector<512x64xf32>
      %get3A_55 = arith.constant 0 : index
      %get3A_56 = arith.constant 0 : index
      %get3A_57 = vector.load %arg11[%get3A_55, %get3A_56] : memref<64x128xf32, #tpu.memory_space<vmem>>, vector<64x128xf32>
      %dot_general3A = arith.constant dense<0.000000e+00> : vector<64x128xf32>
      %dot_general3A_58 = tpu.matmul %convert_element_type3A_54, %max3A_47, %dot_general3A {dimension_numbers = #tpu.dot_dimension_numbers<[0], [0], [1], [1], [0, 1, 1, 1], [], []>, transpose_lhs_hint = false} : vector<512x64xf32>, vector<512x128xf32>, vector<64x128xf32> -> vector<64x128xf32>
      %add3A_59 = arith.addf %get3A_57, %dot_general3A_58 : vector<64x128xf32>
      %swap3A = arith.constant 0 : index
      %swap3A_60 = arith.constant 0 : index
      %swap3A_61 = vector.load %arg11[%swap3A, %swap3A_60] : memref<64x128xf32, #tpu.memory_space<vmem>>, vector<64x128xf32>
      tpu.vector_store %arg11[%swap3A, %swap3A_60], %add3A_59 {strides = array<i32>} : memref<64x128xf32, #tpu.memory_space<vmem>>, vector<64x128xf32>,
      %get3A_62 = arith.constant 0 : index
      %get3A_63 = arith.constant 0 : index
      %get3A_64 = vector.load %arg12[%get3A_62, %get3A_63] : memref<64x128xf32, #tpu.memory_space<vmem>>, vector<64x128xf32>
      %broadcast_in_dim3A_65 = arith.constant 1.000000e+00 : f32
      %broadcast_in_dim3A_66 = vector.broadcast %broadcast_in_dim3A_65 : f32 to vector<512x128xf32>
      %dot_general3A_67 = arith.constant dense<0.000000e+00> : vector<64x128xf32>
      %dot_general3A_68 = tpu.matmul %convert_element_type3A_54, %broadcast_in_dim3A_66, %dot_general3A_67 {dimension_numbers = #tpu.dot_dimension_numbers<[0], [0], [1], [1], [0, 1, 1, 1], [], []>, transpose_lhs_hint = false} : vector<512x64xf32>, vector<512x128xf32>, vector<64x128xf32> -> vector<64x128xf32>
      %add3A_69 = arith.addf %get3A_64, %dot_general3A_68 : vector<64x128xf32>
      %swap3A_70 = arith.constant 0 : index
      %swap3A_71 = arith.constant 0 : index
      %swap3A_72 = vector.load %arg12[%swap3A_70, %swap3A_71] : memref<64x128xf32, #tpu.memory_space<vmem>>, vector<64x128xf32>
      tpu.vector_store %arg12[%swap3A_70, %swap3A_71], %add3A_69 {strides = array<i32>} : memref<64x128xf32, #tpu.memory_space<vmem>>, vector<64x128xf32>,
    } else {
    }
    %eq3A_6 = arith.constant 20 : i32
    %eq3A_7 = arith.cmpi eq, %arg0, %eq3A_6 : i32
    %convert_element_type3A_8 = arith.extui %eq3A_7 : i1 to i32
    %cond3A_9 = arith.constant 0 : i32
    %cond3A_10 = arith.cmpi ne, %convert_element_type3A_8, %cond3A_9 : i32
    scf.if %cond3A_10 {
      %get3A = arith.constant 0 : index
      %get3A_15 = arith.constant 0 : index
      %get3A_16 = vector.load %arg11[%get3A, %get3A_15] : memref<64x128xf32, #tpu.memory_space<vmem>>, vector<64x128xf32>
      %get3A_17 = arith.constant 0 : index
      %get3A_18 = arith.constant 0 : index
      %get3A_19 = vector.load %arg12[%get3A_17, %get3A_18] : memref<64x128xf32, #tpu.memory_space<vmem>>, vector<64x128xf32>
      %max3A = arith.constant 1.000000e+00 : f32
      %max3A_20 = vector.broadcast %max3A : f32 to vector<64x128xf32>
      %max3A_21 = arith.maximumf %get3A_19, %max3A_20 : vector<64x128xf32>
      %div3A = arith.divf %get3A_16, %max3A_21 : vector<64x128xf32>
      %get3A_22 = arith.constant 0 : index
      %get3A_23 = arith.constant 0 : index
      %get3A_24 = vector.load %arg6[%get3A_22, %get3A_23] : memref<128x1024xf32, #tpu.memory_space<vmem>>, vector<128x1024xf32>
      %dot_general3A = arith.constant dense<0.000000e+00> : vector<64x1024xf32>
      %dot_general3A_25 = tpu.matmul %div3A, %get3A_24, %dot_general3A {dimension_numbers = #tpu.dot_dimension_numbers<[1], [0], [0], [1], [0, 0, 1, 1], [], []>, transpose_lhs_hint = false} : vector<64x128xf32>, vector<128x1024xf32>, vector<64x1024xf32> -> vector<64x1024xf32>
      %get3A_26 = arith.constant 0 : index
      %get3A_27 = arith.constant 0 : index
      %get3A_28 = vector.load %arg7[%get3A_26, %get3A_27] : memref<1x1024xf32, #tpu.memory_space<vmem>>, vector<1x1024xf32>
      %add3A = vector.broadcast %get3A_28 : vector<1x1024xf32> to vector<64x1024xf32>
      %add3A_29 = arith.addf %dot_general3A_25, %add3A : vector<64x1024xf32>
      %max3A_30 = arith.constant 0.000000e+00 : f32
      %max3A_31 = vector.broadcast %max3A_30 : f32 to vector<64x1024xf32>
      %max3A_32 = arith.maximumf %add3A_29, %max3A_31 : vector<64x1024xf32>
      %swap3A = arith.constant 0 : index
      %swap3A_33 = arith.constant 0 : index
      %swap3A_34 = vector.load %arg13[%swap3A, %swap3A_33] : memref<64x1024xf32, #tpu.memory_space<vmem>>, vector<64x1024xf32>
      tpu.vector_store %arg13[%swap3A, %swap3A_33], %max3A_32 {strides = array<i32>} : memref<64x1024xf32, #tpu.memory_space<vmem>>, vector<64x1024xf32>,
    } else {
    }
    %ge3A = arith.constant 20 : i32
    %ge3A_11 = arith.cmpi sge, %arg0, %ge3A : i32
    %convert_element_type3A_12 = arith.extui %ge3A_11 : i1 to i32
    %cond3A_13 = arith.constant 0 : i32
    %cond3A_14 = arith.cmpi ne, %convert_element_type3A_12, %cond3A_13 : i32
    scf.if %cond3A_14 {
      %get3A = arith.constant 0 : index
      %get3A_15 = arith.constant 0 : index
      %get3A_16 = vector.load %arg13[%get3A, %get3A_15] : memref<64x1024xf32, #tpu.memory_space<vmem>>, vector<64x1024xf32>
      %get3A_17 = arith.constant 0 : index
      %get3A_18 = arith.constant 0 : index
      %get3A_19 = vector.load %arg8[%get3A_17, %get3A_18] : memref<1024x640xf32, #tpu.memory_space<vmem>>, vector<1024x640xf32>
      %dot_general3A = arith.constant dense<0.000000e+00> : vector<64x640xf32>
      %dot_general3A_20 = tpu.matmul %get3A_16, %get3A_19, %dot_general3A {dimension_numbers = #tpu.dot_dimension_numbers<[1], [0], [0], [1], [0, 0, 1, 1], [], []>, transpose_lhs_hint = false} : vector<64x1024xf32>, vector<1024x640xf32>, vector<64x640xf32> -> vector<64x640xf32>
      %get3A_21 = arith.constant 0 : index
      %get3A_22 = arith.constant 0 : index
      %get3A_23 = vector.load %arg9[%get3A_21, %get3A_22] : memref<1x640xf32, #tpu.memory_space<vmem>>, vector<1x640xf32>
      %add3A = vector.broadcast %get3A_23 : vector<1x640xf32> to vector<64x640xf32>
      %add3A_24 = arith.addf %dot_general3A_20, %add3A : vector<64x640xf32>
      %swap3A = arith.constant 0 : index
      %swap3A_25 = arith.constant 0 : index
      %swap3A_26 = vector.load %arg10[%swap3A, %swap3A_25] : memref<64x640xf32, #tpu.memory_space<vmem>>, vector<64x640xf32>
      tpu.vector_store %arg10[%swap3A, %swap3A_25], %add3A_24 {strides = array<i32>} : memref<64x640xf32, #tpu.memory_space<vmem>>, vector<64x640xf32>,
    } else {
    }
    return
  }
  func.func @transform_0(%arg0: i32) -> (i32, i32, i32) {
    %min3A = arith.constant 19 : i32
    %min3A_0 = arith.minsi %arg0, %min3A : i32
    %c0_i32 = arith.constant 0 : i32
    %c0_i32_1 = arith.constant 0 : i32
    %c0_i32_2 = arith.constant 0 : i32
    return %c0_i32, %min3A_0, %c0_i32_1 : i32, i32, i32
  }
  func.func @transform_1(%arg0: i32) -> (i32, i32) {
    %min3A = arith.constant 19 : i32
    %min3A_0 = arith.minsi %arg0, %min3A : i32
    %c0_i32 = arith.constant 0 : i32
    %c0_i32_1 = arith.constant 0 : i32
    return %min3A_0, %c0_i32 : i32, i32
  }
  func.func @transform_2(%arg0: i32) -> (i32, i32) {
    %min3A = arith.constant 19 : i32
    %min3A_0 = arith.minsi %arg0, %min3A : i32
    %c0_i32 = arith.constant 0 : i32
    %c0_i32_1 = arith.constant 0 : i32
    return %c0_i32, %min3A_0 : i32, i32
  }
  func.func @transform_3(%arg0: i32) -> (i32, i32) {
    %c0_i32 = arith.constant 0 : i32
    %c0_i32_0 = arith.constant 0 : i32
    %c0_i32_1 = arith.constant 0 : i32
    return %c0_i32, %c0_i32_0 : i32, i32
  }
  func.func @transform_4(%arg0: i32) -> (i32, i32) {
    %min3A = arith.constant 19 : i32
    %min3A_0 = arith.minsi %arg0, %min3A : i32
    %c0_i32 = arith.constant 0 : i32
    %c0_i32_1 = arith.constant 0 : i32
    return %min3A_0, %c0_i32 : i32, i32
  }
  func.func @transform_5(%arg0: i32) -> (i32, i32) {
    %c0_i32 = arith.constant 0 : i32
    %c0_i32_0 = arith.constant 0 : i32
    %c0_i32_1 = arith.constant 0 : i32
    return %c0_i32, %c0_i32_0 : i32, i32
  }
  func.func @transform_6(%arg0: i32) -> (i32, i32) {
    %c0_i32 = arith.constant 0 : i32
    %c0_i32_0 = arith.constant 0 : i32
    %c0_i32_1 = arith.constant 0 : i32
    return %c0_i32, %c0_i32_0 : i32, i32
  }
  func.func @transform_7(%arg0: i32) -> (i32, i32) {
    %sub3A = arith.constant 20 : i32
    %sub3A_0 = arith.subi %arg0, %sub3A : i32
    %max3A = arith.constant 0 : i32
    %max3A_1 = arith.maxsi %sub3A_0, %max3A : i32
    %c0_i32 = arith.constant 0 : i32
    %c0_i32_2 = arith.constant 0 : i32
    return %c0_i32, %max3A_1 : i32, i32
  }
  func.func @transform_8(%arg0: i32) -> (i32, i32) {
    %sub3A = arith.constant 20 : i32
    %sub3A_0 = arith.subi %arg0, %sub3A : i32
    %max3A = arith.constant 0 : i32
    %max3A_1 = arith.maxsi %sub3A_0, %max3A : i32
    %c0_i32 = arith.constant 0 : i32
    %c0_i32_2 = arith.constant 0 : i32
    return %c0_i32, %max3A_1 : i32, i32
  }
  func.func @transform_9(%arg0: i32) -> (i32, i32) {
    %sub3A = arith.constant 20 : i32
    %sub3A_0 = arith.subi %arg0, %sub3A : i32
    %max3A = arith.constant 0 : i32
    %max3A_1 = arith.maxsi %sub3A_0, %max3A : i32
    %c0_i32 = arith.constant 0 : i32
    %c0_i32_2 = arith.constant 0 : i32
    return %c0_i32, %max3A_1 : i32, i32
  }
}

</mosaic_0001>

<sc_bundles>
// kernel: kernel.11.cloned.1.call-start
scs
__scs_entry_jumppad:
0x0: {  	(pc) =	sbr.rel $0x88, $3  }
0x1: {  	(tag) =	ssettag $0x0;
	lr =	simm.s32 $0x1  }
0x2: {  	[smem:$0x3F96] =	sst lr;
	_ =	strace $0xD0000000  }
0x3: {  	_ = 	snop  }
0x4: {  	_ = 	snop  }
0x5: {  	_ = 	snop  }
0x6: {  	_ = 	snop  }
0x7: {  	_ = 	snop  }
__scs_overlays_trampoline_lowered:
0x8: {  	[smem:$0x3FA5] =	sst s0  }
0x9: {  	[smem:$0x3FA6] =	sst s1  }
0xa: {  	[smem:$0x3FA7] =	sst s2  }
0xb: {  	[smem:$0x3FA8] =	sst s3  }
0xc: {  	[smem:$0x3FA9] =	sst s4  }
0xd: {  	[smem:$0x3FAA] =	sst s5  }
0xe: {  	[smem:$0x3FAB] =	sst s6  }
0xf: {  	[smem:$0x3FAC] =	sst s7  }
0x10: {  	[smem:$0x3FAD] =	sst s8  }
0x11: {  	[smem:$0x3FAE] =	sst s9;
	s0 =	simm.s32 @!p0 $0x0  }
0x12: {  	s1 =	sld [smem:$0x3F94];
	s0 =	simm.s32 @p0 $0x1  }
0x13: {  	[smem:$0x3FAF] =	sst s0;
	s0 =	simm.s32 @!p1 $0x0  }
0x14: {  	s2 =	sld [smem:$0x3F93];
	s0 =	simm.s32 @p1 $0x1  }
0x15: {  	[smem:$0x3FB0] =	sst s0;
	s0 =	simm.s32 @!p2 $0x0  }
0x16: {  	s3 =	sld [smem:$0x3FDB];
	s0 =	simm.s32 @p2 $0x1  }
0x17: {  	s4 =	simm.s32 $0x1BF5;
	[smem:$0x3FB2] =	sst s0  }
0x18: {  	s0 =	sld [smem:$0x3F95];
	_ =	swait.ge [sflag:s4], $0x0  }
0x19: {  	s7 =	sld [smem:$0x3F96]  }
0x1a: {  	s8 =	sadd.s32 $0xFFFFE003, lr  }
0x1b: {  	s9 =	sadd.s32 $0xFFFFFEF7, lr;
	s5 =	simm.s32 $0xFFFFFFFF;
	p2 =	slt.u32 s8, $0xFFFFF086  }
0x1c: {  	p1 =	slt.u32 s9, $0xF7A;
	s5 =	simm.s32 @!p2 $0x0  }
0x1d: {  	s5 =	simm.s32 @p1 $0x1;
	p0 =	seq.s32 s7, s2  }
0x1e: {  	s7 =	smul.u32 @!p0 $0xF7A, s2;
	p2 =	seq.s32 @!p0 s5, $0x0  }
0x1f: {  	s9 =	smul.u32 $0xF7A, s1;
	s8 =	simm.s32 @!p0 $0x1BF5;
	p2 =	por !p2, p0  }
0x20: {  	[sflag:s8] =	ssyncset.s32 @!p0 $0xFFFFF086;
	s6 =	sadd.s32 @!p0 s3, s7;
	s7 =	simm.s32 @!p0 $0x108  }
0x21: {  	s3 =	sadd.s32 s3, s9;
	s6 =	sadd.s32 @!p0 $0x88, s6;
	s7 =	simm.s32 @p2 $0x1082  }
0x22: {  	[simem:s7], [sflag:s8] =	dma.local @!p0 [hbm:s6], $0xF7A  }
0x23: {  	s9 =	sor.u32 $0xD0000000, s2;
	s6 =	simm.s32 $0x108;
	_ =	swait.ge @!p0 [sflag:s8], $0x0  }
0x24: {  	s3 =	sadd.s32 $0x88, s3;
	s6 =	simm.s32 @!p1 $0x1082;
	[sflag:s4] =	ssyncset.s32 $0xFFFFF086  }
0x25: {  	[simem:s6], [sflag:s4] =	dma.local [hbm:s3], $0xF7A  }
0x26: {  	[smem:$0x3F96] =	sst s1;
	(tag) =	ssettag s2;
	_ =	strace s9  }
0x27: {  	s1 =	sld [smem:$0x3FA6]  }
0x28: {  	s2 =	sld [smem:$0x3FA7]  }
0x29: {  	s4 =	sld [smem:$0x3FA9]  }
0x2a: {  	p0 =	seq.s32 s5, $0x0;
	s5 =	sld [smem:$0x3FAA]  }
0x2b: {  	s6 =	sld [smem:$0x3FAB]  }
0x2c: {  	s7 =	sld [smem:$0x3FAC]  }
0x2d: {  	s3 =	simm.s32 $0x108;
	s8 =	sld [smem:$0x3FAD]  }
0x2e: {  	s3 =	simm.s32 @!p0 $0x1082;
	s9 =	sld [smem:$0x3FAE]  }
0x2f: {  	lr =	sadd.s32 s0, s3;
	s0 =	sld [smem:$0x3FA5]  }
0x30: {  	s3 =	sld [smem:$0x3FA8]  }
0x31: {  	[smem:$0x3FB1] =	sst s10  }
0x32: {  	s10 =	sld [smem:$0x3FAF];
	_ =	sdelay $0x3  }
0x33: {  	p0 =	seq.s32 s10, $0x1;
	s10 =	sld [smem:$0x3FB1];
	_ =	sdelay $0x3  }
0x34: {  	[smem:$0x3FB1] =	sst s10  }
0x35: {  	s10 =	sld [smem:$0x3FB0];
	_ =	sdelay $0x3  }
0x36: {  	p1 =	seq.s32 s10, $0x1;
	s10 =	sld [smem:$0x3FB1];
	_ =	sdelay $0x3  }
0x37: {  	[smem:$0x3FB1] =	sst s10  }
0x38: {  	s10 =	sld [smem:$0x3FB2]  }
0x39: {  	_ = 	snop;
	(pc) =	sbr.ind lr, $3  }
0x3a: {  	_ = 	snop  }
0x3b: {  	_ = 	snop  }
0x3c: {  	p2 =	seq.s32 s10, $0x1;
	s10 =	sld [smem:$0x3FB1]  }
0x3d: {  	_ =	shalt  }
0x3e: {  	_ =	shalt  }
0x3f: {  	_ =	shalt  }
0x40: {  	_ =	shalt  }
0x41: {  	_ =	shalt  }
0x42: {  	_ =	shalt  }
0x43: {  	_ =	shalt  }
0x44: {  	_ =	shalt  }
0x45: {  	_ =	shalt  }
0x46: {  	_ =	shalt  }
0x47: {  	_ =	shalt  }
0x48: {  	_ =	shalt  }
0x49: {  	_ =	shalt  }
0x4a: {  	_ =	shalt  }
0x4b: {  	_ =	shalt  }
0x4c: {  	_ =	shalt  }
0x4d: {  	_ =	shalt  }
0x4e: {  	_ =	shalt  }
0x4f: {  	_ =	shalt  }
0x50: {  	_ =	shalt  }
0x51: {  	_ =	shalt  }
0x52: {  	_ =	shalt  }
0x53: {  	_ =	shalt  }
0x54: {  	_ =	shalt  }
0x55: {  	_ =	shalt  }
0x56: {  	_ =	shalt  }
0x57: {  	_ =	shalt  }
0x58: {  	_ =	shalt  }
0x59: {  	_ =	shalt  }
0x5a: {  	_ =	shalt  }
0x5b: {  	_ =	shalt  }
0x5c: {  	_ =	shalt  }
0x5d: {  	_ =	shalt  }
0x5e: {  	_ =	shalt  }
0x5f: {  	_ =	shalt  }
0x60: {  	_ =	shalt  }
0x61: {  	_ =	shalt  }
0x62: {  	_ =	shalt  }
0x63: {  	_ =	shalt  }
0x64: {  	_ =	shalt  }
0x65: {  	_ =	shalt  }
0x66: {  	_ =	shalt  }
0x67: {  	_ =	shalt  }
0x68: {  	_ =	shalt  }
0x69: {  	_ =	shalt  }
0x6a: {  	_ =	shalt  }
0x6b: {  	_ =	shalt  }
0x6c: {  	_ =	shalt  }
0x6d: {  	_ =	shalt  }
0x6e: {  	_ =	shalt  }
0x6f: {  	_ =	shalt  }
0x70: {  	_ =	shalt  }
0x71: {  	_ =	shalt  }
0x72: {  	_ =	shalt  }
0x73: {  	_ =	shalt  }
0x74: {  	_ =	shalt  }
0x75: {  	_ =	shalt  }
0x76: {  	_ =	shalt  }
0x77: {  	_ =	shalt  }
0x78: {  	_ =	shalt  }
0x79: {  	_ =	shalt  }
0x7a: {  	_ =	shalt  }
0x7b: {  	_ =	shalt  }
0x7c: {  	_ =	shalt  }
0x7d: {  	_ =	shalt  }
0x7e: {  	_ =	shalt  }
0x7f: {  	_ =	shalt  }
0x80: {  	_ =	shalt  }
0x81: {  	_ =	shalt  }
0x82: {  	_ =	shalt  }
0x83: {  	_ =	shalt  }
0x84: {  	_ =	shalt  }
0x85: {  	_ =	shalt  }
0x86: {  	_ =	shalt  }
0x87: {  	_ =	shalt  }
.Lfunc_end0:
.L_simem_size_0:
called_computation.1_lowered:
.L_overlay_start_0:
0x88: {  	s2 =	sld [smem:$0x3FD9]  }
0x89: {  	s3 =	sld [smem:$0x3FFE];
	_ =	sdelay $0x1  }
0x8a: {  	s1 =	srdreg.scid  }
0x8b: {  	s0 =	sand.u32 $0x1, s1  }
0x8c: {  	s16 =	sshll.u32 s0, $0xA;
	s2 =	sadd.s32 s3, s2  }
0x8d: {  	s2 =	sadd.s32 s2, s16  }
0x8e: {  	[smem:$0x3FBD] =	sst s2  }
0x8f: {  	_ = 	snop  }
0x90: {  	(tm) =	ssettm $0x1  }
0x91: {  	s17 =	sld [smem:$0x3FFB];
	_ =	sdelay $0x3  }
0x92: {  	_ =	strace s17  }
0x93: {  	s2 =	sld [smem:$0x3FFC];
	_ =	sdelay $0x3  }
0x94: {  	_ =	strace s2  }
0x95: {  	s2 =	sld [smem:$0x3FFD];
	_ =	sdelay $0x3  }
0x96: {  	_ =	strace s2  }
0x97: {  	_ =	strace $0x8FFFFFFF  }
0x98: {  	s18 =	sld [smem:$0x3FDB];
	_ =	sdelay $0x1  }
0x99: {  	s19 =	simm.s32 $_scs_section_size  }
0x9a: {  	s4 =	simm.s32 $_size__tile_overlayer_lowered;
	s5 =	simm.s32 $_tile_overlayer_lowered  }
0x9b: {  	s22 =	simm.s32 $0x1BFF;
	s21 =	sshll.u32 s5, $0x1;
	s2 =	sadd.s32 s19, s18  }
0x9c: {  	s6 =	simm.s32 $0x0;
	s20 =	sshll.u32 s4, $0x1;
	s4 =	sadd.s32 s21, s2  }
0x9d: {  	[timem:s6], [sflag:s22] =	dma.local [hbm:s4], s20  }
0x9e: {  	_ =	swait.ge [sflag:s22], s20  }
0x9f: {  	s3 =	ssub.s32 $0x0, s20;
	[sflag:s22] =	ssyncset.done $0x0  }
0xa0: {  	[sflag:s22] =	ssyncadd.s32 s3;
	_ =	sdelay $0x1  }
0xa1: {  	s23 =	simm.s32 $0x1B8B  }
0xa2: {  	_ =	swait.ge [sflag:s23], $0x1  }
0xa3: {  	[sflag:s23] =	ssyncset.done $0x0  }
0xa4: {  	s25 =	simm.s32 $0x1B8E;
	s24 =	sld [smem:$0x3FFE];
	[sflag:s23] =	ssyncadd.s32 $0xFFFFFFFF  }
0xa5: {  	s26 =	simm.s32 $execute0_lowered;
	[smem:$0x3FD2] =	sst s25  }
0xa6: {  	s4 =	sshll.u32 s26, $0x1;
	_ =	strace $0x80000049;
	[dreg:$0x1] =	wrdreg $0xFFFFFFFF  }
0xa7: {  	s28 =	simm.s32 $_size_execute0_lowered;
	s2 =	sadd.s32 s2, s4;
	[dreg:$0x0] =	wrdreg $0x0  }
0xa8: {  	s4 =	sshll.u32 s28, $0x1;
	[dreg:$0x2] =	wrdreg s2  }
0xa9: {  	[dreg:$0x3] =	wrdreg s4  }
0xaa: {  	[dreg:$0x4] =	wrdreg $0xC0  }
0xab: {  	_ =	task [dreg:s6], $0x5FFFF  }
0xac: {  	[dreg:$0x1] =	wrdreg $0xFFFFFFFF  }
0xad: {  	[dreg:$0x0] =	wrdreg $0x60  }
0xae: {  	[dreg:$0x2] =	wrdreg s24  }
0xaf: {  	[dreg:$0x3] =	wrdreg $0x43000  }
0xb0: {  	[dreg:$0x4] =	wrdreg $0x9  }
0xb1: {  	_ =	task.clear_ibuf [dreg:s6], $0x5FFFF;
	_ =	strace $0x90000049  }
0xb2: {  	s29 =	simm.s32 $0x9;
	_ =	strace $0x8000004B  }
0xb3: {  	_ =	swait.ge [sflag:s29], $0x1  }
0xb4: {  	[sflag:s29] =	ssyncadd.s32 $0xFFFFFFFF  }
0xb5: {  	_ =	strace $0x9000004B  }
0xb6: {  	_ =	sfence  }
0xb7: {  	s30 =	sld [smem:$0x0];
	_ =	sdelay $0x2  }
0xb8: {  	s31 =	sshll.u32 s1, $0xD;
	s1 =	sshrl.u32 s1, $0x2  }
0xb9: {  	s3 =	sand.u32 $0x4000, s31;
	s1 =	sadd.s32 s1, s30  }
0xba: {  	s0 =	sor.u32 s3, s0;
	s1 =	sshll.u32 s1, $0x11  }
0xbb: {  	s0 =	sor.u32 s1, s0  }
0xbc: {  	s0 =	sadd.s32 $0x8F2B, s0  }
0xbd: {  	[sflag:s0] =	ssyncadd.remote.s32 $0x1  }
0xbe: {  	_ =	sfence.sel $0xFFFF  }
0xbf: {  	[dreg:$0x0] =	wrdreg $0xFFFFFFFF;
	(pc) =	sbr.abs _section_cstart, $3  }
0xc0: {  	[dreg:$0x1] =	wrdreg $0xFFFFFFFF  }
0xc1: {  	_ =	task.clear_ibuf [dreg:s6], $0x2FFFF;
	_ =	strace $0x9FFFFFFF  }
0xc2: {  	(tm) =	ssettm $0x7FFFFFFF  }
0xc3: {  	_ =	shalt  }
tec
execute0_lowered:
.L_overlay_start_1:
0x0: {  	(tag) =	ssettag $0x1  }
0x1: {  	s0 =	rddreg [dreg:$0x0]  }
0x2: {  	s1 =	rddreg [dreg:$0x1];
	s3 =	simm.s32 $0x0  }
0x3: {  	s12 =	stileid.u32;
	s2 =	srdreg.scid;
	s28 =	simm.s32 $0x300  }
0x4: {  	s29 =	simm.s32 $0x7;
	s30 =	simm.s32 $0x1;
	s31 =	simm.s32 $0x5  }
0x5: {  	[smem:$0x7FF] =	sst s3;
	s6 =	smul.u32 $0xA000, s12;
	s2 =	sand.u32 $0x1, s2  }
0x6: {  	s5 =	sshll.u32 s12, $0x1;
	s4 =	sadd.s32 $0x2BA00, s0;
	s12 =	smul.u32 $0x5000, s12  }
0x7: {  	s8 =	sadd.s32 $0x17A00, s0;
	_ =	strace $0x8000004A;
	s7 =	smul.u32 $0xA0000, s2  }
0x8: {  	s5 =	sor.u32 s2, s5;
	s10 =	ssub.s32 $0x2, s2;
	s2 =	smul.u32 $0x2800, s2  }
0x9: {  	s9 =	sshrl.u32 s6, $0x3;
	s5 =	smul.u32 $0x2800, s5;
	s11 =	sshrl.u32 s10, $0x1  }
0xa: {  	s9 =	sadd.s32 s9, s0;
	s7 =	sadd.s32 s6, s7;
	s26 =	ssub.s32 s10, s11  }
0xb: {  	s6 =	sadd.s32 s6, s1;
	s2 =	sadd.s32 s2, s12;
	s10 =	simm.s32 $0x3  }
0xc: {  	s7 =	sshrl.u32 s7, $0x3;
	s5 =	sshrl.u32 s5, $0x3;
	[dreg:$0x4] =	wrdreg s6  }
0xd: {  	s9 =	sadd.s32 $0x3FA00, s9;
	s19 =	smax.u32 s26, $0x1;
	s20 =	sor.u32 $0x680, s2  }
0xe: {  	s6 =	sor.u32 $0x600, s2;
	s21 =	sor.u32 $0x580, s2;
	s24 =	sor.u32 $0x500, s2  }
0xf: {  	s25 =	sor.u32 $0x480, s2;
	s2 =	sor.u32 $0x400, s2;
	[dreg:$0x5] =	wrdreg s9  }
0x10: {  	s0 =	sadd.s32 s7, s0;
	s5 =	sadd.s32 s8, s5;
	[dreg:$0xd] =	wrdreg s19  }
0x11: {  	s22 =	sshrl.u32 s6, $0x3;
	s23 =	sshrl.u32 s21, $0x3;
	s26 =	sshrl.u32 s25, $0x3  }
0x12: {  	s2 =	sshrl.u32 s2, $0x3;
	s25 =	simm.s32 $0x100;
	s11 =	sadd.s32 $0x10, s5  }
0x13: {  	s6 =	simm.s32 $0x180;
	s13 =	sadd.s32 $0x20, s5;
	[dreg:$0x3] =	wrdreg s11  }
0x14: {  	s7 =	simm.s32 $0x2;
	s14 =	sadd.s32 $0x30, s5;
	[dreg:$0x6] =	wrdreg s13  }
0x15: {  	s9 =	simm.s32 $0x280;
	s15 =	sadd.s32 $0x40, s5;
	[dreg:$0x7] =	wrdreg s14  }
0x16: {  	s16 =	sadd.s32 $0x50, s5;
	s17 =	sadd.s32 $0x60, s5;
	[dreg:$0x8] =	wrdreg s15  }
0x17: {  	s18 =	sadd.s32 $0x70, s5;
	s0 =	sadd.s32 $0x53A00, s0;
	[dreg:$0x9] =	wrdreg s16  }
0x18: {  	s19 =	sadd.s32 s23, s8;
	s21 =	sadd.s32 s26, s8;
	[dreg:$0xa] =	wrdreg s17  }
0x19: {  	s23 =	simm.s32 $0x80;
	s26 =	simm.s32 $0x4;
	[dreg:$0xb] =	wrdreg s18  }
0x1a: {  	[dreg:$0xc] =	wrdreg s0;
	s0 =	sshrl.u32 s20, $0x3;
	s18 =	sadd.s32 s22, s8  }
0x1b: {  	s22 =	sadd.s32 s2, s8;
	s2 =	simm.s32 $0x200;
	s11 =	simm.s32 $0x0  }
0x1c: {  	s17 =	sadd.s32 s0, s8;
	s0 =	sshrl.u32 s24, $0x3;
	s24 =	simm.s32 $0x50000  }
0x1d: {  	s20 =	sadd.s32 s0, s8;
	s0 =	simm.s32 $0x2300;
	s8 =	simm.s32 $0x6  }
.LBB2_1:
0x1e: {  	[tilespmem:s3], [sflag:$0x4] =	stream.strided.gather [hbm4b:s5+s23], $0x100, s24, s23, $0x38;
	[tilespmem:$0xE300] =	vst v63  }
0x1f: {  	s12 =	rddreg [dreg:$0x3];
	s15 =	stileid.u32  }
0x20: {  	[tilespmem:s25], [sflag:$0x5] =	stream.strided.gather [hbm4b:s12+s23], $0x100, s24, s23, $0x38;
	[tilespmem:$0xE300] =	vst v63  }
0x21: {  	s12 =	sshll.u32 s15, $0x6;
	_ =	swait.ge [sflag:s26], $0x100  }
0x22: {  	s12 =	sor.u32 $0x1C07, s12;
	[sflag:s26] =	ssyncset.done $0x0;
	s13 =	rddreg [dreg:$0x4]  }
0x23: {  	s14 =	rddreg [dreg:$0x5];
	[sflag:s26] =	ssyncadd.s32 $0xFFFFFF00;
	s13 =	sshrl.u32 s13, $0x3  }
0x24: {  	[tilespmem:s28], [sflag:$0x1] =	stream.indirect.gather [hbm4b:s4+s23], $0x40, s3, s23, $0xb8;
	[tilespmem:$0xE300] =	vst v63  }
0x25: {  	[spmem:s13], [sflag:s12] =	dma.local [hbm:s14], $0x1400  }
0x26: {  	_ =	swait.ge [sflag:s29], $0x1400  }
0x27: {  	[sflag:s29] =	ssyncset.done $0x0  }
0x28: {  	[sflag:s29] =	ssyncadd.s32 $0xFFFFEC00  }
0x29: {  	[bflag:$0x0] =	sbarrier.arrive $0xFFFF  }
0x2a: {  	_ =	swait.ge [sflag:s30], $0x2000  }
0x2b: {  	[sflag:s30] =	ssyncset.done $0x0  }
0x2c: {  	[sflag:s30] =	ssyncadd.s32 $0xFFFFE000  }
0x2d: {  	[spmem:s1] =	stream.indirect.scatter.add.f32 [tilespmem:s28], [sflag:$0x2], $0x40, s23, s23, $0xb8;
	[tilespmem:$0xE300] =	vst v63  }
0x2e: {  	_ =	swait.ge [sflag:s31], $0x100  }
0x2f: {  	[sflag:s31] =	ssyncset.done $0x0  }
0x30: {  	[sflag:s31] =	ssyncadd.s32 $0xFFFFFF00  }
0x31: {  	[tilespmem:s0], [sflag:$0x1] =	stream.indirect.gather [hbm4b:s4+s23], $0x40, s25, s23, $0xb8;
	[tilespmem:$0xE300] =	vst v63  }
0x32: {  	s16 =	rddreg [dreg:$0x6]  }
0x33: {  	[tilespmem:s2], [sflag:$0x6] =	stream.strided.gather [hbm4b:s16+s23], $0x100, s24, s23, $0x38;
	[tilespmem:$0xE300] =	vst v63  }
0x34: {  	_ =	swait.ge [sflag:s30], $0x2000  }
0x35: {  	[sflag:s30] =	ssyncset.done $0x0  }
0x36: {  	[sflag:s30] =	ssyncadd.s32 $0xFFFFE000  }
0x37: {  	[spmem:s1] =	stream.indirect.scatter.add.f32 [tilespmem:s0], [sflag:$0x3], $0x40, s6, s23, $0xb8;
	[tilespmem:$0xE300] =	vst v63  }
0x38: {  	_ =	swait.ge [sflag:s7], $0x2000  }
0x39: {  	[sflag:s7] =	ssyncset.done $0x0  }
0x3a: {  	[sflag:s7] =	ssyncadd.s32 $0xFFFFE000  }
0x3b: {  	_ =	swait.ge [sflag:s8], $0x100  }
0x3c: {  	[sflag:s8] =	ssyncset.done $0x0  }
0x3d: {  	[sflag:s8] =	ssyncadd.s32 $0xFFFFFF00  }
0x3e: {  	[tilespmem:s28], [sflag:$0x1] =	stream.indirect.gather [hbm4b:s4+s23], $0x40, s2, s23, $0xb8;
	[tilespmem:$0xE300] =	vst v63  }
0x3f: {  	s15 =	rddreg [dreg:$0x7]  }
0x40: {  	[tilespmem:s3], [sflag:$0x4] =	stream.strided.gather [hbm4b:s15+s23], $0x100, s24, s23, $0x38;
	[tilespmem:$0xE300] =	vst v63  }
0x41: {  	_ =	swait.ge [sflag:s30], $0x2000  }
0x42: {  	[sflag:s30] =	ssyncset.done $0x0  }
0x43: {  	[sflag:s30] =	ssyncadd.s32 $0xFFFFE000  }
0x44: {  	[spmem:s1] =	stream.indirect.scatter.add.f32 [tilespmem:s28], [sflag:$0x2], $0x40, s9, s23, $0xb8;
	[tilespmem:$0xE300] =	vst v63  }
0x45: {  	_ =	swait.ge [sflag:s10], $0x2000  }
0x46: {  	[sflag:s10] =	ssyncset.done $0x0  }
0x47: {  	[sflag:s10] =	ssyncadd.s32 $0xFFFFE000  }
0x48: {  	_ =	swait.ge [sflag:s26], $0x100  }
0x49: {  	[sflag:s26] =	ssyncset.done $0x0  }
0x4a: {  	[sflag:s26] =	ssyncadd.s32 $0xFFFFFF00  }
0x4b: {  	[tilespmem:s0], [sflag:$0x1] =	stream.indirect.gather [hbm4b:s4+s23], $0x40, s3, s23, $0xb8;
	[tilespmem:$0xE300] =	vst v63  }
0x4c: {  	s16 =	rddreg [dreg:$0x8]  }
0x4d: {  	[tilespmem:s25], [sflag:$0x5] =	stream.strided.gather [hbm4b:s16+s23], $0x100, s24, s23, $0x38;
	[tilespmem:$0xE300] =	vst v63  }
0x4e: {  	_ =	swait.ge [sflag:s30], $0x2000  }
0x4f: {  	[sflag:s30] =	ssyncset.done $0x0  }
0x50: {  	[sflag:s30] =	ssyncadd.s32 $0xFFFFE000  }
0x51: {  	[spmem:s1] =	stream.indirect.scatter.add.f32 [tilespmem:s0], [sflag:$0x3], $0x40, s23, s23, $0xb8;
	[tilespmem:$0xE300] =	vst v63  }
0x52: {  	_ =	swait.ge [sflag:s7], $0x2000  }
0x53: {  	[sflag:s7] =	ssyncset.done $0x0  }
0x54: {  	[sflag:s7] =	ssyncadd.s32 $0xFFFFE000  }
0x55: {  	_ =	swait.ge [sflag:s31], $0x100  }
0x56: {  	[sflag:s31] =	ssyncset.done $0x0  }
0x57: {  	[sflag:s31] =	ssyncadd.s32 $0xFFFFFF00  }
0x58: {  	[tilespmem:s28], [sflag:$0x1] =	stream.indirect.gather [hbm4b:s4+s23], $0x40, s25, s23, $0xb8;
	[tilespmem:$0xE300] =	vst v63  }
0x59: {  	s15 =	rddreg [dreg:$0x9]  }
0x5a: {  	[tilespmem:s2], [sflag:$0x6] =	stream.strided.gather [hbm4b:s15+s23], $0x100, s24, s23, $0x38;
	[tilespmem:$0xE300] =	vst v63  }
0x5b: {  	_ =	swait.ge [sflag:s30], $0x2000  }
0x5c: {  	[sflag:s30] =	ssyncset.done $0x0  }
0x5d: {  	[sflag:s30] =	ssyncadd.s32 $0xFFFFE000  }
0x5e: {  	[spmem:s1] =	stream.indirect.scatter.add.f32 [tilespmem:s28], [sflag:$0x2], $0x40, s6, s23, $0xb8;
	[tilespmem:$0xE300] =	vst v63  }
0x5f: {  	_ =	swait.ge [sflag:s10], $0x2000  }
0x60: {  	[sflag:s10] =	ssyncset.done $0x0  }
0x61: {  	[sflag:s10] =	ssyncadd.s32 $0xFFFFE000  }
0x62: {  	_ =	swait.ge [sflag:s8], $0x100  }
0x63: {  	[sflag:s8] =	ssyncset.done $0x0  }
0x64: {  	[sflag:s8] =	ssyncadd.s32 $0xFFFFFF00  }
0x65: {  	[tilespmem:s0], [sflag:$0x1] =	stream.indirect.gather [hbm4b:s4+s23], $0x40, s2, s23, $0xb8;
	[tilespmem:$0xE300] =	vst v63  }
0x66: {  	s16 =	rddreg [dreg:$0xa]  }
0x67: {  	[tilespmem:s3], [sflag:$0x4] =	stream.strided.gather [hbm4b:s16+s23], $0x100, s24, s23, $0x38;
	[tilespmem:$0xE300] =	vst v63  }
0x68: {  	_ =	swait.ge [sflag:s30], $0x2000  }
0x69: {  	[sflag:s30] =	ssyncset.done $0x0  }
0x6a: {  	[sflag:s30] =	ssyncadd.s32 $0xFFFFE000  }
0x6b: {  	[spmem:s1] =	stream.indirect.scatter.add.f32 [tilespmem:s0], [sflag:$0x3], $0x40, s9, s23, $0xb8;
	[tilespmem:$0xE300] =	vst v63  }
0x6c: {  	_ =	swait.ge [sflag:s7], $0x2000  }
0x6d: {  	[sflag:s7] =	ssyncset.done $0x0  }
0x6e: {  	[sflag:s7] =	ssyncadd.s32 $0xFFFFE000  }
0x6f: {  	_ =	swait.ge [sflag:s26], $0x100  }
0x70: {  	[sflag:s26] =	ssyncset.done $0x0  }
0x71: {  	[sflag:s26] =	ssyncadd.s32 $0xFFFFFF00  }
0x72: {  	[tilespmem:s28], [sflag:$0x1] =	stream.indirect.gather [hbm4b:s4+s23], $0x40, s3, s23, $0xb8;
	[tilespmem:$0xE300] =	vst v63  }
0x73: {  	s15 =	rddreg [dreg:$0xb]  }
0x74: {  	[tilespmem:s25], [sflag:$0x5] =	stream.strided.gather [hbm4b:s15+s23], $0x100, s24, s23, $0x38;
	[tilespmem:$0xE300] =	vst v63  }
0x75: {  	_ =	swait.ge [sflag:s30], $0x2000  }
0x76: {  	[sflag:s30] =	ssyncset.done $0x0  }
0x77: {  	[sflag:s30] =	ssyncadd.s32 $0xFFFFE000  }
0x78: {  	[spmem:s1] =	stream.indirect.scatter.add.f32 [tilespmem:s28], [sflag:$0x2], $0x40, s23, s23, $0xb8;
	[tilespmem:$0xE300] =	vst v63  }
0x79: {  	_ =	swait.ge [sflag:s10], $0x2000  }
0x7a: {  	[sflag:s10] =	ssyncset.done $0x0  }
0x7b: {  	[sflag:s10] =	ssyncadd.s32 $0xFFFFE000  }
0x7c: {  	_ =	swait.ge [sflag:s31], $0x100  }
0x7d: {  	[sflag:s31] =	ssyncset.done $0x0  }
0x7e: {  	[sflag:s31] =	ssyncadd.s32 $0xFFFFFF00  }
0x7f: {  	[tilespmem:s0], [sflag:$0x1] =	stream.indirect.gather [hbm4b:s4+s23], $0x40, s25, s23, $0xb8;
	[tilespmem:$0xE300] =	vst v63  }
0x80: {  	s16 =	sadd.s32 $0x0, s22  }
0x81: {  	[tilespmem:s2], [sflag:$0x6] =	stream.strided.gather [hbm4b:s16+s23], $0x100, s24, s23, $0x38;
	[tilespmem:$0xE300] =	vst v63  }
0x82: {  	_ =	swait.ge [sflag:s30], $0x2000  }
0x83: {  	[sflag:s30] =	ssyncset.done $0x0  }
0x84: {  	[sflag:s30] =	ssyncadd.s32 $0xFFFFE000  }
0x85: {  	[spmem:s1] =	stream.indirect.scatter.add.f32 [tilespmem:s0], [sflag:$0x3], $0x40, s6, s23, $0xb8;
	[tilespmem:$0xE300] =	vst v63  }
0x86: {  	_ =	swait.ge [sflag:s7], $0x2000  }
0x87: {  	[sflag:s7] =	ssyncset.done $0x0  }
0x88: {  	[sflag:s7] =	ssyncadd.s32 $0xFFFFE000  }
0x89: {  	_ =	swait.ge [sflag:s8], $0x100  }
0x8a: {  	[sflag:s8] =	ssyncset.done $0x0  }
0x8b: {  	[sflag:s8] =	ssyncadd.s32 $0xFFFFFF00  }
0x8c: {  	[tilespmem:s28], [sflag:$0x1] =	stream.indirect.gather [hbm4b:s4+s23], $0x40, s2, s23, $0xb8;
	[tilespmem:$0xE300] =	vst v63  }
0x8d: {  	s15 =	sadd.s32 $0x0, s21  }
0x8e: {  	[tilespmem:s3], [sflag:$0x4] =	stream.strided.gather [hbm4b:s15+s23], $0x100, s24, s23, $0x38;
	[tilespmem:$0xE300] =	vst v63  }
0x8f: {  	_ =	swait.ge [sflag:s30], $0x2000  }
0x90: {  	[sflag:s30] =	ssyncset.done $0x0  }
0x91: {  	[sflag:s30] =	ssyncadd.s32 $0xFFFFE000  }
0x92: {  	[spmem:s1] =	stream.indirect.scatter.add.f32 [tilespmem:s28], [sflag:$0x2], $0x40, s9, s23, $0xb8;
	[tilespmem:$0xE300] =	vst v63  }
0x93: {  	_ =	swait.ge [sflag:s10], $0x2000  }
0x94: {  	[sflag:s10] =	ssyncset.done $0x0  }
0x95: {  	[sflag:s10] =	ssyncadd.s32 $0xFFFFE000  }
0x96: {  	_ =	swait.ge [sflag:s26], $0x100  }
0x97: {  	[sflag:s26] =	ssyncset.done $0x0  }
0x98: {  	[sflag:s26] =	ssyncadd.s32 $0xFFFFFF00  }
0x99: {  	[tilespmem:s0], [sflag:$0x1] =	stream.indirect.gather [hbm4b:s4+s23], $0x40, s3, s23, $0xb8;
	[tilespmem:$0xE300] =	vst v63  }
0x9a: {  	s16 =	sadd.s32 $0x0, s20  }
0x9b: {  	[tilespmem:s25], [sflag:$0x5] =	stream.strided.gather [hbm4b:s16+s23], $0x100, s24, s23, $0x38;
	[tilespmem:$0xE300] =	vst v63  }
0x9c: {  	_ =	swait.ge [sflag:s30], $0x2000  }
0x9d: {  	[sflag:s30] =	ssyncset.done $0x0  }
0x9e: {  	[sflag:s30] =	ssyncadd.s32 $0xFFFFE000  }
0x9f: {  	[spmem:s1] =	stream.indirect.scatter.add.f32 [tilespmem:s0], [sflag:$0x3], $0x40, s23, s23, $0xb8;
	[tilespmem:$0xE300] =	vst v63  }
0xa0: {  	_ =	swait.ge [sflag:s7], $0x2000  }
0xa1: {  	[sflag:s7] =	ssyncset.done $0x0  }
0xa2: {  	[sflag:s7] =	ssyncadd.s32 $0xFFFFE000  }
0xa3: {  	_ =	swait.ge [sflag:s31], $0x100  }
0xa4: {  	[sflag:s31] =	ssyncset.done $0x0  }
0xa5: {  	[sflag:s31] =	ssyncadd.s32 $0xFFFFFF00  }
0xa6: {  	[tilespmem:s28], [sflag:$0x1] =	stream.indirect.gather [hbm4b:s4+s23], $0x40, s25, s23, $0xb8;
	[tilespmem:$0xE300] =	vst v63  }
0xa7: {  	s15 =	sadd.s32 $0x0, s19  }
0xa8: {  	[tilespmem:s2], [sflag:$0x6] =	stream.strided.gather [hbm4b:s15+s23], $0x100, s24, s23, $0x38;
	[tilespmem:$0xE300] =	vst v63  }
0xa9: {  	_ =	swait.ge [sflag:s30], $0x2000  }
0xaa: {  	[sflag:s30] =	ssyncset.done $0x0  }
0xab: {  	[sflag:s30] =	ssyncadd.s32 $0xFFFFE000  }
0xac: {  	[spmem:s1] =	stream.indirect.scatter.add.f32 [tilespmem:s28], [sflag:$0x2], $0x40, s6, s23, $0xb8;
	[tilespmem:$0xE300] =	vst v63  }
0xad: {  	_ =	swait.ge [sflag:s10], $0x2000  }
0xae: {  	[sflag:s10] =	ssyncset.done $0x0  }
0xaf: {  	[sflag:s10] =	ssyncadd.s32 $0xFFFFE000  }
0xb0: {  	_ =	swait.ge [sflag:s8], $0x100  }
0xb1: {  	[sflag:s8] =	ssyncset.done $0x0  }
0xb2: {  	[sflag:s8] =	ssyncadd.s32 $0xFFFFFF00  }
0xb3: {  	[tilespmem:s0], [sflag:$0x1] =	stream.indirect.gather [hbm4b:s4+s23], $0x40, s2, s23, $0xb8;
	[tilespmem:$0xE300] =	vst v63  }
0xb4: {  	s16 =	sadd.s32 $0x0, s18  }
0xb5: {  	[tilespmem:s3], [sflag:$0x4] =	stream.strided.gather [hbm4b:s16+s23], $0x100, s24, s23, $0x38;
	[tilespmem:$0xE300] =	vst v63  }
0xb6: {  	_ =	swait.ge [sflag:s30], $0x2000  }
0xb7: {  	[sflag:s30] =	ssyncset.done $0x0  }
0xb8: {  	[sflag:s30] =	ssyncadd.s32 $0xFFFFE000  }
0xb9: {  	[spmem:s1] =	stream.indirect.scatter.add.f32 [tilespmem:s0], [sflag:$0x3], $0x40, s9, s23, $0xb8;
	[tilespmem:$0xE300] =	vst v63  }
0xba: {  	_ =	swait.ge [sflag:s7], $0x2000  }
0xbb: {  	[sflag:s7] =	ssyncset.done $0x0  }
0xbc: {  	[sflag:s7] =	ssyncadd.s32 $0xFFFFE000  }
0xbd: {  	_ =	swait.ge [sflag:s26], $0x100  }
0xbe: {  	[sflag:s26] =	ssyncset.done $0x0  }
0xbf: {  	s14 =	simm.s32 $0x60;
	s15 =	sadd.s32 $0x0, s17;
	[sflag:s26] =	ssyncadd.s32 $0xFFFFFF00  }
0xc0: {  	[tilespmem:s28], [sflag:$0x1] =	stream.indirect.gather [hbm4b:s4+s23], $0x40, s3, s23, $0xb8;
	[tilespmem:$0xE300] =	vst v63  }
.LBB2_2:
0xc1: {  	[tilespmem:s25], [sflag:$0x5] =	stream.strided.gather [hbm4b:s15+s23], $0x100, s24, s23, $0x38;
	[tilespmem:$0xE300] =	vst v63  }
0xc2: {  	s15 =	smov.u32 s14  }
0xc3: {  	p0 =	sne.s32 s14, $0x420;
	s14 =	sadd.s32 $0x60, s14;
	_ =	swait.ge [sflag:s30], $0x2000  }
0xc4: {  	[sflag:s30] =	ssyncset.done $0x0  }
0xc5: {  	[sflag:s30] =	ssyncadd.s32 $0xFFFFE000  }
0xc6: {  	[spmem:s1] =	stream.indirect.scatter.add.f32 [tilespmem:s28], [sflag:$0x2], $0x40, s23, s23, $0xb8;
	[tilespmem:$0xE300] =	vst v63  }
0xc7: {  	_ =	swait.ge [sflag:s10], $0x2000  }
0xc8: {  	[sflag:s10] =	ssyncset.done $0x0  }
0xc9: {  	[sflag:s10] =	ssyncadd.s32 $0xFFFFE000  }
0xca: {  	_ =	swait.ge [sflag:s31], $0x100  }
0xcb: {  	[sflag:s31] =	ssyncset.done $0x0  }
0xcc: {  	[sflag:s31] =	ssyncadd.s32 $0xFFFFFF00  }
0xcd: {  	[tilespmem:s0], [sflag:$0x1] =	stream.indirect.gather [hbm4b:s4+s23], $0x40, s25, s23, $0xb8;
	[tilespmem:$0xE300] =	vst v63  }
0xce: {  	s16 =	sadd.s32 s15, s22  }
0xcf: {  	[tilespmem:s2], [sflag:$0x6] =	stream.strided.gather [hbm4b:s16+s23], $0x100, s24, s23, $0x38;
	[tilespmem:$0xE300] =	vst v63  }
0xd0: {  	_ =	swait.ge [sflag:s30], $0x2000  }
0xd1: {  	[sflag:s30] =	ssyncset.done $0x0  }
0xd2: {  	[sflag:s30] =	ssyncadd.s32 $0xFFFFE000  }
0xd3: {  	[spmem:s1] =	stream.indirect.scatter.add.f32 [tilespmem:s0], [sflag:$0x3], $0x40, s6, s23, $0xb8;
	[tilespmem:$0xE300] =	vst v63  }
0xd4: {  	_ =	swait.ge [sflag:s7], $0x2000  }
0xd5: {  	[sflag:s7] =	ssyncset.done $0x0  }
0xd6: {  	[sflag:s7] =	ssyncadd.s32 $0xFFFFE000  }
0xd7: {  	_ =	swait.ge [sflag:s8], $0x100  }
0xd8: {  	[sflag:s8] =	ssyncset.done $0x0  }
0xd9: {  	[sflag:s8] =	ssyncadd.s32 $0xFFFFFF00  }
0xda: {  	[tilespmem:s28], [sflag:$0x1] =	stream.indirect.gather [hbm4b:s4+s23], $0x40, s2, s23, $0xb8;
	[tilespmem:$0xE300] =	vst v63  }
0xdb: {  	s16 =	sadd.s32 s15, s21  }
0xdc: {  	[tilespmem:s3], [sflag:$0x4] =	stream.strided.gather [hbm4b:s16+s23], $0x100, s24, s23, $0x38;
	[tilespmem:$0xE300] =	vst v63  }
0xdd: {  	_ =	swait.ge [sflag:s30], $0x2000  }
0xde: {  	[sflag:s30] =	ssyncset.done $0x0  }
0xdf: {  	[sflag:s30] =	ssyncadd.s32 $0xFFFFE000  }
0xe0: {  	[spmem:s1] =	stream.indirect.scatter.add.f32 [tilespmem:s28], [sflag:$0x2], $0x40, s9, s23, $0xb8;
	[tilespmem:$0xE300] =	vst v63  }
0xe1: {  	_ =	swait.ge [sflag:s10], $0x2000  }
0xe2: {  	[sflag:s10] =	ssyncset.done $0x0  }
0xe3: {  	[sflag:s10] =	ssyncadd.s32 $0xFFFFE000  }
0xe4: {  	_ =	swait.ge [sflag:s26], $0x100  }
0xe5: {  	[sflag:s26] =	ssyncset.done $0x0  }
0xe6: {  	[sflag:s26] =	ssyncadd.s32 $0xFFFFFF00  }
0xe7: {  	[tilespmem:s0], [sflag:$0x1] =	stream.indirect.gather [hbm4b:s4+s23], $0x40, s3, s23, $0xb8;
	[tilespmem:$0xE300] =	vst v63  }
0xe8: {  	s16 =	sadd.s32 s15, s20  }
0xe9: {  	[tilespmem:s25], [sflag:$0x5] =	stream.strided.gather [hbm4b:s16+s23], $0x100, s24, s23, $0x38;
	[tilespmem:$0xE300] =	vst v63  }
0xea: {  	_ =	swait.ge [sflag:s30], $0x2000  }
0xeb: {  	[sflag:s30] =	ssyncset.done $0x0  }
0xec: {  	[sflag:s30] =	ssyncadd.s32 $0xFFFFE000  }
0xed: {  	[spmem:s1] =	stream.indirect.scatter.add.f32 [tilespmem:s0], [sflag:$0x3], $0x40, s23, s23, $0xb8;
	[tilespmem:$0xE300] =	vst v63  }
0xee: {  	_ =	swait.ge [sflag:s7], $0x2000  }
0xef: {  	[sflag:s7] =	ssyncset.done $0x0  }
0xf0: {  	[sflag:s7] =	ssyncadd.s32 $0xFFFFE000  }
0xf1: {  	_ =	swait.ge [sflag:s31], $0x100  }
0xf2: {  	[sflag:s31] =	ssyncset.done $0x0  }
0xf3: {  	[sflag:s31] =	ssyncadd.s32 $0xFFFFFF00  }
0xf4: {  	[tilespmem:s28], [sflag:$0x1] =	stream.indirect.gather [hbm4b:s4+s23], $0x40, s25, s23, $0xb8;
	[tilespmem:$0xE300] =	vst v63  }
0xf5: {  	s16 =	sadd.s32 s15, s19  }
0xf6: {  	[tilespmem:s2], [sflag:$0x6] =	stream.strided.gather [hbm4b:s16+s23], $0x100, s24, s23, $0x38;
	[tilespmem:$0xE300] =	vst v63  }
0xf7: {  	_ =	swait.ge [sflag:s30], $0x2000  }
0xf8: {  	[sflag:s30] =	ssyncset.done $0x0  }
0xf9: {  	[sflag:s30] =	ssyncadd.s32 $0xFFFFE000  }
0xfa: {  	[spmem:s1] =	stream.indirect.scatter.add.f32 [tilespmem:s28], [sflag:$0x2], $0x40, s6, s23, $0xb8;
	[tilespmem:$0xE300] =	vst v63  }
0xfb: {  	_ =	swait.ge [sflag:s10], $0x2000  }
0xfc: {  	[sflag:s10] =	ssyncset.done $0x0  }
0xfd: {  	[sflag:s10] =	ssyncadd.s32 $0xFFFFE000  }
0xfe: {  	_ =	swait.ge [sflag:s8], $0x100  }
0xff: {  	[sflag:s8] =	ssyncset.done $0x0  }
0x100: {  	[sflag:s8] =	ssyncadd.s32 $0xFFFFFF00  }
0x101: {  	[tilespmem:s0], [sflag:$0x1] =	stream.indirect.gather [hbm4b:s4+s23], $0x40, s2, s23, $0xb8;
	[tilespmem:$0xE300] =	vst v63  }
0x102: {  	s16 =	sadd.s32 s15, s18  }
0x103: {  	[tilespmem:s3], [sflag:$0x4] =	stream.strided.gather [hbm4b:s16+s23], $0x100, s24, s23, $0x38;
	[tilespmem:$0xE300] =	vst v63  }
0x104: {  	_ =	swait.ge [sflag:s30], $0x2000  }
0x105: {  	[sflag:s30] =	ssyncset.done $0x0  }
0x106: {  	[sflag:s30] =	ssyncadd.s32 $0xFFFFE000  }
0x107: {  	[spmem:s1] =	stream.indirect.scatter.add.f32 [tilespmem:s0], [sflag:$0x3], $0x40, s9, s23, $0xb8;
	[tilespmem:$0xE300] =	vst v63  }
0x108: {  	_ =	swait.ge [sflag:s7], $0x2000  }
0x109: {  	[sflag:s7] =	ssyncset.done $0x0  }
0x10a: {  	[sflag:s7] =	ssyncadd.s32 $0xFFFFE000  }
.Ltmp0:
0x10b: {  	_ =	swait.ge [sflag:s26], $0x100;
	(pc) =	sbr.rel @p0 .LBB2_2-.Ltmp0, $4  }
0x10c: {  	[sflag:s26] =	ssyncset.done $0x0  }
0x10d: {  	[sflag:s26] =	ssyncadd.s32 $0xFFFFFF00  }
0x10e: {  	[tilespmem:s28], [sflag:$0x1] =	stream.indirect.gather [hbm4b:s4+s23], $0x40, s3, s23, $0xb8;
	[tilespmem:$0xE300] =	vst v63  }
0x10f: {  	s15 =	sadd.s32 s15, s17  }
0x110: {  	[tilespmem:s25], [sflag:$0x5] =	stream.strided.gather [hbm4b:s15+s23], $0x100, s24, s23, $0x38;
	[tilespmem:$0xE300] =	vst v63  }
0x111: {  	_ =	swait.ge [sflag:s30], $0x2000  }
0x112: {  	[sflag:s30] =	ssyncset.done $0x0  }
0x113: {  	[sflag:s30] =	ssyncadd.s32 $0xFFFFE000  }
0x114: {  	[spmem:s1] =	stream.indirect.scatter.add.f32 [tilespmem:s28], [sflag:$0x2], $0x40, s23, s23, $0xb8;
	[tilespmem:$0xE300] =	vst v63  }
0x115: {  	_ =	swait.ge [sflag:s10], $0x2000  }
0x116: {  	[sflag:s10] =	ssyncset.done $0x0  }
0x117: {  	[sflag:s10] =	ssyncadd.s32 $0xFFFFE000  }
0x118: {  	_ =	swait.ge [sflag:s31], $0x100  }
0x119: {  	[sflag:s31] =	ssyncset.done $0x0  }
0x11a: {  	[sflag:s31] =	ssyncadd.s32 $0xFFFFFF00  }
0x11b: {  	[tilespmem:s0], [sflag:$0x1] =	stream.indirect.gather [hbm4b:s4+s23], $0x40, s25, s23, $0xb8;
	[tilespmem:$0xE300] =	vst v63  }
0x11c: {  	_ =	swait.ge [sflag:s30], $0x2000  }
0x11d: {  	[sflag:s30] =	ssyncset.done $0x0  }
0x11e: {  	[sflag:s30] =	ssyncadd.s32 $0xFFFFE000  }
0x11f: {  	[spmem:s1] =	stream.indirect.scatter.add.f32 [tilespmem:s0], [sflag:$0x3], $0x40, s6, s23, $0xb8;
	[tilespmem:$0xE300] =	vst v63  }
0x120: {  	_ =	swait.ge [sflag:s7], $0x2000  }
0x121: {  	[sflag:s7] =	ssyncset.done $0x0  }
0x122: {  	[sflag:s7] =	ssyncadd.s32 $0xFFFFE000  }
0x123: {  	_ =	swait.ge [sflag:s10], $0x2000  }
0x124: {  	[sflag:s10] =	ssyncset.done $0x0  }
0x125: {  	[sflag:s10] =	ssyncadd.s32 $0xFFFFE000  }
0x126: {  	[bflag:$0x0] =	sbarrier.arrive $0xFFFF  }
0x127: {  	s14 =	rddreg [dreg:$0xc]  }
0x128: {  	[hbm:s14], [sflag:s12] =	dma.local [spmem:s13], $0x1400  }
0x129: {  	_ =	swait.ge [sflag:s29], $0x1400  }
0x12a: {  	s11 =	sadd.s32 $0x1, s11;
	s16 =	rddreg [dreg:$0xd]  }
0x12b: {  	p0 =	sne.s32 s11, s16  }
.Ltmp1:
0x12c: {  	_ = 	snop;
	(pc) =	sbr.rel @p0 .LBB2_1-.Ltmp1, $3  }
0x12d: {  	_ =	sdelay $0x1  }
0x12e: {  	[sflag:s29] =	ssyncset.done $0x0  }
0x12f: {  	[sflag:s29] =	ssyncadd.s32 $0xFFFFEC00  }
0x130: {  	_ =	sfence.sel $0x180000  }
0x131: {  	[bflag:$0x0] =	sbarrier.arrive $0xFFFF  }
0x132: {  	_ =	strace $0x9000004A  }
0x133: {  	s0 =	stileid.u32;
	[bflag:$0x2] =	sbarrier.arrive $0xFFFF  }
0x134: {  	p0 =	sne.s32 s0, $0x0;
	s0 =	rddreg [dreg:$0x2]  }
0x135: {  	s0 =	sadd.s32 @!p0 $0x100000, s0  }
0x136: {  	[sflag:s0] =	ssyncadd.tile.s32 @!p0 $0x1;
	_ =	shalt  }
.Lfunc_end2:
_tile_overlayer_lowered:
.L_overlay_start_2:
0x137: {  	(tag) =	ssettag $0x2  }
0x138: {  	s0 =	rddreg [dreg:$0x0];
	s2 =	stileid.u32  }
0x139: {  	s1 =	rddreg [dreg:$0x1];
	p0 =	sne.s32 s2, $0x0  }
0x13a: {  	s3 =	rddreg [dreg:$0x2];
	[bflag:$0x3] =	sbarrier.arrive $0xFFFF;
	s2 =	simm.s32 @!p0 $0x1C07  }
0x13b: {  	[timem:s3], [sflag:s2] =	dma.local @!p0 [hbm:s0], s1  }
0x13c: {  	s0 =	simm.s32 @!p0 $0x7  }
0x13d: {  	_ =	swait.ge @!p0 [sflag:s0], s1  }
0x13e: {  	s1 =	ssub.s32 @!p0 $0x0, s1;
	[sflag:s0] =	ssyncset.done @!p0 $0x0  }
0x13f: {  	[sflag:s0] =	ssyncadd.s32 @!p0 s1  }
0x140: {  	[bflag:$0x3] =	sbarrier.arrive $0xFFFF  }
0x141: {  	_ =	shalt  }

// kernel: kernel.14.cloned.1.call-start
scs
__scs_entry_jumppad:
0x0: {  	(pc) =	sbr.rel $0x88, $3  }
0x1: {  	(tag) =	ssettag $0x0;
	lr =	simm.s32 $0x1  }
0x2: {  	[smem:$0x3F96] =	sst lr;
	_ =	strace $0xD0000000  }
0x3: {  	_ = 	snop  }
0x4: {  	_ = 	snop  }
0x5: {  	_ = 	snop  }
0x6: {  	_ = 	snop  }
0x7: {  	_ = 	snop  }
__scs_overlays_trampoline_lowered:
0x8: {  	[smem:$0x3FA5] =	sst s0  }
0x9: {  	[smem:$0x3FA6] =	sst s1  }
0xa: {  	[smem:$0x3FA7] =	sst s2  }
0xb: {  	[smem:$0x3FA8] =	sst s3  }
0xc: {  	[smem:$0x3FA9] =	sst s4  }
0xd: {  	[smem:$0x3FAA] =	sst s5  }
0xe: {  	[smem:$0x3FAB] =	sst s6  }
0xf: {  	[smem:$0x3FAC] =	sst s7  }
0x10: {  	[smem:$0x3FAD] =	sst s8  }
0x11: {  	[smem:$0x3FAE] =	sst s9;
	s0 =	simm.s32 @!p0 $0x0  }
0x12: {  	s1 =	sld [smem:$0x3F94];
	s0 =	simm.s32 @p0 $0x1  }
0x13: {  	[smem:$0x3FAF] =	sst s0;
	s0 =	simm.s32 @!p1 $0x0  }
0x14: {  	s2 =	sld [smem:$0x3F93];
	s0 =	simm.s32 @p1 $0x1  }
0x15: {  	[smem:$0x3FB0] =	sst s0;
	s0 =	simm.s32 @!p2 $0x0  }
0x16: {  	s3 =	sld [smem:$0x3FDB];
	s0 =	simm.s32 @p2 $0x1  }
0x17: {  	s4 =	simm.s32 $0x1BF5;
	[smem:$0x3FB2] =	sst s0  }
0x18: {  	s0 =	sld [smem:$0x3F95];
	_ =	swait.ge [sflag:s4], $0x0  }
0x19: {  	s7 =	sld [smem:$0x3F96]  }
0x1a: {  	s8 =	sadd.s32 $0xFFFFE003, lr  }
0x1b: {  	s9 =	sadd.s32 $0xFFFFFEF7, lr;
	s5 =	simm.s32 $0xFFFFFFFF;
	p2 =	slt.u32 s8, $0xFFFFF086  }
0x1c: {  	p1 =	slt.u32 s9, $0xF7A;
	s5 =	simm.s32 @!p2 $0x0  }
0x1d: {  	s5 =	simm.s32 @p1 $0x1;
	p0 =	seq.s32 s7, s2  }
0x1e: {  	s7 =	smul.u32 @!p0 $0xF7A, s2;
	p2 =	seq.s32 @!p0 s5, $0x0  }
0x1f: {  	s9 =	smul.u32 $0xF7A, s1;
	s8 =	simm.s32 @!p0 $0x1BF5;
	p2 =	por !p2, p0  }
0x20: {  	[sflag:s8] =	ssyncset.s32 @!p0 $0xFFFFF086;
	s6 =	sadd.s32 @!p0 s3, s7;
	s7 =	simm.s32 @!p0 $0x108  }
0x21: {  	s3 =	sadd.s32 s3, s9;
	s6 =	sadd.s32 @!p0 $0x88, s6;
	s7 =	simm.s32 @p2 $0x1082  }
0x22: {  	[simem:s7], [sflag:s8] =	dma.local @!p0 [hbm:s6], $0xF7A  }
0x23: {  	s9 =	sor.u32 $0xD0000000, s2;
	s6 =	simm.s32 $0x108;
	_ =	swait.ge @!p0 [sflag:s8], $0x0  }
0x24: {  	s3 =	sadd.s32 $0x88, s3;
	s6 =	simm.s32 @!p1 $0x1082;
	[sflag:s4] =	ssyncset.s32 $0xFFFFF086  }
0x25: {  	[simem:s6], [sflag:s4] =	dma.local [hbm:s3], $0xF7A  }
0x26: {  	[smem:$0x3F96] =	sst s1;
	(tag) =	ssettag s2;
	_ =	strace s9  }
0x27: {  	s1 =	sld [smem:$0x3FA6]  }
0x28: {  	s2 =	sld [smem:$0x3FA7]  }
0x29: {  	s4 =	sld [smem:$0x3FA9]  }
0x2a: {  	p0 =	seq.s32 s5, $0x0;
	s5 =	sld [smem:$0x3FAA]  }
0x2b: {  	s6 =	sld [smem:$0x3FAB]  }
0x2c: {  	s7 =	sld [smem:$0x3FAC]  }
0x2d: {  	s3 =	simm.s32 $0x108;
	s8 =	sld [smem:$0x3FAD]  }
0x2e: {  	s3 =	simm.s32 @!p0 $0x1082;
	s9 =	sld [smem:$0x3FAE]  }
0x2f: {  	lr =	sadd.s32 s0, s3;
	s0 =	sld [smem:$0x3FA5]  }
0x30: {  	s3 =	sld [smem:$0x3FA8]  }
0x31: {  	[smem:$0x3FB1] =	sst s10  }
0x32: {  	s10 =	sld [smem:$0x3FAF];
	_ =	sdelay $0x3  }
0x33: {  	p0 =	seq.s32 s10, $0x1;
	s10 =	sld [smem:$0x3FB1];
	_ =	sdelay $0x3  }
0x34: {  	[smem:$0x3FB1] =	sst s10  }
0x35: {  	s10 =	sld [smem:$0x3FB0];
	_ =	sdelay $0x3  }
0x36: {  	p1 =	seq.s32 s10, $0x1;
	s10 =	sld [smem:$0x3FB1];
	_ =	sdelay $0x3  }
0x37: {  	[smem:$0x3FB1] =	sst s10  }
0x38: {  	s10 =	sld [smem:$0x3FB2]  }
0x39: {  	_ = 	snop;
	(pc) =	sbr.ind lr, $3  }
0x3a: {  	_ = 	snop  }
0x3b: {  	_ = 	snop  }
0x3c: {  	p2 =	seq.s32 s10, $0x1;
	s10 =	sld [smem:$0x3FB1]  }
0x3d: {  	_ =	shalt  }
0x3e: {  	_ =	shalt  }
0x3f: {  	_ =	shalt  }
0x40: {  	_ =	shalt  }
0x41: {  	_ =	shalt  }
0x42: {  	_ =	shalt  }
0x43: {  	_ =	shalt  }
0x44: {  	_ =	shalt  }
0x45: {  	_ =	shalt  }
0x46: {  	_ =	shalt  }
0x47: {  	_ =	shalt  }
0x48: {  	_ =	shalt  }
0x49: {  	_ =	shalt  }
0x4a: {  	_ =	shalt  }
0x4b: {  	_ =	shalt  }
0x4c: {  	_ =	shalt  }
0x4d: {  	_ =	shalt  }
0x4e: {  	_ =	shalt  }
0x4f: {  	_ =	shalt  }
0x50: {  	_ =	shalt  }
0x51: {  	_ =	shalt  }
0x52: {  	_ =	shalt  }
0x53: {  	_ =	shalt  }
0x54: {  	_ =	shalt  }
0x55: {  	_ =	shalt  }
0x56: {  	_ =	shalt  }
0x57: {  	_ =	shalt  }
0x58: {  	_ =	shalt  }
0x59: {  	_ =	shalt  }
0x5a: {  	_ =	shalt  }
0x5b: {  	_ =	shalt  }
0x5c: {  	_ =	shalt  }
0x5d: {  	_ =	shalt  }
0x5e: {  	_ =	shalt  }
0x5f: {  	_ =	shalt  }
0x60: {  	_ =	shalt  }
0x61: {  	_ =	shalt  }
0x62: {  	_ =	shalt  }
0x63: {  	_ =	shalt  }
0x64: {  	_ =	shalt  }
0x65: {  	_ =	shalt  }
0x66: {  	_ =	shalt  }
0x67: {  	_ =	shalt  }
0x68: {  	_ =	shalt  }
0x69: {  	_ =	shalt  }
0x6a: {  	_ =	shalt  }
0x6b: {  	_ =	shalt  }
0x6c: {  	_ =	shalt  }
0x6d: {  	_ =	shalt  }
0x6e: {  	_ =	shalt  }
0x6f: {  	_ =	shalt  }
0x70: {  	_ =	shalt  }
0x71: {  	_ =	shalt  }
0x72: {  	_ =	shalt  }
0x73: {  	_ =	shalt  }
0x74: {  	_ =	shalt  }
0x75: {  	_ =	shalt  }
0x76: {  	_ =	shalt  }
0x77: {  	_ =	shalt  }
0x78: {  	_ =	shalt  }
0x79: {  	_ =	shalt  }
0x7a: {  	_ =	shalt  }
0x7b: {  	_ =	shalt  }
0x7c: {  	_ =	shalt  }
0x7d: {  	_ =	shalt  }
0x7e: {  	_ =	shalt  }
0x7f: {  	_ =	shalt  }
0x80: {  	_ =	shalt  }
0x81: {  	_ =	shalt  }
0x82: {  	_ =	shalt  }
0x83: {  	_ =	shalt  }
0x84: {  	_ =	shalt  }
0x85: {  	_ =	shalt  }
0x86: {  	_ =	shalt  }
0x87: {  	_ =	shalt  }
.Lfunc_end0:
.L_simem_size_0:
called_computation.2_lowered:
.L_overlay_start_0:
0x88: {  	s2 =	sld [smem:$0x3FD9]  }
0x89: {  	s3 =	sld [smem:$0x3FFE];
	_ =	sdelay $0x1  }
0x8a: {  	s1 =	srdreg.scid  }
0x8b: {  	s0 =	sand.u32 $0x1, s1  }
0x8c: {  	s16 =	sshll.u32 s0, $0xA;
	s2 =	sadd.s32 s3, s2  }
0x8d: {  	s2 =	sadd.s32 s2, s16  }
0x8e: {  	[smem:$0x3FBD] =	sst s2  }
0x8f: {  	_ = 	snop  }
0x90: {  	(tm) =	ssettm $0x1  }
0x91: {  	s17 =	sld [smem:$0x3FFB];
	_ =	sdelay $0x3  }
0x92: {  	_ =	strace s17  }
0x93: {  	s2 =	sld [smem:$0x3FFC];
	_ =	sdelay $0x3  }
0x94: {  	_ =	strace s2  }
0x95: {  	s2 =	sld [smem:$0x3FFD];
	_ =	sdelay $0x3  }
0x96: {  	_ =	strace s2  }
0x97: {  	_ =	strace $0x8FFFFFFF  }
0x98: {  	s18 =	sld [smem:$0x3FDB];
	_ =	sdelay $0x1  }
0x99: {  	s19 =	simm.s32 $_scs_section_size  }
0x9a: {  	s4 =	simm.s32 $_size__tile_overlayer_lowered;
	s5 =	simm.s32 $_tile_overlayer_lowered  }
0x9b: {  	s22 =	simm.s32 $0x1BFF;
	s21 =	sshll.u32 s5, $0x1;
	s2 =	sadd.s32 s19, s18  }
0x9c: {  	s6 =	simm.s32 $0x0;
	s20 =	sshll.u32 s4, $0x1;
	s4 =	sadd.s32 s21, s2  }
0x9d: {  	[timem:s6], [sflag:s22] =	dma.local [hbm:s4], s20  }
0x9e: {  	_ =	swait.ge [sflag:s22], s20  }
0x9f: {  	s3 =	ssub.s32 $0x0, s20;
	[sflag:s22] =	ssyncset.done $0x0  }
0xa0: {  	[sflag:s22] =	ssyncadd.s32 s3;
	_ =	sdelay $0x1  }
0xa1: {  	s23 =	simm.s32 $0x1B8B  }
0xa2: {  	_ =	swait.ge [sflag:s23], $0x1  }
0xa3: {  	[sflag:s23] =	ssyncset.done $0x0  }
0xa4: {  	s25 =	simm.s32 $0x1B8E;
	s24 =	sld [smem:$0x3FFE];
	[sflag:s23] =	ssyncadd.s32 $0xFFFFFFFF  }
0xa5: {  	s26 =	simm.s32 $execute0_lowered;
	[smem:$0x3FD2] =	sst s25  }
0xa6: {  	s4 =	sshll.u32 s26, $0x1;
	_ =	strace $0x8000004C;
	[dreg:$0x1] =	wrdreg $0xFFFFFFFF  }
0xa7: {  	s28 =	simm.s32 $_size_execute0_lowered;
	s2 =	sadd.s32 s2, s4;
	[dreg:$0x0] =	wrdreg $0x0  }
0xa8: {  	s4 =	sshll.u32 s28, $0x1;
	[dreg:$0x2] =	wrdreg s2  }
0xa9: {  	[dreg:$0x3] =	wrdreg s4  }
0xaa: {  	[dreg:$0x4] =	wrdreg $0xC0  }
0xab: {  	_ =	task [dreg:s6], $0x5FFFF  }
0xac: {  	[dreg:$0x1] =	wrdreg $0xFFFFFFFF  }
0xad: {  	[dreg:$0x0] =	wrdreg $0x60  }
0xae: {  	[dreg:$0x2] =	wrdreg s24  }
0xaf: {  	[dreg:$0x3] =	wrdreg $0x83000  }
0xb0: {  	[dreg:$0x4] =	wrdreg $0x9  }
0xb1: {  	_ =	task.clear_ibuf [dreg:s6], $0x5FFFF;
	_ =	strace $0x9000004C  }
0xb2: {  	s29 =	simm.s32 $0x9;
	_ =	strace $0x8000004E  }
0xb3: {  	_ =	swait.ge [sflag:s29], $0x1  }
0xb4: {  	[sflag:s29] =	ssyncadd.s32 $0xFFFFFFFF  }
0xb5: {  	_ =	strace $0x9000004E  }
0xb6: {  	_ =	sfence  }
0xb7: {  	s30 =	sld [smem:$0x0];
	_ =	sdelay $0x2  }
0xb8: {  	s31 =	sshll.u32 s1, $0xD;
	s1 =	sshrl.u32 s1, $0x2  }
0xb9: {  	s3 =	sand.u32 $0x4000, s31;
	s1 =	sadd.s32 s1, s30  }
0xba: {  	s0 =	sor.u32 s3, s0;
	s1 =	sshll.u32 s1, $0x11  }
0xbb: {  	s0 =	sor.u32 s1, s0  }
0xbc: {  	s0 =	sadd.s32 $0x8F2B, s0  }
0xbd: {  	[sflag:s0] =	ssyncadd.remote.s32 $0x1  }
0xbe: {  	_ =	sfence.sel $0xFFFF  }
0xbf: {  	[dreg:$0x0] =	wrdreg $0xFFFFFFFF;
	(pc) =	sbr.abs _section_cstart, $3  }
0xc0: {  	[dreg:$0x1] =	wrdreg $0xFFFFFFFF  }
0xc1: {  	_ =	task.clear_ibuf [dreg:s6], $0x2FFFF;
	_ =	strace $0x9FFFFFFF  }
0xc2: {  	(tm) =	ssettm $0x7FFFFFFF  }
0xc3: {  	_ =	shalt  }
tec
execute0_lowered:
.L_overlay_start_1:
0x0: {  	(tag) =	ssettag $0x1  }
0x1: {  	s0 =	rddreg [dreg:$0x0]  }
0x2: {  	s2 =	rddreg [dreg:$0x1]  }
0x3: {  	s12 =	stileid.u32;
	s1 =	srdreg.scid;
	s3 =	simm.s32 $0x0  }
0x4: {  	s28 =	simm.s32 $0x7;
	s29 =	simm.s32 $0x1;
	s5 =	smul.u32 $0x14000, s12  }
0x5: {  	s30 =	simm.s32 $0x5;
	s31 =	simm.s32 $0x4300;
	s9 =	smul.u32 $0x50000, s12  }
0x6: {  	s1 =	sand.u32 $0x1, s1;
	[smem:$0x7FF] =	sst s3;
	s17 =	smul.u32 $0x5000, s12  }
0x7: {  	s7 =	sshll.u32 s12, $0x1;
	s4 =	sadd.s32 $0x16A00, s0;
	s6 =	smul.u32 $0x140000, s1  }
0x8: {  	s7 =	sor.u32 s1, s7;
	s26 =	ssub.s32 $0x2, s1;
	s1 =	smul.u32 $0x2800, s1  }
0x9: {  	s8 =	sadd.s32 $0x2A00, s0;
	_ =	strace $0x8000004D;
	s7 =	smul.u32 $0xA00, s7  }
0xa: {  	s11 =	sshrl.u32 s26, $0x1;
	s13 =	sshrl.u32 s9, $0x2;
	s9 =	simm.s32 $0x3  }
0xb: {  	s6 =	sadd.s32 s5, s6;
	s5 =	sshrl.u32 s5, $0x3;
	s23 =	sadd.s32 s1, s17  }
0xc: {  	s10 =	sadd.s32 s5, s0;
	s5 =	sadd.s32 s8, s7;
	s7 =	sadd.s32 s13, s2  }
0xd: {  	s6 =	sshrl.u32 s6, $0x3;
	s14 =	sadd.s32 $0x20, s5;
	[dreg:$0x4] =	wrdreg s7  }
0xe: {  	s1 =	sor.u32 $0x680, s23;
	s15 =	sadd.s32 $0x3EA00, s10;
	[dreg:$0x3] =	wrdreg s14  }
0xf: {  	s24 =	sor.u32 $0x600, s23;
	s16 =	sadd.s32 $0x40, s5;
	[dreg:$0x5] =	wrdreg s15  }
0x10: {  	s25 =	sor.u32 $0x500, s23;
	s18 =	sadd.s32 $0x60, s5;
	[dreg:$0x6] =	wrdreg s16  }
0x11: {  	s0 =	sadd.s32 s6, s0;
	s19 =	sadd.s32 $0x80, s5;
	[dreg:$0x7] =	wrdreg s18  }
0x12: {  	s6 =	ssub.s32 s26, s11;
	s20 =	sadd.s32 $0xA0, s5;
	[dreg:$0x8] =	wrdreg s19  }
0x13: {  	s21 =	sadd.s32 $0xC0, s5;
	s22 =	sadd.s32 $0xE0, s5;
	[dreg:$0x9] =	wrdreg s20  }
0x14: {  	s7 =	sor.u32 $0x580, s23;
	s1 =	sshrl.u32 s1, $0x2;
	[dreg:$0xa] =	wrdreg s21  }
0x15: {  	s26 =	sor.u32 $0x480, s23;
	s10 =	simm.s32 $0x0;
	[dreg:$0xb] =	wrdreg s22  }
0x16: {  	s0 =	sadd.s32 $0x66A00, s0;
	s16 =	smax.u32 s6, $0x1;
	s6 =	sshrl.u32 s24, $0x2  }
0x17: {  	s7 =	sshrl.u32 s7, $0x2;
	s17 =	sadd.s32 s1, s8;
	s1 =	sshrl.u32 s25, $0x2  }
0x18: {  	s24 =	simm.s32 $0x4;
	s25 =	simm.s32 $0x80;
	[dreg:$0xc] =	wrdreg s0  }
0x19: {  	s18 =	sadd.s32 s6, s8;
	s19 =	sadd.s32 s7, s8;
	s0 =	sor.u32 $0x400, s23  }
0x1a: {  	s6 =	sshrl.u32 s26, $0x2;
	s20 =	sadd.s32 s1, s8;
	s23 =	simm.s32 $0x100  }
0x1b: {  	s26 =	simm.s32 $0x300;
	s1 =	simm.s32 $0x180;
	s7 =	simm.s32 $0x6  }
0x1c: {  	s0 =	sshrl.u32 s0, $0x2;
	s21 =	sadd.s32 s6, s8;
	s6 =	simm.s32 $0x2  }
0x1d: {  	s22 =	sadd.s32 s0, s8;
	s0 =	simm.s32 $0x200;
	s8 =	simm.s32 $0x280  }
.LBB2_1:
0x1e: {  	[tilespmem:s3], [sflag:$0x4] =	stream.linear.gather [hbm4b:s5+s3], $0x100, $0x38;
	[tilespmem:$0x1C300] =	vst v63  }
0x1f: {  	s11 =	rddreg [dreg:$0x3];
	s14 =	stileid.u32  }
0x20: {  	[tilespmem:s23], [sflag:$0x5] =	stream.linear.gather [hbm4b:s11+s3], $0x100, $0x38;
	[tilespmem:$0x1C300] =	vst v63  }
0x21: {  	s11 =	sshll.u32 s14, $0x6;
	_ =	swait.ge [sflag:s24], $0x100  }
0x22: {  	s11 =	sor.u32 $0x1C07, s11;
	[sflag:s24] =	ssyncset.done $0x0;
	s12 =	rddreg [dreg:$0x4]  }
0x23: {  	s13 =	rddreg [dreg:$0x5];
	[sflag:s24] =	ssyncadd.s32 $0xFFFFFF00;
	s12 =	sshrl.u32 s12, $0x3  }
0x24: {  	[tilespmem:s26], [sflag:$0x1] =	stream.indirect.gather [hbm4b:s4+s25], $0x80, s3, s25, $0xb8;
	[tilespmem:$0x1C300] =	vst v63  }
0x25: {  	[spmem:s12], [sflag:s11] =	dma.local [hbm:s13], $0x2800  }
0x26: {  	_ =	swait.ge [sflag:s28], $0x2800  }
0x27: {  	[sflag:s28] =	ssyncset.done $0x0  }
0x28: {  	[sflag:s28] =	ssyncadd.s32 $0xFFFFD800  }
0x29: {  	[bflag:$0x0] =	sbarrier.arrive $0xFFFF  }
0x2a: {  	_ =	swait.ge [sflag:s29], $0x4000  }
0x2b: {  	[sflag:s29] =	ssyncset.done $0x0  }
0x2c: {  	[sflag:s29] =	ssyncadd.s32 $0xFFFFC000  }
0x2d: {  	[spmem:s2] =	stream.indirect.scatter.add.f32 [tilespmem:s26], [sflag:$0x2], $0x80, s25, s25, $0xb8;
	[tilespmem:$0x1C300] =	vst v63  }
0x2e: {  	_ =	swait.ge [sflag:s30], $0x100  }
0x2f: {  	[sflag:s30] =	ssyncset.done $0x0  }
0x30: {  	[sflag:s30] =	ssyncadd.s32 $0xFFFFFF00  }
0x31: {  	[tilespmem:s31], [sflag:$0x1] =	stream.indirect.gather [hbm4b:s4+s25], $0x80, s23, s25, $0xb8;
	[tilespmem:$0x1C300] =	vst v63  }
0x32: {  	s15 =	rddreg [dreg:$0x6]  }
0x33: {  	[tilespmem:s0], [sflag:$0x6] =	stream.linear.gather [hbm4b:s15+s3], $0x100, $0x38;
	[tilespmem:$0x1C300] =	vst v63  }
0x34: {  	_ =	swait.ge [sflag:s29], $0x4000  }
0x35: {  	[sflag:s29] =	ssyncset.done $0x0  }
0x36: {  	[sflag:s29] =	ssyncadd.s32 $0xFFFFC000  }
0x37: {  	[spmem:s2] =	stream.indirect.scatter.add.f32 [tilespmem:s31], [sflag:$0x3], $0x80, s1, s25, $0xb8;
	[tilespmem:$0x1C300] =	vst v63  }
0x38: {  	_ =	swait.ge [sflag:s6], $0x4000  }
0x39: {  	[sflag:s6] =	ssyncset.done $0x0  }
0x3a: {  	[sflag:s6] =	ssyncadd.s32 $0xFFFFC000  }
0x3b: {  	_ =	swait.ge [sflag:s7], $0x100  }
0x3c: {  	[sflag:s7] =	ssyncset.done $0x0  }
0x3d: {  	[sflag:s7] =	ssyncadd.s32 $0xFFFFFF00  }
0x3e: {  	[tilespmem:s26], [sflag:$0x1] =	stream.indirect.gather [hbm4b:s4+s25], $0x80, s0, s25, $0xb8;
	[tilespmem:$0x1C300] =	vst v63  }
0x3f: {  	s14 =	rddreg [dreg:$0x7]  }
0x40: {  	[tilespmem:s3], [sflag:$0x4] =	stream.linear.gather [hbm4b:s14+s3], $0x100, $0x38;
	[tilespmem:$0x1C300] =	vst v63  }
0x41: {  	_ =	swait.ge [sflag:s29], $0x4000  }
0x42: {  	[sflag:s29] =	ssyncset.done $0x0  }
0x43: {  	[sflag:s29] =	ssyncadd.s32 $0xFFFFC000  }
0x44: {  	[spmem:s2] =	stream.indirect.scatter.add.f32 [tilespmem:s26], [sflag:$0x2], $0x80, s8, s25, $0xb8;
	[tilespmem:$0x1C300] =	vst v63  }
0x45: {  	_ =	swait.ge [sflag:s9], $0x4000  }
0x46: {  	[sflag:s9] =	ssyncset.done $0x0  }
0x47: {  	[sflag:s9] =	ssyncadd.s32 $0xFFFFC000  }
0x48: {  	_ =	swait.ge [sflag:s24], $0x100  }
0x49: {  	[sflag:s24] =	ssyncset.done $0x0  }
0x4a: {  	[sflag:s24] =	ssyncadd.s32 $0xFFFFFF00  }
0x4b: {  	[tilespmem:s31], [sflag:$0x1] =	stream.indirect.gather [hbm4b:s4+s25], $0x80, s3, s25, $0xb8;
	[tilespmem:$0x1C300] =	vst v63  }
0x4c: {  	s15 =	rddreg [dreg:$0x8]  }
0x4d: {  	[tilespmem:s23], [sflag:$0x5] =	stream.linear.gather [hbm4b:s15+s3], $0x100, $0x38;
	[tilespmem:$0x1C300] =	vst v63  }
0x4e: {  	_ =	swait.ge [sflag:s29], $0x4000  }
0x4f: {  	[sflag:s29] =	ssyncset.done $0x0  }
0x50: {  	[sflag:s29] =	ssyncadd.s32 $0xFFFFC000  }
0x51: {  	[spmem:s2] =	stream.indirect.scatter.add.f32 [tilespmem:s31], [sflag:$0x3], $0x80, s25, s25, $0xb8;
	[tilespmem:$0x1C300] =	vst v63  }
0x52: {  	_ =	swait.ge [sflag:s6], $0x4000  }
0x53: {  	[sflag:s6] =	ssyncset.done $0x0  }
0x54: {  	[sflag:s6] =	ssyncadd.s32 $0xFFFFC000  }
0x55: {  	_ =	swait.ge [sflag:s30], $0x100  }
0x56: {  	[sflag:s30] =	ssyncset.done $0x0  }
0x57: {  	[sflag:s30] =	ssyncadd.s32 $0xFFFFFF00  }
0x58: {  	[tilespmem:s26], [sflag:$0x1] =	stream.indirect.gather [hbm4b:s4+s25], $0x80, s23, s25, $0xb8;
	[tilespmem:$0x1C300] =	vst v63  }
0x59: {  	s14 =	rddreg [dreg:$0x9]  }
0x5a: {  	[tilespmem:s0], [sflag:$0x6] =	stream.linear.gather [hbm4b:s14+s3], $0x100, $0x38;
	[tilespmem:$0x1C300] =	vst v63  }
0x5b: {  	_ =	swait.ge [sflag:s29], $0x4000  }
0x5c: {  	[sflag:s29] =	ssyncset.done $0x0  }
0x5d: {  	[sflag:s29] =	ssyncadd.s32 $0xFFFFC000  }
0x5e: {  	[spmem:s2] =	stream.indirect.scatter.add.f32 [tilespmem:s26], [sflag:$0x2], $0x80, s1, s25, $0xb8;
	[tilespmem:$0x1C300] =	vst v63  }
0x5f: {  	_ =	swait.ge [sflag:s9], $0x4000  }
0x60: {  	[sflag:s9] =	ssyncset.done $0x0  }
0x61: {  	[sflag:s9] =	ssyncadd.s32 $0xFFFFC000  }
0x62: {  	_ =	swait.ge [sflag:s7], $0x100  }
0x63: {  	[sflag:s7] =	ssyncset.done $0x0  }
0x64: {  	[sflag:s7] =	ssyncadd.s32 $0xFFFFFF00  }
0x65: {  	[tilespmem:s31], [sflag:$0x1] =	stream.indirect.gather [hbm4b:s4+s25], $0x80, s0, s25, $0xb8;
	[tilespmem:$0x1C300] =	vst v63  }
0x66: {  	s15 =	rddreg [dreg:$0xa]  }
0x67: {  	[tilespmem:s3], [sflag:$0x4] =	stream.linear.gather [hbm4b:s15+s3], $0x100, $0x38;
	[tilespmem:$0x1C300] =	vst v63  }
0x68: {  	_ =	swait.ge [sflag:s29], $0x4000  }
0x69: {  	[sflag:s29] =	ssyncset.done $0x0  }
0x6a: {  	[sflag:s29] =	ssyncadd.s32 $0xFFFFC000  }
0x6b: {  	[spmem:s2] =	stream.indirect.scatter.add.f32 [tilespmem:s31], [sflag:$0x3], $0x80, s8, s25, $0xb8;
	[tilespmem:$0x1C300] =	vst v63  }
0x6c: {  	_ =	swait.ge [sflag:s6], $0x4000  }
0x6d: {  	[sflag:s6] =	ssyncset.done $0x0  }
0x6e: {  	[sflag:s6] =	ssyncadd.s32 $0xFFFFC000  }
0x6f: {  	_ =	swait.ge [sflag:s24], $0x100  }
0x70: {  	[sflag:s24] =	ssyncset.done $0x0  }
0x71: {  	[sflag:s24] =	ssyncadd.s32 $0xFFFFFF00  }
0x72: {  	[tilespmem:s26], [sflag:$0x1] =	stream.indirect.gather [hbm4b:s4+s25], $0x80, s3, s25, $0xb8;
	[tilespmem:$0x1C300] =	vst v63  }
0x73: {  	s14 =	rddreg [dreg:$0xb]  }
0x74: {  	[tilespmem:s23], [sflag:$0x5] =	stream.linear.gather [hbm4b:s14+s3], $0x100, $0x38;
	[tilespmem:$0x1C300] =	vst v63  }
0x75: {  	_ =	swait.ge [sflag:s29], $0x4000  }
0x76: {  	[sflag:s29] =	ssyncset.done $0x0  }
0x77: {  	[sflag:s29] =	ssyncadd.s32 $0xFFFFC000  }
0x78: {  	[spmem:s2] =	stream.indirect.scatter.add.f32 [tilespmem:s26], [sflag:$0x2], $0x80, s25, s25, $0xb8;
	[tilespmem:$0x1C300] =	vst v63  }
0x79: {  	_ =	swait.ge [sflag:s9], $0x4000  }
0x7a: {  	[sflag:s9] =	ssyncset.done $0x0  }
0x7b: {  	[sflag:s9] =	ssyncadd.s32 $0xFFFFC000  }
0x7c: {  	_ =	swait.ge [sflag:s30], $0x100  }
0x7d: {  	[sflag:s30] =	ssyncset.done $0x0  }
0x7e: {  	[sflag:s30] =	ssyncadd.s32 $0xFFFFFF00  }
0x7f: {  	[tilespmem:s31], [sflag:$0x1] =	stream.indirect.gather [hbm4b:s4+s25], $0x80, s23, s25, $0xb8;
	[tilespmem:$0x1C300] =	vst v63  }
0x80: {  	s15 =	sadd.s32 $0x0, s22  }
0x81: {  	[tilespmem:s0], [sflag:$0x6] =	stream.linear.gather [hbm4b:s15+s3], $0x100, $0x38;
	[tilespmem:$0x1C300] =	vst v63  }
0x82: {  	_ =	swait.ge [sflag:s29], $0x4000  }
0x83: {  	[sflag:s29] =	ssyncset.done $0x0  }
0x84: {  	[sflag:s29] =	ssyncadd.s32 $0xFFFFC000  }
0x85: {  	[spmem:s2] =	stream.indirect.scatter.add.f32 [tilespmem:s31], [sflag:$0x3], $0x80, s1, s25, $0xb8;
	[tilespmem:$0x1C300] =	vst v63  }
0x86: {  	_ =	swait.ge [sflag:s6], $0x4000  }
0x87: {  	[sflag:s6] =	ssyncset.done $0x0  }
0x88: {  	[sflag:s6] =	ssyncadd.s32 $0xFFFFC000  }
0x89: {  	_ =	swait.ge [sflag:s7], $0x100  }
0x8a: {  	[sflag:s7] =	ssyncset.done $0x0  }
0x8b: {  	[sflag:s7] =	ssyncadd.s32 $0xFFFFFF00  }
0x8c: {  	[tilespmem:s26], [sflag:$0x1] =	stream.indirect.gather [hbm4b:s4+s25], $0x80, s0, s25, $0xb8;
	[tilespmem:$0x1C300] =	vst v63  }
0x8d: {  	s14 =	sadd.s32 $0x0, s21  }
0x8e: {  	[tilespmem:s3], [sflag:$0x4] =	stream.linear.gather [hbm4b:s14+s3], $0x100, $0x38;
	[tilespmem:$0x1C300] =	vst v63  }
0x8f: {  	_ =	swait.ge [sflag:s29], $0x4000  }
0x90: {  	[sflag:s29] =	ssyncset.done $0x0  }
0x91: {  	[sflag:s29] =	ssyncadd.s32 $0xFFFFC000  }
0x92: {  	[spmem:s2] =	stream.indirect.scatter.add.f32 [tilespmem:s26], [sflag:$0x2], $0x80, s8, s25, $0xb8;
	[tilespmem:$0x1C300] =	vst v63  }
0x93: {  	_ =	swait.ge [sflag:s9], $0x4000  }
0x94: {  	[sflag:s9] =	ssyncset.done $0x0  }
0x95: {  	[sflag:s9] =	ssyncadd.s32 $0xFFFFC000  }
0x96: {  	_ =	swait.ge [sflag:s24], $0x100  }
0x97: {  	[sflag:s24] =	ssyncset.done $0x0  }
0x98: {  	[sflag:s24] =	ssyncadd.s32 $0xFFFFFF00  }
0x99: {  	[tilespmem:s31], [sflag:$0x1] =	stream.indirect.gather [hbm4b:s4+s25], $0x80, s3, s25, $0xb8;
	[tilespmem:$0x1C300] =	vst v63  }
0x9a: {  	s15 =	sadd.s32 $0x0, s20  }
0x9b: {  	[tilespmem:s23], [sflag:$0x5] =	stream.linear.gather [hbm4b:s15+s3], $0x100, $0x38;
	[tilespmem:$0x1C300] =	vst v63  }
0x9c: {  	_ =	swait.ge [sflag:s29], $0x4000  }
0x9d: {  	[sflag:s29] =	ssyncset.done $0x0  }
0x9e: {  	[sflag:s29] =	ssyncadd.s32 $0xFFFFC000  }
0x9f: {  	[spmem:s2] =	stream.indirect.scatter.add.f32 [tilespmem:s31], [sflag:$0x3], $0x80, s25, s25, $0xb8;
	[tilespmem:$0x1C300] =	vst v63  }
0xa0: {  	_ =	swait.ge [sflag:s6], $0x4000  }
0xa1: {  	[sflag:s6] =	ssyncset.done $0x0  }
0xa2: {  	[sflag:s6] =	ssyncadd.s32 $0xFFFFC000  }
0xa3: {  	_ =	swait.ge [sflag:s30], $0x100  }
0xa4: {  	[sflag:s30] =	ssyncset.done $0x0  }
0xa5: {  	[sflag:s30] =	ssyncadd.s32 $0xFFFFFF00  }
0xa6: {  	[tilespmem:s26], [sflag:$0x1] =	stream.indirect.gather [hbm4b:s4+s25], $0x80, s23, s25, $0xb8;
	[tilespmem:$0x1C300] =	vst v63  }
0xa7: {  	s14 =	sadd.s32 $0x0, s19  }
0xa8: {  	[tilespmem:s0], [sflag:$0x6] =	stream.linear.gather [hbm4b:s14+s3], $0x100, $0x38;
	[tilespmem:$0x1C300] =	vst v63  }
0xa9: {  	_ =	swait.ge [sflag:s29], $0x4000  }
0xaa: {  	[sflag:s29] =	ssyncset.done $0x0  }
0xab: {  	[sflag:s29] =	ssyncadd.s32 $0xFFFFC000  }
0xac: {  	[spmem:s2] =	stream.indirect.scatter.add.f32 [tilespmem:s26], [sflag:$0x2], $0x80, s1, s25, $0xb8;
	[tilespmem:$0x1C300] =	vst v63  }
0xad: {  	_ =	swait.ge [sflag:s9], $0x4000  }
0xae: {  	[sflag:s9] =	ssyncset.done $0x0  }
0xaf: {  	[sflag:s9] =	ssyncadd.s32 $0xFFFFC000  }
0xb0: {  	_ =	swait.ge [sflag:s7], $0x100  }
0xb1: {  	[sflag:s7] =	ssyncset.done $0x0  }
0xb2: {  	[sflag:s7] =	ssyncadd.s32 $0xFFFFFF00  }
0xb3: {  	[tilespmem:s31], [sflag:$0x1] =	stream.indirect.gather [hbm4b:s4+s25], $0x80, s0, s25, $0xb8;
	[tilespmem:$0x1C300] =	vst v63  }
0xb4: {  	s15 =	sadd.s32 $0x0, s18  }
0xb5: {  	[tilespmem:s3], [sflag:$0x4] =	stream.linear.gather [hbm4b:s15+s3], $0x100, $0x38;
	[tilespmem:$0x1C300] =	vst v63  }
0xb6: {  	_ =	swait.ge [sflag:s29], $0x4000  }
0xb7: {  	[sflag:s29] =	ssyncset.done $0x0  }
0xb8: {  	[sflag:s29] =	ssyncadd.s32 $0xFFFFC000  }
0xb9: {  	[spmem:s2] =	stream.indirect.scatter.add.f32 [tilespmem:s31], [sflag:$0x3], $0x80, s8, s25, $0xb8;
	[tilespmem:$0x1C300] =	vst v63  }
0xba: {  	_ =	swait.ge [sflag:s6], $0x4000  }
0xbb: {  	[sflag:s6] =	ssyncset.done $0x0  }
0xbc: {  	[sflag:s6] =	ssyncadd.s32 $0xFFFFC000  }
0xbd: {  	_ =	swait.ge [sflag:s24], $0x100  }
0xbe: {  	[sflag:s24] =	ssyncset.done $0x0  }
0xbf: {  	s13 =	simm.s32 $0xC0;
	s14 =	sadd.s32 $0x0, s17;
	[sflag:s24] =	ssyncadd.s32 $0xFFFFFF00  }
0xc0: {  	[tilespmem:s26], [sflag:$0x1] =	stream.indirect.gather [hbm4b:s4+s25], $0x80, s3, s25, $0xb8;
	[tilespmem:$0x1C300] =	vst v63  }
.LBB2_2:
0xc1: {  	[tilespmem:s23], [sflag:$0x5] =	stream.linear.gather [hbm4b:s14+s3], $0x100, $0x38;
	[tilespmem:$0x1C300] =	vst v63  }
0xc2: {  	s14 =	smov.u32 s13  }
0xc3: {  	p0 =	sne.s32 s13, $0x840;
	s13 =	sadd.s32 $0xC0, s13;
	_ =	swait.ge [sflag:s29], $0x4000  }
0xc4: {  	[sflag:s29] =	ssyncset.done $0x0  }
0xc5: {  	[sflag:s29] =	ssyncadd.s32 $0xFFFFC000  }
0xc6: {  	[spmem:s2] =	stream.indirect.scatter.add.f32 [tilespmem:s26], [sflag:$0x2], $0x80, s25, s25, $0xb8;
	[tilespmem:$0x1C300] =	vst v63  }
0xc7: {  	_ =	swait.ge [sflag:s9], $0x4000  }
0xc8: {  	[sflag:s9] =	ssyncset.done $0x0  }
0xc9: {  	[sflag:s9] =	ssyncadd.s32 $0xFFFFC000  }
0xca: {  	_ =	swait.ge [sflag:s30], $0x100  }
0xcb: {  	[sflag:s30] =	ssyncset.done $0x0  }
0xcc: {  	[sflag:s30] =	ssyncadd.s32 $0xFFFFFF00  }
0xcd: {  	[tilespmem:s31], [sflag:$0x1] =	stream.indirect.gather [hbm4b:s4+s25], $0x80, s23, s25, $0xb8;
	[tilespmem:$0x1C300] =	vst v63  }
0xce: {  	s15 =	sadd.s32 s14, s22  }
0xcf: {  	[tilespmem:s0], [sflag:$0x6] =	stream.linear.gather [hbm4b:s15+s3], $0x100, $0x38;
	[tilespmem:$0x1C300] =	vst v63  }
0xd0: {  	_ =	swait.ge [sflag:s29], $0x4000  }
0xd1: {  	[sflag:s29] =	ssyncset.done $0x0  }
0xd2: {  	[sflag:s29] =	ssyncadd.s32 $0xFFFFC000  }
0xd3: {  	[spmem:s2] =	stream.indirect.scatter.add.f32 [tilespmem:s31], [sflag:$0x3], $0x80, s1, s25, $0xb8;
	[tilespmem:$0x1C300] =	vst v63  }
0xd4: {  	_ =	swait.ge [sflag:s6], $0x4000  }
0xd5: {  	[sflag:s6] =	ssyncset.done $0x0  }
0xd6: {  	[sflag:s6] =	ssyncadd.s32 $0xFFFFC000  }
0xd7: {  	_ =	swait.ge [sflag:s7], $0x100  }
0xd8: {  	[sflag:s7] =	ssyncset.done $0x0  }
0xd9: {  	[sflag:s7] =	ssyncadd.s32 $0xFFFFFF00  }
0xda: {  	[tilespmem:s26], [sflag:$0x1] =	stream.indirect.gather [hbm4b:s4+s25], $0x80, s0, s25, $0xb8;
	[tilespmem:$0x1C300] =	vst v63  }
0xdb: {  	s15 =	sadd.s32 s14, s21  }
0xdc: {  	[tilespmem:s3], [sflag:$0x4] =	stream.linear.gather [hbm4b:s15+s3], $0x100, $0x38;
	[tilespmem:$0x1C300] =	vst v63  }
0xdd: {  	_ =	swait.ge [sflag:s29], $0x4000  }
0xde: {  	[sflag:s29] =	ssyncset.done $0x0  }
0xdf: {  	[sflag:s29] =	ssyncadd.s32 $0xFFFFC000  }
0xe0: {  	[spmem:s2] =	stream.indirect.scatter.add.f32 [tilespmem:s26], [sflag:$0x2], $0x80, s8, s25, $0xb8;
	[tilespmem:$0x1C300] =	vst v63  }
0xe1: {  	_ =	swait.ge [sflag:s9], $0x4000  }
0xe2: {  	[sflag:s9] =	ssyncset.done $0x0  }
0xe3: {  	[sflag:s9] =	ssyncadd.s32 $0xFFFFC000  }
0xe4: {  	_ =	swait.ge [sflag:s24], $0x100  }
0xe5: {  	[sflag:s24] =	ssyncset.done $0x0  }
0xe6: {  	[sflag:s24] =	ssyncadd.s32 $0xFFFFFF00  }
0xe7: {  	[tilespmem:s31], [sflag:$0x1] =	stream.indirect.gather [hbm4b:s4+s25], $0x80, s3, s25, $0xb8;
	[tilespmem:$0x1C300] =	vst v63  }
0xe8: {  	s15 =	sadd.s32 s14, s20  }
0xe9: {  	[tilespmem:s23], [sflag:$0x5] =	stream.linear.gather [hbm4b:s15+s3], $0x100, $0x38;
	[tilespmem:$0x1C300] =	vst v63  }
0xea: {  	_ =	swait.ge [sflag:s29], $0x4000  }
0xeb: {  	[sflag:s29] =	ssyncset.done $0x0  }
0xec: {  	[sflag:s29] =	ssyncadd.s32 $0xFFFFC000  }
0xed: {  	[spmem:s2] =	stream.indirect.scatter.add.f32 [tilespmem:s31], [sflag:$0x3], $0x80, s25, s25, $0xb8;
	[tilespmem:$0x1C300] =	vst v63  }
0xee: {  	_ =	swait.ge [sflag:s6], $0x4000  }
0xef: {  	[sflag:s6] =	ssyncset.done $0x0  }
0xf0: {  	[sflag:s6] =	ssyncadd.s32 $0xFFFFC000  }
0xf1: {  	_ =	swait.ge [sflag:s30], $0x100  }
0xf2: {  	[sflag:s30] =	ssyncset.done $0x0  }
0xf3: {  	[sflag:s30] =	ssyncadd.s32 $0xFFFFFF00  }
0xf4: {  	[tilespmem:s26], [sflag:$0x1] =	stream.indirect.gather [hbm4b:s4+s25], $0x80, s23, s25, $0xb8;
	[tilespmem:$0x1C300] =	vst v63  }
0xf5: {  	s15 =	sadd.s32 s14, s19  }
0xf6: {  	[tilespmem:s0], [sflag:$0x6] =	stream.linear.gather [hbm4b:s15+s3], $0x100, $0x38;
	[tilespmem:$0x1C300] =	vst v63  }
0xf7: {  	_ =	swait.ge [sflag:s29], $0x4000  }
0xf8: {  	[sflag:s29] =	ssyncset.done $0x0  }
0xf9: {  	[sflag:s29] =	ssyncadd.s32 $0xFFFFC000  }
0xfa: {  	[spmem:s2] =	stream.indirect.scatter.add.f32 [tilespmem:s26], [sflag:$0x2], $0x80, s1, s25, $0xb8;
	[tilespmem:$0x1C300] =	vst v63  }
0xfb: {  	_ =	swait.ge [sflag:s9], $0x4000  }
0xfc: {  	[sflag:s9] =	ssyncset.done $0x0  }
0xfd: {  	[sflag:s9] =	ssyncadd.s32 $0xFFFFC000  }
0xfe: {  	_ =	swait.ge [sflag:s7], $0x100  }
0xff: {  	[sflag:s7] =	ssyncset.done $0x0  }
0x100: {  	[sflag:s7] =	ssyncadd.s32 $0xFFFFFF00  }
0x101: {  	[tilespmem:s31], [sflag:$0x1] =	stream.indirect.gather [hbm4b:s4+s25], $0x80, s0, s25, $0xb8;
	[tilespmem:$0x1C300] =	vst v63  }
0x102: {  	s15 =	sadd.s32 s14, s18  }
0x103: {  	[tilespmem:s3], [sflag:$0x4] =	stream.linear.gather [hbm4b:s15+s3], $0x100, $0x38;
	[tilespmem:$0x1C300] =	vst v63  }
0x104: {  	_ =	swait.ge [sflag:s29], $0x4000  }
0x105: {  	[sflag:s29] =	ssyncset.done $0x0  }
0x106: {  	[sflag:s29] =	ssyncadd.s32 $0xFFFFC000  }
0x107: {  	[spmem:s2] =	stream.indirect.scatter.add.f32 [tilespmem:s31], [sflag:$0x3], $0x80, s8, s25, $0xb8;
	[tilespmem:$0x1C300] =	vst v63  }
0x108: {  	_ =	swait.ge [sflag:s6], $0x4000  }
0x109: {  	[sflag:s6] =	ssyncset.done $0x0  }
0x10a: {  	[sflag:s6] =	ssyncadd.s32 $0xFFFFC000  }
.Ltmp0:
0x10b: {  	_ =	swait.ge [sflag:s24], $0x100;
	(pc) =	sbr.rel @p0 .LBB2_2-.Ltmp0, $4  }
0x10c: {  	[sflag:s24] =	ssyncset.done $0x0  }
0x10d: {  	[sflag:s24] =	ssyncadd.s32 $0xFFFFFF00  }
0x10e: {  	[tilespmem:s26], [sflag:$0x1] =	stream.indirect.gather [hbm4b:s4+s25], $0x80, s3, s25, $0xb8;
	[tilespmem:$0x1C300] =	vst v63  }
0x10f: {  	s14 =	sadd.s32 s14, s17  }
0x110: {  	[tilespmem:s23], [sflag:$0x5] =	stream.linear.gather [hbm4b:s14+s3], $0x100, $0x38;
	[tilespmem:$0x1C300] =	vst v63  }
0x111: {  	_ =	swait.ge [sflag:s29], $0x4000  }
0x112: {  	[sflag:s29] =	ssyncset.done $0x0  }
0x113: {  	[sflag:s29] =	ssyncadd.s32 $0xFFFFC000  }
0x114: {  	[spmem:s2] =	stream.indirect.scatter.add.f32 [tilespmem:s26], [sflag:$0x2], $0x80, s25, s25, $0xb8;
	[tilespmem:$0x1C300] =	vst v63  }
0x115: {  	_ =	swait.ge [sflag:s9], $0x4000  }
0x116: {  	[sflag:s9] =	ssyncset.done $0x0  }
0x117: {  	[sflag:s9] =	ssyncadd.s32 $0xFFFFC000  }
0x118: {  	_ =	swait.ge [sflag:s30], $0x100  }
0x119: {  	[sflag:s30] =	ssyncset.done $0x0  }
0x11a: {  	[sflag:s30] =	ssyncadd.s32 $0xFFFFFF00  }
0x11b: {  	[tilespmem:s31], [sflag:$0x1] =	stream.indirect.gather [hbm4b:s4+s25], $0x80, s23, s25, $0xb8;
	[tilespmem:$0x1C300] =	vst v63  }
0x11c: {  	_ =	swait.ge [sflag:s29], $0x4000  }
0x11d: {  	[sflag:s29] =	ssyncset.done $0x0  }
0x11e: {  	[sflag:s29] =	ssyncadd.s32 $0xFFFFC000  }
0x11f: {  	[spmem:s2] =	stream.indirect.scatter.add.f32 [tilespmem:s31], [sflag:$0x3], $0x80, s1, s25, $0xb8;
	[tilespmem:$0x1C300] =	vst v63  }
0x120: {  	_ =	swait.ge [sflag:s6], $0x4000  }
0x121: {  	[sflag:s6] =	ssyncset.done $0x0  }
0x122: {  	[sflag:s6] =	ssyncadd.s32 $0xFFFFC000  }
0x123: {  	_ =	swait.ge [sflag:s9], $0x4000  }
0x124: {  	[sflag:s9] =	ssyncset.done $0x0  }
0x125: {  	s10 =	sadd.s32 $0x1, s10;
	[sflag:s9] =	ssyncadd.s32 $0xFFFFC000  }
0x126: {  	p0 =	sne.s32 s10, s16;
	[bflag:$0x0] =	sbarrier.arrive $0xFFFF  }
.Ltmp1:
0x127: {  	s13 =	rddreg [dreg:$0xc];
	(pc) =	sbr.rel @p0 .LBB2_1-.Ltmp1, $4  }
0x128: {  	[hbm:s13], [sflag:s11] =	dma.local [spmem:s12], $0x2800  }
0x129: {  	_ =	swait.ge [sflag:s28], $0x2800  }
0x12a: {  	[sflag:s28] =	ssyncset.done $0x0  }
0x12b: {  	[sflag:s28] =	ssyncadd.s32 $0xFFFFD800  }
0x12c: {  	_ =	sfence.sel $0x180000  }
0x12d: {  	[bflag:$0x0] =	sbarrier.arrive $0xFFFF  }
0x12e: {  	_ =	strace $0x9000004D  }
0x12f: {  	s0 =	stileid.u32;
	[bflag:$0x2] =	sbarrier.arrive $0xFFFF  }
0x130: {  	p0 =	sne.s32 s0, $0x0;
	s0 =	rddreg [dreg:$0x2]  }
0x131: {  	s0 =	sadd.s32 @!p0 $0x100000, s0  }
0x132: {  	[sflag:s0] =	ssyncadd.tile.s32 @!p0 $0x1;
	_ =	shalt  }
.Lfunc_end2:
_tile_overlayer_lowered:
.L_overlay_start_2:
0x133: {  	(tag) =	ssettag $0x2  }
0x134: {  	s0 =	rddreg [dreg:$0x0];
	s2 =	stileid.u32  }
0x135: {  	s1 =	rddreg [dreg:$0x1];
	p0 =	sne.s32 s2, $0x0  }
0x136: {  	s3 =	rddreg [dreg:$0x2];
	[bflag:$0x3] =	sbarrier.arrive $0xFFFF;
	s2 =	simm.s32 @!p0 $0x1C07  }
0x137: {  	[timem:s3], [sflag:s2] =	dma.local @!p0 [hbm:s0], s1  }
0x138: {  	s0 =	simm.s32 @!p0 $0x7  }
0x139: {  	_ =	swait.ge @!p0 [sflag:s0], s1  }
0x13a: {  	s1 =	ssub.s32 @!p0 $0x0, s1;
	[sflag:s0] =	ssyncset.done @!p0 $0x0  }
0x13b: {  	[sflag:s0] =	ssyncadd.s32 @!p0 s1  }
0x13c: {  	[bflag:$0x3] =	sbarrier.arrive $0xFFFF  }
0x13d: {  	_ =	shalt  }

// kernel: kernel.8.cloned.1.call-start
scs
__scs_entry_jumppad:
0x0: {  	(pc) =	sbr.rel $0x88, $3  }
0x1: {  	(tag) =	ssettag $0x0;
	lr =	simm.s32 $0x1  }
0x2: {  	[smem:$0x3F96] =	sst lr;
	_ =	strace $0xD0000000  }
0x3: {  	_ = 	snop  }
0x4: {  	_ = 	snop  }
0x5: {  	_ = 	snop  }
0x6: {  	_ = 	snop  }
0x7: {  	_ = 	snop  }
__scs_overlays_trampoline_lowered:
0x8: {  	[smem:$0x3FA5] =	sst s0  }
0x9: {  	[smem:$0x3FA6] =	sst s1  }
0xa: {  	[smem:$0x3FA7] =	sst s2  }
0xb: {  	[smem:$0x3FA8] =	sst s3  }
0xc: {  	[smem:$0x3FA9] =	sst s4  }
0xd: {  	[smem:$0x3FAA] =	sst s5  }
0xe: {  	[smem:$0x3FAB] =	sst s6  }
0xf: {  	[smem:$0x3FAC] =	sst s7  }
0x10: {  	[smem:$0x3FAD] =	sst s8  }
0x11: {  	[smem:$0x3FAE] =	sst s9;
	s0 =	simm.s32 @!p0 $0x0  }
0x12: {  	s1 =	sld [smem:$0x3F94];
	s0 =	simm.s32 @p0 $0x1  }
0x13: {  	[smem:$0x3FAF] =	sst s0;
	s0 =	simm.s32 @!p1 $0x0  }
0x14: {  	s2 =	sld [smem:$0x3F93];
	s0 =	simm.s32 @p1 $0x1  }
0x15: {  	[smem:$0x3FB0] =	sst s0;
	s0 =	simm.s32 @!p2 $0x0  }
0x16: {  	s3 =	sld [smem:$0x3FDB];
	s0 =	simm.s32 @p2 $0x1  }
0x17: {  	s4 =	simm.s32 $0x1BF5;
	[smem:$0x3FB2] =	sst s0  }
0x18: {  	s0 =	sld [smem:$0x3F95];
	_ =	swait.ge [sflag:s4], $0x0  }
0x19: {  	s7 =	sld [smem:$0x3F96]  }
0x1a: {  	s8 =	sadd.s32 $0xFFFFE003, lr  }
0x1b: {  	s9 =	sadd.s32 $0xFFFFFEF7, lr;
	s5 =	simm.s32 $0xFFFFFFFF;
	p2 =	slt.u32 s8, $0xFFFFF086  }
0x1c: {  	p1 =	slt.u32 s9, $0xF7A;
	s5 =	simm.s32 @!p2 $0x0  }
0x1d: {  	s5 =	simm.s32 @p1 $0x1;
	p0 =	seq.s32 s7, s2  }
0x1e: {  	s7 =	smul.u32 @!p0 $0xF7A, s2;
	p2 =	seq.s32 @!p0 s5, $0x0  }
0x1f: {  	s9 =	smul.u32 $0xF7A, s1;
	s8 =	simm.s32 @!p0 $0x1BF5;
	p2 =	por !p2, p0  }
0x20: {  	[sflag:s8] =	ssyncset.s32 @!p0 $0xFFFFF086;
	s6 =	sadd.s32 @!p0 s3, s7;
	s7 =	simm.s32 @!p0 $0x108  }
0x21: {  	s3 =	sadd.s32 s3, s9;
	s6 =	sadd.s32 @!p0 $0x88, s6;
	s7 =	simm.s32 @p2 $0x1082  }
0x22: {  	[simem:s7], [sflag:s8] =	dma.local @!p0 [hbm:s6], $0xF7A  }
0x23: {  	s9 =	sor.u32 $0xD0000000, s2;
	s6 =	simm.s32 $0x108;
	_ =	swait.ge @!p0 [sflag:s8], $0x0  }
0x24: {  	s3 =	sadd.s32 $0x88, s3;
	s6 =	simm.s32 @!p1 $0x1082;
	[sflag:s4] =	ssyncset.s32 $0xFFFFF086  }
0x25: {  	[simem:s6], [sflag:s4] =	dma.local [hbm:s3], $0xF7A  }
0x26: {  	[smem:$0x3F96] =	sst s1;
	(tag) =	ssettag s2;
	_ =	strace s9  }
0x27: {  	s1 =	sld [smem:$0x3FA6]  }
0x28: {  	s2 =	sld [smem:$0x3FA7]  }
0x29: {  	s4 =	sld [smem:$0x3FA9]  }
0x2a: {  	p0 =	seq.s32 s5, $0x0;
	s5 =	sld [smem:$0x3FAA]  }
0x2b: {  	s6 =	sld [smem:$0x3FAB]  }
0x2c: {  	s7 =	sld [smem:$0x3FAC]  }
0x2d: {  	s3 =	simm.s32 $0x108;
	s8 =	sld [smem:$0x3FAD]  }
0x2e: {  	s3 =	simm.s32 @!p0 $0x1082;
	s9 =	sld [smem:$0x3FAE]  }
0x2f: {  	lr =	sadd.s32 s0, s3;
	s0 =	sld [smem:$0x3FA5]  }
0x30: {  	s3 =	sld [smem:$0x3FA8]  }
0x31: {  	[smem:$0x3FB1] =	sst s10  }
0x32: {  	s10 =	sld [smem:$0x3FAF];
	_ =	sdelay $0x3  }
0x33: {  	p0 =	seq.s32 s10, $0x1;
	s10 =	sld [smem:$0x3FB1];
	_ =	sdelay $0x3  }
0x34: {  	[smem:$0x3FB1] =	sst s10  }
0x35: {  	s10 =	sld [smem:$0x3FB0];
	_ =	sdelay $0x3  }
0x36: {  	p1 =	seq.s32 s10, $0x1;
	s10 =	sld [smem:$0x3FB1];
	_ =	sdelay $0x3  }
0x37: {  	[smem:$0x3FB1] =	sst s10  }
0x38: {  	s10 =	sld [smem:$0x3FB2]  }
0x39: {  	_ = 	snop;
	(pc) =	sbr.ind lr, $3  }
0x3a: {  	_ = 	snop  }
0x3b: {  	_ = 	snop  }
0x3c: {  	p2 =	seq.s32 s10, $0x1;
	s10 =	sld [smem:$0x3FB1]  }
0x3d: {  	_ =	shalt  }
0x3e: {  	_ =	shalt  }
0x3f: {  	_ =	shalt  }
0x40: {  	_ =	shalt  }
0x41: {  	_ =	shalt  }
0x42: {  	_ =	shalt  }
0x43: {  	_ =	shalt  }
0x44: {  	_ =	shalt  }
0x45: {  	_ =	shalt  }
0x46: {  	_ =	shalt  }
0x47: {  	_ =	shalt  }
0x48: {  	_ =	shalt  }
0x49: {  	_ =	shalt  }
0x4a: {  	_ =	shalt  }
0x4b: {  	_ =	shalt  }
0x4c: {  	_ =	shalt  }
0x4d: {  	_ =	shalt  }
0x4e: {  	_ =	shalt  }
0x4f: {  	_ =	shalt  }
0x50: {  	_ =	shalt  }
0x51: {  	_ =	shalt  }
0x52: {  	_ =	shalt  }
0x53: {  	_ =	shalt  }
0x54: {  	_ =	shalt  }
0x55: {  	_ =	shalt  }
0x56: {  	_ =	shalt  }
0x57: {  	_ =	shalt  }
0x58: {  	_ =	shalt  }
0x59: {  	_ =	shalt  }
0x5a: {  	_ =	shalt  }
0x5b: {  	_ =	shalt  }
0x5c: {  	_ =	shalt  }
0x5d: {  	_ =	shalt  }
0x5e: {  	_ =	shalt  }
0x5f: {  	_ =	shalt  }
0x60: {  	_ =	shalt  }
0x61: {  	_ =	shalt  }
0x62: {  	_ =	shalt  }
0x63: {  	_ =	shalt  }
0x64: {  	_ =	shalt  }
0x65: {  	_ =	shalt  }
0x66: {  	_ =	shalt  }
0x67: {  	_ =	shalt  }
0x68: {  	_ =	shalt  }
0x69: {  	_ =	shalt  }
0x6a: {  	_ =	shalt  }
0x6b: {  	_ =	shalt  }
0x6c: {  	_ =	shalt  }
0x6d: {  	_ =	shalt  }
0x6e: {  	_ =	shalt  }
0x6f: {  	_ =	shalt  }
0x70: {  	_ =	shalt  }
0x71: {  	_ =	shalt  }
0x72: {  	_ =	shalt  }
0x73: {  	_ =	shalt  }
0x74: {  	_ =	shalt  }
0x75: {  	_ =	shalt  }
0x76: {  	_ =	shalt  }
0x77: {  	_ =	shalt  }
0x78: {  	_ =	shalt  }
0x79: {  	_ =	shalt  }
0x7a: {  	_ =	shalt  }
0x7b: {  	_ =	shalt  }
0x7c: {  	_ =	shalt  }
0x7d: {  	_ =	shalt  }
0x7e: {  	_ =	shalt  }
0x7f: {  	_ =	shalt  }
0x80: {  	_ =	shalt  }
0x81: {  	_ =	shalt  }
0x82: {  	_ =	shalt  }
0x83: {  	_ =	shalt  }
0x84: {  	_ =	shalt  }
0x85: {  	_ =	shalt  }
0x86: {  	_ =	shalt  }
0x87: {  	_ =	shalt  }
.Lfunc_end0:
.L_simem_size_0:
called_computation_lowered:
.L_overlay_start_0:
0x88: {  	s2 =	sld [smem:$0x3FD9]  }
0x89: {  	s3 =	sld [smem:$0x3FFE];
	_ =	sdelay $0x1  }
0x8a: {  	s1 =	srdreg.scid  }
0x8b: {  	s0 =	sand.u32 $0x1, s1  }
0x8c: {  	s17 =	sshll.u32 s0, $0xA;
	s2 =	sadd.s32 s3, s2  }
0x8d: {  	s2 =	sadd.s32 s2, s17  }
0x8e: {  	[smem:$0x3FBD] =	sst s2  }
0x8f: {  	_ = 	snop  }
0x90: {  	s2 =	sld [smem:$0x3FD0];
	(tm) =	ssettm $0x1  }
0x91: {  	s18 =	sld [smem:$0x3FFB];
	_ =	sdelay $0x3  }
0x92: {  	_ =	strace s18  }
0x93: {  	s3 =	sld [smem:$0x3FFC];
	_ =	sdelay $0x3  }
0x94: {  	_ =	strace s3  }
0x95: {  	s3 =	sld [smem:$0x3FFD];
	_ =	sdelay $0x3  }
0x96: {  	_ =	strace s3  }
0x97: {  	_ =	strace $0x8FFFFFFF  }
0x98: {  	s19 =	sld [smem:$0x3FDB];
	_ =	sdelay $0x1  }
0x99: {  	s4 =	simm.s32 $_scs_section_size  }
0x9a: {  	s5 =	simm.s32 $_size__tile_overlayer_lowered;
	s6 =	simm.s32 $_tile_overlayer_lowered  }
0x9b: {  	s22 =	simm.s32 $0x1BFF;
	s21 =	sshll.u32 s6, $0x1;
	s3 =	sadd.s32 s4, s19  }
0x9c: {  	s7 =	simm.s32 $0x0;
	s20 =	sshll.u32 s5, $0x1;
	s5 =	sadd.s32 s21, s3  }
0x9d: {  	[timem:s7], [sflag:s22] =	dma.local [hbm:s5], s20  }
0x9e: {  	_ =	swait.ge [sflag:s22], s20  }
0x9f: {  	s4 =	ssub.s32 $0x0, s20;
	[sflag:s22] =	ssyncset.done $0x0  }
0xa0: {  	[sflag:s22] =	ssyncadd.s32 s4;
	_ =	sdelay $0x1  }
0xa1: {  	s23 =	simm.s32 $0x1B8B  }
0xa2: {  	_ =	swait.ge [sflag:s23], $0x1  }
0xa3: {  	[sflag:s23] =	ssyncset.done $0x0  }
0xa4: {  	s25 =	simm.s32 $0x1B8E;
	s24 =	sld [smem:$0x3FFE];
	[sflag:s23] =	ssyncadd.s32 $0xFFFFFFFF  }
0xa5: {  	s26 =	simm.s32 $execute0_lowered;
	[smem:$0x3FD2] =	sst s25  }
0xa6: {  	s5 =	sshll.u32 s26, $0x1;
	_ =	strace $0x80000046;
	[dreg:$0x1] =	wrdreg $0xFFFFFFFF  }
0xa7: {  	s28 =	simm.s32 $_size_execute0_lowered;
	s3 =	sadd.s32 s3, s5;
	[dreg:$0x0] =	wrdreg $0x0  }
0xa8: {  	s5 =	sshll.u32 s28, $0x1;
	[dreg:$0x2] =	wrdreg s3  }
0xa9: {  	[dreg:$0x3] =	wrdreg s5  }
0xaa: {  	[dreg:$0x4] =	wrdreg $0xC0  }
0xab: {  	_ =	task [dreg:s7], $0x5FFFF  }
0xac: {  	[dreg:$0x1] =	wrdreg $0xFFFFFFFF  }
0xad: {  	[dreg:$0x0] =	wrdreg $0x60  }
0xae: {  	[dreg:$0x2] =	wrdreg s2  }
0xaf: {  	[dreg:$0x3] =	wrdreg s24  }
0xb0: {  	[dreg:$0x4] =	wrdreg $0x2000  }
0xb1: {  	[dreg:$0x5] =	wrdreg $0x9  }
0xb2: {  	_ =	task.clear_ibuf [dreg:s7], $0x6FFFF;
	_ =	strace $0x90000046  }
0xb3: {  	s29 =	simm.s32 $0x9;
	_ =	strace $0x80000048  }
0xb4: {  	_ =	swait.ge [sflag:s29], $0x1  }
0xb5: {  	[sflag:s29] =	ssyncadd.s32 $0xFFFFFFFF  }
0xb6: {  	_ =	strace $0x90000048  }
0xb7: {  	_ =	sfence  }
0xb8: {  	s30 =	sld [smem:$0x0];
	_ =	sdelay $0x2  }
0xb9: {  	s31 =	sshll.u32 s1, $0xD;
	s1 =	sshrl.u32 s1, $0x2  }
0xba: {  	s3 =	sand.u32 $0x4000, s31;
	s1 =	sadd.s32 s1, s30  }
0xbb: {  	s0 =	sor.u32 s3, s0;
	s1 =	sshll.u32 s1, $0x11  }
0xbc: {  	s0 =	sor.u32 s1, s0  }
0xbd: {  	s0 =	sadd.s32 $0x8F2B, s0  }
0xbe: {  	[sflag:s0] =	ssyncadd.remote.s32 $0x1  }
0xbf: {  	_ =	sfence.sel $0xFFFF  }
0xc0: {  	[dreg:$0x0] =	wrdreg $0xFFFFFFFF;
	(pc) =	sbr.abs _section_cstart, $3  }
0xc1: {  	[dreg:$0x1] =	wrdreg $0xFFFFFFFF  }
0xc2: {  	_ =	task.clear_ibuf [dreg:s7], $0x2FFFF;
	_ =	strace $0x9FFFFFFF  }
0xc3: {  	(tm) =	ssettm $0x7FFFFFFF  }
tec
execute0_lowered:
.L_overlay_start_1:
0x0: {  	(tag) =	ssettag $0x1  }
0x1: {  	s0 =	rddreg [dreg:$0x0]  }
0x2: {  	s1 =	rddreg [dreg:$0x1]  }
0x3: {  	s2 =	rddreg [dreg:$0x2];
	s3 =	simm.s32 $0x0  }
0x4: {  	s10 =	stileid.u32;
	s4 =	srdreg.scid;
	s28 =	simm.s32 $0x100  }
0x5: {  	s29 =	simm.s32 $0x4;
	s30 =	simm.s32 $0x1;
	s31 =	simm.s32 $0x5  }
0x6: {  	s5 =	smul.u32 $0x280, s10;
	s6 =	sand.u32 $0x1, s4;
	s16 =	sshll.u32 s10, $0x1  }
0x7: {  	[smem:$0x7FF] =	sst s3;
	s7 =	smul.u32 $0x500, s10;
	s21 =	sshll.u32 s10, $0x6  }
0x8: {  	s14 =	smul.u32 $0x5000, s10;
	s4 =	sor.u32 s6, s16;
	s9 =	sshll.u32 s6, $0x7  }
0x9: {  	_ =	strace $0x80000047;
	s17 =	ssub.s32 $0x2, s6;
	s6 =	smul.u32 $0x2800, s6  }
0xa: {  	s8 =	sshrl.u32 s5, $0x3;
	s4 =	smul.u32 $0x2800, s4;
	s7 =	sor.u32 s9, s7  }
0xb: {  	s18 =	sshrl.u32 s17, $0x1;
	s5 =	sadd.s32 s5, s2;
	s8 =	sadd.s32 s8, s1  }
0xc: {  	s7 =	sshrl.u32 s7, $0x3;
	s15 =	ssub.s32 s17, s18;
	s6 =	sadd.s32 s6, s14  }
0xd: {  	s4 =	sshrl.u32 s4, $0x3;
	s1 =	sadd.s32 s7, s1;
	s20 =	sadd.s32 $0x16A00, s8  }
0xe: {  	s7 =	sor.u32 $0x1C06, s21;
	s15 =	smax.u32 s15, $0x1;
	s23 =	sor.u32 $0x680, s6  }
0xf: {  	s17 =	sor.u32 $0x600, s6;
	s18 =	sor.u32 $0x580, s6;
	s25 =	sor.u32 $0x500, s6  }
0x10: {  	s4 =	sadd.s32 s0, s4;
	[dreg:$0x5] =	wrdreg s20;
	s14 =	sadd.s32 $0x17000, s1  }
0x11: {  	s1 =	sshrl.u32 s23, $0x3;
	s24 =	sshrl.u32 s17, $0x3;
	s18 =	sshrl.u32 s18, $0x3  }
0x12: {  	s20 =	sor.u32 $0x480, s6;
	s6 =	sor.u32 $0x400, s6;
	s23 =	sshrl.u32 s5, $0x3  }
0x13: {  	s19 =	sadd.s32 $0x10, s4;
	s22 =	sadd.s32 $0x20, s4;
	s9 =	sadd.s32 $0x30, s4  }
0x14: {  	s10 =	sadd.s32 $0x40, s4;
	s11 =	sadd.s32 $0x50, s4;
	s12 =	sadd.s32 $0x60, s4  }
0x15: {  	s13 =	sadd.s32 $0x70, s4;
	s16 =	sadd.s32 s1, s0;
	s17 =	sadd.s32 s24, s0  }
0x16: {  	s18 =	sadd.s32 s18, s0;
	s1 =	sshrl.u32 s25, $0x3;
	s26 =	sshrl.u32 s20, $0x3  }
0x17: {  	s6 =	sshrl.u32 s6, $0x3;
	s24 =	simm.s32 $0x6;
	[dreg:$0x4] =	wrdreg s19  }
0x18: {  	s25 =	simm.s32 $0x3;
	[dreg:$0x6] =	wrdreg s22;
	s19 =	sadd.s32 s1, s0  }
0x19: {  	s20 =	sadd.s32 s26, s0;
	s21 =	sadd.s32 s6, s0;
	s22 =	simm.s32 $0x80  }
0x1a: {  	v0 =	vimm.f32 $1.000000000e+00;
	s26 =	simm.s32 $0x180;
	s0 =	simm.s32 $0x2;
	s1 =	simm.s32 $0x0  }
.LBB2_1:
0x1b: {  	[tilespmem:s3], [sflag:$0x3] =	stream.linear.gather [hbm4b:s4+s3], $0x80, $0x38;
	[tilespmem:$0x480] =	vst v63  }
0x1c: {  	s5 =	rddreg [dreg:$0x4]  }
0x1d: {  	s8 =	rddreg [dreg:$0x5]  }
0x1e: {  	[tilespmem:s22], [sflag:$0x4] =	stream.linear.gather [hbm4b:s5+s3], $0x80, $0x38;
	[tilespmem:$0x480] =	vst v63  }
0x1f: {  	[spmem:s23], [sflag:s7] =	dma.local [hbm:s8], $0x50  }
0x20: {  	_ =	swait.ge [sflag:s24], $0x50  }
0x21: {  	[sflag:s24] =	ssyncset.done $0x0  }
0x22: {  	[sflag:s24] =	ssyncadd.s32 $0xFFFFFFB0  }
0x23: {  	[tilespmem:$0x180] =	vst v0  }
0x24: {  	[tilespmem:$0x190] =	vst v0  }
0x25: {  	[tilespmem:$0x1A0] =	vst v0  }
0x26: {  	[tilespmem:$0x1B0] =	vst v0  }
0x27: {  	[tilespmem:$0x1C0] =	vst v0  }
0x28: {  	[tilespmem:$0x1D0] =	vst v0  }
0x29: {  	[tilespmem:$0x1E0] =	vst v0  }
0x2a: {  	[tilespmem:$0x1F0] =	vst v0  }
0x2b: {  	[bflag:$0x0] =	sbarrier.arrive $0xFFFF  }
0x2c: {  	_ =	swait.ge [sflag:s25], $0x80  }
0x2d: {  	[sflag:s25] =	ssyncset.done $0x0  }
0x2e: {  	[sflag:s25] =	ssyncadd.s32 $0xFFFFFF80  }
0x2f: {  	[spmem:s2] =	stream.indirect.scatter.add.f32 [tilespmem:s26], [sflag:$0x1], $0x1, s3, s22, $0xb8;
	[tilespmem:$0x480] =	vst v63  }
0x30: {  	s6 =	rddreg [dreg:$0x6]  }
0x31: {  	[tilespmem:s28], [sflag:$0x5] =	stream.linear.gather [hbm4b:s6+s3], $0x80, $0x38;
	[tilespmem:$0x480] =	vst v63  }
0x32: {  	_ =	swait.ge [sflag:s29], $0x80  }
0x33: {  	[sflag:s29] =	ssyncset.done $0x0  }
0x34: {  	[sflag:s29] =	ssyncadd.s32 $0xFFFFFF80  }
0x35: {  	[spmem:s2] =	stream.indirect.scatter.add.f32 [tilespmem:s26], [sflag:$0x2], $0x1, s22, s22, $0xb8;
	[tilespmem:$0x480] =	vst v63  }
0x36: {  	_ =	swait.ge [sflag:s30], $0x80  }
0x37: {  	[sflag:s30] =	ssyncset.done $0x0  }
0x38: {  	[sflag:s30] =	ssyncadd.s32 $0xFFFFFF80  }
0x39: {  	[tilespmem:s3], [sflag:$0x3] =	stream.linear.gather [hbm4b:s9+s3], $0x80, $0x38;
	[tilespmem:$0x480] =	vst v63  }
0x3a: {  	_ =	swait.ge [sflag:s31], $0x80  }
0x3b: {  	[sflag:s31] =	ssyncset.done $0x0  }
0x3c: {  	[sflag:s31] =	ssyncadd.s32 $0xFFFFFF80  }
0x3d: {  	[spmem:s2] =	stream.indirect.scatter.add.f32 [tilespmem:s26], [sflag:$0x1], $0x1, s28, s22, $0xb8;
	[tilespmem:$0x480] =	vst v63  }
0x3e: {  	_ =	swait.ge [sflag:s0], $0x80  }
0x3f: {  	[sflag:s0] =	ssyncset.done $0x0  }
0x40: {  	[sflag:s0] =	ssyncadd.s32 $0xFFFFFF80  }
0x41: {  	[tilespmem:s22], [sflag:$0x4] =	stream.linear.gather [hbm4b:s10+s3], $0x80, $0x38;
	[tilespmem:$0x480] =	vst v63  }
0x42: {  	_ =	swait.ge [sflag:s25], $0x80  }
0x43: {  	[sflag:s25] =	ssyncset.done $0x0  }
0x44: {  	[sflag:s25] =	ssyncadd.s32 $0xFFFFFF80  }
0x45: {  	[spmem:s2] =	stream.indirect.scatter.add.f32 [tilespmem:s26], [sflag:$0x2], $0x1, s3, s22, $0xb8;
	[tilespmem:$0x480] =	vst v63  }
0x46: {  	_ =	swait.ge [sflag:s30], $0x80  }
0x47: {  	[sflag:s30] =	ssyncset.done $0x0  }
0x48: {  	[sflag:s30] =	ssyncadd.s32 $0xFFFFFF80  }
0x49: {  	[tilespmem:s28], [sflag:$0x5] =	stream.linear.gather [hbm4b:s11+s3], $0x80, $0x38;
	[tilespmem:$0x480] =	vst v63  }
0x4a: {  	_ =	swait.ge [sflag:s29], $0x80  }
0x4b: {  	[sflag:s29] =	ssyncset.done $0x0  }
0x4c: {  	[sflag:s29] =	ssyncadd.s32 $0xFFFFFF80  }
0x4d: {  	[spmem:s2] =	stream.indirect.scatter.add.f32 [tilespmem:s26], [sflag:$0x1], $0x1, s22, s22, $0xb8;
	[tilespmem:$0x480] =	vst v63  }
0x4e: {  	_ =	swait.ge [sflag:s0], $0x80  }
0x4f: {  	[sflag:s0] =	ssyncset.done $0x0  }
0x50: {  	[sflag:s0] =	ssyncadd.s32 $0xFFFFFF80  }
0x51: {  	[tilespmem:s3], [sflag:$0x3] =	stream.linear.gather [hbm4b:s12+s3], $0x80, $0x38;
	[tilespmem:$0x480] =	vst v63  }
0x52: {  	_ =	swait.ge [sflag:s31], $0x80  }
0x53: {  	[sflag:s31] =	ssyncset.done $0x0  }
0x54: {  	[sflag:s31] =	ssyncadd.s32 $0xFFFFFF80  }
0x55: {  	[spmem:s2] =	stream.indirect.scatter.add.f32 [tilespmem:s26], [sflag:$0x2], $0x1, s28, s22, $0xb8;
	[tilespmem:$0x480] =	vst v63  }
0x56: {  	_ =	swait.ge [sflag:s30], $0x80  }
0x57: {  	[sflag:s30] =	ssyncset.done $0x0  }
0x58: {  	[sflag:s30] =	ssyncadd.s32 $0xFFFFFF80  }
0x59: {  	[tilespmem:s22], [sflag:$0x4] =	stream.linear.gather [hbm4b:s13+s3], $0x80, $0x38;
	[tilespmem:$0x480] =	vst v63  }
0x5a: {  	_ =	swait.ge [sflag:s25], $0x80  }
0x5b: {  	[sflag:s25] =	ssyncset.done $0x0  }
0x5c: {  	[sflag:s25] =	ssyncadd.s32 $0xFFFFFF80  }
0x5d: {  	[spmem:s2] =	stream.indirect.scatter.add.f32 [tilespmem:s26], [sflag:$0x1], $0x1, s3, s22, $0xb8;
	[tilespmem:$0x480] =	vst v63  }
0x5e: {  	_ =	swait.ge [sflag:s0], $0x80  }
0x5f: {  	[sflag:s0] =	ssyncset.done $0x0  }
0x60: {  	s8 =	sadd.s32 $0x0, s21;
	[sflag:s0] =	ssyncadd.s32 $0xFFFFFF80  }
0x61: {  	[tilespmem:s28], [sflag:$0x5] =	stream.linear.gather [hbm4b:s8+s3], $0x80, $0x38;
	[tilespmem:$0x480] =	vst v63  }
0x62: {  	_ =	swait.ge [sflag:s29], $0x80  }
0x63: {  	[sflag:s29] =	ssyncset.done $0x0  }
0x64: {  	[sflag:s29] =	ssyncadd.s32 $0xFFFFFF80  }
0x65: {  	[spmem:s2] =	stream.indirect.scatter.add.f32 [tilespmem:s26], [sflag:$0x2], $0x1, s22, s22, $0xb8;
	[tilespmem:$0x480] =	vst v63  }
0x66: {  	_ =	swait.ge [sflag:s30], $0x80  }
0x67: {  	[sflag:s30] =	ssyncset.done $0x0  }
0x68: {  	s6 =	sadd.s32 $0x0, s20;
	[sflag:s30] =	ssyncadd.s32 $0xFFFFFF80  }
0x69: {  	[tilespmem:s3], [sflag:$0x3] =	stream.linear.gather [hbm4b:s6+s3], $0x80, $0x38;
	[tilespmem:$0x480] =	vst v63  }
0x6a: {  	_ =	swait.ge [sflag:s31], $0x80  }
0x6b: {  	[sflag:s31] =	ssyncset.done $0x0  }
0x6c: {  	[sflag:s31] =	ssyncadd.s32 $0xFFFFFF80  }
0x6d: {  	[spmem:s2] =	stream.indirect.scatter.add.f32 [tilespmem:s26], [sflag:$0x1], $0x1, s28, s22, $0xb8;
	[tilespmem:$0x480] =	vst v63  }
0x6e: {  	_ =	swait.ge [sflag:s0], $0x80  }
0x6f: {  	[sflag:s0] =	ssyncset.done $0x0  }
0x70: {  	s8 =	sadd.s32 $0x0, s19;
	[sflag:s0] =	ssyncadd.s32 $0xFFFFFF80  }
0x71: {  	[tilespmem:s22], [sflag:$0x4] =	stream.linear.gather [hbm4b:s8+s3], $0x80, $0x38;
	[tilespmem:$0x480] =	vst v63  }
0x72: {  	_ =	swait.ge [sflag:s25], $0x80  }
0x73: {  	[sflag:s25] =	ssyncset.done $0x0  }
0x74: {  	[sflag:s25] =	ssyncadd.s32 $0xFFFFFF80  }
0x75: {  	[spmem:s2] =	stream.indirect.scatter.add.f32 [tilespmem:s26], [sflag:$0x2], $0x1, s3, s22, $0xb8;
	[tilespmem:$0x480] =	vst v63  }
0x76: {  	_ =	swait.ge [sflag:s30], $0x80  }
0x77: {  	[sflag:s30] =	ssyncset.done $0x0  }
0x78: {  	s6 =	sadd.s32 $0x0, s18;
	[sflag:s30] =	ssyncadd.s32 $0xFFFFFF80  }
0x79: {  	[tilespmem:s28], [sflag:$0x5] =	stream.linear.gather [hbm4b:s6+s3], $0x80, $0x38;
	[tilespmem:$0x480] =	vst v63  }
0x7a: {  	_ =	swait.ge [sflag:s29], $0x80  }
0x7b: {  	[sflag:s29] =	ssyncset.done $0x0  }
0x7c: {  	[sflag:s29] =	ssyncadd.s32 $0xFFFFFF80  }
0x7d: {  	[spmem:s2] =	stream.indirect.scatter.add.f32 [tilespmem:s26], [sflag:$0x1], $0x1, s22, s22, $0xb8;
	[tilespmem:$0x480] =	vst v63  }
0x7e: {  	_ =	swait.ge [sflag:s0], $0x80  }
0x7f: {  	[sflag:s0] =	ssyncset.done $0x0  }
0x80: {  	s8 =	sadd.s32 $0x0, s17;
	[sflag:s0] =	ssyncadd.s32 $0xFFFFFF80  }
0x81: {  	[tilespmem:s3], [sflag:$0x3] =	stream.linear.gather [hbm4b:s8+s3], $0x80, $0x38;
	[tilespmem:$0x480] =	vst v63  }
0x82: {  	_ =	swait.ge [sflag:s31], $0x80  }
0x83: {  	[sflag:s31] =	ssyncset.done $0x0  }
0x84: {  	[sflag:s31] =	ssyncadd.s32 $0xFFFFFF80  }
0x85: {  	[spmem:s2] =	stream.indirect.scatter.add.f32 [tilespmem:s26], [sflag:$0x2], $0x1, s28, s22, $0xb8;
	[tilespmem:$0x480] =	vst v63  }
0x86: {  	_ =	swait.ge [sflag:s30], $0x80  }
0x87: {  	[sflag:s30] =	ssyncset.done $0x0  }
0x88: {  	s5 =	simm.s32 $0x60;
	s6 =	sadd.s32 $0x0, s16;
	[sflag:s30] =	ssyncadd.s32 $0xFFFFFF80  }
.LBB2_2:
0x89: {  	[tilespmem:s22], [sflag:$0x4] =	stream.linear.gather [hbm4b:s6+s3], $0x80, $0x38;
	[tilespmem:$0x480] =	vst v63  }
0x8a: {  	s6 =	smov.u32 s5  }
0x8b: {  	p0 =	sne.s32 s5, $0x420;
	s5 =	sadd.s32 $0x60, s5;
	_ =	swait.ge [sflag:s25], $0x80  }
0x8c: {  	[sflag:s25] =	ssyncset.done $0x0  }
0x8d: {  	[sflag:s25] =	ssyncadd.s32 $0xFFFFFF80  }
0x8e: {  	[spmem:s2] =	stream.indirect.scatter.add.f32 [tilespmem:s26], [sflag:$0x1], $0x1, s3, s22, $0xb8;
	[tilespmem:$0x480] =	vst v63  }
0x8f: {  	_ =	swait.ge [sflag:s0], $0x80  }
0x90: {  	[sflag:s0] =	ssyncset.done $0x0  }
0x91: {  	s8 =	sadd.s32 s6, s21;
	[sflag:s0] =	ssyncadd.s32 $0xFFFFFF80  }
0x92: {  	[tilespmem:s28], [sflag:$0x5] =	stream.linear.gather [hbm4b:s8+s3], $0x80, $0x38;
	[tilespmem:$0x480] =	vst v63  }
0x93: {  	_ =	swait.ge [sflag:s29], $0x80  }
0x94: {  	[sflag:s29] =	ssyncset.done $0x0  }
0x95: {  	[sflag:s29] =	ssyncadd.s32 $0xFFFFFF80  }
0x96: {  	[spmem:s2] =	stream.indirect.scatter.add.f32 [tilespmem:s26], [sflag:$0x2], $0x1, s22, s22, $0xb8;
	[tilespmem:$0x480] =	vst v63  }
0x97: {  	_ =	swait.ge [sflag:s30], $0x80  }
0x98: {  	[sflag:s30] =	ssyncset.done $0x0  }
0x99: {  	s8 =	sadd.s32 s6, s20;
	[sflag:s30] =	ssyncadd.s32 $0xFFFFFF80  }
0x9a: {  	[tilespmem:s3], [sflag:$0x3] =	stream.linear.gather [hbm4b:s8+s3], $0x80, $0x38;
	[tilespmem:$0x480] =	vst v63  }
0x9b: {  	_ =	swait.ge [sflag:s31], $0x80  }
0x9c: {  	[sflag:s31] =	ssyncset.done $0x0  }
0x9d: {  	[sflag:s31] =	ssyncadd.s32 $0xFFFFFF80  }
0x9e: {  	[spmem:s2] =	stream.indirect.scatter.add.f32 [tilespmem:s26], [sflag:$0x1], $0x1, s28, s22, $0xb8;
	[tilespmem:$0x480] =	vst v63  }
0x9f: {  	_ =	swait.ge [sflag:s0], $0x80  }
0xa0: {  	[sflag:s0] =	ssyncset.done $0x0  }
0xa1: {  	s8 =	sadd.s32 s6, s19;
	[sflag:s0] =	ssyncadd.s32 $0xFFFFFF80  }
0xa2: {  	[tilespmem:s22], [sflag:$0x4] =	stream.linear.gather [hbm4b:s8+s3], $0x80, $0x38;
	[tilespmem:$0x480] =	vst v63  }
0xa3: {  	_ =	swait.ge [sflag:s25], $0x80  }
0xa4: {  	[sflag:s25] =	ssyncset.done $0x0  }
0xa5: {  	[sflag:s25] =	ssyncadd.s32 $0xFFFFFF80  }
0xa6: {  	[spmem:s2] =	stream.indirect.scatter.add.f32 [tilespmem:s26], [sflag:$0x2], $0x1, s3, s22, $0xb8;
	[tilespmem:$0x480] =	vst v63  }
0xa7: {  	_ =	swait.ge [sflag:s30], $0x80  }
0xa8: {  	[sflag:s30] =	ssyncset.done $0x0  }
0xa9: {  	s8 =	sadd.s32 s6, s18;
	[sflag:s30] =	ssyncadd.s32 $0xFFFFFF80  }
0xaa: {  	[tilespmem:s28], [sflag:$0x5] =	stream.linear.gather [hbm4b:s8+s3], $0x80, $0x38;
	[tilespmem:$0x480] =	vst v63  }
0xab: {  	_ =	swait.ge [sflag:s29], $0x80  }
0xac: {  	[sflag:s29] =	ssyncset.done $0x0  }
0xad: {  	[sflag:s29] =	ssyncadd.s32 $0xFFFFFF80  }
0xae: {  	[spmem:s2] =	stream.indirect.scatter.add.f32 [tilespmem:s26], [sflag:$0x1], $0x1, s22, s22, $0xb8;
	[tilespmem:$0x480] =	vst v63  }
0xaf: {  	_ =	swait.ge [sflag:s0], $0x80  }
0xb0: {  	[sflag:s0] =	ssyncset.done $0x0  }
0xb1: {  	s8 =	sadd.s32 s6, s17;
	[sflag:s0] =	ssyncadd.s32 $0xFFFFFF80  }
0xb2: {  	[tilespmem:s3], [sflag:$0x3] =	stream.linear.gather [hbm4b:s8+s3], $0x80, $0x38;
	[tilespmem:$0x480] =	vst v63  }
0xb3: {  	_ =	swait.ge [sflag:s31], $0x80  }
0xb4: {  	[sflag:s31] =	ssyncset.done $0x0  }
.Ltmp0:
0xb5: {  	[sflag:s31] =	ssyncadd.s32 $0xFFFFFF80;
	(pc) =	sbr.rel @p0 .LBB2_2-.Ltmp0, $4  }
0xb6: {  	[spmem:s2] =	stream.indirect.scatter.add.f32 [tilespmem:s26], [sflag:$0x2], $0x1, s28, s22, $0xb8;
	[tilespmem:$0x480] =	vst v63  }
0xb7: {  	_ =	swait.ge [sflag:s30], $0x80  }
0xb8: {  	[sflag:s30] =	ssyncset.done $0x0  }
0xb9: {  	s6 =	sadd.s32 s6, s16;
	[sflag:s30] =	ssyncadd.s32 $0xFFFFFF80  }
0xba: {  	[tilespmem:s22], [sflag:$0x4] =	stream.linear.gather [hbm4b:s6+s3], $0x80, $0x38;
	[tilespmem:$0x480] =	vst v63  }
0xbb: {  	_ =	swait.ge [sflag:s25], $0x80  }
0xbc: {  	[sflag:s25] =	ssyncset.done $0x0  }
0xbd: {  	[sflag:s25] =	ssyncadd.s32 $0xFFFFFF80  }
0xbe: {  	[spmem:s2] =	stream.indirect.scatter.add.f32 [tilespmem:s26], [sflag:$0x1], $0x1, s3, s22, $0xb8;
	[tilespmem:$0x480] =	vst v63  }
0xbf: {  	_ =	swait.ge [sflag:s0], $0x80  }
0xc0: {  	[sflag:s0] =	ssyncset.done $0x0  }
0xc1: {  	[sflag:s0] =	ssyncadd.s32 $0xFFFFFF80  }
0xc2: {  	_ =	swait.ge [sflag:s29], $0x80  }
0xc3: {  	[sflag:s29] =	ssyncset.done $0x0  }
0xc4: {  	[sflag:s29] =	ssyncadd.s32 $0xFFFFFF80  }
0xc5: {  	[spmem:s2] =	stream.indirect.scatter.add.f32 [tilespmem:s26], [sflag:$0x2], $0x1, s22, s22, $0xb8;
	[tilespmem:$0x480] =	vst v63  }
0xc6: {  	_ =	swait.ge [sflag:s30], $0x80  }
0xc7: {  	[sflag:s30] =	ssyncset.done $0x0  }
0xc8: {  	[sflag:s30] =	ssyncadd.s32 $0xFFFFFF80  }
0xc9: {  	_ =	swait.ge [sflag:s0], $0x80  }
0xca: {  	s1 =	sadd.s32 $0x1, s1;
	[sflag:s0] =	ssyncset.done $0x0  }
0xcb: {  	s5 =	simm.s32 $0x20;
	p0 =	sne.s32 s1, s15;
	[sflag:s0] =	ssyncadd.s32 $0xFFFFFF80  }
.Ltmp1:
0xcc: {  	s8 =	simm.s32 $0x10;
	[bflag:$0x0] =	sbarrier.arrive $0xFFFF;
	(pc) =	sbr.rel @p0 .LBB2_1-.Ltmp1, $4  }
0xcd: {  	[hbm:s14@s5], [sflag:s7] =	dma.strided [spmem:s23@s8], $0x50, s30, $0x10   }
0xce: {  	_ =	swait.ge [sflag:s24], $0x50  }
0xcf: {  	[sflag:s24] =	ssyncset.done $0x0  }
0xd0: {  	[sflag:s24] =	ssyncadd.s32 $0xFFFFFFB0  }
0xd1: {  	_ =	sfence.sel $0x180000  }
0xd2: {  	[bflag:$0x0] =	sbarrier.arrive $0xFFFF  }
0xd3: {  	_ =	strace $0x90000047  }
0xd4: {  	s0 =	stileid.u32;
	[bflag:$0x2] =	sbarrier.arrive $0xFFFF  }
0xd5: {  	p0 =	sne.s32 s0, $0x0;
	s0 =	rddreg [dreg:$0x3]  }
0xd6: {  	s0 =	sadd.s32 @!p0 $0x100000, s0  }
0xd7: {  	[sflag:s0] =	ssyncadd.tile.s32 @!p0 $0x1;
	_ =	shalt  }
.Lfunc_end2:
_tile_overlayer_lowered:
.L_overlay_start_2:
0xd8: {  	(tag) =	ssettag $0x2  }
0xd9: {  	s0 =	rddreg [dreg:$0x0];
	s2 =	stileid.u32  }
0xda: {  	s1 =	rddreg [dreg:$0x1];
	p0 =	sne.s32 s2, $0x0  }
0xdb: {  	s3 =	rddreg [dreg:$0x2];
	[bflag:$0x3] =	sbarrier.arrive $0xFFFF;
	s2 =	simm.s32 @!p0 $0x1C06  }
0xdc: {  	[timem:s3], [sflag:s2] =	dma.local @!p0 [hbm:s0], s1  }
0xdd: {  	s0 =	simm.s32 @!p0 $0x6  }
0xde: {  	_ =	swait.ge @!p0 [sflag:s0], s1  }
0xdf: {  	s1 =	ssub.s32 @!p0 $0x0, s1;
	[sflag:s0] =	ssyncset.done @!p0 $0x0  }
0xe0: {  	[sflag:s0] =	ssyncadd.s32 @!p0 s1  }
0xe1: {  	[bflag:$0x3] =	sbarrier.arrive $0xFFFF  }
0xe2: {  	_ =	shalt  }

</sc_bundles>
